<compile_context>
chip_gen: v7x
topology: tpu7x:2x2x1
jax: 0.10.2.dev20260603
libtpu: 0.0.44.dev20260713+nightly
codegen_flags: <defaults>
</compile_context>

<pallas_src>
import functools

import jax
import jax.numpy as jnp
from jax import lax
from jax.experimental import pallas as pl
from jax.experimental.pallas import tpu as pltpu
from jax.experimental.pallas import tpu_sc as plsc

_M = 8
_L = 4
_P = 4
_D = 32
_LP4 = _L * _P * 4
_NW = 32


def _mmb(x, wt, b, br, out_dtype=jnp.float32):
    r, k = x.shape
    nn = wt.shape[1]

    def body(xr, wr, brf, o):
        o[...] = (jnp.dot(xr[...], wr[...],
                          preferred_element_type=jnp.float32)
                  + brf[...]).astype(out_dtype)

    return pl.pallas_call(
        body,
        grid=(r // br,),
        in_specs=[
            pl.BlockSpec((br, k), lambda i: (i, 0)),
            pl.BlockSpec((k, nn), lambda i: (0, 0)),
            pl.BlockSpec((1, nn), lambda i: (0, 0)),
        ],
        out_specs=pl.BlockSpec((br, nn), lambda i: (i, 0)),
        out_shape=jax.ShapeDtypeStruct((r, nn), out_dtype),
    )(x, wt, b)


def _sample_body(q, wsx, bsx, wsy, bsy, wa, bav, g, rfx, rfy,
                 wf, hf, wi, hi, st, mv, nb,
                 ig0, ig1, wa0, wb0, wa1, wb1):
    qq = q[...]
    ox = jnp.dot(qq, wsx[...], preferred_element_type=jnp.float32) + bsx[...]
    oy = jnp.dot(qq, wsy[...], preferred_element_type=jnp.float32) + bsy[...]
    a = jnp.dot(qq, wa[...], preferred_element_type=jnp.float32) + bav[...]
    e = jnp.exp(a - jnp.max(a, axis=-1, keepdims=True))
    s = jnp.dot(e, g[...], preferred_element_type=jnp.float32)
    at = e / s

    x = rfx[...] * wf[...] + ox - 0.5
    y = rfy[...] * hf[...] + oy - 0.5
    x0f = jnp.floor(x)
    y0f = jnp.floor(y)
    fx = x - x0f
    fy = y - y0f
    x0 = x0f.astype(jnp.int32)
    y0 = y0f.astype(jnp.int32)
    y1 = y0 + 1
    wim1 = wi[...] - 1
    him1 = hi[...] - 1
    vy0 = (y0 >= 0) & (y0 <= him1)
    vy1 = (y1 >= 0) & (y1 <= him1)
    cy0 = jnp.clip(y0, 0, him1)
    cy1 = jnp.clip(y1, 0, him1)
    xs = jnp.clip(x0, 0, wim1 - 1)
    dx = x - xs.astype(jnp.float32)
    wxa = jnp.maximum(0.0, 1.0 - jnp.abs(dx))
    wxb = jnp.maximum(0.0, 1.0 - jnp.abs(dx - 1.0))

    base = nb[...]
    stt = st[...]
    mvv = mv[...]
    wiv = wi[...]

    def mkidx(cy):
        pos = stt + cy * wiv + xs
        return (base + pos) * _M + mvv

    ig0[...] = mkidx(cy0)
    ig1[...] = mkidx(cy1)
    gy0 = jnp.where(vy0, at * (1.0 - fy), 0.0)
    gy1 = jnp.where(vy1, at * fy, 0.0)
    wa0[...] = gy0 * wxa
    wb0[...] = gy0 * wxb
    wa1[...] = gy1 * wxa
    wb1[...] = gy1 * wxb


def _sample(q2, wsxt, bsx, wsyt, bsy, wat, ba2, g, rfx, rfy,
            wf, hf, wi, hi, st, mv, nb):
    r = q2.shape[0]
    br = r // 2
    c = q2.shape[1]
    s128 = 128

    def rowspec(w):
        return pl.BlockSpec((br, w), lambda i: (i, 0))

    def full(a, b):
        return pl.BlockSpec((a, b), lambda i: (0, 0))

    io = jax.ShapeDtypeStruct((r, s128), jnp.int32)
    wo = jax.ShapeDtypeStruct((r, s128), jnp.float32)
    return pl.pallas_call(
        _sample_body,
        grid=(2,),
        in_specs=[
            rowspec(c), full(c, s128), full(1, s128), full(c, s128),
            full(1, s128), full(c, s128), full(1, s128), full(s128, s128),
            rowspec(s128), rowspec(s128), full(1, s128), full(1, s128),
            full(1, s128), full(1, s128), full(1, s128), full(1, s128),
            rowspec(s128),
        ],
        out_specs=[rowspec(s128)] * 6,
        out_shape=[io, io, wo, wo, wo, wo],
    )(q2, wsxt, bsx, wsyt, bsy, wat, ba2, g, rfx, rfy,
      wf, hf, wi, hi, st, mv, nb)


def _sc_gather(table, idxs, wgts, rq):
    ch = 2
    perq = rq // _NW
    nit = perq // (2 * ch)
    rpc = ch * 128 * 2
    rows = rq * _M

    mesh = plsc.VectorSubcoreMesh(core_axis_name="c", subcore_axis_name="s")

    @functools.partial(
        pl.kernel,
        out_type=jax.ShapeDtypeStruct((rows, _D), jnp.float32),
        mesh=mesh,
        compiler_params=pltpu.CompilerParams(use_tc_tiling_on_sc=False,
                                             needs_layout_passes=False),
        scratch_types=[
            pltpu.VMEM((2, 4, 128), jnp.int32),
            pltpu.VMEM((2, rpc, 2 * _D), jnp.bfloat16),
            pltpu.VMEM((2, 8, 128), jnp.float32),
            pltpu.VMEM((ch * _M, _D), jnp.float32),
            pltpu.SemaphoreType.DMA,
            pltpu.SemaphoreType.DMA,
            pltpu.SemaphoreType.DMA,
            pltpu.SemaphoreType.DMA,
        ],
    )
    def k(tab, i0h, i1h, w0h, w1h, w2h, w3h, outh,
          idx_v, rows_v, w_v, out_v, sem0, sem1, fsem0, fsem1):
        wid = lax.axis_index("s") * 2 + lax.axis_index("c")
        qbase = wid * perq
        sems = (sem0, sem1)
        fsems = (fsem0, fsem1)
        ihs = (i0h, i1h)
        whs = (w0h, w1h, w2h, w3h)

        def fetch(t, b):
            q0 = pl.multiple_of(qbase + t * ch, ch)
            for c in range(2):
                pltpu.async_copy(ihs[c].at[pl.ds(q0, ch)],
                                 idx_v.at[b].at[pl.ds(c * ch, ch)], fsems[b])
            for c in range(4):
                pltpu.async_copy(whs[c].at[pl.ds(q0, ch)],
                                 w_v.at[b].at[pl.ds(c * ch, ch)], fsems[b])

        def fire(b):
            for c in range(2):
                pltpu.make_async_copy(ihs[c].at[pl.ds(0, ch)],
                                      idx_v.at[b].at[pl.ds(c * ch, ch)],
                                      fsems[b]).wait()
            for c in range(4):
                pltpu.make_async_copy(whs[c].at[pl.ds(0, ch)],
                                      w_v.at[b].at[pl.ds(c * ch, ch)],
                                      fsems[b]).wait()
            for sl in range(2 * ch):
                pltpu.async_copy(tab.at[idx_v.at[b].at[sl]],
                                 rows_v.at[b].at[pl.ds(sl * 128, 128)],
                                 sems[b])

        def drain(b):
            pltpu.make_async_copy(tab.at[pl.ds(0, rpc)], rows_v.at[b],
                                  sems[b]).wait()

        def compute_store(t, b):
            rv = rows_v.at[b]
            wv = w_v.at[b]

            def rbody(rr, cr):
                qq = rr // _M
                m16 = (rr - qq * _M) * 16
                a0 = jnp.zeros((16,), jnp.float32)
                a1 = jnp.zeros((16,), jnp.float32)
                for yc in range(2):
                    s = yc * ch + qq
                    wveca = wv[2 * yc * ch + qq, pl.ds(m16, 16)]
                    wvecb = wv[(2 * yc + 1) * ch + qq, pl.ds(m16, 16)]
                    k0 = s * 128 + m16
                    for jj in range(16):
                        eva, oda = plsc.unpack(
                            rv[k0 + jj, pl.ds(0, _D)],
                            format=plsc.PackFormat.INTERLEAVED)
                        evb, odb = plsc.unpack(
                            rv[k0 + jj, pl.ds(_D, _D)],
                            format=plsc.PackFormat.INTERLEAVED)
                        wsa = wveca[jj]
                        wsb = wvecb[jj]
                        a0 = a0 + wsa * eva + wsb * evb
                        a1 = a1 + wsa * oda + wsb * odb
                out_v[rr, 0:16] = a0
                out_v[rr, 16:32] = a1
                return cr

            lax.fori_loop(0, ch * _M, rbody, 0)
            q0 = pl.multiple_of(qbase + t * ch, ch)
            pltpu.sync_copy(out_v, outh.at[pl.ds(q0 * _M, ch * _M)])

        fetch(0, 0)
        fire(0)

        def it(i, carry):
            t0 = i * 2
            fetch(t0 + 1, 1)
            drain(0)
            fire(1)
            compute_store(t0, 0)

            @pl.when(i < nit - 1)
            def _():
                fetch(t0 + 2, 0)

            drain(1)

            @pl.when(i < nit - 1)
            def _():
                fire(0)

            compute_store(t0 + 1, 1)
            return carry

        lax.fori_loop(0, nit, it, 0)

    return k(table, *idxs, *wgts)


def kernel(query, reference_points, input_flatten, input_space_shape,
           input_level_start_idx, Wv, bv, Ws, bs, Wa, ba, Wo, bo):
    n, lq, c = query.shape
    len_in = input_flatten.shape[1]
    r = n * lq
    rows = r * _M

    q2 = query.reshape(r, c)
    x2 = input_flatten.reshape(n * len_in, c)

    val = _mmb(x2, Wv.T, bv.reshape(1, c), br=512, out_dtype=jnp.bfloat16)
    table = val.reshape(n * len_in * _M, _D)

    wst = Ws.T
    wsxt = wst[:, 0::2]
    wsyt = wst[:, 1::2]
    bsx = bs[0::2].reshape(1, 128)
    bsy = bs[1::2].reshape(1, 128)
    wat = Wa.T
    ba2 = ba.reshape(1, 128)
    lane = jnp.arange(128, dtype=jnp.int32)
    g = (lane[:, None] // 16 == lane[None, :] // 16).astype(jnp.float32)

    rp = reference_points.reshape(r, _L, 2)
    rfx = jnp.tile(jnp.repeat(rp[:, :, 0], _P, axis=1), (1, _M))
    rfy = jnp.tile(jnp.repeat(rp[:, :, 1], _P, axis=1), (1, _M))

    def t128(v):
        return jnp.tile(jnp.repeat(v, _P), (_M,)).reshape(1, 128)

    wf = t128(input_space_shape[:, 1].astype(jnp.float32))
    hf = t128(input_space_shape[:, 0].astype(jnp.float32))
    wi = t128(input_space_shape[:, 1])
    hi = t128(input_space_shape[:, 0])
    st = t128(input_level_start_idx)
    mv = jnp.repeat(jnp.arange(_M, dtype=jnp.int32), _L * _P).reshape(1, 128)
    nb = jnp.broadcast_to(
        ((jnp.arange(r, dtype=jnp.int32) // lq) * len_in)[:, None], (r, 128))

    ig0, ig1, wa0, wb0, wa1, wb1 = _sample(
        q2, wsxt, bsx, wsyt, bsy, wat, ba2, g, rfx, rfy,
        wf, hf, wi, hi, st, mv, nb)

    tab2 = jnp.concatenate(
        [table, jnp.concatenate([table[_M:], table[:_M]], axis=0)], axis=1)

    rq = -(-r // (_NW * 4)) * (_NW * 4)
    padq = rq - r

    def padz(a, dt):
        return jnp.concatenate([a, jnp.zeros((padq, 128), dt)], axis=0)

    idxs = [padz(a, jnp.int32) for a in (ig0, ig1)]
    wgts = [padz(a, jnp.float32) for a in (wa0, wb0, wa1, wb1)]

    out_sc = _sc_gather(tab2, idxs, wgts, rq)[:rows]

    half = _D // 2
    pcol = jnp.arange(_D)
    chan = jnp.where(pcol < half, 2 * pcol, 2 * (pcol - half) + 1)
    perm = (jnp.arange(c) // _D) * _D + chan[jnp.arange(c) % _D]
    wot_perm = Wo.T[perm, :]
    out = _mmb(out_sc.reshape(r, c), wot_perm, bo.reshape(1, c), br=720)
    return out.reshape(n, lq, c)

# --- scband reference (transcript-rebuilt; emitter-appended) ---
"""Pipeline reference for scband-msdeform-attn-31988916420841 (READ-ONLY COPY).

The authoritative reference and input builder live on the scoring server;
editing this copy changes nothing except your own understanding.
"""

import jax, jax.numpy as jnp
import numpy as np
import math

D_MODEL = 256
N_LEVELS = 4
N_HEADS = 8
N_POINTS = 4
SPACE_SHAPES = [(128, 128), (64, 64), (32, 32), (16, 16)]


def setup_inputs(seed: int = 0) -> dict:
    key = jax.random.key(seed)
    ks = jax.random.split(key, 8)
    N, Lq = 4, 900
    Len_in = sum(h * w for h, w in SPACE_SHAPES)
    query = jax.random.normal(ks[0], (N, Lq, D_MODEL), jnp.float32)
    reference_points = jax.random.uniform(ks[1], (N, Lq, N_LEVELS, 2), jnp.float32)
    input_flatten = jax.random.normal(ks[2], (N, Len_in, D_MODEL), jnp.float32)
    input_space_shape = jnp.array(SPACE_SHAPES, dtype=jnp.int32)
    starts = np.cumsum([0] + [h * w for h, w in SPACE_SHAPES])[:-1]
    input_level_start_idx = jnp.array(starts, dtype=jnp.int32)
    # parameters, initialized like MSDeformAttn.reset_parameters
    thetas = jnp.arange(N_HEADS, dtype=jnp.float32) * (2.0 * math.pi / N_HEADS)
    grid_init = jnp.stack([jnp.cos(thetas), jnp.sin(thetas)], -1)
    grid_init = grid_init / jnp.max(jnp.abs(grid_init), axis=-1, keepdims=True)
    grid_init = jnp.tile(grid_init.reshape(N_HEADS, 1, 1, 2), (1, N_LEVELS, N_POINTS, 1))
    scale = jnp.arange(1, N_POINTS + 1, dtype=jnp.float32).reshape(1, 1, N_POINTS, 1)
    bs = (grid_init * scale).reshape(-1)
    Ws = jnp.zeros((N_HEADS * N_LEVELS * N_POINTS * 2, D_MODEL), jnp.float32)
    Wa = jnp.zeros((N_HEADS * N_LEVELS * N_POINTS, D_MODEL), jnp.float32)
    ba = jnp.zeros((N_HEADS * N_LEVELS * N_POINTS,), jnp.float32)
    bound = math.sqrt(6.0 / (D_MODEL + D_MODEL))
    Wv = jax.random.uniform(ks[3], (D_MODEL, D_MODEL), jnp.float32, -bound, bound)
    bv = jnp.zeros((D_MODEL,), jnp.float32)
    Wo = jax.random.uniform(ks[4], (D_MODEL, D_MODEL), jnp.float32, -bound, bound)
    bo = jnp.zeros((D_MODEL,), jnp.float32)
    return {"query": query, "reference_points": reference_points, "input_flatten": input_flatten,
            "input_space_shape": input_space_shape, "input_level_start_idx": input_level_start_idx,
            "Wv": Wv, "bv": bv, "Ws": Ws, "bs": bs, "Wa": Wa, "ba": ba, "Wo": Wo, "bo": bo}


def _grid_sample(img, grid):
    # bilinear, padding_mode='zeros', align_corners=False (matches F.grid_sample)
    B, C, H, W = img.shape
    x = (grid[..., 0] + 1.0) * (W / 2.0) - 0.5
    y = (grid[..., 1] + 1.0) * (H / 2.0) - 0.5
    x0 = jnp.floor(x)
    y0 = jnp.floor(y)
    x1 = x0 + 1.0
    y1 = y0 + 1.0
    flat = img.reshape(B, C, H * W)

    def gather(ix, iy):
        valid = (ix >= 0) & (ix <= W - 1) & (iy >= 0) & (iy <= H - 1)
        ixc = jnp.clip(ix, 0, W - 1).astype(jnp.int32)
        iyc = jnp.clip(iy, 0, H - 1).astype(jnp.int32)
        idx = (iyc * W + ixc).reshape(B, -1)
        vals = jnp.take_along_axis(flat, idx[:, None, :], axis=2)
        vals = vals.reshape(B, C, grid.shape[1], grid.shape[2])
        return vals * valid[:, None, :, :].astype(img.dtype)

    w00 = ((x1 - x) * (y1 - y))[:, None, :, :]
    w10 = ((x - x0) * (y1 - y))[:, None, :, :]
    w01 = ((x1 - x) * (y - y0))[:, None, :, :]
    w11 = ((x - x0) * (y - y0))[:, None, :, :]
    return (gather(x0, y0) * w00 + gather(x1, y0) * w10 +
            gather(x0, y1) * w01 + gather(x1, y1) * w11)


def reference(query, reference_points, input_flatten, input_space_shape, input_level_start_idx,
              Wv, bv, Ws, bs, Wa, ba, Wo, bo):
    N, Len_q, C = query.shape
    Len_in = input_flatten.shape[1]
    M, L, P = N_HEADS, N_LEVELS, N_POINTS
    D = C // M
    shapes = np.asarray(SPACE_SHAPES)
    value = input_flatten @ Wv.T + bv
    value = value.reshape(N, Len_in, M, D)
    sampling_offsets = (query @ Ws.T + bs).reshape(N, Len_q, M, L, P, 2)
    attention_weights = (query @ Wa.T + ba).reshape(N, Len_q, M, L * P)
    attention_weights = jax.nn.softmax(attention_weights, axis=-1).reshape(N, Len_q, M, L, P)
    offset_normalizer = jnp.stack([input_space_shape[..., 1], input_space_shape[..., 0]], -1).astype(jnp.float32)
    sampling_locations = reference_points[:, :, None, :, None, :] + \
        sampling_offsets / offset_normalizer[None, None, None, :, None, :]
    sampling_grids = 2.0 * sampling_locations - 1.0
    sampling_value_list = []
    for i in range(L):
        H_, W_ = int(shapes[i, 0]), int(shapes[i, 1])
        v = jax.lax.dynamic_slice_in_dim(value, input_level_start_idx[i], H_ * W_, axis=1)  # (N, HW, M, D)
        v = jnp.transpose(v, (0, 2, 3, 1)).reshape(N * M, D, H_, W_)
        g = jnp.transpose(sampling_grids[:, :, :, i], (0, 2, 1, 3, 4)).reshape(N * M, Len_q, P, 2)
        sampling_value_list.append(_grid_sample(v, g))
    stacked = jnp.stack(sampling_value_list, axis=-2).reshape(N * M, D, Len_q, L * P)
    aw = jnp.transpose(attention_weights, (0, 2, 1, 3, 4)).reshape(N * M, 1, Len_q, L * P)
    out = (stacked * aw).sum(-1).reshape(N, M * D, Len_q)
    out = jnp.transpose(out, (0, 2, 1))
    return out @ Wo.T + bo

if __name__ == "__main__":
    import jax
    _d = setup_inputs()
    print(jax.jit(kernel)(*tuple(_d.values())))

</pallas_src>

<mosaic_0001>
#map = affine_map<(d0, d1) -> (0, 0)>
module attributes {stable_mosaic.version = 14 : i64} {
  func.func @k(%arg0: i32, %arg1: i32, %arg2: memref<696320x64xbf16, #tpu.memory_space<hbm>>, %arg3: memref<3712x128xi32, #tpu.memory_space<hbm>>, %arg4: memref<3712x128xi32, #tpu.memory_space<hbm>>, %arg5: memref<3712x128xf32, #tpu.memory_space<hbm>>, %arg6: memref<3712x128xf32, #tpu.memory_space<hbm>>, %arg7: memref<3712x128xf32, #tpu.memory_space<hbm>>, %arg8: memref<3712x128xf32, #tpu.memory_space<hbm>>, %arg9: memref<29696x32xf32, #tpu.memory_space<hbm>>, %arg10: memref<2x4x128xi32, #tpu.memory_space<vmem>>, %arg11: memref<2x512x64xbf16, #tpu.memory_space<vmem>>, %arg12: memref<2x8x128xf32, #tpu.memory_space<vmem>>, %arg13: memref<16x32xf32, #tpu.memory_space<vmem>>, %arg14: memref<!tpu.dma_semaphore, #tpu.memory_space<semaphore_mem>>, %arg15: memref<!tpu.dma_semaphore, #tpu.memory_space<semaphore_mem>>, %arg16: memref<!tpu.dma_semaphore, #tpu.memory_space<semaphore_mem>>, %arg17: memref<!tpu.dma_semaphore, #tpu.memory_space<semaphore_mem>>) attributes {dimension_semantics = [#tpu.dimension_semantics<core_parallel>, #tpu.dimension_semantics<subcore_parallel>], iteration_bounds = array<i64: 2, 16>, scalar_prefetch = 0 : i64, scratch_operands = 8 : i64, tpu.core_type = #tpu.core_type<sc_vector_subcore>, window_params = [{transform_indices = #map}, {transform_indices = #map}, {transform_indices = #map}, {transform_indices = #map}, {transform_indices = #map}, {transform_indices = #map}, {transform_indices = #map}, {transform_indices = #map}]} {
    %mul3A = arith.constant 2 : i32
    %mul3A_0 = arith.muli %arg1, %mul3A : i32
    %add3A = arith.addi %mul3A_0, %arg0 : i32
    %mul3A_1 = arith.constant 116 : i32
    %mul3A_2 = arith.muli %add3A, %mul3A_1 : i32
    %add3A_3 = arith.constant 0 : i32
    %add3A_4 = arith.addi %mul3A_2, %add3A_3 : i32
    %multiple_of3A = tpu.assume_multiple %add3A_4, 2 : i32
    %dma_start3A = arith.constant 0 : i32
    %dma_start3A_5 = arith.constant 0 : i32
    %dma_start3A_6 = arith.constant 0 : i32
    %dma_start3A_7 = tpu.memref_slice %arg10[%dma_start3A, %dma_start3A_5, %dma_start3A_6] : memref<2x4x128xi32, #tpu.memory_space<vmem>> -> memref<1x4x128xi32, #tpu.memory_space<vmem>>
    %dma_start3A_8 = tpu.memref_squeeze %dma_start3A_7 : memref<1x4x128xi32, #tpu.memory_space<vmem>> -> memref<4x128xi32, #tpu.memory_space<vmem>>
    %dma_start3A_9 = arith.constant 0 : i32
    %dma_start3A_10 = arith.constant 0 : i32
    %dma_start3A_11 = tpu.memref_slice %dma_start3A_8[%dma_start3A_9, %dma_start3A_10] : memref<4x128xi32, #tpu.memory_space<vmem>> -> memref<2x128xi32, #tpu.memory_space<vmem>>
    %dma_start3A_12 = arith.constant 0 : i32
    %dma_start3A_13 = tpu.memref_slice %arg3[%multiple_of3A, %dma_start3A_12] : memref<3712x128xi32, #tpu.memory_space<hbm>> -> memref<2x128xi32, #tpu.memory_space<hbm>>
    %dma_start3A_14 = arith.constant 0 : i32
    %dma_start3A_15 = arith.constant 0 : i32
    %dma_start3A_16 = tpu.memref_slice %arg10[%dma_start3A, %dma_start3A_14, %dma_start3A_15] : memref<2x4x128xi32, #tpu.memory_space<vmem>> -> memref<1x4x128xi32, #tpu.memory_space<vmem>>
    %dma_start3A_17 = tpu.memref_squeeze %dma_start3A_16 : memref<1x4x128xi32, #tpu.memory_space<vmem>> -> memref<4x128xi32, #tpu.memory_space<vmem>>
    %dma_start3A_18 = arith.constant 0 : i32
    %dma_start3A_19 = arith.constant 0 : i32
    %dma_start3A_20 = tpu.memref_slice %dma_start3A_17[%dma_start3A_18, %dma_start3A_19] : memref<4x128xi32, #tpu.memory_space<vmem>> -> memref<2x128xi32, #tpu.memory_space<vmem>>
    %dma_start3A_21 = arith.constant 0 : i32
    %dma_start3A_22 = tpu.memref_slice %arg3[%multiple_of3A, %dma_start3A_21] : memref<3712x128xi32, #tpu.memory_space<hbm>> -> memref<2x128xi32, #tpu.memory_space<hbm>>
    tpu.enqueue_dma source(%dma_start3A_22 : memref<2x128xi32, #tpu.memory_space<hbm>>) target(%dma_start3A_20 : memref<2x128xi32, #tpu.memory_space<vmem>>) target_semaphore(%arg16 : memref<!tpu.dma_semaphore, #tpu.memory_space<semaphore_mem>>)
    %dma_start3A_23 = arith.constant 0 : i32
    %dma_start3A_24 = arith.constant 0 : i32
    %dma_start3A_25 = arith.constant 0 : i32
    %dma_start3A_26 = tpu.memref_slice %arg10[%dma_start3A_23, %dma_start3A_24, %dma_start3A_25] : memref<2x4x128xi32, #tpu.memory_space<vmem>> -> memref<1x4x128xi32, #tpu.memory_space<vmem>>
    %dma_start3A_27 = tpu.memref_squeeze %dma_start3A_26 : memref<1x4x128xi32, #tpu.memory_space<vmem>> -> memref<4x128xi32, #tpu.memory_space<vmem>>
    %dma_start3A_28 = arith.constant 2 : i32
    %dma_start3A_29 = arith.constant 0 : i32
    %dma_start3A_30 = tpu.memref_slice %dma_start3A_27[%dma_start3A_28, %dma_start3A_29] : memref<4x128xi32, #tpu.memory_space<vmem>> -> memref<2x128xi32, #tpu.memory_space<vmem>>
    %dma_start3A_31 = arith.constant 0 : i32
    %dma_start3A_32 = tpu.memref_slice %arg4[%multiple_of3A, %dma_start3A_31] : memref<3712x128xi32, #tpu.memory_space<hbm>> -> memref<2x128xi32, #tpu.memory_space<hbm>>
    %dma_start3A_33 = arith.constant 0 : i32
    %dma_start3A_34 = arith.constant 0 : i32
    %dma_start3A_35 = tpu.memref_slice %arg10[%dma_start3A_23, %dma_start3A_33, %dma_start3A_34] : memref<2x4x128xi32, #tpu.memory_space<vmem>> -> memref<1x4x128xi32, #tpu.memory_space<vmem>>
    %dma_start3A_36 = tpu.memref_squeeze %dma_start3A_35 : memref<1x4x128xi32, #tpu.memory_space<vmem>> -> memref<4x128xi32, #tpu.memory_space<vmem>>
    %dma_start3A_37 = arith.constant 2 : i32
    %dma_start3A_38 = arith.constant 0 : i32
    %dma_start3A_39 = tpu.memref_slice %dma_start3A_36[%dma_start3A_37, %dma_start3A_38] : memref<4x128xi32, #tpu.memory_space<vmem>> -> memref<2x128xi32, #tpu.memory_space<vmem>>
    %dma_start3A_40 = arith.constant 0 : i32
    %dma_start3A_41 = tpu.memref_slice %arg4[%multiple_of3A, %dma_start3A_40] : memref<3712x128xi32, #tpu.memory_space<hbm>> -> memref<2x128xi32, #tpu.memory_space<hbm>>
    tpu.enqueue_dma source(%dma_start3A_41 : memref<2x128xi32, #tpu.memory_space<hbm>>) target(%dma_start3A_39 : memref<2x128xi32, #tpu.memory_space<vmem>>) target_semaphore(%arg16 : memref<!tpu.dma_semaphore, #tpu.memory_space<semaphore_mem>>)
    %dma_start3A_42 = arith.constant 0 : i32
    %dma_start3A_43 = arith.constant 0 : i32
    %dma_start3A_44 = arith.constant 0 : i32
    %dma_start3A_45 = tpu.memref_slice %arg12[%dma_start3A_42, %dma_start3A_43, %dma_start3A_44] : memref<2x8x128xf32, #tpu.memory_space<vmem>> -> memref<1x8x128xf32, #tpu.memory_space<vmem>>
    %dma_start3A_46 = tpu.memref_squeeze %dma_start3A_45 : memref<1x8x128xf32, #tpu.memory_space<vmem>> -> memref<8x128xf32, #tpu.memory_space<vmem>>
    %dma_start3A_47 = arith.constant 0 : i32
    %dma_start3A_48 = arith.constant 0 : i32
    %dma_start3A_49 = tpu.memref_slice %dma_start3A_46[%dma_start3A_47, %dma_start3A_48] : memref<8x128xf32, #tpu.memory_space<vmem>> -> memref<2x128xf32, #tpu.memory_space<vmem>>
    %dma_start3A_50 = arith.constant 0 : i32
    %dma_start3A_51 = tpu.memref_slice %arg5[%multiple_of3A, %dma_start3A_50] : memref<3712x128xf32, #tpu.memory_space<hbm>> -> memref<2x128xf32, #tpu.memory_space<hbm>>
    %dma_start3A_52 = arith.constant 0 : i32
    %dma_start3A_53 = arith.constant 0 : i32
    %dma_start3A_54 = tpu.memref_slice %arg12[%dma_start3A_42, %dma_start3A_52, %dma_start3A_53] : memref<2x8x128xf32, #tpu.memory_space<vmem>> -> memref<1x8x128xf32, #tpu.memory_space<vmem>>
    %dma_start3A_55 = tpu.memref_squeeze %dma_start3A_54 : memref<1x8x128xf32, #tpu.memory_space<vmem>> -> memref<8x128xf32, #tpu.memory_space<vmem>>
    %dma_start3A_56 = arith.constant 0 : i32
    %dma_start3A_57 = arith.constant 0 : i32
    %dma_start3A_58 = tpu.memref_slice %dma_start3A_55[%dma_start3A_56, %dma_start3A_57] : memref<8x128xf32, #tpu.memory_space<vmem>> -> memref<2x128xf32, #tpu.memory_space<vmem>>
    %dma_start3A_59 = arith.constant 0 : i32
    %dma_start3A_60 = tpu.memref_slice %arg5[%multiple_of3A, %dma_start3A_59] : memref<3712x128xf32, #tpu.memory_space<hbm>> -> memref<2x128xf32, #tpu.memory_space<hbm>>
    tpu.enqueue_dma source(%dma_start3A_60 : memref<2x128xf32, #tpu.memory_space<hbm>>) target(%dma_start3A_58 : memref<2x128xf32, #tpu.memory_space<vmem>>) target_semaphore(%arg16 : memref<!tpu.dma_semaphore, #tpu.memory_space<semaphore_mem>>)
    %dma_start3A_61 = arith.constant 0 : i32
    %dma_start3A_62 = arith.constant 0 : i32
    %dma_start3A_63 = arith.constant 0 : i32
    %dma_start3A_64 = tpu.memref_slice %arg12[%dma_start3A_61, %dma_start3A_62, %dma_start3A_63] : memref<2x8x128xf32, #tpu.memory_space<vmem>> -> memref<1x8x128xf32, #tpu.memory_space<vmem>>
    %dma_start3A_65 = tpu.memref_squeeze %dma_start3A_64 : memref<1x8x128xf32, #tpu.memory_space<vmem>> -> memref<8x128xf32, #tpu.memory_space<vmem>>
    %dma_start3A_66 = arith.constant 2 : i32
    %dma_start3A_67 = arith.constant 0 : i32
    %dma_start3A_68 = tpu.memref_slice %dma_start3A_65[%dma_start3A_66, %dma_start3A_67] : memref<8x128xf32, #tpu.memory_space<vmem>> -> memref<2x128xf32, #tpu.memory_space<vmem>>
    %dma_start3A_69 = arith.constant 0 : i32
    %dma_start3A_70 = tpu.memref_slice %arg6[%multiple_of3A, %dma_start3A_69] : memref<3712x128xf32, #tpu.memory_space<hbm>> -> memref<2x128xf32, #tpu.memory_space<hbm>>
    %dma_start3A_71 = arith.constant 0 : i32
    %dma_start3A_72 = arith.constant 0 : i32
    %dma_start3A_73 = tpu.memref_slice %arg12[%dma_start3A_61, %dma_start3A_71, %dma_start3A_72] : memref<2x8x128xf32, #tpu.memory_space<vmem>> -> memref<1x8x128xf32, #tpu.memory_space<vmem>>
    %dma_start3A_74 = tpu.memref_squeeze %dma_start3A_73 : memref<1x8x128xf32, #tpu.memory_space<vmem>> -> memref<8x128xf32, #tpu.memory_space<vmem>>
    %dma_start3A_75 = arith.constant 2 : i32
    %dma_start3A_76 = arith.constant 0 : i32
    %dma_start3A_77 = tpu.memref_slice %dma_start3A_74[%dma_start3A_75, %dma_start3A_76] : memref<8x128xf32, #tpu.memory_space<vmem>> -> memref<2x128xf32, #tpu.memory_space<vmem>>
    %dma_start3A_78 = arith.constant 0 : i32
    %dma_start3A_79 = tpu.memref_slice %arg6[%multiple_of3A, %dma_start3A_78] : memref<3712x128xf32, #tpu.memory_space<hbm>> -> memref<2x128xf32, #tpu.memory_space<hbm>>
    tpu.enqueue_dma source(%dma_start3A_79 : memref<2x128xf32, #tpu.memory_space<hbm>>) target(%dma_start3A_77 : memref<2x128xf32, #tpu.memory_space<vmem>>) target_semaphore(%arg16 : memref<!tpu.dma_semaphore, #tpu.memory_space<semaphore_mem>>)
    %dma_start3A_80 = arith.constant 0 : i32
    %dma_start3A_81 = arith.constant 0 : i32
    %dma_start3A_82 = arith.constant 0 : i32
    %dma_start3A_83 = tpu.memref_slice %arg12[%dma_start3A_80, %dma_start3A_81, %dma_start3A_82] : memref<2x8x128xf32, #tpu.memory_space<vmem>> -> memref<1x8x128xf32, #tpu.memory_space<vmem>>
    %dma_start3A_84 = tpu.memref_squeeze %dma_start3A_83 : memref<1x8x128xf32, #tpu.memory_space<vmem>> -> memref<8x128xf32, #tpu.memory_space<vmem>>
    %dma_start3A_85 = arith.constant 4 : i32
    %dma_start3A_86 = arith.constant 0 : i32
    %dma_start3A_87 = tpu.memref_slice %dma_start3A_84[%dma_start3A_85, %dma_start3A_86] : memref<8x128xf32, #tpu.memory_space<vmem>> -> memref<2x128xf32, #tpu.memory_space<vmem>>
    %dma_start3A_88 = arith.constant 0 : i32
    %dma_start3A_89 = tpu.memref_slice %arg7[%multiple_of3A, %dma_start3A_88] : memref<3712x128xf32, #tpu.memory_space<hbm>> -> memref<2x128xf32, #tpu.memory_space<hbm>>
    %dma_start3A_90 = arith.constant 0 : i32
    %dma_start3A_91 = arith.constant 0 : i32
    %dma_start3A_92 = tpu.memref_slice %arg12[%dma_start3A_80, %dma_start3A_90, %dma_start3A_91] : memref<2x8x128xf32, #tpu.memory_space<vmem>> -> memref<1x8x128xf32, #tpu.memory_space<vmem>>
    %dma_start3A_93 = tpu.memref_squeeze %dma_start3A_92 : memref<1x8x128xf32, #tpu.memory_space<vmem>> -> memref<8x128xf32, #tpu.memory_space<vmem>>
    %dma_start3A_94 = arith.constant 4 : i32
    %dma_start3A_95 = arith.constant 0 : i32
    %dma_start3A_96 = tpu.memref_slice %dma_start3A_93[%dma_start3A_94, %dma_start3A_95] : memref<8x128xf32, #tpu.memory_space<vmem>> -> memref<2x128xf32, #tpu.memory_space<vmem>>
    %dma_start3A_97 = arith.constant 0 : i32
    %dma_start3A_98 = tpu.memref_slice %arg7[%multiple_of3A, %dma_start3A_97] : memref<3712x128xf32, #tpu.memory_space<hbm>> -> memref<2x128xf32, #tpu.memory_space<hbm>>
    tpu.enqueue_dma source(%dma_start3A_98 : memref<2x128xf32, #tpu.memory_space<hbm>>) target(%dma_start3A_96 : memref<2x128xf32, #tpu.memory_space<vmem>>) target_semaphore(%arg16 : memref<!tpu.dma_semaphore, #tpu.memory_space<semaphore_mem>>)
    %dma_start3A_99 = arith.constant 0 : i32
    %dma_start3A_100 = arith.constant 0 : i32
    %dma_start3A_101 = arith.constant 0 : i32
    %dma_start3A_102 = tpu.memref_slice %arg12[%dma_start3A_99, %dma_start3A_100, %dma_start3A_101] : memref<2x8x128xf32, #tpu.memory_space<vmem>> -> memref<1x8x128xf32, #tpu.memory_space<vmem>>
    %dma_start3A_103 = tpu.memref_squeeze %dma_start3A_102 : memref<1x8x128xf32, #tpu.memory_space<vmem>> -> memref<8x128xf32, #tpu.memory_space<vmem>>
    %dma_start3A_104 = arith.constant 6 : i32
    %dma_start3A_105 = arith.constant 0 : i32
    %dma_start3A_106 = tpu.memref_slice %dma_start3A_103[%dma_start3A_104, %dma_start3A_105] : memref<8x128xf32, #tpu.memory_space<vmem>> -> memref<2x128xf32, #tpu.memory_space<vmem>>
    %dma_start3A_107 = arith.constant 0 : i32
    %dma_start3A_108 = tpu.memref_slice %arg8[%multiple_of3A, %dma_start3A_107] : memref<3712x128xf32, #tpu.memory_space<hbm>> -> memref<2x128xf32, #tpu.memory_space<hbm>>
    %dma_start3A_109 = arith.constant 0 : i32
    %dma_start3A_110 = arith.constant 0 : i32
    %dma_start3A_111 = tpu.memref_slice %arg12[%dma_start3A_99, %dma_start3A_109, %dma_start3A_110] : memref<2x8x128xf32, #tpu.memory_space<vmem>> -> memref<1x8x128xf32, #tpu.memory_space<vmem>>
    %dma_start3A_112 = tpu.memref_squeeze %dma_start3A_111 : memref<1x8x128xf32, #tpu.memory_space<vmem>> -> memref<8x128xf32, #tpu.memory_space<vmem>>
    %dma_start3A_113 = arith.constant 6 : i32
    %dma_start3A_114 = arith.constant 0 : i32
    %dma_start3A_115 = tpu.memref_slice %dma_start3A_112[%dma_start3A_113, %dma_start3A_114] : memref<8x128xf32, #tpu.memory_space<vmem>> -> memref<2x128xf32, #tpu.memory_space<vmem>>
    %dma_start3A_116 = arith.constant 0 : i32
    %dma_start3A_117 = tpu.memref_slice %arg8[%multiple_of3A, %dma_start3A_116] : memref<3712x128xf32, #tpu.memory_space<hbm>> -> memref<2x128xf32, #tpu.memory_space<hbm>>
    tpu.enqueue_dma source(%dma_start3A_117 : memref<2x128xf32, #tpu.memory_space<hbm>>) target(%dma_start3A_115 : memref<2x128xf32, #tpu.memory_space<vmem>>) target_semaphore(%arg16 : memref<!tpu.dma_semaphore, #tpu.memory_space<semaphore_mem>>)
    %dma_wait3A = arith.constant 0 : i32
    %dma_wait3A_118 = arith.constant 0 : i32
    %dma_wait3A_119 = arith.constant 0 : i32
    %dma_wait3A_120 = tpu.memref_slice %arg10[%dma_wait3A, %dma_wait3A_118, %dma_wait3A_119] : memref<2x4x128xi32, #tpu.memory_space<vmem>> -> memref<1x4x128xi32, #tpu.memory_space<vmem>>
    %dma_wait3A_121 = tpu.memref_squeeze %dma_wait3A_120 : memref<1x4x128xi32, #tpu.memory_space<vmem>> -> memref<4x128xi32, #tpu.memory_space<vmem>>
    %dma_wait3A_122 = arith.constant 0 : i32
    %dma_wait3A_123 = arith.constant 0 : i32
    %dma_wait3A_124 = tpu.memref_slice %dma_wait3A_121[%dma_wait3A_122, %dma_wait3A_123] : memref<4x128xi32, #tpu.memory_space<vmem>> -> memref<2x128xi32, #tpu.memory_space<vmem>>
    %dma_wait3A_125 = arith.constant 0 : i32
    %dma_wait3A_126 = arith.constant 0 : i32
    %dma_wait3A_127 = tpu.memref_slice %arg3[%dma_wait3A_125, %dma_wait3A_126] : memref<3712x128xi32, #tpu.memory_space<hbm>> -> memref<2x128xi32, #tpu.memory_space<hbm>>
    %dma_wait3A_128 = arith.constant 0 : i32
    %dma_wait3A_129 = arith.constant 0 : i32
    %dma_wait3A_130 = tpu.memref_slice %arg10[%dma_wait3A, %dma_wait3A_128, %dma_wait3A_129] : memref<2x4x128xi32, #tpu.memory_space<vmem>> -> memref<1x4x128xi32, #tpu.memory_space<vmem>>
    %dma_wait3A_131 = tpu.memref_squeeze %dma_wait3A_130 : memref<1x4x128xi32, #tpu.memory_space<vmem>> -> memref<4x128xi32, #tpu.memory_space<vmem>>
    %dma_wait3A_132 = arith.constant 0 : i32
    %dma_wait3A_133 = arith.constant 0 : i32
    %dma_wait3A_134 = tpu.memref_slice %dma_wait3A_131[%dma_wait3A_132, %dma_wait3A_133] : memref<4x128xi32, #tpu.memory_space<vmem>> -> memref<2x128xi32, #tpu.memory_space<vmem>>
    %dma_wait3A_135 = arith.constant 0 : i32
    %dma_wait3A_136 = arith.constant 0 : i32
    %dma_wait3A_137 = tpu.memref_slice %arg3[%dma_wait3A_135, %dma_wait3A_136] : memref<3712x128xi32, #tpu.memory_space<hbm>> -> memref<2x128xi32, #tpu.memory_space<hbm>>
    tpu.wait_dma2 semaphore(%arg16 : memref<!tpu.dma_semaphore, #tpu.memory_space<semaphore_mem>>) src(%dma_wait3A_137 : memref<2x128xi32, #tpu.memory_space<hbm>>) dst(%dma_wait3A_134 : memref<2x128xi32, #tpu.memory_space<vmem>>)
    %dma_wait3A_138 = arith.constant 0 : i32
    %dma_wait3A_139 = arith.constant 0 : i32
    %dma_wait3A_140 = arith.constant 0 : i32
    %dma_wait3A_141 = tpu.memref_slice %arg10[%dma_wait3A_138, %dma_wait3A_139, %dma_wait3A_140] : memref<2x4x128xi32, #tpu.memory_space<vmem>> -> memref<1x4x128xi32, #tpu.memory_space<vmem>>
    %dma_wait3A_142 = tpu.memref_squeeze %dma_wait3A_141 : memref<1x4x128xi32, #tpu.memory_space<vmem>> -> memref<4x128xi32, #tpu.memory_space<vmem>>
    %dma_wait3A_143 = arith.constant 2 : i32
    %dma_wait3A_144 = arith.constant 0 : i32
    %dma_wait3A_145 = tpu.memref_slice %dma_wait3A_142[%dma_wait3A_143, %dma_wait3A_144] : memref<4x128xi32, #tpu.memory_space<vmem>> -> memref<2x128xi32, #tpu.memory_space<vmem>>
    %dma_wait3A_146 = arith.constant 0 : i32
    %dma_wait3A_147 = arith.constant 0 : i32
    %dma_wait3A_148 = tpu.memref_slice %arg4[%dma_wait3A_146, %dma_wait3A_147] : memref<3712x128xi32, #tpu.memory_space<hbm>> -> memref<2x128xi32, #tpu.memory_space<hbm>>
    %dma_wait3A_149 = arith.constant 0 : i32
    %dma_wait3A_150 = arith.constant 0 : i32
    %dma_wait3A_151 = tpu.memref_slice %arg10[%dma_wait3A_138, %dma_wait3A_149, %dma_wait3A_150] : memref<2x4x128xi32, #tpu.memory_space<vmem>> -> memref<1x4x128xi32, #tpu.memory_space<vmem>>
    %dma_wait3A_152 = tpu.memref_squeeze %dma_wait3A_151 : memref<1x4x128xi32, #tpu.memory_space<vmem>> -> memref<4x128xi32, #tpu.memory_space<vmem>>
    %dma_wait3A_153 = arith.constant 2 : i32
    %dma_wait3A_154 = arith.constant 0 : i32
    %dma_wait3A_155 = tpu.memref_slice %dma_wait3A_152[%dma_wait3A_153, %dma_wait3A_154] : memref<4x128xi32, #tpu.memory_space<vmem>> -> memref<2x128xi32, #tpu.memory_space<vmem>>
    %dma_wait3A_156 = arith.constant 0 : i32
    %dma_wait3A_157 = arith.constant 0 : i32
    %dma_wait3A_158 = tpu.memref_slice %arg4[%dma_wait3A_156, %dma_wait3A_157] : memref<3712x128xi32, #tpu.memory_space<hbm>> -> memref<2x128xi32, #tpu.memory_space<hbm>>
    tpu.wait_dma2 semaphore(%arg16 : memref<!tpu.dma_semaphore, #tpu.memory_space<semaphore_mem>>) src(%dma_wait3A_158 : memref<2x128xi32, #tpu.memory_space<hbm>>) dst(%dma_wait3A_155 : memref<2x128xi32, #tpu.memory_space<vmem>>)
    %dma_wait3A_159 = arith.constant 0 : i32
    %dma_wait3A_160 = arith.constant 0 : i32
    %dma_wait3A_161 = arith.constant 0 : i32
    %dma_wait3A_162 = tpu.memref_slice %arg12[%dma_wait3A_159, %dma_wait3A_160, %dma_wait3A_161] : memref<2x8x128xf32, #tpu.memory_space<vmem>> -> memref<1x8x128xf32, #tpu.memory_space<vmem>>
    %dma_wait3A_163 = tpu.memref_squeeze %dma_wait3A_162 : memref<1x8x128xf32, #tpu.memory_space<vmem>> -> memref<8x128xf32, #tpu.memory_space<vmem>>
    %dma_wait3A_164 = arith.constant 0 : i32
    %dma_wait3A_165 = arith.constant 0 : i32
    %dma_wait3A_166 = tpu.memref_slice %dma_wait3A_163[%dma_wait3A_164, %dma_wait3A_165] : memref<8x128xf32, #tpu.memory_space<vmem>> -> memref<2x128xf32, #tpu.memory_space<vmem>>
    %dma_wait3A_167 = arith.constant 0 : i32
    %dma_wait3A_168 = arith.constant 0 : i32
    %dma_wait3A_169 = tpu.memref_slice %arg5[%dma_wait3A_167, %dma_wait3A_168] : memref<3712x128xf32, #tpu.memory_space<hbm>> -> memref<2x128xf32, #tpu.memory_space<hbm>>
    %dma_wait3A_170 = arith.constant 0 : i32
    %dma_wait3A_171 = arith.constant 0 : i32
    %dma_wait3A_172 = tpu.memref_slice %arg12[%dma_wait3A_159, %dma_wait3A_170, %dma_wait3A_171] : memref<2x8x128xf32, #tpu.memory_space<vmem>> -> memref<1x8x128xf32, #tpu.memory_space<vmem>>
    %dma_wait3A_173 = tpu.memref_squeeze %dma_wait3A_172 : memref<1x8x128xf32, #tpu.memory_space<vmem>> -> memref<8x128xf32, #tpu.memory_space<vmem>>
    %dma_wait3A_174 = arith.constant 0 : i32
    %dma_wait3A_175 = arith.constant 0 : i32
    %dma_wait3A_176 = tpu.memref_slice %dma_wait3A_173[%dma_wait3A_174, %dma_wait3A_175] : memref<8x128xf32, #tpu.memory_space<vmem>> -> memref<2x128xf32, #tpu.memory_space<vmem>>
    %dma_wait3A_177 = arith.constant 0 : i32
    %dma_wait3A_178 = arith.constant 0 : i32
    %dma_wait3A_179 = tpu.memref_slice %arg5[%dma_wait3A_177, %dma_wait3A_178] : memref<3712x128xf32, #tpu.memory_space<hbm>> -> memref<2x128xf32, #tpu.memory_space<hbm>>
    tpu.wait_dma2 semaphore(%arg16 : memref<!tpu.dma_semaphore, #tpu.memory_space<semaphore_mem>>) src(%dma_wait3A_179 : memref<2x128xf32, #tpu.memory_space<hbm>>) dst(%dma_wait3A_176 : memref<2x128xf32, #tpu.memory_space<vmem>>)
    %dma_wait3A_180 = arith.constant 0 : i32
    %dma_wait3A_181 = arith.constant 0 : i32
    %dma_wait3A_182 = arith.constant 0 : i32
    %dma_wait3A_183 = tpu.memref_slice %arg12[%dma_wait3A_180, %dma_wait3A_181, %dma_wait3A_182] : memref<2x8x128xf32, #tpu.memory_space<vmem>> -> memref<1x8x128xf32, #tpu.memory_space<vmem>>
    %dma_wait3A_184 = tpu.memref_squeeze %dma_wait3A_183 : memref<1x8x128xf32, #tpu.memory_space<vmem>> -> memref<8x128xf32, #tpu.memory_space<vmem>>
    %dma_wait3A_185 = arith.constant 2 : i32
    %dma_wait3A_186 = arith.constant 0 : i32
    %dma_wait3A_187 = tpu.memref_slice %dma_wait3A_184[%dma_wait3A_185, %dma_wait3A_186] : memref<8x128xf32, #tpu.memory_space<vmem>> -> memref<2x128xf32, #tpu.memory_space<vmem>>
    %dma_wait3A_188 = arith.constant 0 : i32
    %dma_wait3A_189 = arith.constant 0 : i32
    %dma_wait3A_190 = tpu.memref_slice %arg6[%dma_wait3A_188, %dma_wait3A_189] : memref<3712x128xf32, #tpu.memory_space<hbm>> -> memref<2x128xf32, #tpu.memory_space<hbm>>
    %dma_wait3A_191 = arith.constant 0 : i32
    %dma_wait3A_192 = arith.constant 0 : i32
    %dma_wait3A_193 = tpu.memref_slice %arg12[%dma_wait3A_180, %dma_wait3A_191, %dma_wait3A_192] : memref<2x8x128xf32, #tpu.memory_space<vmem>> -> memref<1x8x128xf32, #tpu.memory_space<vmem>>
    %dma_wait3A_194 = tpu.memref_squeeze %dma_wait3A_193 : memref<1x8x128xf32, #tpu.memory_space<vmem>> -> memref<8x128xf32, #tpu.memory_space<vmem>>
    %dma_wait3A_195 = arith.constant 2 : i32
    %dma_wait3A_196 = arith.constant 0 : i32
    %dma_wait3A_197 = tpu.memref_slice %dma_wait3A_194[%dma_wait3A_195, %dma_wait3A_196] : memref<8x128xf32, #tpu.memory_space<vmem>> -> memref<2x128xf32, #tpu.memory_space<vmem>>
    %dma_wait3A_198 = arith.constant 0 : i32
    %dma_wait3A_199 = arith.constant 0 : i32
    %dma_wait3A_200 = tpu.memref_slice %arg6[%dma_wait3A_198, %dma_wait3A_199] : memref<3712x128xf32, #tpu.memory_space<hbm>> -> memref<2x128xf32, #tpu.memory_space<hbm>>
    tpu.wait_dma2 semaphore(%arg16 : memref<!tpu.dma_semaphore, #tpu.memory_space<semaphore_mem>>) src(%dma_wait3A_200 : memref<2x128xf32, #tpu.memory_space<hbm>>) dst(%dma_wait3A_197 : memref<2x128xf32, #tpu.memory_space<vmem>>)
    %dma_wait3A_201 = arith.constant 0 : i32
    %dma_wait3A_202 = arith.constant 0 : i32
    %dma_wait3A_203 = arith.constant 0 : i32
    %dma_wait3A_204 = tpu.memref_slice %arg12[%dma_wait3A_201, %dma_wait3A_202, %dma_wait3A_203] : memref<2x8x128xf32, #tpu.memory_space<vmem>> -> memref<1x8x128xf32, #tpu.memory_space<vmem>>
    %dma_wait3A_205 = tpu.memref_squeeze %dma_wait3A_204 : memref<1x8x128xf32, #tpu.memory_space<vmem>> -> memref<8x128xf32, #tpu.memory_space<vmem>>
    %dma_wait3A_206 = arith.constant 4 : i32
    %dma_wait3A_207 = arith.constant 0 : i32
    %dma_wait3A_208 = tpu.memref_slice %dma_wait3A_205[%dma_wait3A_206, %dma_wait3A_207] : memref<8x128xf32, #tpu.memory_space<vmem>> -> memref<2x128xf32, #tpu.memory_space<vmem>>
    %dma_wait3A_209 = arith.constant 0 : i32
    %dma_wait3A_210 = arith.constant 0 : i32
    %dma_wait3A_211 = tpu.memref_slice %arg7[%dma_wait3A_209, %dma_wait3A_210] : memref<3712x128xf32, #tpu.memory_space<hbm>> -> memref<2x128xf32, #tpu.memory_space<hbm>>
    %dma_wait3A_212 = arith.constant 0 : i32
    %dma_wait3A_213 = arith.constant 0 : i32
    %dma_wait3A_214 = tpu.memref_slice %arg12[%dma_wait3A_201, %dma_wait3A_212, %dma_wait3A_213] : memref<2x8x128xf32, #tpu.memory_space<vmem>> -> memref<1x8x128xf32, #tpu.memory_space<vmem>>
    %dma_wait3A_215 = tpu.memref_squeeze %dma_wait3A_214 : memref<1x8x128xf32, #tpu.memory_space<vmem>> -> memref<8x128xf32, #tpu.memory_space<vmem>>
    %dma_wait3A_216 = arith.constant 4 : i32
    %dma_wait3A_217 = arith.constant 0 : i32
    %dma_wait3A_218 = tpu.memref_slice %dma_wait3A_215[%dma_wait3A_216, %dma_wait3A_217] : memref<8x128xf32, #tpu.memory_space<vmem>> -> memref<2x128xf32, #tpu.memory_space<vmem>>
    %dma_wait3A_219 = arith.constant 0 : i32
    %dma_wait3A_220 = arith.constant 0 : i32
    %dma_wait3A_221 = tpu.memref_slice %arg7[%dma_wait3A_219, %dma_wait3A_220] : memref<3712x128xf32, #tpu.memory_space<hbm>> -> memref<2x128xf32, #tpu.memory_space<hbm>>
    tpu.wait_dma2 semaphore(%arg16 : memref<!tpu.dma_semaphore, #tpu.memory_space<semaphore_mem>>) src(%dma_wait3A_221 : memref<2x128xf32, #tpu.memory_space<hbm>>) dst(%dma_wait3A_218 : memref<2x128xf32, #tpu.memory_space<vmem>>)
    %dma_wait3A_222 = arith.constant 0 : i32
    %dma_wait3A_223 = arith.constant 0 : i32
    %dma_wait3A_224 = arith.constant 0 : i32
    %dma_wait3A_225 = tpu.memref_slice %arg12[%dma_wait3A_222, %dma_wait3A_223, %dma_wait3A_224] : memref<2x8x128xf32, #tpu.memory_space<vmem>> -> memref<1x8x128xf32, #tpu.memory_space<vmem>>
    %dma_wait3A_226 = tpu.memref_squeeze %dma_wait3A_225 : memref<1x8x128xf32, #tpu.memory_space<vmem>> -> memref<8x128xf32, #tpu.memory_space<vmem>>
    %dma_wait3A_227 = arith.constant 6 : i32
    %dma_wait3A_228 = arith.constant 0 : i32
    %dma_wait3A_229 = tpu.memref_slice %dma_wait3A_226[%dma_wait3A_227, %dma_wait3A_228] : memref<8x128xf32, #tpu.memory_space<vmem>> -> memref<2x128xf32, #tpu.memory_space<vmem>>
    %dma_wait3A_230 = arith.constant 0 : i32
    %dma_wait3A_231 = arith.constant 0 : i32
    %dma_wait3A_232 = tpu.memref_slice %arg8[%dma_wait3A_230, %dma_wait3A_231] : memref<3712x128xf32, #tpu.memory_space<hbm>> -> memref<2x128xf32, #tpu.memory_space<hbm>>
    %dma_wait3A_233 = arith.constant 0 : i32
    %dma_wait3A_234 = arith.constant 0 : i32
    %dma_wait3A_235 = tpu.memref_slice %arg12[%dma_wait3A_222, %dma_wait3A_233, %dma_wait3A_234] : memref<2x8x128xf32, #tpu.memory_space<vmem>> -> memref<1x8x128xf32, #tpu.memory_space<vmem>>
    %dma_wait3A_236 = tpu.memref_squeeze %dma_wait3A_235 : memref<1x8x128xf32, #tpu.memory_space<vmem>> -> memref<8x128xf32, #tpu.memory_space<vmem>>
    %dma_wait3A_237 = arith.constant 6 : i32
    %dma_wait3A_238 = arith.constant 0 : i32
    %dma_wait3A_239 = tpu.memref_slice %dma_wait3A_236[%dma_wait3A_237, %dma_wait3A_238] : memref<8x128xf32, #tpu.memory_space<vmem>> -> memref<2x128xf32, #tpu.memory_space<vmem>>
    %dma_wait3A_240 = arith.constant 0 : i32
    %dma_wait3A_241 = arith.constant 0 : i32
    %dma_wait3A_242 = tpu.memref_slice %arg8[%dma_wait3A_240, %dma_wait3A_241] : memref<3712x128xf32, #tpu.memory_space<hbm>> -> memref<2x128xf32, #tpu.memory_space<hbm>>
    tpu.wait_dma2 semaphore(%arg16 : memref<!tpu.dma_semaphore, #tpu.memory_space<semaphore_mem>>) src(%dma_wait3A_242 : memref<2x128xf32, #tpu.memory_space<hbm>>) dst(%dma_wait3A_239 : memref<2x128xf32, #tpu.memory_space<vmem>>)
    %dma_start3A_243 = arith.constant 0 : i32
    %dma_start3A_244 = arith.constant 0 : i32
    %dma_start3A_245 = arith.constant 0 : i32
    %dma_start3A_246 = arith.constant 0 : i32
    %dma_start3A_247 = arith.constant 0 : i32
    %dma_start3A_248 = tpu.memref_slice %arg11[%dma_start3A_245, %dma_start3A_246, %dma_start3A_247] : memref<2x512x64xbf16, #tpu.memory_space<vmem>> -> memref<1x512x64xbf16, #tpu.memory_space<vmem>>
    %dma_start3A_249 = tpu.memref_squeeze %dma_start3A_248 : memref<1x512x64xbf16, #tpu.memory_space<vmem>> -> memref<512x64xbf16, #tpu.memory_space<vmem>>
    %dma_start3A_250 = arith.constant 0 : i32
    %dma_start3A_251 = arith.constant 0 : i32
    %dma_start3A_252 = tpu.memref_slice %dma_start3A_249[%dma_start3A_250, %dma_start3A_251] : memref<512x64xbf16, #tpu.memory_space<vmem>> -> memref<128x64xbf16, #tpu.memory_space<vmem>>
    %dma_start3A_253 = arith.constant 0 : i32
    %dma_start3A_254 = arith.constant 0 : i32
    %dma_start3A_255 = tpu.memref_slice %arg10[%dma_start3A_243, %dma_start3A_253, %dma_start3A_254] : memref<2x4x128xi32, #tpu.memory_space<vmem>> -> memref<1x4x128xi32, #tpu.memory_space<vmem>>
    %dma_start3A_256 = tpu.memref_squeeze %dma_start3A_255 : memref<1x4x128xi32, #tpu.memory_space<vmem>> -> memref<4x128xi32, #tpu.memory_space<vmem>>
    %dma_start3A_257 = arith.constant 0 : i32
    %dma_start3A_258 = tpu.memref_slice %dma_start3A_256[%dma_start3A_244, %dma_start3A_257] : memref<4x128xi32, #tpu.memory_space<vmem>> -> memref<1x128xi32, #tpu.memory_space<vmem>>
    %dma_start3A_259 = tpu.memref_squeeze %dma_start3A_258 : memref<1x128xi32, #tpu.memory_space<vmem>> -> memref<128xi32, #tpu.memory_space<vmem>>
    %dma_start3A_260 = arith.constant 0 : i32
    %dma_start3A_261 = arith.constant 0 : i32
    %dma_start3A_262 = tpu.memref_slice %arg2[%dma_start3A_260, %dma_start3A_261] : memref<696320x64xbf16, #tpu.memory_space<hbm>> -> memref<696320x64xbf16, #tpu.memory_space<hbm>>
    tpu.enqueue_indirect_dma source(%dma_start3A_262 : memref<696320x64xbf16, #tpu.memory_space<hbm>>) target(%dma_start3A_252 : memref<128x64xbf16, #tpu.memory_space<vmem>>) offsets(%dma_start3A_259 : memref<128xi32, #tpu.memory_space<vmem>>) semaphore(%arg14 : memref<!tpu.dma_semaphore, #tpu.memory_space<semaphore_mem>>)
    %dma_start3A_263 = arith.constant 0 : i32
    %dma_start3A_264 = arith.constant 1 : i32
    %dma_start3A_265 = arith.constant 0 : i32
    %dma_start3A_266 = arith.constant 0 : i32
    %dma_start3A_267 = arith.constant 0 : i32
    %dma_start3A_268 = tpu.memref_slice %arg11[%dma_start3A_265, %dma_start3A_266, %dma_start3A_267] : memref<2x512x64xbf16, #tpu.memory_space<vmem>> -> memref<1x512x64xbf16, #tpu.memory_space<vmem>>
    %dma_start3A_269 = tpu.memref_squeeze %dma_start3A_268 : memref<1x512x64xbf16, #tpu.memory_space<vmem>> -> memref<512x64xbf16, #tpu.memory_space<vmem>>
    %dma_start3A_270 = arith.constant 128 : i32
    %dma_start3A_271 = arith.constant 0 : i32
    %dma_start3A_272 = tpu.memref_slice %dma_start3A_269[%dma_start3A_270, %dma_start3A_271] : memref<512x64xbf16, #tpu.memory_space<vmem>> -> memref<128x64xbf16, #tpu.memory_space<vmem>>
    %dma_start3A_273 = arith.constant 0 : i32
    %dma_start3A_274 = arith.constant 0 : i32
    %dma_start3A_275 = tpu.memref_slice %arg10[%dma_start3A_263, %dma_start3A_273, %dma_start3A_274] : memref<2x4x128xi32, #tpu.memory_space<vmem>> -> memref<1x4x128xi32, #tpu.memory_space<vmem>>
    %dma_start3A_276 = tpu.memref_squeeze %dma_start3A_275 : memref<1x4x128xi32, #tpu.memory_space<vmem>> -> memref<4x128xi32, #tpu.memory_space<vmem>>
    %dma_start3A_277 = arith.constant 0 : i32
    %dma_start3A_278 = tpu.memref_slice %dma_start3A_276[%dma_start3A_264, %dma_start3A_277] : memref<4x128xi32, #tpu.memory_space<vmem>> -> memref<1x128xi32, #tpu.memory_space<vmem>>
    %dma_start3A_279 = tpu.memref_squeeze %dma_start3A_278 : memref<1x128xi32, #tpu.memory_space<vmem>> -> memref<128xi32, #tpu.memory_space<vmem>>
    %dma_start3A_280 = arith.constant 0 : i32
    %dma_start3A_281 = arith.constant 0 : i32
    %dma_start3A_282 = tpu.memref_slice %arg2[%dma_start3A_280, %dma_start3A_281] : memref<696320x64xbf16, #tpu.memory_space<hbm>> -> memref<696320x64xbf16, #tpu.memory_space<hbm>>
    tpu.enqueue_indirect_dma source(%dma_start3A_282 : memref<696320x64xbf16, #tpu.memory_space<hbm>>) target(%dma_start3A_272 : memref<128x64xbf16, #tpu.memory_space<vmem>>) offsets(%dma_start3A_279 : memref<128xi32, #tpu.memory_space<vmem>>) semaphore(%arg14 : memref<!tpu.dma_semaphore, #tpu.memory_space<semaphore_mem>>)
    %dma_start3A_283 = arith.constant 0 : i32
    %dma_start3A_284 = arith.constant 2 : i32
    %dma_start3A_285 = arith.constant 0 : i32
    %dma_start3A_286 = arith.constant 0 : i32
    %dma_start3A_287 = arith.constant 0 : i32
    %dma_start3A_288 = tpu.memref_slice %arg11[%dma_start3A_285, %dma_start3A_286, %dma_start3A_287] : memref<2x512x64xbf16, #tpu.memory_space<vmem>> -> memref<1x512x64xbf16, #tpu.memory_space<vmem>>
    %dma_start3A_289 = tpu.memref_squeeze %dma_start3A_288 : memref<1x512x64xbf16, #tpu.memory_space<vmem>> -> memref<512x64xbf16, #tpu.memory_space<vmem>>
    %dma_start3A_290 = arith.constant 256 : i32
    %dma_start3A_291 = arith.constant 0 : i32
    %dma_start3A_292 = tpu.memref_slice %dma_start3A_289[%dma_start3A_290, %dma_start3A_291] : memref<512x64xbf16, #tpu.memory_space<vmem>> -> memref<128x64xbf16, #tpu.memory_space<vmem>>
    %dma_start3A_293 = arith.constant 0 : i32
    %dma_start3A_294 = arith.constant 0 : i32
    %dma_start3A_295 = tpu.memref_slice %arg10[%dma_start3A_283, %dma_start3A_293, %dma_start3A_294] : memref<2x4x128xi32, #tpu.memory_space<vmem>> -> memref<1x4x128xi32, #tpu.memory_space<vmem>>
    %dma_start3A_296 = tpu.memref_squeeze %dma_start3A_295 : memref<1x4x128xi32, #tpu.memory_space<vmem>> -> memref<4x128xi32, #tpu.memory_space<vmem>>
    %dma_start3A_297 = arith.constant 0 : i32
    %dma_start3A_298 = tpu.memref_slice %dma_start3A_296[%dma_start3A_284, %dma_start3A_297] : memref<4x128xi32, #tpu.memory_space<vmem>> -> memref<1x128xi32, #tpu.memory_space<vmem>>
    %dma_start3A_299 = tpu.memref_squeeze %dma_start3A_298 : memref<1x128xi32, #tpu.memory_space<vmem>> -> memref<128xi32, #tpu.memory_space<vmem>>
    %dma_start3A_300 = arith.constant 0 : i32
    %dma_start3A_301 = arith.constant 0 : i32
    %dma_start3A_302 = tpu.memref_slice %arg2[%dma_start3A_300, %dma_start3A_301] : memref<696320x64xbf16, #tpu.memory_space<hbm>> -> memref<696320x64xbf16, #tpu.memory_space<hbm>>
    tpu.enqueue_indirect_dma source(%dma_start3A_302 : memref<696320x64xbf16, #tpu.memory_space<hbm>>) target(%dma_start3A_292 : memref<128x64xbf16, #tpu.memory_space<vmem>>) offsets(%dma_start3A_299 : memref<128xi32, #tpu.memory_space<vmem>>) semaphore(%arg14 : memref<!tpu.dma_semaphore, #tpu.memory_space<semaphore_mem>>)
    %dma_start3A_303 = arith.constant 0 : i32
    %dma_start3A_304 = arith.constant 3 : i32
    %dma_start3A_305 = arith.constant 0 : i32
    %dma_start3A_306 = arith.constant 0 : i32
    %dma_start3A_307 = arith.constant 0 : i32
    %dma_start3A_308 = tpu.memref_slice %arg11[%dma_start3A_305, %dma_start3A_306, %dma_start3A_307] : memref<2x512x64xbf16, #tpu.memory_space<vmem>> -> memref<1x512x64xbf16, #tpu.memory_space<vmem>>
    %dma_start3A_309 = tpu.memref_squeeze %dma_start3A_308 : memref<1x512x64xbf16, #tpu.memory_space<vmem>> -> memref<512x64xbf16, #tpu.memory_space<vmem>>
    %dma_start3A_310 = arith.constant 384 : i32
    %dma_start3A_311 = arith.constant 0 : i32
    %dma_start3A_312 = tpu.memref_slice %dma_start3A_309[%dma_start3A_310, %dma_start3A_311] : memref<512x64xbf16, #tpu.memory_space<vmem>> -> memref<128x64xbf16, #tpu.memory_space<vmem>>
    %dma_start3A_313 = arith.constant 0 : i32
    %dma_start3A_314 = arith.constant 0 : i32
    %dma_start3A_315 = tpu.memref_slice %arg10[%dma_start3A_303, %dma_start3A_313, %dma_start3A_314] : memref<2x4x128xi32, #tpu.memory_space<vmem>> -> memref<1x4x128xi32, #tpu.memory_space<vmem>>
    %dma_start3A_316 = tpu.memref_squeeze %dma_start3A_315 : memref<1x4x128xi32, #tpu.memory_space<vmem>> -> memref<4x128xi32, #tpu.memory_space<vmem>>
    %dma_start3A_317 = arith.constant 0 : i32
    %dma_start3A_318 = tpu.memref_slice %dma_start3A_316[%dma_start3A_304, %dma_start3A_317] : memref<4x128xi32, #tpu.memory_space<vmem>> -> memref<1x128xi32, #tpu.memory_space<vmem>>
    %dma_start3A_319 = tpu.memref_squeeze %dma_start3A_318 : memref<1x128xi32, #tpu.memory_space<vmem>> -> memref<128xi32, #tpu.memory_space<vmem>>
    %dma_start3A_320 = arith.constant 0 : i32
    %dma_start3A_321 = arith.constant 0 : i32
    %dma_start3A_322 = tpu.memref_slice %arg2[%dma_start3A_320, %dma_start3A_321] : memref<696320x64xbf16, #tpu.memory_space<hbm>> -> memref<696320x64xbf16, #tpu.memory_space<hbm>>
    tpu.enqueue_indirect_dma source(%dma_start3A_322 : memref<696320x64xbf16, #tpu.memory_space<hbm>>) target(%dma_start3A_312 : memref<128x64xbf16, #tpu.memory_space<vmem>>) offsets(%dma_start3A_319 : memref<128xi32, #tpu.memory_space<vmem>>) semaphore(%arg14 : memref<!tpu.dma_semaphore, #tpu.memory_space<semaphore_mem>>)
    %scan3A = arith.constant 0 : i32
    %scan3A_323 = arith.constant 0 : i32
    %scan3A_324 = arith.constant 29 : i32
    %scan3A_325 = arith.addi %scan3A_323, %scan3A_324 : i32
    %scan3A_326 = arith.constant 1 : i32
    scf.for %scan3A_328 = %scan3A_323 to %scan3A_325 step %scan3A_326  : i32 {
      %mul3A_329 = arith.constant 2 : i32
      %mul3A_330 = arith.muli %scan3A_328, %mul3A_329 : i32
      %add3A_331 = arith.constant 1 : i32
      %add3A_332 = arith.addi %mul3A_330, %add3A_331 : i32
      %mul3A_333 = arith.constant 2 : i32
      %mul3A_334 = arith.muli %add3A_332, %mul3A_333 : i32
      %add3A_335 = arith.addi %mul3A_2, %mul3A_334 : i32
      %multiple_of3A_336 = tpu.assume_multiple %add3A_335, 2 : i32
      %dma_start3A_337 = arith.constant 1 : i32
      %dma_start3A_338 = arith.constant 0 : i32
      %dma_start3A_339 = arith.constant 0 : i32
      %dma_start3A_340 = tpu.memref_slice %arg10[%dma_start3A_337, %dma_start3A_338, %dma_start3A_339] : memref<2x4x128xi32, #tpu.memory_space<vmem>> -> memref<1x4x128xi32, #tpu.memory_space<vmem>>
      %dma_start3A_341 = tpu.memref_squeeze %dma_start3A_340 : memref<1x4x128xi32, #tpu.memory_space<vmem>> -> memref<4x128xi32, #tpu.memory_space<vmem>>
      %dma_start3A_342 = arith.constant 0 : i32
      %dma_start3A_343 = arith.constant 0 : i32
      %dma_start3A_344 = tpu.memref_slice %dma_start3A_341[%dma_start3A_342, %dma_start3A_343] : memref<4x128xi32, #tpu.memory_space<vmem>> -> memref<2x128xi32, #tpu.memory_space<vmem>>
      %dma_start3A_345 = arith.constant 0 : i32
      %dma_start3A_346 = tpu.memref_slice %arg3[%multiple_of3A_336, %dma_start3A_345] : memref<3712x128xi32, #tpu.memory_space<hbm>> -> memref<2x128xi32, #tpu.memory_space<hbm>>
      %dma_start3A_347 = arith.constant 0 : i32
      %dma_start3A_348 = arith.constant 0 : i32
      %dma_start3A_349 = tpu.memref_slice %arg10[%dma_start3A_337, %dma_start3A_347, %dma_start3A_348] : memref<2x4x128xi32, #tpu.memory_space<vmem>> -> memref<1x4x128xi32, #tpu.memory_space<vmem>>
      %dma_start3A_350 = tpu.memref_squeeze %dma_start3A_349 : memref<1x4x128xi32, #tpu.memory_space<vmem>> -> memref<4x128xi32, #tpu.memory_space<vmem>>
      %dma_start3A_351 = arith.constant 0 : i32
      %dma_start3A_352 = arith.constant 0 : i32
      %dma_start3A_353 = tpu.memref_slice %dma_start3A_350[%dma_start3A_351, %dma_start3A_352] : memref<4x128xi32, #tpu.memory_space<vmem>> -> memref<2x128xi32, #tpu.memory_space<vmem>>
      %dma_start3A_354 = arith.constant 0 : i32
      %dma_start3A_355 = tpu.memref_slice %arg3[%multiple_of3A_336, %dma_start3A_354] : memref<3712x128xi32, #tpu.memory_space<hbm>> -> memref<2x128xi32, #tpu.memory_space<hbm>>
      tpu.enqueue_dma source(%dma_start3A_355 : memref<2x128xi32, #tpu.memory_space<hbm>>) target(%dma_start3A_353 : memref<2x128xi32, #tpu.memory_space<vmem>>) target_semaphore(%arg17 : memref<!tpu.dma_semaphore, #tpu.memory_space<semaphore_mem>>)
      %dma_start3A_356 = arith.constant 1 : i32
      %dma_start3A_357 = arith.constant 0 : i32
      %dma_start3A_358 = arith.constant 0 : i32
      %dma_start3A_359 = tpu.memref_slice %arg10[%dma_start3A_356, %dma_start3A_357, %dma_start3A_358] : memref<2x4x128xi32, #tpu.memory_space<vmem>> -> memref<1x4x128xi32, #tpu.memory_space<vmem>>
      %dma_start3A_360 = tpu.memref_squeeze %dma_start3A_359 : memref<1x4x128xi32, #tpu.memory_space<vmem>> -> memref<4x128xi32, #tpu.memory_space<vmem>>
      %dma_start3A_361 = arith.constant 2 : i32
      %dma_start3A_362 = arith.constant 0 : i32
      %dma_start3A_363 = tpu.memref_slice %dma_start3A_360[%dma_start3A_361, %dma_start3A_362] : memref<4x128xi32, #tpu.memory_space<vmem>> -> memref<2x128xi32, #tpu.memory_space<vmem>>
      %dma_start3A_364 = arith.constant 0 : i32
      %dma_start3A_365 = tpu.memref_slice %arg4[%multiple_of3A_336, %dma_start3A_364] : memref<3712x128xi32, #tpu.memory_space<hbm>> -> memref<2x128xi32, #tpu.memory_space<hbm>>
      %dma_start3A_366 = arith.constant 0 : i32
      %dma_start3A_367 = arith.constant 0 : i32
      %dma_start3A_368 = tpu.memref_slice %arg10[%dma_start3A_356, %dma_start3A_366, %dma_start3A_367] : memref<2x4x128xi32, #tpu.memory_space<vmem>> -> memref<1x4x128xi32, #tpu.memory_space<vmem>>
      %dma_start3A_369 = tpu.memref_squeeze %dma_start3A_368 : memref<1x4x128xi32, #tpu.memory_space<vmem>> -> memref<4x128xi32, #tpu.memory_space<vmem>>
      %dma_start3A_370 = arith.constant 2 : i32
      %dma_start3A_371 = arith.constant 0 : i32
      %dma_start3A_372 = tpu.memref_slice %dma_start3A_369[%dma_start3A_370, %dma_start3A_371] : memref<4x128xi32, #tpu.memory_space<vmem>> -> memref<2x128xi32, #tpu.memory_space<vmem>>
      %dma_start3A_373 = arith.constant 0 : i32
      %dma_start3A_374 = tpu.memref_slice %arg4[%multiple_of3A_336, %dma_start3A_373] : memref<3712x128xi32, #tpu.memory_space<hbm>> -> memref<2x128xi32, #tpu.memory_space<hbm>>
      tpu.enqueue_dma source(%dma_start3A_374 : memref<2x128xi32, #tpu.memory_space<hbm>>) target(%dma_start3A_372 : memref<2x128xi32, #tpu.memory_space<vmem>>) target_semaphore(%arg17 : memref<!tpu.dma_semaphore, #tpu.memory_space<semaphore_mem>>)
      %dma_start3A_375 = arith.constant 1 : i32
      %dma_start3A_376 = arith.constant 0 : i32
      %dma_start3A_377 = arith.constant 0 : i32
      %dma_start3A_378 = tpu.memref_slice %arg12[%dma_start3A_375, %dma_start3A_376, %dma_start3A_377] : memref<2x8x128xf32, #tpu.memory_space<vmem>> -> memref<1x8x128xf32, #tpu.memory_space<vmem>>
      %dma_start3A_379 = tpu.memref_squeeze %dma_start3A_378 : memref<1x8x128xf32, #tpu.memory_space<vmem>> -> memref<8x128xf32, #tpu.memory_space<vmem>>
      %dma_start3A_380 = arith.constant 0 : i32
      %dma_start3A_381 = arith.constant 0 : i32
      %dma_start3A_382 = tpu.memref_slice %dma_start3A_379[%dma_start3A_380, %dma_start3A_381] : memref<8x128xf32, #tpu.memory_space<vmem>> -> memref<2x128xf32, #tpu.memory_space<vmem>>
      %dma_start3A_383 = arith.constant 0 : i32
      %dma_start3A_384 = tpu.memref_slice %arg5[%multiple_of3A_336, %dma_start3A_383] : memref<3712x128xf32, #tpu.memory_space<hbm>> -> memref<2x128xf32, #tpu.memory_space<hbm>>
      %dma_start3A_385 = arith.constant 0 : i32
      %dma_start3A_386 = arith.constant 0 : i32
      %dma_start3A_387 = tpu.memref_slice %arg12[%dma_start3A_375, %dma_start3A_385, %dma_start3A_386] : memref<2x8x128xf32, #tpu.memory_space<vmem>> -> memref<1x8x128xf32, #tpu.memory_space<vmem>>
      %dma_start3A_388 = tpu.memref_squeeze %dma_start3A_387 : memref<1x8x128xf32, #tpu.memory_space<vmem>> -> memref<8x128xf32, #tpu.memory_space<vmem>>
      %dma_start3A_389 = arith.constant 0 : i32
      %dma_start3A_390 = arith.constant 0 : i32
      %dma_start3A_391 = tpu.memref_slice %dma_start3A_388[%dma_start3A_389, %dma_start3A_390] : memref<8x128xf32, #tpu.memory_space<vmem>> -> memref<2x128xf32, #tpu.memory_space<vmem>>
      %dma_start3A_392 = arith.constant 0 : i32
      %dma_start3A_393 = tpu.memref_slice %arg5[%multiple_of3A_336, %dma_start3A_392] : memref<3712x128xf32, #tpu.memory_space<hbm>> -> memref<2x128xf32, #tpu.memory_space<hbm>>
      tpu.enqueue_dma source(%dma_start3A_393 : memref<2x128xf32, #tpu.memory_space<hbm>>) target(%dma_start3A_391 : memref<2x128xf32, #tpu.memory_space<vmem>>) target_semaphore(%arg17 : memref<!tpu.dma_semaphore, #tpu.memory_space<semaphore_mem>>)
      %dma_start3A_394 = arith.constant 1 : i32
      %dma_start3A_395 = arith.constant 0 : i32
      %dma_start3A_396 = arith.constant 0 : i32
      %dma_start3A_397 = tpu.memref_slice %arg12[%dma_start3A_394, %dma_start3A_395, %dma_start3A_396] : memref<2x8x128xf32, #tpu.memory_space<vmem>> -> memref<1x8x128xf32, #tpu.memory_space<vmem>>
      %dma_start3A_398 = tpu.memref_squeeze %dma_start3A_397 : memref<1x8x128xf32, #tpu.memory_space<vmem>> -> memref<8x128xf32, #tpu.memory_space<vmem>>
      %dma_start3A_399 = arith.constant 2 : i32
      %dma_start3A_400 = arith.constant 0 : i32
      %dma_start3A_401 = tpu.memref_slice %dma_start3A_398[%dma_start3A_399, %dma_start3A_400] : memref<8x128xf32, #tpu.memory_space<vmem>> -> memref<2x128xf32, #tpu.memory_space<vmem>>
      %dma_start3A_402 = arith.constant 0 : i32
      %dma_start3A_403 = tpu.memref_slice %arg6[%multiple_of3A_336, %dma_start3A_402] : memref<3712x128xf32, #tpu.memory_space<hbm>> -> memref<2x128xf32, #tpu.memory_space<hbm>>
      %dma_start3A_404 = arith.constant 0 : i32
      %dma_start3A_405 = arith.constant 0 : i32
      %dma_start3A_406 = tpu.memref_slice %arg12[%dma_start3A_394, %dma_start3A_404, %dma_start3A_405] : memref<2x8x128xf32, #tpu.memory_space<vmem>> -> memref<1x8x128xf32, #tpu.memory_space<vmem>>
      %dma_start3A_407 = tpu.memref_squeeze %dma_start3A_406 : memref<1x8x128xf32, #tpu.memory_space<vmem>> -> memref<8x128xf32, #tpu.memory_space<vmem>>
      %dma_start3A_408 = arith.constant 2 : i32
      %dma_start3A_409 = arith.constant 0 : i32
      %dma_start3A_410 = tpu.memref_slice %dma_start3A_407[%dma_start3A_408, %dma_start3A_409] : memref<8x128xf32, #tpu.memory_space<vmem>> -> memref<2x128xf32, #tpu.memory_space<vmem>>
      %dma_start3A_411 = arith.constant 0 : i32
      %dma_start3A_412 = tpu.memref_slice %arg6[%multiple_of3A_336, %dma_start3A_411] : memref<3712x128xf32, #tpu.memory_space<hbm>> -> memref<2x128xf32, #tpu.memory_space<hbm>>
      tpu.enqueue_dma source(%dma_start3A_412 : memref<2x128xf32, #tpu.memory_space<hbm>>) target(%dma_start3A_410 : memref<2x128xf32, #tpu.memory_space<vmem>>) target_semaphore(%arg17 : memref<!tpu.dma_semaphore, #tpu.memory_space<semaphore_mem>>)
      %dma_start3A_413 = arith.constant 1 : i32
      %dma_start3A_414 = arith.constant 0 : i32
      %dma_start3A_415 = arith.constant 0 : i32
      %dma_start3A_416 = tpu.memref_slice %arg12[%dma_start3A_413, %dma_start3A_414, %dma_start3A_415] : memref<2x8x128xf32, #tpu.memory_space<vmem>> -> memref<1x8x128xf32, #tpu.memory_space<vmem>>
      %dma_start3A_417 = tpu.memref_squeeze %dma_start3A_416 : memref<1x8x128xf32, #tpu.memory_space<vmem>> -> memref<8x128xf32, #tpu.memory_space<vmem>>
      %dma_start3A_418 = arith.constant 4 : i32
      %dma_start3A_419 = arith.constant 0 : i32
      %dma_start3A_420 = tpu.memref_slice %dma_start3A_417[%dma_start3A_418, %dma_start3A_419] : memref<8x128xf32, #tpu.memory_space<vmem>> -> memref<2x128xf32, #tpu.memory_space<vmem>>
      %dma_start3A_421 = arith.constant 0 : i32
      %dma_start3A_422 = tpu.memref_slice %arg7[%multiple_of3A_336, %dma_start3A_421] : memref<3712x128xf32, #tpu.memory_space<hbm>> -> memref<2x128xf32, #tpu.memory_space<hbm>>
      %dma_start3A_423 = arith.constant 0 : i32
      %dma_start3A_424 = arith.constant 0 : i32
      %dma_start3A_425 = tpu.memref_slice %arg12[%dma_start3A_413, %dma_start3A_423, %dma_start3A_424] : memref<2x8x128xf32, #tpu.memory_space<vmem>> -> memref<1x8x128xf32, #tpu.memory_space<vmem>>
      %dma_start3A_426 = tpu.memref_squeeze %dma_start3A_425 : memref<1x8x128xf32, #tpu.memory_space<vmem>> -> memref<8x128xf32, #tpu.memory_space<vmem>>
      %dma_start3A_427 = arith.constant 4 : i32
      %dma_start3A_428 = arith.constant 0 : i32
      %dma_start3A_429 = tpu.memref_slice %dma_start3A_426[%dma_start3A_427, %dma_start3A_428] : memref<8x128xf32, #tpu.memory_space<vmem>> -> memref<2x128xf32, #tpu.memory_space<vmem>>
      %dma_start3A_430 = arith.constant 0 : i32
      %dma_start3A_431 = tpu.memref_slice %arg7[%multiple_of3A_336, %dma_start3A_430] : memref<3712x128xf32, #tpu.memory_space<hbm>> -> memref<2x128xf32, #tpu.memory_space<hbm>>
      tpu.enqueue_dma source(%dma_start3A_431 : memref<2x128xf32, #tpu.memory_space<hbm>>) target(%dma_start3A_429 : memref<2x128xf32, #tpu.memory_space<vmem>>) target_semaphore(%arg17 : memref<!tpu.dma_semaphore, #tpu.memory_space<semaphore_mem>>)
      %dma_start3A_432 = arith.constant 1 : i32
      %dma_start3A_433 = arith.constant 0 : i32
      %dma_start3A_434 = arith.constant 0 : i32
      %dma_start3A_435 = tpu.memref_slice %arg12[%dma_start3A_432, %dma_start3A_433, %dma_start3A_434] : memref<2x8x128xf32, #tpu.memory_space<vmem>> -> memref<1x8x128xf32, #tpu.memory_space<vmem>>
      %dma_start3A_436 = tpu.memref_squeeze %dma_start3A_435 : memref<1x8x128xf32, #tpu.memory_space<vmem>> -> memref<8x128xf32, #tpu.memory_space<vmem>>
      %dma_start3A_437 = arith.constant 6 : i32
      %dma_start3A_438 = arith.constant 0 : i32
      %dma_start3A_439 = tpu.memref_slice %dma_start3A_436[%dma_start3A_437, %dma_start3A_438] : memref<8x128xf32, #tpu.memory_space<vmem>> -> memref<2x128xf32, #tpu.memory_space<vmem>>
      %dma_start3A_440 = arith.constant 0 : i32
      %dma_start3A_441 = tpu.memref_slice %arg8[%multiple_of3A_336, %dma_start3A_440] : memref<3712x128xf32, #tpu.memory_space<hbm>> -> memref<2x128xf32, #tpu.memory_space<hbm>>
      %dma_start3A_442 = arith.constant 0 : i32
      %dma_start3A_443 = arith.constant 0 : i32
      %dma_start3A_444 = tpu.memref_slice %arg12[%dma_start3A_432, %dma_start3A_442, %dma_start3A_443] : memref<2x8x128xf32, #tpu.memory_space<vmem>> -> memref<1x8x128xf32, #tpu.memory_space<vmem>>
      %dma_start3A_445 = tpu.memref_squeeze %dma_start3A_444 : memref<1x8x128xf32, #tpu.memory_space<vmem>> -> memref<8x128xf32, #tpu.memory_space<vmem>>
      %dma_start3A_446 = arith.constant 6 : i32
      %dma_start3A_447 = arith.constant 0 : i32
      %dma_start3A_448 = tpu.memref_slice %dma_start3A_445[%dma_start3A_446, %dma_start3A_447] : memref<8x128xf32, #tpu.memory_space<vmem>> -> memref<2x128xf32, #tpu.memory_space<vmem>>
      %dma_start3A_449 = arith.constant 0 : i32
      %dma_start3A_450 = tpu.memref_slice %arg8[%multiple_of3A_336, %dma_start3A_449] : memref<3712x128xf32, #tpu.memory_space<hbm>> -> memref<2x128xf32, #tpu.memory_space<hbm>>
      tpu.enqueue_dma source(%dma_start3A_450 : memref<2x128xf32, #tpu.memory_space<hbm>>) target(%dma_start3A_448 : memref<2x128xf32, #tpu.memory_space<vmem>>) target_semaphore(%arg17 : memref<!tpu.dma_semaphore, #tpu.memory_space<semaphore_mem>>)
      %dma_wait3A_451 = arith.constant 0 : i32
      %dma_wait3A_452 = arith.constant 0 : i32
      %dma_wait3A_453 = arith.constant 0 : i32
      %dma_wait3A_454 = tpu.memref_slice %arg11[%dma_wait3A_451, %dma_wait3A_452, %dma_wait3A_453] : memref<2x512x64xbf16, #tpu.memory_space<vmem>> -> memref<1x512x64xbf16, #tpu.memory_space<vmem>>
      %dma_wait3A_455 = tpu.memref_squeeze %dma_wait3A_454 : memref<1x512x64xbf16, #tpu.memory_space<vmem>> -> memref<512x64xbf16, #tpu.memory_space<vmem>>
      %dma_wait3A_456 = arith.constant 0 : i32
      %dma_wait3A_457 = arith.constant 0 : i32
      %dma_wait3A_458 = tpu.memref_slice %arg2[%dma_wait3A_456, %dma_wait3A_457] : memref<696320x64xbf16, #tpu.memory_space<hbm>> -> memref<512x64xbf16, #tpu.memory_space<hbm>>
      %dma_wait3A_459 = arith.constant 0 : i32
      %dma_wait3A_460 = arith.constant 0 : i32
      %dma_wait3A_461 = tpu.memref_slice %arg11[%dma_wait3A_451, %dma_wait3A_459, %dma_wait3A_460] : memref<2x512x64xbf16, #tpu.memory_space<vmem>> -> memref<1x512x64xbf16, #tpu.memory_space<vmem>>
      %dma_wait3A_462 = tpu.memref_squeeze %dma_wait3A_461 : memref<1x512x64xbf16, #tpu.memory_space<vmem>> -> memref<512x64xbf16, #tpu.memory_space<vmem>>
      %dma_wait3A_463 = arith.constant 0 : i32
      %dma_wait3A_464 = arith.constant 0 : i32
      %dma_wait3A_465 = tpu.memref_slice %arg2[%dma_wait3A_463, %dma_wait3A_464] : memref<696320x64xbf16, #tpu.memory_space<hbm>> -> memref<512x64xbf16, #tpu.memory_space<hbm>>
      tpu.wait_dma2 semaphore(%arg14 : memref<!tpu.dma_semaphore, #tpu.memory_space<semaphore_mem>>) src(%dma_wait3A_465 : memref<512x64xbf16, #tpu.memory_space<hbm>>) dst(%dma_wait3A_462 : memref<512x64xbf16, #tpu.memory_space<vmem>>)
      %dma_wait3A_466 = arith.constant 1 : i32
      %dma_wait3A_467 = arith.constant 0 : i32
      %dma_wait3A_468 = arith.constant 0 : i32
      %dma_wait3A_469 = tpu.memref_slice %arg10[%dma_wait3A_466, %dma_wait3A_467, %dma_wait3A_468] : memref<2x4x128xi32, #tpu.memory_space<vmem>> -> memref<1x4x128xi32, #tpu.memory_space<vmem>>
      %dma_wait3A_470 = tpu.memref_squeeze %dma_wait3A_469 : memref<1x4x128xi32, #tpu.memory_space<vmem>> -> memref<4x128xi32, #tpu.memory_space<vmem>>
      %dma_wait3A_471 = arith.constant 0 : i32
      %dma_wait3A_472 = arith.constant 0 : i32
      %dma_wait3A_473 = tpu.memref_slice %dma_wait3A_470[%dma_wait3A_471, %dma_wait3A_472] : memref<4x128xi32, #tpu.memory_space<vmem>> -> memref<2x128xi32, #tpu.memory_space<vmem>>
      %dma_wait3A_474 = arith.constant 0 : i32
      %dma_wait3A_475 = arith.constant 0 : i32
      %dma_wait3A_476 = tpu.memref_slice %arg3[%dma_wait3A_474, %dma_wait3A_475] : memref<3712x128xi32, #tpu.memory_space<hbm>> -> memref<2x128xi32, #tpu.memory_space<hbm>>
      %dma_wait3A_477 = arith.constant 0 : i32
      %dma_wait3A_478 = arith.constant 0 : i32
      %dma_wait3A_479 = tpu.memref_slice %arg10[%dma_wait3A_466, %dma_wait3A_477, %dma_wait3A_478] : memref<2x4x128xi32, #tpu.memory_space<vmem>> -> memref<1x4x128xi32, #tpu.memory_space<vmem>>
      %dma_wait3A_480 = tpu.memref_squeeze %dma_wait3A_479 : memref<1x4x128xi32, #tpu.memory_space<vmem>> -> memref<4x128xi32, #tpu.memory_space<vmem>>
      %dma_wait3A_481 = arith.constant 0 : i32
      %dma_wait3A_482 = arith.constant 0 : i32
      %dma_wait3A_483 = tpu.memref_slice %dma_wait3A_480[%dma_wait3A_481, %dma_wait3A_482] : memref<4x128xi32, #tpu.memory_space<vmem>> -> memref<2x128xi32, #tpu.memory_space<vmem>>
      %dma_wait3A_484 = arith.constant 0 : i32
      %dma_wait3A_485 = arith.constant 0 : i32
      %dma_wait3A_486 = tpu.memref_slice %arg3[%dma_wait3A_484, %dma_wait3A_485] : memref<3712x128xi32, #tpu.memory_space<hbm>> -> memref<2x128xi32, #tpu.memory_space<hbm>>
      tpu.wait_dma2 semaphore(%arg17 : memref<!tpu.dma_semaphore, #tpu.memory_space<semaphore_mem>>) src(%dma_wait3A_486 : memref<2x128xi32, #tpu.memory_space<hbm>>) dst(%dma_wait3A_483 : memref<2x128xi32, #tpu.memory_space<vmem>>)
      %dma_wait3A_487 = arith.constant 1 : i32
      %dma_wait3A_488 = arith.constant 0 : i32
      %dma_wait3A_489 = arith.constant 0 : i32
      %dma_wait3A_490 = tpu.memref_slice %arg10[%dma_wait3A_487, %dma_wait3A_488, %dma_wait3A_489] : memref<2x4x128xi32, #tpu.memory_space<vmem>> -> memref<1x4x128xi32, #tpu.memory_space<vmem>>
      %dma_wait3A_491 = tpu.memref_squeeze %dma_wait3A_490 : memref<1x4x128xi32, #tpu.memory_space<vmem>> -> memref<4x128xi32, #tpu.memory_space<vmem>>
      %dma_wait3A_492 = arith.constant 2 : i32
      %dma_wait3A_493 = arith.constant 0 : i32
      %dma_wait3A_494 = tpu.memref_slice %dma_wait3A_491[%dma_wait3A_492, %dma_wait3A_493] : memref<4x128xi32, #tpu.memory_space<vmem>> -> memref<2x128xi32, #tpu.memory_space<vmem>>
      %dma_wait3A_495 = arith.constant 0 : i32
      %dma_wait3A_496 = arith.constant 0 : i32
      %dma_wait3A_497 = tpu.memref_slice %arg4[%dma_wait3A_495, %dma_wait3A_496] : memref<3712x128xi32, #tpu.memory_space<hbm>> -> memref<2x128xi32, #tpu.memory_space<hbm>>
      %dma_wait3A_498 = arith.constant 0 : i32
      %dma_wait3A_499 = arith.constant 0 : i32
      %dma_wait3A_500 = tpu.memref_slice %arg10[%dma_wait3A_487, %dma_wait3A_498, %dma_wait3A_499] : memref<2x4x128xi32, #tpu.memory_space<vmem>> -> memref<1x4x128xi32, #tpu.memory_space<vmem>>
      %dma_wait3A_501 = tpu.memref_squeeze %dma_wait3A_500 : memref<1x4x128xi32, #tpu.memory_space<vmem>> -> memref<4x128xi32, #tpu.memory_space<vmem>>
      %dma_wait3A_502 = arith.constant 2 : i32
      %dma_wait3A_503 = arith.constant 0 : i32
      %dma_wait3A_504 = tpu.memref_slice %dma_wait3A_501[%dma_wait3A_502, %dma_wait3A_503] : memref<4x128xi32, #tpu.memory_space<vmem>> -> memref<2x128xi32, #tpu.memory_space<vmem>>
      %dma_wait3A_505 = arith.constant 0 : i32
      %dma_wait3A_506 = arith.constant 0 : i32
      %dma_wait3A_507 = tpu.memref_slice %arg4[%dma_wait3A_505, %dma_wait3A_506] : memref<3712x128xi32, #tpu.memory_space<hbm>> -> memref<2x128xi32, #tpu.memory_space<hbm>>
      tpu.wait_dma2 semaphore(%arg17 : memref<!tpu.dma_semaphore, #tpu.memory_space<semaphore_mem>>) src(%dma_wait3A_507 : memref<2x128xi32, #tpu.memory_space<hbm>>) dst(%dma_wait3A_504 : memref<2x128xi32, #tpu.memory_space<vmem>>)
      %dma_wait3A_508 = arith.constant 1 : i32
      %dma_wait3A_509 = arith.constant 0 : i32
      %dma_wait3A_510 = arith.constant 0 : i32
      %dma_wait3A_511 = tpu.memref_slice %arg12[%dma_wait3A_508, %dma_wait3A_509, %dma_wait3A_510] : memref<2x8x128xf32, #tpu.memory_space<vmem>> -> memref<1x8x128xf32, #tpu.memory_space<vmem>>
      %dma_wait3A_512 = tpu.memref_squeeze %dma_wait3A_511 : memref<1x8x128xf32, #tpu.memory_space<vmem>> -> memref<8x128xf32, #tpu.memory_space<vmem>>
      %dma_wait3A_513 = arith.constant 0 : i32
      %dma_wait3A_514 = arith.constant 0 : i32
      %dma_wait3A_515 = tpu.memref_slice %dma_wait3A_512[%dma_wait3A_513, %dma_wait3A_514] : memref<8x128xf32, #tpu.memory_space<vmem>> -> memref<2x128xf32, #tpu.memory_space<vmem>>
      %dma_wait3A_516 = arith.constant 0 : i32
      %dma_wait3A_517 = arith.constant 0 : i32
      %dma_wait3A_518 = tpu.memref_slice %arg5[%dma_wait3A_516, %dma_wait3A_517] : memref<3712x128xf32, #tpu.memory_space<hbm>> -> memref<2x128xf32, #tpu.memory_space<hbm>>
      %dma_wait3A_519 = arith.constant 0 : i32
      %dma_wait3A_520 = arith.constant 0 : i32
      %dma_wait3A_521 = tpu.memref_slice %arg12[%dma_wait3A_508, %dma_wait3A_519, %dma_wait3A_520] : memref<2x8x128xf32, #tpu.memory_space<vmem>> -> memref<1x8x128xf32, #tpu.memory_space<vmem>>
      %dma_wait3A_522 = tpu.memref_squeeze %dma_wait3A_521 : memref<1x8x128xf32, #tpu.memory_space<vmem>> -> memref<8x128xf32, #tpu.memory_space<vmem>>
      %dma_wait3A_523 = arith.constant 0 : i32
      %dma_wait3A_524 = arith.constant 0 : i32
      %dma_wait3A_525 = tpu.memref_slice %dma_wait3A_522[%dma_wait3A_523, %dma_wait3A_524] : memref<8x128xf32, #tpu.memory_space<vmem>> -> memref<2x128xf32, #tpu.memory_space<vmem>>
      %dma_wait3A_526 = arith.constant 0 : i32
      %dma_wait3A_527 = arith.constant 0 : i32
      %dma_wait3A_528 = tpu.memref_slice %arg5[%dma_wait3A_526, %dma_wait3A_527] : memref<3712x128xf32, #tpu.memory_space<hbm>> -> memref<2x128xf32, #tpu.memory_space<hbm>>
      tpu.wait_dma2 semaphore(%arg17 : memref<!tpu.dma_semaphore, #tpu.memory_space<semaphore_mem>>) src(%dma_wait3A_528 : memref<2x128xf32, #tpu.memory_space<hbm>>) dst(%dma_wait3A_525 : memref<2x128xf32, #tpu.memory_space<vmem>>)
      %dma_wait3A_529 = arith.constant 1 : i32
      %dma_wait3A_530 = arith.constant 0 : i32
      %dma_wait3A_531 = arith.constant 0 : i32
      %dma_wait3A_532 = tpu.memref_slice %arg12[%dma_wait3A_529, %dma_wait3A_530, %dma_wait3A_531] : memref<2x8x128xf32, #tpu.memory_space<vmem>> -> memref<1x8x128xf32, #tpu.memory_space<vmem>>
      %dma_wait3A_533 = tpu.memref_squeeze %dma_wait3A_532 : memref<1x8x128xf32, #tpu.memory_space<vmem>> -> memref<8x128xf32, #tpu.memory_space<vmem>>
      %dma_wait3A_534 = arith.constant 2 : i32
      %dma_wait3A_535 = arith.constant 0 : i32
      %dma_wait3A_536 = tpu.memref_slice %dma_wait3A_533[%dma_wait3A_534, %dma_wait3A_535] : memref<8x128xf32, #tpu.memory_space<vmem>> -> memref<2x128xf32, #tpu.memory_space<vmem>>
      %dma_wait3A_537 = arith.constant 0 : i32
      %dma_wait3A_538 = arith.constant 0 : i32
      %dma_wait3A_539 = tpu.memref_slice %arg6[%dma_wait3A_537, %dma_wait3A_538] : memref<3712x128xf32, #tpu.memory_space<hbm>> -> memref<2x128xf32, #tpu.memory_space<hbm>>
      %dma_wait3A_540 = arith.constant 0 : i32
      %dma_wait3A_541 = arith.constant 0 : i32
      %dma_wait3A_542 = tpu.memref_slice %arg12[%dma_wait3A_529, %dma_wait3A_540, %dma_wait3A_541] : memref<2x8x128xf32, #tpu.memory_space<vmem>> -> memref<1x8x128xf32, #tpu.memory_space<vmem>>
      %dma_wait3A_543 = tpu.memref_squeeze %dma_wait3A_542 : memref<1x8x128xf32, #tpu.memory_space<vmem>> -> memref<8x128xf32, #tpu.memory_space<vmem>>
      %dma_wait3A_544 = arith.constant 2 : i32
      %dma_wait3A_545 = arith.constant 0 : i32
      %dma_wait3A_546 = tpu.memref_slice %dma_wait3A_543[%dma_wait3A_544, %dma_wait3A_545] : memref<8x128xf32, #tpu.memory_space<vmem>> -> memref<2x128xf32, #tpu.memory_space<vmem>>
      %dma_wait3A_547 = arith.constant 0 : i32
      %dma_wait3A_548 = arith.constant 0 : i32
      %dma_wait3A_549 = tpu.memref_slice %arg6[%dma_wait3A_547, %dma_wait3A_548] : memref<3712x128xf32, #tpu.memory_space<hbm>> -> memref<2x128xf32, #tpu.memory_space<hbm>>
      tpu.wait_dma2 semaphore(%arg17 : memref<!tpu.dma_semaphore, #tpu.memory_space<semaphore_mem>>) src(%dma_wait3A_549 : memref<2x128xf32, #tpu.memory_space<hbm>>) dst(%dma_wait3A_546 : memref<2x128xf32, #tpu.memory_space<vmem>>)
      %dma_wait3A_550 = arith.constant 1 : i32
      %dma_wait3A_551 = arith.constant 0 : i32
      %dma_wait3A_552 = arith.constant 0 : i32
      %dma_wait3A_553 = tpu.memref_slice %arg12[%dma_wait3A_550, %dma_wait3A_551, %dma_wait3A_552] : memref<2x8x128xf32, #tpu.memory_space<vmem>> -> memref<1x8x128xf32, #tpu.memory_space<vmem>>
      %dma_wait3A_554 = tpu.memref_squeeze %dma_wait3A_553 : memref<1x8x128xf32, #tpu.memory_space<vmem>> -> memref<8x128xf32, #tpu.memory_space<vmem>>
      %dma_wait3A_555 = arith.constant 4 : i32
      %dma_wait3A_556 = arith.constant 0 : i32
      %dma_wait3A_557 = tpu.memref_slice %dma_wait3A_554[%dma_wait3A_555, %dma_wait3A_556] : memref<8x128xf32, #tpu.memory_space<vmem>> -> memref<2x128xf32, #tpu.memory_space<vmem>>
      %dma_wait3A_558 = arith.constant 0 : i32
      %dma_wait3A_559 = arith.constant 0 : i32
      %dma_wait3A_560 = tpu.memref_slice %arg7[%dma_wait3A_558, %dma_wait3A_559] : memref<3712x128xf32, #tpu.memory_space<hbm>> -> memref<2x128xf32, #tpu.memory_space<hbm>>
      %dma_wait3A_561 = arith.constant 0 : i32
      %dma_wait3A_562 = arith.constant 0 : i32
      %dma_wait3A_563 = tpu.memref_slice %arg12[%dma_wait3A_550, %dma_wait3A_561, %dma_wait3A_562] : memref<2x8x128xf32, #tpu.memory_space<vmem>> -> memref<1x8x128xf32, #tpu.memory_space<vmem>>
      %dma_wait3A_564 = tpu.memref_squeeze %dma_wait3A_563 : memref<1x8x128xf32, #tpu.memory_space<vmem>> -> memref<8x128xf32, #tpu.memory_space<vmem>>
      %dma_wait3A_565 = arith.constant 4 : i32
      %dma_wait3A_566 = arith.constant 0 : i32
      %dma_wait3A_567 = tpu.memref_slice %dma_wait3A_564[%dma_wait3A_565, %dma_wait3A_566] : memref<8x128xf32, #tpu.memory_space<vmem>> -> memref<2x128xf32, #tpu.memory_space<vmem>>
      %dma_wait3A_568 = arith.constant 0 : i32
      %dma_wait3A_569 = arith.constant 0 : i32
      %dma_wait3A_570 = tpu.memref_slice %arg7[%dma_wait3A_568, %dma_wait3A_569] : memref<3712x128xf32, #tpu.memory_space<hbm>> -> memref<2x128xf32, #tpu.memory_space<hbm>>
      tpu.wait_dma2 semaphore(%arg17 : memref<!tpu.dma_semaphore, #tpu.memory_space<semaphore_mem>>) src(%dma_wait3A_570 : memref<2x128xf32, #tpu.memory_space<hbm>>) dst(%dma_wait3A_567 : memref<2x128xf32, #tpu.memory_space<vmem>>)
      %dma_wait3A_571 = arith.constant 1 : i32
      %dma_wait3A_572 = arith.constant 0 : i32
      %dma_wait3A_573 = arith.constant 0 : i32
      %dma_wait3A_574 = tpu.memref_slice %arg12[%dma_wait3A_571, %dma_wait3A_572, %dma_wait3A_573] : memref<2x8x128xf32, #tpu.memory_space<vmem>> -> memref<1x8x128xf32, #tpu.memory_space<vmem>>
      %dma_wait3A_575 = tpu.memref_squeeze %dma_wait3A_574 : memref<1x8x128xf32, #tpu.memory_space<vmem>> -> memref<8x128xf32, #tpu.memory_space<vmem>>
      %dma_wait3A_576 = arith.constant 6 : i32
      %dma_wait3A_577 = arith.constant 0 : i32
      %dma_wait3A_578 = tpu.memref_slice %dma_wait3A_575[%dma_wait3A_576, %dma_wait3A_577] : memref<8x128xf32, #tpu.memory_space<vmem>> -> memref<2x128xf32, #tpu.memory_space<vmem>>
      %dma_wait3A_579 = arith.constant 0 : i32
      %dma_wait3A_580 = arith.constant 0 : i32
      %dma_wait3A_581 = tpu.memref_slice %arg8[%dma_wait3A_579, %dma_wait3A_580] : memref<3712x128xf32, #tpu.memory_space<hbm>> -> memref<2x128xf32, #tpu.memory_space<hbm>>
      %dma_wait3A_582 = arith.constant 0 : i32
      %dma_wait3A_583 = arith.constant 0 : i32
      %dma_wait3A_584 = tpu.memref_slice %arg12[%dma_wait3A_571, %dma_wait3A_582, %dma_wait3A_583] : memref<2x8x128xf32, #tpu.memory_space<vmem>> -> memref<1x8x128xf32, #tpu.memory_space<vmem>>
      %dma_wait3A_585 = tpu.memref_squeeze %dma_wait3A_584 : memref<1x8x128xf32, #tpu.memory_space<vmem>> -> memref<8x128xf32, #tpu.memory_space<vmem>>
      %dma_wait3A_586 = arith.constant 6 : i32
      %dma_wait3A_587 = arith.constant 0 : i32
      %dma_wait3A_588 = tpu.memref_slice %dma_wait3A_585[%dma_wait3A_586, %dma_wait3A_587] : memref<8x128xf32, #tpu.memory_space<vmem>> -> memref<2x128xf32, #tpu.memory_space<vmem>>
      %dma_wait3A_589 = arith.constant 0 : i32
      %dma_wait3A_590 = arith.constant 0 : i32
      %dma_wait3A_591 = tpu.memref_slice %arg8[%dma_wait3A_589, %dma_wait3A_590] : memref<3712x128xf32, #tpu.memory_space<hbm>> -> memref<2x128xf32, #tpu.memory_space<hbm>>
      tpu.wait_dma2 semaphore(%arg17 : memref<!tpu.dma_semaphore, #tpu.memory_space<semaphore_mem>>) src(%dma_wait3A_591 : memref<2x128xf32, #tpu.memory_space<hbm>>) dst(%dma_wait3A_588 : memref<2x128xf32, #tpu.memory_space<vmem>>)
      %dma_start3A_592 = arith.constant 1 : i32
      %dma_start3A_593 = arith.constant 0 : i32
      %dma_start3A_594 = arith.constant 1 : i32
      %dma_start3A_595 = arith.constant 0 : i32
      %dma_start3A_596 = arith.constant 0 : i32
      %dma_start3A_597 = tpu.memref_slice %arg11[%dma_start3A_594, %dma_start3A_595, %dma_start3A_596] : memref<2x512x64xbf16, #tpu.memory_space<vmem>> -> memref<1x512x64xbf16, #tpu.memory_space<vmem>>
      %dma_start3A_598 = tpu.memref_squeeze %dma_start3A_597 : memref<1x512x64xbf16, #tpu.memory_space<vmem>> -> memref<512x64xbf16, #tpu.memory_space<vmem>>
      %dma_start3A_599 = arith.constant 0 : i32
      %dma_start3A_600 = arith.constant 0 : i32
      %dma_start3A_601 = tpu.memref_slice %dma_start3A_598[%dma_start3A_599, %dma_start3A_600] : memref<512x64xbf16, #tpu.memory_space<vmem>> -> memref<128x64xbf16, #tpu.memory_space<vmem>>
      %dma_start3A_602 = arith.constant 0 : i32
      %dma_start3A_603 = arith.constant 0 : i32
      %dma_start3A_604 = tpu.memref_slice %arg10[%dma_start3A_592, %dma_start3A_602, %dma_start3A_603] : memref<2x4x128xi32, #tpu.memory_space<vmem>> -> memref<1x4x128xi32, #tpu.memory_space<vmem>>
      %dma_start3A_605 = tpu.memref_squeeze %dma_start3A_604 : memref<1x4x128xi32, #tpu.memory_space<vmem>> -> memref<4x128xi32, #tpu.memory_space<vmem>>
      %dma_start3A_606 = arith.constant 0 : i32
      %dma_start3A_607 = tpu.memref_slice %dma_start3A_605[%dma_start3A_593, %dma_start3A_606] : memref<4x128xi32, #tpu.memory_space<vmem>> -> memref<1x128xi32, #tpu.memory_space<vmem>>
      %dma_start3A_608 = tpu.memref_squeeze %dma_start3A_607 : memref<1x128xi32, #tpu.memory_space<vmem>> -> memref<128xi32, #tpu.memory_space<vmem>>
      %dma_start3A_609 = arith.constant 0 : i32
      %dma_start3A_610 = arith.constant 0 : i32
      %dma_start3A_611 = tpu.memref_slice %arg2[%dma_start3A_609, %dma_start3A_610] : memref<696320x64xbf16, #tpu.memory_space<hbm>> -> memref<696320x64xbf16, #tpu.memory_space<hbm>>
      tpu.enqueue_indirect_dma source(%dma_start3A_611 : memref<696320x64xbf16, #tpu.memory_space<hbm>>) target(%dma_start3A_601 : memref<128x64xbf16, #tpu.memory_space<vmem>>) offsets(%dma_start3A_608 : memref<128xi32, #tpu.memory_space<vmem>>) semaphore(%arg15 : memref<!tpu.dma_semaphore, #tpu.memory_space<semaphore_mem>>)
      %dma_start3A_612 = arith.constant 1 : i32
      %dma_start3A_613 = arith.constant 1 : i32
      %dma_start3A_614 = arith.constant 1 : i32
      %dma_start3A_615 = arith.constant 0 : i32
      %dma_start3A_616 = arith.constant 0 : i32
      %dma_start3A_617 = tpu.memref_slice %arg11[%dma_start3A_614, %dma_start3A_615, %dma_start3A_616] : memref<2x512x64xbf16, #tpu.memory_space<vmem>> -> memref<1x512x64xbf16, #tpu.memory_space<vmem>>
      %dma_start3A_618 = tpu.memref_squeeze %dma_start3A_617 : memref<1x512x64xbf16, #tpu.memory_space<vmem>> -> memref<512x64xbf16, #tpu.memory_space<vmem>>
      %dma_start3A_619 = arith.constant 128 : i32
      %dma_start3A_620 = arith.constant 0 : i32
      %dma_start3A_621 = tpu.memref_slice %dma_start3A_618[%dma_start3A_619, %dma_start3A_620] : memref<512x64xbf16, #tpu.memory_space<vmem>> -> memref<128x64xbf16, #tpu.memory_space<vmem>>
      %dma_start3A_622 = arith.constant 0 : i32
      %dma_start3A_623 = arith.constant 0 : i32
      %dma_start3A_624 = tpu.memref_slice %arg10[%dma_start3A_612, %dma_start3A_622, %dma_start3A_623] : memref<2x4x128xi32, #tpu.memory_space<vmem>> -> memref<1x4x128xi32, #tpu.memory_space<vmem>>
      %dma_start3A_625 = tpu.memref_squeeze %dma_start3A_624 : memref<1x4x128xi32, #tpu.memory_space<vmem>> -> memref<4x128xi32, #tpu.memory_space<vmem>>
      %dma_start3A_626 = arith.constant 0 : i32
      %dma_start3A_627 = tpu.memref_slice %dma_start3A_625[%dma_start3A_613, %dma_start3A_626] : memref<4x128xi32, #tpu.memory_space<vmem>> -> memref<1x128xi32, #tpu.memory_space<vmem>>
      %dma_start3A_628 = tpu.memref_squeeze %dma_start3A_627 : memref<1x128xi32, #tpu.memory_space<vmem>> -> memref<128xi32, #tpu.memory_space<vmem>>
      %dma_start3A_629 = arith.constant 0 : i32
      %dma_start3A_630 = arith.constant 0 : i32
      %dma_start3A_631 = tpu.memref_slice %arg2[%dma_start3A_629, %dma_start3A_630] : memref<696320x64xbf16, #tpu.memory_space<hbm>> -> memref<696320x64xbf16, #tpu.memory_space<hbm>>
      tpu.enqueue_indirect_dma source(%dma_start3A_631 : memref<696320x64xbf16, #tpu.memory_space<hbm>>) target(%dma_start3A_621 : memref<128x64xbf16, #tpu.memory_space<vmem>>) offsets(%dma_start3A_628 : memref<128xi32, #tpu.memory_space<vmem>>) semaphore(%arg15 : memref<!tpu.dma_semaphore, #tpu.memory_space<semaphore_mem>>)
      %dma_start3A_632 = arith.constant 1 : i32
      %dma_start3A_633 = arith.constant 2 : i32
      %dma_start3A_634 = arith.constant 1 : i32
      %dma_start3A_635 = arith.constant 0 : i32
      %dma_start3A_636 = arith.constant 0 : i32
      %dma_start3A_637 = tpu.memref_slice %arg11[%dma_start3A_634, %dma_start3A_635, %dma_start3A_636] : memref<2x512x64xbf16, #tpu.memory_space<vmem>> -> memref<1x512x64xbf16, #tpu.memory_space<vmem>>
      %dma_start3A_638 = tpu.memref_squeeze %dma_start3A_637 : memref<1x512x64xbf16, #tpu.memory_space<vmem>> -> memref<512x64xbf16, #tpu.memory_space<vmem>>
      %dma_start3A_639 = arith.constant 256 : i32
      %dma_start3A_640 = arith.constant 0 : i32
      %dma_start3A_641 = tpu.memref_slice %dma_start3A_638[%dma_start3A_639, %dma_start3A_640] : memref<512x64xbf16, #tpu.memory_space<vmem>> -> memref<128x64xbf16, #tpu.memory_space<vmem>>
      %dma_start3A_642 = arith.constant 0 : i32
      %dma_start3A_643 = arith.constant 0 : i32
      %dma_start3A_644 = tpu.memref_slice %arg10[%dma_start3A_632, %dma_start3A_642, %dma_start3A_643] : memref<2x4x128xi32, #tpu.memory_space<vmem>> -> memref<1x4x128xi32, #tpu.memory_space<vmem>>
      %dma_start3A_645 = tpu.memref_squeeze %dma_start3A_644 : memref<1x4x128xi32, #tpu.memory_space<vmem>> -> memref<4x128xi32, #tpu.memory_space<vmem>>
      %dma_start3A_646 = arith.constant 0 : i32
      %dma_start3A_647 = tpu.memref_slice %dma_start3A_645[%dma_start3A_633, %dma_start3A_646] : memref<4x128xi32, #tpu.memory_space<vmem>> -> memref<1x128xi32, #tpu.memory_space<vmem>>
      %dma_start3A_648 = tpu.memref_squeeze %dma_start3A_647 : memref<1x128xi32, #tpu.memory_space<vmem>> -> memref<128xi32, #tpu.memory_space<vmem>>
      %dma_start3A_649 = arith.constant 0 : i32
      %dma_start3A_650 = arith.constant 0 : i32
      %dma_start3A_651 = tpu.memref_slice %arg2[%dma_start3A_649, %dma_start3A_650] : memref<696320x64xbf16, #tpu.memory_space<hbm>> -> memref<696320x64xbf16, #tpu.memory_space<hbm>>
      tpu.enqueue_indirect_dma source(%dma_start3A_651 : memref<696320x64xbf16, #tpu.memory_space<hbm>>) target(%dma_start3A_641 : memref<128x64xbf16, #tpu.memory_space<vmem>>) offsets(%dma_start3A_648 : memref<128xi32, #tpu.memory_space<vmem>>) semaphore(%arg15 : memref<!tpu.dma_semaphore, #tpu.memory_space<semaphore_mem>>)
      %dma_start3A_652 = arith.constant 1 : i32
      %dma_start3A_653 = arith.constant 3 : i32
      %dma_start3A_654 = arith.constant 1 : i32
      %dma_start3A_655 = arith.constant 0 : i32
      %dma_start3A_656 = arith.constant 0 : i32
      %dma_start3A_657 = tpu.memref_slice %arg11[%dma_start3A_654, %dma_start3A_655, %dma_start3A_656] : memref<2x512x64xbf16, #tpu.memory_space<vmem>> -> memref<1x512x64xbf16, #tpu.memory_space<vmem>>
      %dma_start3A_658 = tpu.memref_squeeze %dma_start3A_657 : memref<1x512x64xbf16, #tpu.memory_space<vmem>> -> memref<512x64xbf16, #tpu.memory_space<vmem>>
      %dma_start3A_659 = arith.constant 384 : i32
      %dma_start3A_660 = arith.constant 0 : i32
      %dma_start3A_661 = tpu.memref_slice %dma_start3A_658[%dma_start3A_659, %dma_start3A_660] : memref<512x64xbf16, #tpu.memory_space<vmem>> -> memref<128x64xbf16, #tpu.memory_space<vmem>>
      %dma_start3A_662 = arith.constant 0 : i32
      %dma_start3A_663 = arith.constant 0 : i32
      %dma_start3A_664 = tpu.memref_slice %arg10[%dma_start3A_652, %dma_start3A_662, %dma_start3A_663] : memref<2x4x128xi32, #tpu.memory_space<vmem>> -> memref<1x4x128xi32, #tpu.memory_space<vmem>>
      %dma_start3A_665 = tpu.memref_squeeze %dma_start3A_664 : memref<1x4x128xi32, #tpu.memory_space<vmem>> -> memref<4x128xi32, #tpu.memory_space<vmem>>
      %dma_start3A_666 = arith.constant 0 : i32
      %dma_start3A_667 = tpu.memref_slice %dma_start3A_665[%dma_start3A_653, %dma_start3A_666] : memref<4x128xi32, #tpu.memory_space<vmem>> -> memref<1x128xi32, #tpu.memory_space<vmem>>
      %dma_start3A_668 = tpu.memref_squeeze %dma_start3A_667 : memref<1x128xi32, #tpu.memory_space<vmem>> -> memref<128xi32, #tpu.memory_space<vmem>>
      %dma_start3A_669 = arith.constant 0 : i32
      %dma_start3A_670 = arith.constant 0 : i32
      %dma_start3A_671 = tpu.memref_slice %arg2[%dma_start3A_669, %dma_start3A_670] : memref<696320x64xbf16, #tpu.memory_space<hbm>> -> memref<696320x64xbf16, #tpu.memory_space<hbm>>
      tpu.enqueue_indirect_dma source(%dma_start3A_671 : memref<696320x64xbf16, #tpu.memory_space<hbm>>) target(%dma_start3A_661 : memref<128x64xbf16, #tpu.memory_space<vmem>>) offsets(%dma_start3A_668 : memref<128xi32, #tpu.memory_space<vmem>>) semaphore(%arg15 : memref<!tpu.dma_semaphore, #tpu.memory_space<semaphore_mem>>)
      %scan3A_672 = arith.constant 0 : i32
      %scan3A_673 = arith.constant 0 : i32
      %scan3A_674 = arith.constant 0 : i32
      %scan3A_675 = arith.constant 0 : i32
      %scan3A_676 = arith.constant 16 : i32
      %scan3A_677 = arith.addi %scan3A_675, %scan3A_676 : i32
      %scan3A_678 = arith.constant 1 : i32
      scf.for %scan3A_724 = %scan3A_675 to %scan3A_677 step %scan3A_678  : i32 {
        %jit3A = arith.constant 8 : i32
        %div3A = arith.divsi %scan3A_724, %jit3A : i32
        %sign3A = arith.constant 0 : i32
        %sign3A_725 = arith.cmpi sgt, %scan3A_724, %sign3A : i32
        %sign3A_726 = arith.extui %sign3A_725 : i1 to i32
        %sign3A_727 = arith.constant 0 : i32
        %sign3A_728 = arith.cmpi slt, %scan3A_724, %sign3A_727 : i32
        %sign3A_729 = arith.extui %sign3A_728 : i1 to i32
        %sign3A_730 = arith.subi %sign3A_726, %sign3A_729 : i32
        %sign3A_731 = arith.constant 0 : i32
        %sign3A_732 = arith.cmpi sgt, %jit3A, %sign3A_731 : i32
        %sign3A_733 = arith.extui %sign3A_732 : i1 to i32
        %sign3A_734 = arith.constant 0 : i32
        %sign3A_735 = arith.cmpi slt, %jit3A, %sign3A_734 : i32
        %sign3A_736 = arith.extui %sign3A_735 : i1 to i32
        %sign3A_737 = arith.subi %sign3A_733, %sign3A_736 : i32
        %ne3A = arith.cmpi ne, %sign3A_730, %sign3A_737 : i32
        %rem3A = arith.remsi %scan3A_724, %jit3A : i32
        %ne3A_738 = arith.constant 0 : i32
        %ne3A_739 = arith.cmpi ne, %rem3A, %ne3A_738 : i32
        %and3A = arith.andi %ne3A, %ne3A_739 : i1
        %sub3A = arith.constant 1 : i32
        %sub3A_740 = arith.subi %div3A, %sub3A : i32
        %select_n3A = arith.select %and3A, %sub3A_740, %div3A : i32
        %mul3A_741 = arith.constant 8 : i32
        %mul3A_742 = arith.muli %select_n3A, %mul3A_741 : i32
        %sub3A_743 = arith.subi %scan3A_724, %mul3A_742 : i32
        %mul3A_744 = arith.constant 16 : i32
        %mul3A_745 = arith.muli %sub3A_743, %mul3A_744 : i32
        %broadcast_in_dim3A = arith.constant 0.000000e+00 : f32
        %broadcast_in_dim3A_746 = vector.broadcast %broadcast_in_dim3A : f32 to vector<16xf32>
        %broadcast_in_dim3A_747 = arith.constant 0.000000e+00 : f32
        %broadcast_in_dim3A_748 = vector.broadcast %broadcast_in_dim3A_747 : f32 to vector<16xf32>
        %add3A_749 = arith.constant 0 : i32
        %add3A_750 = arith.addi %add3A_749, %select_n3A : i32
        %add3A_751 = arith.constant 0 : i32
        %add3A_752 = arith.addi %add3A_751, %select_n3A : i32
        %get3A = arith.constant 0 : i32
        %get3A_753 = arith.constant 0 : i32
        %get3A_754 = tpu.memref_slice %arg12[%scan3A_673, %get3A, %get3A_753] : memref<2x8x128xf32, #tpu.memory_space<vmem>> -> memref<1x8x128xf32, #tpu.memory_space<vmem>>
        %get3A_755 = tpu.memref_squeeze %get3A_754 : memref<1x8x128xf32, #tpu.memory_space<vmem>> -> memref<8x128xf32, #tpu.memory_space<vmem>>
        %get3A_756 = arith.index_cast %add3A_752 : i32 to index
        %get3A_757 = arith.index_cast %mul3A_745 : i32 to index
        %get3A_758 = tpu.vector_load %get3A_755[%get3A_756, %get3A_757] {strides = array<i32>} : memref<8x128xf32, #tpu.memory_space<vmem>>, vector<16xf32>,
        %add3A_759 = arith.constant 2 : i32
        %add3A_760 = arith.addi %add3A_759, %select_n3A : i32
        %get3A_761 = arith.constant 0 : i32
        %get3A_762 = arith.constant 0 : i32
        %get3A_763 = tpu.memref_slice %arg12[%scan3A_673, %get3A_761, %get3A_762] : memref<2x8x128xf32, #tpu.memory_space<vmem>> -> memref<1x8x128xf32, #tpu.memory_space<vmem>>
        %get3A_764 = tpu.memref_squeeze %get3A_763 : memref<1x8x128xf32, #tpu.memory_space<vmem>> -> memref<8x128xf32, #tpu.memory_space<vmem>>
        %get3A_765 = arith.index_cast %add3A_760 : i32 to index
        %get3A_766 = arith.index_cast %mul3A_745 : i32 to index
        %get3A_767 = tpu.vector_load %get3A_764[%get3A_765, %get3A_766] {strides = array<i32>} : memref<8x128xf32, #tpu.memory_space<vmem>>, vector<16xf32>,
        %mul3A_768 = arith.constant 128 : i32
        %mul3A_769 = arith.muli %add3A_750, %mul3A_768 : i32
        %add3A_770 = arith.addi %mul3A_769, %mul3A_745 : i32
        %add3A_771 = arith.constant 0 : i32
        %add3A_772 = arith.addi %add3A_770, %add3A_771 : i32
        %get3A_773 = arith.constant 0 : i32
        %get3A_774 = arith.constant 0 : i32
        %get3A_775 = tpu.memref_slice %arg11[%scan3A_674, %get3A_773, %get3A_774] : memref<2x512x64xbf16, #tpu.memory_space<vmem>> -> memref<1x512x64xbf16, #tpu.memory_space<vmem>>
        %get3A_776 = tpu.memref_squeeze %get3A_775 : memref<1x512x64xbf16, #tpu.memory_space<vmem>> -> memref<512x64xbf16, #tpu.memory_space<vmem>>
        %get3A_777 = arith.index_cast %add3A_772 : i32 to index
        %get3A_778 = arith.constant 0 : index
        %get3A_779 = tpu.vector_load %get3A_776[%get3A_777, %get3A_778] {strides = array<i32>} : memref<512x64xbf16, #tpu.memory_space<vmem>>, vector<32xbf16>,
        %unpack3A = tpu.unpack_subelements %get3A_779, 0 {pack_format = #tpu.pack_format<interleaved>} : vector<32xbf16> -> vector<16xf32>
        %unpack3A_780 = tpu.unpack_subelements %get3A_779, 1 {pack_format = #tpu.pack_format<interleaved>} : vector<32xbf16> -> vector<16xf32>
        %add3A_781 = arith.constant 0 : i32
        %add3A_782 = arith.addi %add3A_770, %add3A_781 : i32
        %get3A_783 = arith.constant 0 : i32
        %get3A_784 = arith.constant 0 : i32
        %get3A_785 = tpu.memref_slice %arg11[%scan3A_674, %get3A_783, %get3A_784] : memref<2x512x64xbf16, #tpu.memory_space<vmem>> -> memref<1x512x64xbf16, #tpu.memory_space<vmem>>
        %get3A_786 = tpu.memref_squeeze %get3A_785 : memref<1x512x64xbf16, #tpu.memory_space<vmem>> -> memref<512x64xbf16, #tpu.memory_space<vmem>>
        %get3A_787 = arith.index_cast %add3A_782 : i32 to index
        %get3A_788 = arith.constant 32 : index
        %get3A_789 = tpu.vector_load %get3A_786[%get3A_787, %get3A_788] {strides = array<i32>} : memref<512x64xbf16, #tpu.memory_space<vmem>>, vector<32xbf16>,
        %unpack3A_790 = tpu.unpack_subelements %get3A_789, 0 {pack_format = #tpu.pack_format<interleaved>} : vector<32xbf16> -> vector<16xf32>
        %unpack3A_791 = tpu.unpack_subelements %get3A_789, 1 {pack_format = #tpu.pack_format<interleaved>} : vector<32xbf16> -> vector<16xf32>
        %slice3A = vector.extract_strided_slice %get3A_758 {offsets = [0], sizes = [1], strides = [1]} : vector<16xf32> to vector<1xf32>
        %squeeze3A = vector.extract %slice3A[0] : f32 from vector<1xf32>
        %slice3A_792 = vector.extract_strided_slice %get3A_767 {offsets = [0], sizes = [1], strides = [1]} : vector<16xf32> to vector<1xf32>
        %squeeze3A_793 = vector.extract %slice3A_792[0] : f32 from vector<1xf32>
        %mul3A_794 = vector.broadcast %squeeze3A : f32 to vector<16xf32>
        %mul3A_795 = arith.mulf %mul3A_794, %unpack3A : vector<16xf32>
        %add3A_796 = arith.addf %broadcast_in_dim3A_746, %mul3A_795 : vector<16xf32>
        %mul3A_797 = vector.broadcast %squeeze3A_793 : f32 to vector<16xf32>
        %mul3A_798 = arith.mulf %mul3A_797, %unpack3A_790 : vector<16xf32>
        %add3A_799 = arith.addf %add3A_796, %mul3A_798 : vector<16xf32>
        %mul3A_800 = vector.broadcast %squeeze3A : f32 to vector<16xf32>
        %mul3A_801 = arith.mulf %mul3A_800, %unpack3A_780 : vector<16xf32>
        %add3A_802 = arith.addf %broadcast_in_dim3A_748, %mul3A_801 : vector<16xf32>
        %mul3A_803 = vector.broadcast %squeeze3A_793 : f32 to vector<16xf32>
        %mul3A_804 = arith.mulf %mul3A_803, %unpack3A_791 : vector<16xf32>
        %add3A_805 = arith.addf %add3A_802, %mul3A_804 : vector<16xf32>
        %add3A_806 = arith.constant 1 : i32
        %add3A_807 = arith.addi %add3A_770, %add3A_806 : i32
        %get3A_808 = arith.constant 0 : i32
        %get3A_809 = arith.constant 0 : i32
        %get3A_810 = tpu.memref_slice %arg11[%scan3A_674, %get3A_808, %get3A_809] : memref<2x512x64xbf16, #tpu.memory_space<vmem>> -> memref<1x512x64xbf16, #tpu.memory_space<vmem>>
        %get3A_811 = tpu.memref_squeeze %get3A_810 : memref<1x512x64xbf16, #tpu.memory_space<vmem>> -> memref<512x64xbf16, #tpu.memory_space<vmem>>
        %get3A_812 = arith.index_cast %add3A_807 : i32 to index
        %get3A_813 = arith.constant 0 : index
        %get3A_814 = tpu.vector_load %get3A_811[%get3A_812, %get3A_813] {strides = array<i32>} : memref<512x64xbf16, #tpu.memory_space<vmem>>, vector<32xbf16>,
        %unpack3A_815 = tpu.unpack_subelements %get3A_814, 0 {pack_format = #tpu.pack_format<interleaved>} : vector<32xbf16> -> vector<16xf32>
        %unpack3A_816 = tpu.unpack_subelements %get3A_814, 1 {pack_format = #tpu.pack_format<interleaved>} : vector<32xbf16> -> vector<16xf32>
        %add3A_817 = arith.constant 1 : i32
        %add3A_818 = arith.addi %add3A_770, %add3A_817 : i32
        %get3A_819 = arith.constant 0 : i32
        %get3A_820 = arith.constant 0 : i32
        %get3A_821 = tpu.memref_slice %arg11[%scan3A_674, %get3A_819, %get3A_820] : memref<2x512x64xbf16, #tpu.memory_space<vmem>> -> memref<1x512x64xbf16, #tpu.memory_space<vmem>>
        %get3A_822 = tpu.memref_squeeze %get3A_821 : memref<1x512x64xbf16, #tpu.memory_space<vmem>> -> memref<512x64xbf16, #tpu.memory_space<vmem>>
        %get3A_823 = arith.index_cast %add3A_818 : i32 to index
        %get3A_824 = arith.constant 32 : index
        %get3A_825 = tpu.vector_load %get3A_822[%get3A_823, %get3A_824] {strides = array<i32>} : memref<512x64xbf16, #tpu.memory_space<vmem>>, vector<32xbf16>,
        %unpack3A_826 = tpu.unpack_subelements %get3A_825, 0 {pack_format = #tpu.pack_format<interleaved>} : vector<32xbf16> -> vector<16xf32>
        %unpack3A_827 = tpu.unpack_subelements %get3A_825, 1 {pack_format = #tpu.pack_format<interleaved>} : vector<32xbf16> -> vector<16xf32>
        %slice3A_828 = vector.extract_strided_slice %get3A_758 {offsets = [1], sizes = [1], strides = [1]} : vector<16xf32> to vector<1xf32>
        %squeeze3A_829 = vector.extract %slice3A_828[0] : f32 from vector<1xf32>
        %slice3A_830 = vector.extract_strided_slice %get3A_767 {offsets = [1], sizes = [1], strides = [1]} : vector<16xf32> to vector<1xf32>
        %squeeze3A_831 = vector.extract %slice3A_830[0] : f32 from vector<1xf32>
        %mul3A_832 = vector.broadcast %squeeze3A_829 : f32 to vector<16xf32>
        %mul3A_833 = arith.mulf %mul3A_832, %unpack3A_815 : vector<16xf32>
        %add3A_834 = arith.addf %add3A_799, %mul3A_833 : vector<16xf32>
        %mul3A_835 = vector.broadcast %squeeze3A_831 : f32 to vector<16xf32>
        %mul3A_836 = arith.mulf %mul3A_835, %unpack3A_826 : vector<16xf32>
        %add3A_837 = arith.addf %add3A_834, %mul3A_836 : vector<16xf32>
        %mul3A_838 = vector.broadcast %squeeze3A_829 : f32 to vector<16xf32>
        %mul3A_839 = arith.mulf %mul3A_838, %unpack3A_816 : vector<16xf32>
        %add3A_840 = arith.addf %add3A_805, %mul3A_839 : vector<16xf32>
        %mul3A_841 = vector.broadcast %squeeze3A_831 : f32 to vector<16xf32>
        %mul3A_842 = arith.mulf %mul3A_841, %unpack3A_827 : vector<16xf32>
        %add3A_843 = arith.addf %add3A_840, %mul3A_842 : vector<16xf32>
        %add3A_844 = arith.constant 2 : i32
        %add3A_845 = arith.addi %add3A_770, %add3A_844 : i32
        %get3A_846 = arith.constant 0 : i32
        %get3A_847 = arith.constant 0 : i32
        %get3A_848 = tpu.memref_slice %arg11[%scan3A_674, %get3A_846, %get3A_847] : memref<2x512x64xbf16, #tpu.memory_space<vmem>> -> memref<1x512x64xbf16, #tpu.memory_space<vmem>>
        %get3A_849 = tpu.memref_squeeze %get3A_848 : memref<1x512x64xbf16, #tpu.memory_space<vmem>> -> memref<512x64xbf16, #tpu.memory_space<vmem>>
        %get3A_850 = arith.index_cast %add3A_845 : i32 to index
        %get3A_851 = arith.constant 0 : index
        %get3A_852 = tpu.vector_load %get3A_849[%get3A_850, %get3A_851] {strides = array<i32>} : memref<512x64xbf16, #tpu.memory_space<vmem>>, vector<32xbf16>,
        %unpack3A_853 = tpu.unpack_subelements %get3A_852, 0 {pack_format = #tpu.pack_format<interleaved>} : vector<32xbf16> -> vector<16xf32>
        %unpack3A_854 = tpu.unpack_subelements %get3A_852, 1 {pack_format = #tpu.pack_format<interleaved>} : vector<32xbf16> -> vector<16xf32>
        %add3A_855 = arith.constant 2 : i32
        %add3A_856 = arith.addi %add3A_770, %add3A_855 : i32
        %get3A_857 = arith.constant 0 : i32
        %get3A_858 = arith.constant 0 : i32
        %get3A_859 = tpu.memref_slice %arg11[%scan3A_674, %get3A_857, %get3A_858] : memref<2x512x64xbf16, #tpu.memory_space<vmem>> -> memref<1x512x64xbf16, #tpu.memory_space<vmem>>
        %get3A_860 = tpu.memref_squeeze %get3A_859 : memref<1x512x64xbf16, #tpu.memory_space<vmem>> -> memref<512x64xbf16, #tpu.memory_space<vmem>>
        %get3A_861 = arith.index_cast %add3A_856 : i32 to index
        %get3A_862 = arith.constant 32 : index
        %get3A_863 = tpu.vector_load %get3A_860[%get3A_861, %get3A_862] {strides = array<i32>} : memref<512x64xbf16, #tpu.memory_space<vmem>>, vector<32xbf16>,
        %unpack3A_864 = tpu.unpack_subelements %get3A_863, 0 {pack_format = #tpu.pack_format<interleaved>} : vector<32xbf16> -> vector<16xf32>
        %unpack3A_865 = tpu.unpack_subelements %get3A_863, 1 {pack_format = #tpu.pack_format<interleaved>} : vector<32xbf16> -> vector<16xf32>
        %slice3A_866 = vector.extract_strided_slice %get3A_758 {offsets = [2], sizes = [1], strides = [1]} : vector<16xf32> to vector<1xf32>
        %squeeze3A_867 = vector.extract %slice3A_866[0] : f32 from vector<1xf32>
        %slice3A_868 = vector.extract_strided_slice %get3A_767 {offsets = [2], sizes = [1], strides = [1]} : vector<16xf32> to vector<1xf32>
        %squeeze3A_869 = vector.extract %slice3A_868[0] : f32 from vector<1xf32>
        %mul3A_870 = vector.broadcast %squeeze3A_867 : f32 to vector<16xf32>
        %mul3A_871 = arith.mulf %mul3A_870, %unpack3A_853 : vector<16xf32>
        %add3A_872 = arith.addf %add3A_837, %mul3A_871 : vector<16xf32>
        %mul3A_873 = vector.broadcast %squeeze3A_869 : f32 to vector<16xf32>
        %mul3A_874 = arith.mulf %mul3A_873, %unpack3A_864 : vector<16xf32>
        %add3A_875 = arith.addf %add3A_872, %mul3A_874 : vector<16xf32>
        %mul3A_876 = vector.broadcast %squeeze3A_867 : f32 to vector<16xf32>
        %mul3A_877 = arith.mulf %mul3A_876, %unpack3A_854 : vector<16xf32>
        %add3A_878 = arith.addf %add3A_843, %mul3A_877 : vector<16xf32>
        %mul3A_879 = vector.broadcast %squeeze3A_869 : f32 to vector<16xf32>
        %mul3A_880 = arith.mulf %mul3A_879, %unpack3A_865 : vector<16xf32>
        %add3A_881 = arith.addf %add3A_878, %mul3A_880 : vector<16xf32>
        %add3A_882 = arith.constant 3 : i32
        %add3A_883 = arith.addi %add3A_770, %add3A_882 : i32
        %get3A_884 = arith.constant 0 : i32
        %get3A_885 = arith.constant 0 : i32
        %get3A_886 = tpu.memref_slice %arg11[%scan3A_674, %get3A_884, %get3A_885] : memref<2x512x64xbf16, #tpu.memory_space<vmem>> -> memref<1x512x64xbf16, #tpu.memory_space<vmem>>
        %get3A_887 = tpu.memref_squeeze %get3A_886 : memref<1x512x64xbf16, #tpu.memory_space<vmem>> -> memref<512x64xbf16, #tpu.memory_space<vmem>>
        %get3A_888 = arith.index_cast %add3A_883 : i32 to index
        %get3A_889 = arith.constant 0 : index
        %get3A_890 = tpu.vector_load %get3A_887[%get3A_888, %get3A_889] {strides = array<i32>} : memref<512x64xbf16, #tpu.memory_space<vmem>>, vector<32xbf16>,
        %unpack3A_891 = tpu.unpack_subelements %get3A_890, 0 {pack_format = #tpu.pack_format<interleaved>} : vector<32xbf16> -> vector<16xf32>
        %unpack3A_892 = tpu.unpack_subelements %get3A_890, 1 {pack_format = #tpu.pack_format<interleaved>} : vector<32xbf16> -> vector<16xf32>
        %add3A_893 = arith.constant 3 : i32
        %add3A_894 = arith.addi %add3A_770, %add3A_893 : i32
        %get3A_895 = arith.constant 0 : i32
        %get3A_896 = arith.constant 0 : i32
        %get3A_897 = tpu.memref_slice %arg11[%scan3A_674, %get3A_895, %get3A_896] : memref<2x512x64xbf16, #tpu.memory_space<vmem>> -> memref<1x512x64xbf16, #tpu.memory_space<vmem>>
        %get3A_898 = tpu.memref_squeeze %get3A_897 : memref<1x512x64xbf16, #tpu.memory_space<vmem>> -> memref<512x64xbf16, #tpu.memory_space<vmem>>
        %get3A_899 = arith.index_cast %add3A_894 : i32 to index
        %get3A_900 = arith.constant 32 : index
        %get3A_901 = tpu.vector_load %get3A_898[%get3A_899, %get3A_900] {strides = array<i32>} : memref<512x64xbf16, #tpu.memory_space<vmem>>, vector<32xbf16>,
        %unpack3A_902 = tpu.unpack_subelements %get3A_901, 0 {pack_format = #tpu.pack_format<interleaved>} : vector<32xbf16> -> vector<16xf32>
        %unpack3A_903 = tpu.unpack_subelements %get3A_901, 1 {pack_format = #tpu.pack_format<interleaved>} : vector<32xbf16> -> vector<16xf32>
        %slice3A_904 = vector.extract_strided_slice %get3A_758 {offsets = [3], sizes = [1], strides = [1]} : vector<16xf32> to vector<1xf32>
        %squeeze3A_905 = vector.extract %slice3A_904[0] : f32 from vector<1xf32>
        %slice3A_906 = vector.extract_strided_slice %get3A_767 {offsets = [3], sizes = [1], strides = [1]} : vector<16xf32> to vector<1xf32>
        %squeeze3A_907 = vector.extract %slice3A_906[0] : f32 from vector<1xf32>
        %mul3A_908 = vector.broadcast %squeeze3A_905 : f32 to vector<16xf32>
        %mul3A_909 = arith.mulf %mul3A_908, %unpack3A_891 : vector<16xf32>
        %add3A_910 = arith.addf %add3A_875, %mul3A_909 : vector<16xf32>
        %mul3A_911 = vector.broadcast %squeeze3A_907 : f32 to vector<16xf32>
        %mul3A_912 = arith.mulf %mul3A_911, %unpack3A_902 : vector<16xf32>
        %add3A_913 = arith.addf %add3A_910, %mul3A_912 : vector<16xf32>
        %mul3A_914 = vector.broadcast %squeeze3A_905 : f32 to vector<16xf32>
        %mul3A_915 = arith.mulf %mul3A_914, %unpack3A_892 : vector<16xf32>
        %add3A_916 = arith.addf %add3A_881, %mul3A_915 : vector<16xf32>
        %mul3A_917 = vector.broadcast %squeeze3A_907 : f32 to vector<16xf32>
        %mul3A_918 = arith.mulf %mul3A_917, %unpack3A_903 : vector<16xf32>
        %add3A_919 = arith.addf %add3A_916, %mul3A_918 : vector<16xf32>
        %add3A_920 = arith.constant 4 : i32
        %add3A_921 = arith.addi %add3A_770, %add3A_920 : i32
        %get3A_922 = arith.constant 0 : i32
        %get3A_923 = arith.constant 0 : i32
        %get3A_924 = tpu.memref_slice %arg11[%scan3A_674, %get3A_922, %get3A_923] : memref<2x512x64xbf16, #tpu.memory_space<vmem>> -> memref<1x512x64xbf16, #tpu.memory_space<vmem>>
        %get3A_925 = tpu.memref_squeeze %get3A_924 : memref<1x512x64xbf16, #tpu.memory_space<vmem>> -> memref<512x64xbf16, #tpu.memory_space<vmem>>
        %get3A_926 = arith.index_cast %add3A_921 : i32 to index
        %get3A_927 = arith.constant 0 : index
        %get3A_928 = tpu.vector_load %get3A_925[%get3A_926, %get3A_927] {strides = array<i32>} : memref<512x64xbf16, #tpu.memory_space<vmem>>, vector<32xbf16>,
        %unpack3A_929 = tpu.unpack_subelements %get3A_928, 0 {pack_format = #tpu.pack_format<interleaved>} : vector<32xbf16> -> vector<16xf32>
        %unpack3A_930 = tpu.unpack_subelements %get3A_928, 1 {pack_format = #tpu.pack_format<interleaved>} : vector<32xbf16> -> vector<16xf32>
        %add3A_931 = arith.constant 4 : i32
        %add3A_932 = arith.addi %add3A_770, %add3A_931 : i32
        %get3A_933 = arith.constant 0 : i32
        %get3A_934 = arith.constant 0 : i32
        %get3A_935 = tpu.memref_slice %arg11[%scan3A_674, %get3A_933, %get3A_934] : memref<2x512x64xbf16, #tpu.memory_space<vmem>> -> memref<1x512x64xbf16, #tpu.memory_space<vmem>>
        %get3A_936 = tpu.memref_squeeze %get3A_935 : memref<1x512x64xbf16, #tpu.memory_space<vmem>> -> memref<512x64xbf16, #tpu.memory_space<vmem>>
        %get3A_937 = arith.index_cast %add3A_932 : i32 to index
        %get3A_938 = arith.constant 32 : index
        %get3A_939 = tpu.vector_load %get3A_936[%get3A_937, %get3A_938] {strides = array<i32>} : memref<512x64xbf16, #tpu.memory_space<vmem>>, vector<32xbf16>,
        %unpack3A_940 = tpu.unpack_subelements %get3A_939, 0 {pack_format = #tpu.pack_format<interleaved>} : vector<32xbf16> -> vector<16xf32>
        %unpack3A_941 = tpu.unpack_subelements %get3A_939, 1 {pack_format = #tpu.pack_format<interleaved>} : vector<32xbf16> -> vector<16xf32>
        %slice3A_942 = vector.extract_strided_slice %get3A_758 {offsets = [4], sizes = [1], strides = [1]} : vector<16xf32> to vector<1xf32>
        %squeeze3A_943 = vector.extract %slice3A_942[0] : f32 from vector<1xf32>
        %slice3A_944 = vector.extract_strided_slice %get3A_767 {offsets = [4], sizes = [1], strides = [1]} : vector<16xf32> to vector<1xf32>
        %squeeze3A_945 = vector.extract %slice3A_944[0] : f32 from vector<1xf32>
        %mul3A_946 = vector.broadcast %squeeze3A_943 : f32 to vector<16xf32>
        %mul3A_947 = arith.mulf %mul3A_946, %unpack3A_929 : vector<16xf32>
        %add3A_948 = arith.addf %add3A_913, %mul3A_947 : vector<16xf32>
        %mul3A_949 = vector.broadcast %squeeze3A_945 : f32 to vector<16xf32>
        %mul3A_950 = arith.mulf %mul3A_949, %unpack3A_940 : vector<16xf32>
        %add3A_951 = arith.addf %add3A_948, %mul3A_950 : vector<16xf32>
        %mul3A_952 = vector.broadcast %squeeze3A_943 : f32 to vector<16xf32>
        %mul3A_953 = arith.mulf %mul3A_952, %unpack3A_930 : vector<16xf32>
        %add3A_954 = arith.addf %add3A_919, %mul3A_953 : vector<16xf32>
        %mul3A_955 = vector.broadcast %squeeze3A_945 : f32 to vector<16xf32>
        %mul3A_956 = arith.mulf %mul3A_955, %unpack3A_941 : vector<16xf32>
        %add3A_957 = arith.addf %add3A_954, %mul3A_956 : vector<16xf32>
        %add3A_958 = arith.constant 5 : i32
        %add3A_959 = arith.addi %add3A_770, %add3A_958 : i32
        %get3A_960 = arith.constant 0 : i32
        %get3A_961 = arith.constant 0 : i32
        %get3A_962 = tpu.memref_slice %arg11[%scan3A_674, %get3A_960, %get3A_961] : memref<2x512x64xbf16, #tpu.memory_space<vmem>> -> memref<1x512x64xbf16, #tpu.memory_space<vmem>>
        %get3A_963 = tpu.memref_squeeze %get3A_962 : memref<1x512x64xbf16, #tpu.memory_space<vmem>> -> memref<512x64xbf16, #tpu.memory_space<vmem>>
        %get3A_964 = arith.index_cast %add3A_959 : i32 to index
        %get3A_965 = arith.constant 0 : index
        %get3A_966 = tpu.vector_load %get3A_963[%get3A_964, %get3A_965] {strides = array<i32>} : memref<512x64xbf16, #tpu.memory_space<vmem>>, vector<32xbf16>,
        %unpack3A_967 = tpu.unpack_subelements %get3A_966, 0 {pack_format = #tpu.pack_format<interleaved>} : vector<32xbf16> -> vector<16xf32>
        %unpack3A_968 = tpu.unpack_subelements %get3A_966, 1 {pack_format = #tpu.pack_format<interleaved>} : vector<32xbf16> -> vector<16xf32>
        %add3A_969 = arith.constant 5 : i32
        %add3A_970 = arith.addi %add3A_770, %add3A_969 : i32
        %get3A_971 = arith.constant 0 : i32
        %get3A_972 = arith.constant 0 : i32
        %get3A_973 = tpu.memref_slice %arg11[%scan3A_674, %get3A_971, %get3A_972] : memref<2x512x64xbf16, #tpu.memory_space<vmem>> -> memref<1x512x64xbf16, #tpu.memory_space<vmem>>
        %get3A_974 = tpu.memref_squeeze %get3A_973 : memref<1x512x64xbf16, #tpu.memory_space<vmem>> -> memref<512x64xbf16, #tpu.memory_space<vmem>>
        %get3A_975 = arith.index_cast %add3A_970 : i32 to index
        %get3A_976 = arith.constant 32 : index
        %get3A_977 = tpu.vector_load %get3A_974[%get3A_975, %get3A_976] {strides = array<i32>} : memref<512x64xbf16, #tpu.memory_space<vmem>>, vector<32xbf16>,
        %unpack3A_978 = tpu.unpack_subelements %get3A_977, 0 {pack_format = #tpu.pack_format<interleaved>} : vector<32xbf16> -> vector<16xf32>
        %unpack3A_979 = tpu.unpack_subelements %get3A_977, 1 {pack_format = #tpu.pack_format<interleaved>} : vector<32xbf16> -> vector<16xf32>
        %slice3A_980 = vector.extract_strided_slice %get3A_758 {offsets = [5], sizes = [1], strides = [1]} : vector<16xf32> to vector<1xf32>
        %squeeze3A_981 = vector.extract %slice3A_980[0] : f32 from vector<1xf32>
        %slice3A_982 = vector.extract_strided_slice %get3A_767 {offsets = [5], sizes = [1], strides = [1]} : vector<16xf32> to vector<1xf32>
        %squeeze3A_983 = vector.extract %slice3A_982[0] : f32 from vector<1xf32>
        %mul3A_984 = vector.broadcast %squeeze3A_981 : f32 to vector<16xf32>
        %mul3A_985 = arith.mulf %mul3A_984, %unpack3A_967 : vector<16xf32>
        %add3A_986 = arith.addf %add3A_951, %mul3A_985 : vector<16xf32>
        %mul3A_987 = vector.broadcast %squeeze3A_983 : f32 to vector<16xf32>
        %mul3A_988 = arith.mulf %mul3A_987, %unpack3A_978 : vector<16xf32>
        %add3A_989 = arith.addf %add3A_986, %mul3A_988 : vector<16xf32>
        %mul3A_990 = vector.broadcast %squeeze3A_981 : f32 to vector<16xf32>
        %mul3A_991 = arith.mulf %mul3A_990, %unpack3A_968 : vector<16xf32>
        %add3A_992 = arith.addf %add3A_957, %mul3A_991 : vector<16xf32>
        %mul3A_993 = vector.broadcast %squeeze3A_983 : f32 to vector<16xf32>
        %mul3A_994 = arith.mulf %mul3A_993, %unpack3A_979 : vector<16xf32>
        %add3A_995 = arith.addf %add3A_992, %mul3A_994 : vector<16xf32>
        %add3A_996 = arith.constant 6 : i32
        %add3A_997 = arith.addi %add3A_770, %add3A_996 : i32
        %get3A_998 = arith.constant 0 : i32
        %get3A_999 = arith.constant 0 : i32
        %get3A_1000 = tpu.memref_slice %arg11[%scan3A_674, %get3A_998, %get3A_999] : memref<2x512x64xbf16, #tpu.memory_space<vmem>> -> memref<1x512x64xbf16, #tpu.memory_space<vmem>>
        %get3A_1001 = tpu.memref_squeeze %get3A_1000 : memref<1x512x64xbf16, #tpu.memory_space<vmem>> -> memref<512x64xbf16, #tpu.memory_space<vmem>>
        %get3A_1002 = arith.index_cast %add3A_997 : i32 to index
        %get3A_1003 = arith.constant 0 : index
        %get3A_1004 = tpu.vector_load %get3A_1001[%get3A_1002, %get3A_1003] {strides = array<i32>} : memref<512x64xbf16, #tpu.memory_space<vmem>>, vector<32xbf16>,
        %unpack3A_1005 = tpu.unpack_subelements %get3A_1004, 0 {pack_format = #tpu.pack_format<interleaved>} : vector<32xbf16> -> vector<16xf32>
        %unpack3A_1006 = tpu.unpack_subelements %get3A_1004, 1 {pack_format = #tpu.pack_format<interleaved>} : vector<32xbf16> -> vector<16xf32>
        %add3A_1007 = arith.constant 6 : i32
        %add3A_1008 = arith.addi %add3A_770, %add3A_1007 : i32
        %get3A_1009 = arith.constant 0 : i32
        %get3A_1010 = arith.constant 0 : i32
        %get3A_1011 = tpu.memref_slice %arg11[%scan3A_674, %get3A_1009, %get3A_1010] : memref<2x512x64xbf16, #tpu.memory_space<vmem>> -> memref<1x512x64xbf16, #tpu.memory_space<vmem>>
        %get3A_1012 = tpu.memref_squeeze %get3A_1011 : memref<1x512x64xbf16, #tpu.memory_space<vmem>> -> memref<512x64xbf16, #tpu.memory_space<vmem>>
        %get3A_1013 = arith.index_cast %add3A_1008 : i32 to index
        %get3A_1014 = arith.constant 32 : index
        %get3A_1015 = tpu.vector_load %get3A_1012[%get3A_1013, %get3A_1014] {strides = array<i32>} : memref<512x64xbf16, #tpu.memory_space<vmem>>, vector<32xbf16>,
        %unpack3A_1016 = tpu.unpack_subelements %get3A_1015, 0 {pack_format = #tpu.pack_format<interleaved>} : vector<32xbf16> -> vector<16xf32>
        %unpack3A_1017 = tpu.unpack_subelements %get3A_1015, 1 {pack_format = #tpu.pack_format<interleaved>} : vector<32xbf16> -> vector<16xf32>
        %slice3A_1018 = vector.extract_strided_slice %get3A_758 {offsets = [6], sizes = [1], strides = [1]} : vector<16xf32> to vector<1xf32>
        %squeeze3A_1019 = vector.extract %slice3A_1018[0] : f32 from vector<1xf32>
        %slice3A_1020 = vector.extract_strided_slice %get3A_767 {offsets = [6], sizes = [1], strides = [1]} : vector<16xf32> to vector<1xf32>
        %squeeze3A_1021 = vector.extract %slice3A_1020[0] : f32 from vector<1xf32>
        %mul3A_1022 = vector.broadcast %squeeze3A_1019 : f32 to vector<16xf32>
        %mul3A_1023 = arith.mulf %mul3A_1022, %unpack3A_1005 : vector<16xf32>
        %add3A_1024 = arith.addf %add3A_989, %mul3A_1023 : vector<16xf32>
        %mul3A_1025 = vector.broadcast %squeeze3A_1021 : f32 to vector<16xf32>
        %mul3A_1026 = arith.mulf %mul3A_1025, %unpack3A_1016 : vector<16xf32>
        %add3A_1027 = arith.addf %add3A_1024, %mul3A_1026 : vector<16xf32>
        %mul3A_1028 = vector.broadcast %squeeze3A_1019 : f32 to vector<16xf32>
        %mul3A_1029 = arith.mulf %mul3A_1028, %unpack3A_1006 : vector<16xf32>
        %add3A_1030 = arith.addf %add3A_995, %mul3A_1029 : vector<16xf32>
        %mul3A_1031 = vector.broadcast %squeeze3A_1021 : f32 to vector<16xf32>
        %mul3A_1032 = arith.mulf %mul3A_1031, %unpack3A_1017 : vector<16xf32>
        %add3A_1033 = arith.addf %add3A_1030, %mul3A_1032 : vector<16xf32>
        %add3A_1034 = arith.constant 7 : i32
        %add3A_1035 = arith.addi %add3A_770, %add3A_1034 : i32
        %get3A_1036 = arith.constant 0 : i32
        %get3A_1037 = arith.constant 0 : i32
        %get3A_1038 = tpu.memref_slice %arg11[%scan3A_674, %get3A_1036, %get3A_1037] : memref<2x512x64xbf16, #tpu.memory_space<vmem>> -> memref<1x512x64xbf16, #tpu.memory_space<vmem>>
        %get3A_1039 = tpu.memref_squeeze %get3A_1038 : memref<1x512x64xbf16, #tpu.memory_space<vmem>> -> memref<512x64xbf16, #tpu.memory_space<vmem>>
        %get3A_1040 = arith.index_cast %add3A_1035 : i32 to index
        %get3A_1041 = arith.constant 0 : index
        %get3A_1042 = tpu.vector_load %get3A_1039[%get3A_1040, %get3A_1041] {strides = array<i32>} : memref<512x64xbf16, #tpu.memory_space<vmem>>, vector<32xbf16>,
        %unpack3A_1043 = tpu.unpack_subelements %get3A_1042, 0 {pack_format = #tpu.pack_format<interleaved>} : vector<32xbf16> -> vector<16xf32>
        %unpack3A_1044 = tpu.unpack_subelements %get3A_1042, 1 {pack_format = #tpu.pack_format<interleaved>} : vector<32xbf16> -> vector<16xf32>
        %add3A_1045 = arith.constant 7 : i32
        %add3A_1046 = arith.addi %add3A_770, %add3A_1045 : i32
        %get3A_1047 = arith.constant 0 : i32
        %get3A_1048 = arith.constant 0 : i32
        %get3A_1049 = tpu.memref_slice %arg11[%scan3A_674, %get3A_1047, %get3A_1048] : memref<2x512x64xbf16, #tpu.memory_space<vmem>> -> memref<1x512x64xbf16, #tpu.memory_space<vmem>>
        %get3A_1050 = tpu.memref_squeeze %get3A_1049 : memref<1x512x64xbf16, #tpu.memory_space<vmem>> -> memref<512x64xbf16, #tpu.memory_space<vmem>>
        %get3A_1051 = arith.index_cast %add3A_1046 : i32 to index
        %get3A_1052 = arith.constant 32 : index
        %get3A_1053 = tpu.vector_load %get3A_1050[%get3A_1051, %get3A_1052] {strides = array<i32>} : memref<512x64xbf16, #tpu.memory_space<vmem>>, vector<32xbf16>,
        %unpack3A_1054 = tpu.unpack_subelements %get3A_1053, 0 {pack_format = #tpu.pack_format<interleaved>} : vector<32xbf16> -> vector<16xf32>
        %unpack3A_1055 = tpu.unpack_subelements %get3A_1053, 1 {pack_format = #tpu.pack_format<interleaved>} : vector<32xbf16> -> vector<16xf32>
        %slice3A_1056 = vector.extract_strided_slice %get3A_758 {offsets = [7], sizes = [1], strides = [1]} : vector<16xf32> to vector<1xf32>
        %squeeze3A_1057 = vector.extract %slice3A_1056[0] : f32 from vector<1xf32>
        %slice3A_1058 = vector.extract_strided_slice %get3A_767 {offsets = [7], sizes = [1], strides = [1]} : vector<16xf32> to vector<1xf32>
        %squeeze3A_1059 = vector.extract %slice3A_1058[0] : f32 from vector<1xf32>
        %mul3A_1060 = vector.broadcast %squeeze3A_1057 : f32 to vector<16xf32>
        %mul3A_1061 = arith.mulf %mul3A_1060, %unpack3A_1043 : vector<16xf32>
        %add3A_1062 = arith.addf %add3A_1027, %mul3A_1061 : vector<16xf32>
        %mul3A_1063 = vector.broadcast %squeeze3A_1059 : f32 to vector<16xf32>
        %mul3A_1064 = arith.mulf %mul3A_1063, %unpack3A_1054 : vector<16xf32>
        %add3A_1065 = arith.addf %add3A_1062, %mul3A_1064 : vector<16xf32>
        %mul3A_1066 = vector.broadcast %squeeze3A_1057 : f32 to vector<16xf32>
        %mul3A_1067 = arith.mulf %mul3A_1066, %unpack3A_1044 : vector<16xf32>
        %add3A_1068 = arith.addf %add3A_1033, %mul3A_1067 : vector<16xf32>
        %mul3A_1069 = vector.broadcast %squeeze3A_1059 : f32 to vector<16xf32>
        %mul3A_1070 = arith.mulf %mul3A_1069, %unpack3A_1055 : vector<16xf32>
        %add3A_1071 = arith.addf %add3A_1068, %mul3A_1070 : vector<16xf32>
        %add3A_1072 = arith.constant 8 : i32
        %add3A_1073 = arith.addi %add3A_770, %add3A_1072 : i32
        %get3A_1074 = arith.constant 0 : i32
        %get3A_1075 = arith.constant 0 : i32
        %get3A_1076 = tpu.memref_slice %arg11[%scan3A_674, %get3A_1074, %get3A_1075] : memref<2x512x64xbf16, #tpu.memory_space<vmem>> -> memref<1x512x64xbf16, #tpu.memory_space<vmem>>
        %get3A_1077 = tpu.memref_squeeze %get3A_1076 : memref<1x512x64xbf16, #tpu.memory_space<vmem>> -> memref<512x64xbf16, #tpu.memory_space<vmem>>
        %get3A_1078 = arith.index_cast %add3A_1073 : i32 to index
        %get3A_1079 = arith.constant 0 : index
        %get3A_1080 = tpu.vector_load %get3A_1077[%get3A_1078, %get3A_1079] {strides = array<i32>} : memref<512x64xbf16, #tpu.memory_space<vmem>>, vector<32xbf16>,
        %unpack3A_1081 = tpu.unpack_subelements %get3A_1080, 0 {pack_format = #tpu.pack_format<interleaved>} : vector<32xbf16> -> vector<16xf32>
        %unpack3A_1082 = tpu.unpack_subelements %get3A_1080, 1 {pack_format = #tpu.pack_format<interleaved>} : vector<32xbf16> -> vector<16xf32>
        %add3A_1083 = arith.constant 8 : i32
        %add3A_1084 = arith.addi %add3A_770, %add3A_1083 : i32
        %get3A_1085 = arith.constant 0 : i32
        %get3A_1086 = arith.constant 0 : i32
        %get3A_1087 = tpu.memref_slice %arg11[%scan3A_674, %get3A_1085, %get3A_1086] : memref<2x512x64xbf16, #tpu.memory_space<vmem>> -> memref<1x512x64xbf16, #tpu.memory_space<vmem>>
        %get3A_1088 = tpu.memref_squeeze %get3A_1087 : memref<1x512x64xbf16, #tpu.memory_space<vmem>> -> memref<512x64xbf16, #tpu.memory_space<vmem>>
        %get3A_1089 = arith.index_cast %add3A_1084 : i32 to index
        %get3A_1090 = arith.constant 32 : index
        %get3A_1091 = tpu.vector_load %get3A_1088[%get3A_1089, %get3A_1090] {strides = array<i32>} : memref<512x64xbf16, #tpu.memory_space<vmem>>, vector<32xbf16>,
        %unpack3A_1092 = tpu.unpack_subelements %get3A_1091, 0 {pack_format = #tpu.pack_format<interleaved>} : vector<32xbf16> -> vector<16xf32>
        %unpack3A_1093 = tpu.unpack_subelements %get3A_1091, 1 {pack_format = #tpu.pack_format<interleaved>} : vector<32xbf16> -> vector<16xf32>
        %slice3A_1094 = vector.extract_strided_slice %get3A_758 {offsets = [8], sizes = [1], strides = [1]} : vector<16xf32> to vector<1xf32>
        %squeeze3A_1095 = vector.extract %slice3A_1094[0] : f32 from vector<1xf32>
        %slice3A_1096 = vector.extract_strided_slice %get3A_767 {offsets = [8], sizes = [1], strides = [1]} : vector<16xf32> to vector<1xf32>
        %squeeze3A_1097 = vector.extract %slice3A_1096[0] : f32 from vector<1xf32>
        %mul3A_1098 = vector.broadcast %squeeze3A_1095 : f32 to vector<16xf32>
        %mul3A_1099 = arith.mulf %mul3A_1098, %unpack3A_1081 : vector<16xf32>
        %add3A_1100 = arith.addf %add3A_1065, %mul3A_1099 : vector<16xf32>
        %mul3A_1101 = vector.broadcast %squeeze3A_1097 : f32 to vector<16xf32>
        %mul3A_1102 = arith.mulf %mul3A_1101, %unpack3A_1092 : vector<16xf32>
        %add3A_1103 = arith.addf %add3A_1100, %mul3A_1102 : vector<16xf32>
        %mul3A_1104 = vector.broadcast %squeeze3A_1095 : f32 to vector<16xf32>
        %mul3A_1105 = arith.mulf %mul3A_1104, %unpack3A_1082 : vector<16xf32>
        %add3A_1106 = arith.addf %add3A_1071, %mul3A_1105 : vector<16xf32>
        %mul3A_1107 = vector.broadcast %squeeze3A_1097 : f32 to vector<16xf32>
        %mul3A_1108 = arith.mulf %mul3A_1107, %unpack3A_1093 : vector<16xf32>
        %add3A_1109 = arith.addf %add3A_1106, %mul3A_1108 : vector<16xf32>
        %add3A_1110 = arith.constant 9 : i32
        %add3A_1111 = arith.addi %add3A_770, %add3A_1110 : i32
        %get3A_1112 = arith.constant 0 : i32
        %get3A_1113 = arith.constant 0 : i32
        %get3A_1114 = tpu.memref_slice %arg11[%scan3A_674, %get3A_1112, %get3A_1113] : memref<2x512x64xbf16, #tpu.memory_space<vmem>> -> memref<1x512x64xbf16, #tpu.memory_space<vmem>>
        %get3A_1115 = tpu.memref_squeeze %get3A_1114 : memref<1x512x64xbf16, #tpu.memory_space<vmem>> -> memref<512x64xbf16, #tpu.memory_space<vmem>>
        %get3A_1116 = arith.index_cast %add3A_1111 : i32 to index
        %get3A_1117 = arith.constant 0 : index
        %get3A_1118 = tpu.vector_load %get3A_1115[%get3A_1116, %get3A_1117] {strides = array<i32>} : memref<512x64xbf16, #tpu.memory_space<vmem>>, vector<32xbf16>,
        %unpack3A_1119 = tpu.unpack_subelements %get3A_1118, 0 {pack_format = #tpu.pack_format<interleaved>} : vector<32xbf16> -> vector<16xf32>
        %unpack3A_1120 = tpu.unpack_subelements %get3A_1118, 1 {pack_format = #tpu.pack_format<interleaved>} : vector<32xbf16> -> vector<16xf32>
        %add3A_1121 = arith.constant 9 : i32
        %add3A_1122 = arith.addi %add3A_770, %add3A_1121 : i32
        %get3A_1123 = arith.constant 0 : i32
        %get3A_1124 = arith.constant 0 : i32
        %get3A_1125 = tpu.memref_slice %arg11[%scan3A_674, %get3A_1123, %get3A_1124] : memref<2x512x64xbf16, #tpu.memory_space<vmem>> -> memref<1x512x64xbf16, #tpu.memory_space<vmem>>
        %get3A_1126 = tpu.memref_squeeze %get3A_1125 : memref<1x512x64xbf16, #tpu.memory_space<vmem>> -> memref<512x64xbf16, #tpu.memory_space<vmem>>
        %get3A_1127 = arith.index_cast %add3A_1122 : i32 to index
        %get3A_1128 = arith.constant 32 : index
        %get3A_1129 = tpu.vector_load %get3A_1126[%get3A_1127, %get3A_1128] {strides = array<i32>} : memref<512x64xbf16, #tpu.memory_space<vmem>>, vector<32xbf16>,
        %unpack3A_1130 = tpu.unpack_subelements %get3A_1129, 0 {pack_format = #tpu.pack_format<interleaved>} : vector<32xbf16> -> vector<16xf32>
        %unpack3A_1131 = tpu.unpack_subelements %get3A_1129, 1 {pack_format = #tpu.pack_format<interleaved>} : vector<32xbf16> -> vector<16xf32>
        %slice3A_1132 = vector.extract_strided_slice %get3A_758 {offsets = [9], sizes = [1], strides = [1]} : vector<16xf32> to vector<1xf32>
        %squeeze3A_1133 = vector.extract %slice3A_1132[0] : f32 from vector<1xf32>
        %slice3A_1134 = vector.extract_strided_slice %get3A_767 {offsets = [9], sizes = [1], strides = [1]} : vector<16xf32> to vector<1xf32>
        %squeeze3A_1135 = vector.extract %slice3A_1134[0] : f32 from vector<1xf32>
        %mul3A_1136 = vector.broadcast %squeeze3A_1133 : f32 to vector<16xf32>
        %mul3A_1137 = arith.mulf %mul3A_1136, %unpack3A_1119 : vector<16xf32>
        %add3A_1138 = arith.addf %add3A_1103, %mul3A_1137 : vector<16xf32>
        %mul3A_1139 = vector.broadcast %squeeze3A_1135 : f32 to vector<16xf32>
        %mul3A_1140 = arith.mulf %mul3A_1139, %unpack3A_1130 : vector<16xf32>
        %add3A_1141 = arith.addf %add3A_1138, %mul3A_1140 : vector<16xf32>
        %mul3A_1142 = vector.broadcast %squeeze3A_1133 : f32 to vector<16xf32>
        %mul3A_1143 = arith.mulf %mul3A_1142, %unpack3A_1120 : vector<16xf32>
        %add3A_1144 = arith.addf %add3A_1109, %mul3A_1143 : vector<16xf32>
        %mul3A_1145 = vector.broadcast %squeeze3A_1135 : f32 to vector<16xf32>
        %mul3A_1146 = arith.mulf %mul3A_1145, %unpack3A_1131 : vector<16xf32>
        %add3A_1147 = arith.addf %add3A_1144, %mul3A_1146 : vector<16xf32>
        %add3A_1148 = arith.constant 10 : i32
        %add3A_1149 = arith.addi %add3A_770, %add3A_1148 : i32
        %get3A_1150 = arith.constant 0 : i32
        %get3A_1151 = arith.constant 0 : i32
        %get3A_1152 = tpu.memref_slice %arg11[%scan3A_674, %get3A_1150, %get3A_1151] : memref<2x512x64xbf16, #tpu.memory_space<vmem>> -> memref<1x512x64xbf16, #tpu.memory_space<vmem>>
        %get3A_1153 = tpu.memref_squeeze %get3A_1152 : memref<1x512x64xbf16, #tpu.memory_space<vmem>> -> memref<512x64xbf16, #tpu.memory_space<vmem>>
        %get3A_1154 = arith.index_cast %add3A_1149 : i32 to index
        %get3A_1155 = arith.constant 0 : index
        %get3A_1156 = tpu.vector_load %get3A_1153[%get3A_1154, %get3A_1155] {strides = array<i32>} : memref<512x64xbf16, #tpu.memory_space<vmem>>, vector<32xbf16>,
        %unpack3A_1157 = tpu.unpack_subelements %get3A_1156, 0 {pack_format = #tpu.pack_format<interleaved>} : vector<32xbf16> -> vector<16xf32>
        %unpack3A_1158 = tpu.unpack_subelements %get3A_1156, 1 {pack_format = #tpu.pack_format<interleaved>} : vector<32xbf16> -> vector<16xf32>
        %add3A_1159 = arith.constant 10 : i32
        %add3A_1160 = arith.addi %add3A_770, %add3A_1159 : i32
        %get3A_1161 = arith.constant 0 : i32
        %get3A_1162 = arith.constant 0 : i32
        %get3A_1163 = tpu.memref_slice %arg11[%scan3A_674, %get3A_1161, %get3A_1162] : memref<2x512x64xbf16, #tpu.memory_space<vmem>> -> memref<1x512x64xbf16, #tpu.memory_space<vmem>>
        %get3A_1164 = tpu.memref_squeeze %get3A_1163 : memref<1x512x64xbf16, #tpu.memory_space<vmem>> -> memref<512x64xbf16, #tpu.memory_space<vmem>>
        %get3A_1165 = arith.index_cast %add3A_1160 : i32 to index
        %get3A_1166 = arith.constant 32 : index
        %get3A_1167 = tpu.vector_load %get3A_1164[%get3A_1165, %get3A_1166] {strides = array<i32>} : memref<512x64xbf16, #tpu.memory_space<vmem>>, vector<32xbf16>,
        %unpack3A_1168 = tpu.unpack_subelements %get3A_1167, 0 {pack_format = #tpu.pack_format<interleaved>} : vector<32xbf16> -> vector<16xf32>
        %unpack3A_1169 = tpu.unpack_subelements %get3A_1167, 1 {pack_format = #tpu.pack_format<interleaved>} : vector<32xbf16> -> vector<16xf32>
        %slice3A_1170 = vector.extract_strided_slice %get3A_758 {offsets = [10], sizes = [1], strides = [1]} : vector<16xf32> to vector<1xf32>
        %squeeze3A_1171 = vector.extract %slice3A_1170[0] : f32 from vector<1xf32>
        %slice3A_1172 = vector.extract_strided_slice %get3A_767 {offsets = [10], sizes = [1], strides = [1]} : vector<16xf32> to vector<1xf32>
        %squeeze3A_1173 = vector.extract %slice3A_1172[0] : f32 from vector<1xf32>
        %mul3A_1174 = vector.broadcast %squeeze3A_1171 : f32 to vector<16xf32>
        %mul3A_1175 = arith.mulf %mul3A_1174, %unpack3A_1157 : vector<16xf32>
        %add3A_1176 = arith.addf %add3A_1141, %mul3A_1175 : vector<16xf32>
        %mul3A_1177 = vector.broadcast %squeeze3A_1173 : f32 to vector<16xf32>
        %mul3A_1178 = arith.mulf %mul3A_1177, %unpack3A_1168 : vector<16xf32>
        %add3A_1179 = arith.addf %add3A_1176, %mul3A_1178 : vector<16xf32>
        %mul3A_1180 = vector.broadcast %squeeze3A_1171 : f32 to vector<16xf32>
        %mul3A_1181 = arith.mulf %mul3A_1180, %unpack3A_1158 : vector<16xf32>
        %add3A_1182 = arith.addf %add3A_1147, %mul3A_1181 : vector<16xf32>
        %mul3A_1183 = vector.broadcast %squeeze3A_1173 : f32 to vector<16xf32>
        %mul3A_1184 = arith.mulf %mul3A_1183, %unpack3A_1169 : vector<16xf32>
        %add3A_1185 = arith.addf %add3A_1182, %mul3A_1184 : vector<16xf32>
        %add3A_1186 = arith.constant 11 : i32
        %add3A_1187 = arith.addi %add3A_770, %add3A_1186 : i32
        %get3A_1188 = arith.constant 0 : i32
        %get3A_1189 = arith.constant 0 : i32
        %get3A_1190 = tpu.memref_slice %arg11[%scan3A_674, %get3A_1188, %get3A_1189] : memref<2x512x64xbf16, #tpu.memory_space<vmem>> -> memref<1x512x64xbf16, #tpu.memory_space<vmem>>
        %get3A_1191 = tpu.memref_squeeze %get3A_1190 : memref<1x512x64xbf16, #tpu.memory_space<vmem>> -> memref<512x64xbf16, #tpu.memory_space<vmem>>
        %get3A_1192 = arith.index_cast %add3A_1187 : i32 to index
        %get3A_1193 = arith.constant 0 : index
        %get3A_1194 = tpu.vector_load %get3A_1191[%get3A_1192, %get3A_1193] {strides = array<i32>} : memref<512x64xbf16, #tpu.memory_space<vmem>>, vector<32xbf16>,
        %unpack3A_1195 = tpu.unpack_subelements %get3A_1194, 0 {pack_format = #tpu.pack_format<interleaved>} : vector<32xbf16> -> vector<16xf32>
        %unpack3A_1196 = tpu.unpack_subelements %get3A_1194, 1 {pack_format = #tpu.pack_format<interleaved>} : vector<32xbf16> -> vector<16xf32>
        %add3A_1197 = arith.constant 11 : i32
        %add3A_1198 = arith.addi %add3A_770, %add3A_1197 : i32
        %get3A_1199 = arith.constant 0 : i32
        %get3A_1200 = arith.constant 0 : i32
        %get3A_1201 = tpu.memref_slice %arg11[%scan3A_674, %get3A_1199, %get3A_1200] : memref<2x512x64xbf16, #tpu.memory_space<vmem>> -> memref<1x512x64xbf16, #tpu.memory_space<vmem>>
        %get3A_1202 = tpu.memref_squeeze %get3A_1201 : memref<1x512x64xbf16, #tpu.memory_space<vmem>> -> memref<512x64xbf16, #tpu.memory_space<vmem>>
        %get3A_1203 = arith.index_cast %add3A_1198 : i32 to index
        %get3A_1204 = arith.constant 32 : index
        %get3A_1205 = tpu.vector_load %get3A_1202[%get3A_1203, %get3A_1204] {strides = array<i32>} : memref<512x64xbf16, #tpu.memory_space<vmem>>, vector<32xbf16>,
        %unpack3A_1206 = tpu.unpack_subelements %get3A_1205, 0 {pack_format = #tpu.pack_format<interleaved>} : vector<32xbf16> -> vector<16xf32>
        %unpack3A_1207 = tpu.unpack_subelements %get3A_1205, 1 {pack_format = #tpu.pack_format<interleaved>} : vector<32xbf16> -> vector<16xf32>
        %slice3A_1208 = vector.extract_strided_slice %get3A_758 {offsets = [11], sizes = [1], strides = [1]} : vector<16xf32> to vector<1xf32>
        %squeeze3A_1209 = vector.extract %slice3A_1208[0] : f32 from vector<1xf32>
        %slice3A_1210 = vector.extract_strided_slice %get3A_767 {offsets = [11], sizes = [1], strides = [1]} : vector<16xf32> to vector<1xf32>
        %squeeze3A_1211 = vector.extract %slice3A_1210[0] : f32 from vector<1xf32>
        %mul3A_1212 = vector.broadcast %squeeze3A_1209 : f32 to vector<16xf32>
        %mul3A_1213 = arith.mulf %mul3A_1212, %unpack3A_1195 : vector<16xf32>
        %add3A_1214 = arith.addf %add3A_1179, %mul3A_1213 : vector<16xf32>
        %mul3A_1215 = vector.broadcast %squeeze3A_1211 : f32 to vector<16xf32>
        %mul3A_1216 = arith.mulf %mul3A_1215, %unpack3A_1206 : vector<16xf32>
        %add3A_1217 = arith.addf %add3A_1214, %mul3A_1216 : vector<16xf32>
        %mul3A_1218 = vector.broadcast %squeeze3A_1209 : f32 to vector<16xf32>
        %mul3A_1219 = arith.mulf %mul3A_1218, %unpack3A_1196 : vector<16xf32>
        %add3A_1220 = arith.addf %add3A_1185, %mul3A_1219 : vector<16xf32>
        %mul3A_1221 = vector.broadcast %squeeze3A_1211 : f32 to vector<16xf32>
        %mul3A_1222 = arith.mulf %mul3A_1221, %unpack3A_1207 : vector<16xf32>
        %add3A_1223 = arith.addf %add3A_1220, %mul3A_1222 : vector<16xf32>
        %add3A_1224 = arith.constant 12 : i32
        %add3A_1225 = arith.addi %add3A_770, %add3A_1224 : i32
        %get3A_1226 = arith.constant 0 : i32
        %get3A_1227 = arith.constant 0 : i32
        %get3A_1228 = tpu.memref_slice %arg11[%scan3A_674, %get3A_1226, %get3A_1227] : memref<2x512x64xbf16, #tpu.memory_space<vmem>> -> memref<1x512x64xbf16, #tpu.memory_space<vmem>>
        %get3A_1229 = tpu.memref_squeeze %get3A_1228 : memref<1x512x64xbf16, #tpu.memory_space<vmem>> -> memref<512x64xbf16, #tpu.memory_space<vmem>>
        %get3A_1230 = arith.index_cast %add3A_1225 : i32 to index
        %get3A_1231 = arith.constant 0 : index
        %get3A_1232 = tpu.vector_load %get3A_1229[%get3A_1230, %get3A_1231] {strides = array<i32>} : memref<512x64xbf16, #tpu.memory_space<vmem>>, vector<32xbf16>,
        %unpack3A_1233 = tpu.unpack_subelements %get3A_1232, 0 {pack_format = #tpu.pack_format<interleaved>} : vector<32xbf16> -> vector<16xf32>
        %unpack3A_1234 = tpu.unpack_subelements %get3A_1232, 1 {pack_format = #tpu.pack_format<interleaved>} : vector<32xbf16> -> vector<16xf32>
        %add3A_1235 = arith.constant 12 : i32
        %add3A_1236 = arith.addi %add3A_770, %add3A_1235 : i32
        %get3A_1237 = arith.constant 0 : i32
        %get3A_1238 = arith.constant 0 : i32
        %get3A_1239 = tpu.memref_slice %arg11[%scan3A_674, %get3A_1237, %get3A_1238] : memref<2x512x64xbf16, #tpu.memory_space<vmem>> -> memref<1x512x64xbf16, #tpu.memory_space<vmem>>
        %get3A_1240 = tpu.memref_squeeze %get3A_1239 : memref<1x512x64xbf16, #tpu.memory_space<vmem>> -> memref<512x64xbf16, #tpu.memory_space<vmem>>
        %get3A_1241 = arith.index_cast %add3A_1236 : i32 to index
        %get3A_1242 = arith.constant 32 : index
        %get3A_1243 = tpu.vector_load %get3A_1240[%get3A_1241, %get3A_1242] {strides = array<i32>} : memref<512x64xbf16, #tpu.memory_space<vmem>>, vector<32xbf16>,
        %unpack3A_1244 = tpu.unpack_subelements %get3A_1243, 0 {pack_format = #tpu.pack_format<interleaved>} : vector<32xbf16> -> vector<16xf32>
        %unpack3A_1245 = tpu.unpack_subelements %get3A_1243, 1 {pack_format = #tpu.pack_format<interleaved>} : vector<32xbf16> -> vector<16xf32>
        %slice3A_1246 = vector.extract_strided_slice %get3A_758 {offsets = [12], sizes = [1], strides = [1]} : vector<16xf32> to vector<1xf32>
        %squeeze3A_1247 = vector.extract %slice3A_1246[0] : f32 from vector<1xf32>
        %slice3A_1248 = vector.extract_strided_slice %get3A_767 {offsets = [12], sizes = [1], strides = [1]} : vector<16xf32> to vector<1xf32>
        %squeeze3A_1249 = vector.extract %slice3A_1248[0] : f32 from vector<1xf32>
        %mul3A_1250 = vector.broadcast %squeeze3A_1247 : f32 to vector<16xf32>
        %mul3A_1251 = arith.mulf %mul3A_1250, %unpack3A_1233 : vector<16xf32>
        %add3A_1252 = arith.addf %add3A_1217, %mul3A_1251 : vector<16xf32>
        %mul3A_1253 = vector.broadcast %squeeze3A_1249 : f32 to vector<16xf32>
        %mul3A_1254 = arith.mulf %mul3A_1253, %unpack3A_1244 : vector<16xf32>
        %add3A_1255 = arith.addf %add3A_1252, %mul3A_1254 : vector<16xf32>
        %mul3A_1256 = vector.broadcast %squeeze3A_1247 : f32 to vector<16xf32>
        %mul3A_1257 = arith.mulf %mul3A_1256, %unpack3A_1234 : vector<16xf32>
        %add3A_1258 = arith.addf %add3A_1223, %mul3A_1257 : vector<16xf32>
        %mul3A_1259 = vector.broadcast %squeeze3A_1249 : f32 to vector<16xf32>
        %mul3A_1260 = arith.mulf %mul3A_1259, %unpack3A_1245 : vector<16xf32>
        %add3A_1261 = arith.addf %add3A_1258, %mul3A_1260 : vector<16xf32>
        %add3A_1262 = arith.constant 13 : i32
        %add3A_1263 = arith.addi %add3A_770, %add3A_1262 : i32
        %get3A_1264 = arith.constant 0 : i32
        %get3A_1265 = arith.constant 0 : i32
        %get3A_1266 = tpu.memref_slice %arg11[%scan3A_674, %get3A_1264, %get3A_1265] : memref<2x512x64xbf16, #tpu.memory_space<vmem>> -> memref<1x512x64xbf16, #tpu.memory_space<vmem>>
        %get3A_1267 = tpu.memref_squeeze %get3A_1266 : memref<1x512x64xbf16, #tpu.memory_space<vmem>> -> memref<512x64xbf16, #tpu.memory_space<vmem>>
        %get3A_1268 = arith.index_cast %add3A_1263 : i32 to index
        %get3A_1269 = arith.constant 0 : index
        %get3A_1270 = tpu.vector_load %get3A_1267[%get3A_1268, %get3A_1269] {strides = array<i32>} : memref<512x64xbf16, #tpu.memory_space<vmem>>, vector<32xbf16>,
        %unpack3A_1271 = tpu.unpack_subelements %get3A_1270, 0 {pack_format = #tpu.pack_format<interleaved>} : vector<32xbf16> -> vector<16xf32>
        %unpack3A_1272 = tpu.unpack_subelements %get3A_1270, 1 {pack_format = #tpu.pack_format<interleaved>} : vector<32xbf16> -> vector<16xf32>
        %add3A_1273 = arith.constant 13 : i32
        %add3A_1274 = arith.addi %add3A_770, %add3A_1273 : i32
        %get3A_1275 = arith.constant 0 : i32
        %get3A_1276 = arith.constant 0 : i32
        %get3A_1277 = tpu.memref_slice %arg11[%scan3A_674, %get3A_1275, %get3A_1276] : memref<2x512x64xbf16, #tpu.memory_space<vmem>> -> memref<1x512x64xbf16, #tpu.memory_space<vmem>>
        %get3A_1278 = tpu.memref_squeeze %get3A_1277 : memref<1x512x64xbf16, #tpu.memory_space<vmem>> -> memref<512x64xbf16, #tpu.memory_space<vmem>>
        %get3A_1279 = arith.index_cast %add3A_1274 : i32 to index
        %get3A_1280 = arith.constant 32 : index
        %get3A_1281 = tpu.vector_load %get3A_1278[%get3A_1279, %get3A_1280] {strides = array<i32>} : memref<512x64xbf16, #tpu.memory_space<vmem>>, vector<32xbf16>,
        %unpack3A_1282 = tpu.unpack_subelements %get3A_1281, 0 {pack_format = #tpu.pack_format<interleaved>} : vector<32xbf16> -> vector<16xf32>
        %unpack3A_1283 = tpu.unpack_subelements %get3A_1281, 1 {pack_format = #tpu.pack_format<interleaved>} : vector<32xbf16> -> vector<16xf32>
        %slice3A_1284 = vector.extract_strided_slice %get3A_758 {offsets = [13], sizes = [1], strides = [1]} : vector<16xf32> to vector<1xf32>
        %squeeze3A_1285 = vector.extract %slice3A_1284[0] : f32 from vector<1xf32>
        %slice3A_1286 = vector.extract_strided_slice %get3A_767 {offsets = [13], sizes = [1], strides = [1]} : vector<16xf32> to vector<1xf32>
        %squeeze3A_1287 = vector.extract %slice3A_1286[0] : f32 from vector<1xf32>
        %mul3A_1288 = vector.broadcast %squeeze3A_1285 : f32 to vector<16xf32>
        %mul3A_1289 = arith.mulf %mul3A_1288, %unpack3A_1271 : vector<16xf32>
        %add3A_1290 = arith.addf %add3A_1255, %mul3A_1289 : vector<16xf32>
        %mul3A_1291 = vector.broadcast %squeeze3A_1287 : f32 to vector<16xf32>
        %mul3A_1292 = arith.mulf %mul3A_1291, %unpack3A_1282 : vector<16xf32>
        %add3A_1293 = arith.addf %add3A_1290, %mul3A_1292 : vector<16xf32>
        %mul3A_1294 = vector.broadcast %squeeze3A_1285 : f32 to vector<16xf32>
        %mul3A_1295 = arith.mulf %mul3A_1294, %unpack3A_1272 : vector<16xf32>
        %add3A_1296 = arith.addf %add3A_1261, %mul3A_1295 : vector<16xf32>
        %mul3A_1297 = vector.broadcast %squeeze3A_1287 : f32 to vector<16xf32>
        %mul3A_1298 = arith.mulf %mul3A_1297, %unpack3A_1283 : vector<16xf32>
        %add3A_1299 = arith.addf %add3A_1296, %mul3A_1298 : vector<16xf32>
        %add3A_1300 = arith.constant 14 : i32
        %add3A_1301 = arith.addi %add3A_770, %add3A_1300 : i32
        %get3A_1302 = arith.constant 0 : i32
        %get3A_1303 = arith.constant 0 : i32
        %get3A_1304 = tpu.memref_slice %arg11[%scan3A_674, %get3A_1302, %get3A_1303] : memref<2x512x64xbf16, #tpu.memory_space<vmem>> -> memref<1x512x64xbf16, #tpu.memory_space<vmem>>
        %get3A_1305 = tpu.memref_squeeze %get3A_1304 : memref<1x512x64xbf16, #tpu.memory_space<vmem>> -> memref<512x64xbf16, #tpu.memory_space<vmem>>
        %get3A_1306 = arith.index_cast %add3A_1301 : i32 to index
        %get3A_1307 = arith.constant 0 : index
        %get3A_1308 = tpu.vector_load %get3A_1305[%get3A_1306, %get3A_1307] {strides = array<i32>} : memref<512x64xbf16, #tpu.memory_space<vmem>>, vector<32xbf16>,
        %unpack3A_1309 = tpu.unpack_subelements %get3A_1308, 0 {pack_format = #tpu.pack_format<interleaved>} : vector<32xbf16> -> vector<16xf32>
        %unpack3A_1310 = tpu.unpack_subelements %get3A_1308, 1 {pack_format = #tpu.pack_format<interleaved>} : vector<32xbf16> -> vector<16xf32>
        %add3A_1311 = arith.constant 14 : i32
        %add3A_1312 = arith.addi %add3A_770, %add3A_1311 : i32
        %get3A_1313 = arith.constant 0 : i32
        %get3A_1314 = arith.constant 0 : i32
        %get3A_1315 = tpu.memref_slice %arg11[%scan3A_674, %get3A_1313, %get3A_1314] : memref<2x512x64xbf16, #tpu.memory_space<vmem>> -> memref<1x512x64xbf16, #tpu.memory_space<vmem>>
        %get3A_1316 = tpu.memref_squeeze %get3A_1315 : memref<1x512x64xbf16, #tpu.memory_space<vmem>> -> memref<512x64xbf16, #tpu.memory_space<vmem>>
        %get3A_1317 = arith.index_cast %add3A_1312 : i32 to index
        %get3A_1318 = arith.constant 32 : index
        %get3A_1319 = tpu.vector_load %get3A_1316[%get3A_1317, %get3A_1318] {strides = array<i32>} : memref<512x64xbf16, #tpu.memory_space<vmem>>, vector<32xbf16>,
        %unpack3A_1320 = tpu.unpack_subelements %get3A_1319, 0 {pack_format = #tpu.pack_format<interleaved>} : vector<32xbf16> -> vector<16xf32>
        %unpack3A_1321 = tpu.unpack_subelements %get3A_1319, 1 {pack_format = #tpu.pack_format<interleaved>} : vector<32xbf16> -> vector<16xf32>
        %slice3A_1322 = vector.extract_strided_slice %get3A_758 {offsets = [14], sizes = [1], strides = [1]} : vector<16xf32> to vector<1xf32>
        %squeeze3A_1323 = vector.extract %slice3A_1322[0] : f32 from vector<1xf32>
        %slice3A_1324 = vector.extract_strided_slice %get3A_767 {offsets = [14], sizes = [1], strides = [1]} : vector<16xf32> to vector<1xf32>
        %squeeze3A_1325 = vector.extract %slice3A_1324[0] : f32 from vector<1xf32>
        %mul3A_1326 = vector.broadcast %squeeze3A_1323 : f32 to vector<16xf32>
        %mul3A_1327 = arith.mulf %mul3A_1326, %unpack3A_1309 : vector<16xf32>
        %add3A_1328 = arith.addf %add3A_1293, %mul3A_1327 : vector<16xf32>
        %mul3A_1329 = vector.broadcast %squeeze3A_1325 : f32 to vector<16xf32>
        %mul3A_1330 = arith.mulf %mul3A_1329, %unpack3A_1320 : vector<16xf32>
        %add3A_1331 = arith.addf %add3A_1328, %mul3A_1330 : vector<16xf32>
        %mul3A_1332 = vector.broadcast %squeeze3A_1323 : f32 to vector<16xf32>
        %mul3A_1333 = arith.mulf %mul3A_1332, %unpack3A_1310 : vector<16xf32>
        %add3A_1334 = arith.addf %add3A_1299, %mul3A_1333 : vector<16xf32>
        %mul3A_1335 = vector.broadcast %squeeze3A_1325 : f32 to vector<16xf32>
        %mul3A_1336 = arith.mulf %mul3A_1335, %unpack3A_1321 : vector<16xf32>
        %add3A_1337 = arith.addf %add3A_1334, %mul3A_1336 : vector<16xf32>
        %add3A_1338 = arith.constant 15 : i32
        %add3A_1339 = arith.addi %add3A_770, %add3A_1338 : i32
        %get3A_1340 = arith.constant 0 : i32
        %get3A_1341 = arith.constant 0 : i32
        %get3A_1342 = tpu.memref_slice %arg11[%scan3A_674, %get3A_1340, %get3A_1341] : memref<2x512x64xbf16, #tpu.memory_space<vmem>> -> memref<1x512x64xbf16, #tpu.memory_space<vmem>>
        %get3A_1343 = tpu.memref_squeeze %get3A_1342 : memref<1x512x64xbf16, #tpu.memory_space<vmem>> -> memref<512x64xbf16, #tpu.memory_space<vmem>>
        %get3A_1344 = arith.index_cast %add3A_1339 : i32 to index
        %get3A_1345 = arith.constant 0 : index
        %get3A_1346 = tpu.vector_load %get3A_1343[%get3A_1344, %get3A_1345] {strides = array<i32>} : memref<512x64xbf16, #tpu.memory_space<vmem>>, vector<32xbf16>,
        %unpack3A_1347 = tpu.unpack_subelements %get3A_1346, 0 {pack_format = #tpu.pack_format<interleaved>} : vector<32xbf16> -> vector<16xf32>
        %unpack3A_1348 = tpu.unpack_subelements %get3A_1346, 1 {pack_format = #tpu.pack_format<interleaved>} : vector<32xbf16> -> vector<16xf32>
        %add3A_1349 = arith.constant 15 : i32
        %add3A_1350 = arith.addi %add3A_770, %add3A_1349 : i32
        %get3A_1351 = arith.constant 0 : i32
        %get3A_1352 = arith.constant 0 : i32
        %get3A_1353 = tpu.memref_slice %arg11[%scan3A_674, %get3A_1351, %get3A_1352] : memref<2x512x64xbf16, #tpu.memory_space<vmem>> -> memref<1x512x64xbf16, #tpu.memory_space<vmem>>
        %get3A_1354 = tpu.memref_squeeze %get3A_1353 : memref<1x512x64xbf16, #tpu.memory_space<vmem>> -> memref<512x64xbf16, #tpu.memory_space<vmem>>
        %get3A_1355 = arith.index_cast %add3A_1350 : i32 to index
        %get3A_1356 = arith.constant 32 : index
        %get3A_1357 = tpu.vector_load %get3A_1354[%get3A_1355, %get3A_1356] {strides = array<i32>} : memref<512x64xbf16, #tpu.memory_space<vmem>>, vector<32xbf16>,
        %unpack3A_1358 = tpu.unpack_subelements %get3A_1357, 0 {pack_format = #tpu.pack_format<interleaved>} : vector<32xbf16> -> vector<16xf32>
        %unpack3A_1359 = tpu.unpack_subelements %get3A_1357, 1 {pack_format = #tpu.pack_format<interleaved>} : vector<32xbf16> -> vector<16xf32>
        %slice3A_1360 = vector.extract_strided_slice %get3A_758 {offsets = [15], sizes = [1], strides = [1]} : vector<16xf32> to vector<1xf32>
        %squeeze3A_1361 = vector.extract %slice3A_1360[0] : f32 from vector<1xf32>
        %slice3A_1362 = vector.extract_strided_slice %get3A_767 {offsets = [15], sizes = [1], strides = [1]} : vector<16xf32> to vector<1xf32>
        %squeeze3A_1363 = vector.extract %slice3A_1362[0] : f32 from vector<1xf32>
        %mul3A_1364 = vector.broadcast %squeeze3A_1361 : f32 to vector<16xf32>
        %mul3A_1365 = arith.mulf %mul3A_1364, %unpack3A_1347 : vector<16xf32>
        %add3A_1366 = arith.addf %add3A_1331, %mul3A_1365 : vector<16xf32>
        %mul3A_1367 = vector.broadcast %squeeze3A_1363 : f32 to vector<16xf32>
        %mul3A_1368 = arith.mulf %mul3A_1367, %unpack3A_1358 : vector<16xf32>
        %add3A_1369 = arith.addf %add3A_1366, %mul3A_1368 : vector<16xf32>
        %mul3A_1370 = vector.broadcast %squeeze3A_1361 : f32 to vector<16xf32>
        %mul3A_1371 = arith.mulf %mul3A_1370, %unpack3A_1348 : vector<16xf32>
        %add3A_1372 = arith.addf %add3A_1337, %mul3A_1371 : vector<16xf32>
        %mul3A_1373 = vector.broadcast %squeeze3A_1363 : f32 to vector<16xf32>
        %mul3A_1374 = arith.mulf %mul3A_1373, %unpack3A_1359 : vector<16xf32>
        %add3A_1375 = arith.addf %add3A_1372, %mul3A_1374 : vector<16xf32>
        %add3A_1376 = arith.constant 2 : i32
        %add3A_1377 = arith.addi %add3A_1376, %select_n3A : i32
        %add3A_1378 = arith.constant 4 : i32
        %add3A_1379 = arith.addi %add3A_1378, %select_n3A : i32
        %get3A_1380 = arith.constant 0 : i32
        %get3A_1381 = arith.constant 0 : i32
        %get3A_1382 = tpu.memref_slice %arg12[%scan3A_673, %get3A_1380, %get3A_1381] : memref<2x8x128xf32, #tpu.memory_space<vmem>> -> memref<1x8x128xf32, #tpu.memory_space<vmem>>
        %get3A_1383 = tpu.memref_squeeze %get3A_1382 : memref<1x8x128xf32, #tpu.memory_space<vmem>> -> memref<8x128xf32, #tpu.memory_space<vmem>>
        %get3A_1384 = arith.index_cast %add3A_1379 : i32 to index
        %get3A_1385 = arith.index_cast %mul3A_745 : i32 to index
        %get3A_1386 = tpu.vector_load %get3A_1383[%get3A_1384, %get3A_1385] {strides = array<i32>} : memref<8x128xf32, #tpu.memory_space<vmem>>, vector<16xf32>,
        %add3A_1387 = arith.constant 6 : i32
        %add3A_1388 = arith.addi %add3A_1387, %select_n3A : i32
        %get3A_1389 = arith.constant 0 : i32
        %get3A_1390 = arith.constant 0 : i32
        %get3A_1391 = tpu.memref_slice %arg12[%scan3A_673, %get3A_1389, %get3A_1390] : memref<2x8x128xf32, #tpu.memory_space<vmem>> -> memref<1x8x128xf32, #tpu.memory_space<vmem>>
        %get3A_1392 = tpu.memref_squeeze %get3A_1391 : memref<1x8x128xf32, #tpu.memory_space<vmem>> -> memref<8x128xf32, #tpu.memory_space<vmem>>
        %get3A_1393 = arith.index_cast %add3A_1388 : i32 to index
        %get3A_1394 = arith.index_cast %mul3A_745 : i32 to index
        %get3A_1395 = tpu.vector_load %get3A_1392[%get3A_1393, %get3A_1394] {strides = array<i32>} : memref<8x128xf32, #tpu.memory_space<vmem>>, vector<16xf32>,
        %mul3A_1396 = arith.constant 128 : i32
        %mul3A_1397 = arith.muli %add3A_1377, %mul3A_1396 : i32
        %add3A_1398 = arith.addi %mul3A_1397, %mul3A_745 : i32
        %add3A_1399 = arith.constant 0 : i32
        %add3A_1400 = arith.addi %add3A_1398, %add3A_1399 : i32
        %get3A_1401 = arith.constant 0 : i32
        %get3A_1402 = arith.constant 0 : i32
        %get3A_1403 = tpu.memref_slice %arg11[%scan3A_674, %get3A_1401, %get3A_1402] : memref<2x512x64xbf16, #tpu.memory_space<vmem>> -> memref<1x512x64xbf16, #tpu.memory_space<vmem>>
        %get3A_1404 = tpu.memref_squeeze %get3A_1403 : memref<1x512x64xbf16, #tpu.memory_space<vmem>> -> memref<512x64xbf16, #tpu.memory_space<vmem>>
        %get3A_1405 = arith.index_cast %add3A_1400 : i32 to index
        %get3A_1406 = arith.constant 0 : index
        %get3A_1407 = tpu.vector_load %get3A_1404[%get3A_1405, %get3A_1406] {strides = array<i32>} : memref<512x64xbf16, #tpu.memory_space<vmem>>, vector<32xbf16>,
        %unpack3A_1408 = tpu.unpack_subelements %get3A_1407, 0 {pack_format = #tpu.pack_format<interleaved>} : vector<32xbf16> -> vector<16xf32>
        %unpack3A_1409 = tpu.unpack_subelements %get3A_1407, 1 {pack_format = #tpu.pack_format<interleaved>} : vector<32xbf16> -> vector<16xf32>
        %add3A_1410 = arith.constant 0 : i32
        %add3A_1411 = arith.addi %add3A_1398, %add3A_1410 : i32
        %get3A_1412 = arith.constant 0 : i32
        %get3A_1413 = arith.constant 0 : i32
        %get3A_1414 = tpu.memref_slice %arg11[%scan3A_674, %get3A_1412, %get3A_1413] : memref<2x512x64xbf16, #tpu.memory_space<vmem>> -> memref<1x512x64xbf16, #tpu.memory_space<vmem>>
        %get3A_1415 = tpu.memref_squeeze %get3A_1414 : memref<1x512x64xbf16, #tpu.memory_space<vmem>> -> memref<512x64xbf16, #tpu.memory_space<vmem>>
        %get3A_1416 = arith.index_cast %add3A_1411 : i32 to index
        %get3A_1417 = arith.constant 32 : index
        %get3A_1418 = tpu.vector_load %get3A_1415[%get3A_1416, %get3A_1417] {strides = array<i32>} : memref<512x64xbf16, #tpu.memory_space<vmem>>, vector<32xbf16>,
        %unpack3A_1419 = tpu.unpack_subelements %get3A_1418, 0 {pack_format = #tpu.pack_format<interleaved>} : vector<32xbf16> -> vector<16xf32>
        %unpack3A_1420 = tpu.unpack_subelements %get3A_1418, 1 {pack_format = #tpu.pack_format<interleaved>} : vector<32xbf16> -> vector<16xf32>
        %slice3A_1421 = vector.extract_strided_slice %get3A_1386 {offsets = [0], sizes = [1], strides = [1]} : vector<16xf32> to vector<1xf32>
        %squeeze3A_1422 = vector.extract %slice3A_1421[0] : f32 from vector<1xf32>
        %slice3A_1423 = vector.extract_strided_slice %get3A_1395 {offsets = [0], sizes = [1], strides = [1]} : vector<16xf32> to vector<1xf32>
        %squeeze3A_1424 = vector.extract %slice3A_1423[0] : f32 from vector<1xf32>
        %mul3A_1425 = vector.broadcast %squeeze3A_1422 : f32 to vector<16xf32>
        %mul3A_1426 = arith.mulf %mul3A_1425, %unpack3A_1408 : vector<16xf32>
        %add3A_1427 = arith.addf %add3A_1369, %mul3A_1426 : vector<16xf32>
        %mul3A_1428 = vector.broadcast %squeeze3A_1424 : f32 to vector<16xf32>
        %mul3A_1429 = arith.mulf %mul3A_1428, %unpack3A_1419 : vector<16xf32>
        %add3A_1430 = arith.addf %add3A_1427, %mul3A_1429 : vector<16xf32>
        %mul3A_1431 = vector.broadcast %squeeze3A_1422 : f32 to vector<16xf32>
        %mul3A_1432 = arith.mulf %mul3A_1431, %unpack3A_1409 : vector<16xf32>
        %add3A_1433 = arith.addf %add3A_1375, %mul3A_1432 : vector<16xf32>
        %mul3A_1434 = vector.broadcast %squeeze3A_1424 : f32 to vector<16xf32>
        %mul3A_1435 = arith.mulf %mul3A_1434, %unpack3A_1420 : vector<16xf32>
        %add3A_1436 = arith.addf %add3A_1433, %mul3A_1435 : vector<16xf32>
        %add3A_1437 = arith.constant 1 : i32
        %add3A_1438 = arith.addi %add3A_1398, %add3A_1437 : i32
        %get3A_1439 = arith.constant 0 : i32
        %get3A_1440 = arith.constant 0 : i32
        %get3A_1441 = tpu.memref_slice %arg11[%scan3A_674, %get3A_1439, %get3A_1440] : memref<2x512x64xbf16, #tpu.memory_space<vmem>> -> memref<1x512x64xbf16, #tpu.memory_space<vmem>>
        %get3A_1442 = tpu.memref_squeeze %get3A_1441 : memref<1x512x64xbf16, #tpu.memory_space<vmem>> -> memref<512x64xbf16, #tpu.memory_space<vmem>>
        %get3A_1443 = arith.index_cast %add3A_1438 : i32 to index
        %get3A_1444 = arith.constant 0 : index
        %get3A_1445 = tpu.vector_load %get3A_1442[%get3A_1443, %get3A_1444] {strides = array<i32>} : memref<512x64xbf16, #tpu.memory_space<vmem>>, vector<32xbf16>,
        %unpack3A_1446 = tpu.unpack_subelements %get3A_1445, 0 {pack_format = #tpu.pack_format<interleaved>} : vector<32xbf16> -> vector<16xf32>
        %unpack3A_1447 = tpu.unpack_subelements %get3A_1445, 1 {pack_format = #tpu.pack_format<interleaved>} : vector<32xbf16> -> vector<16xf32>
        %add3A_1448 = arith.constant 1 : i32
        %add3A_1449 = arith.addi %add3A_1398, %add3A_1448 : i32
        %get3A_1450 = arith.constant 0 : i32
        %get3A_1451 = arith.constant 0 : i32
        %get3A_1452 = tpu.memref_slice %arg11[%scan3A_674, %get3A_1450, %get3A_1451] : memref<2x512x64xbf16, #tpu.memory_space<vmem>> -> memref<1x512x64xbf16, #tpu.memory_space<vmem>>
        %get3A_1453 = tpu.memref_squeeze %get3A_1452 : memref<1x512x64xbf16, #tpu.memory_space<vmem>> -> memref<512x64xbf16, #tpu.memory_space<vmem>>
        %get3A_1454 = arith.index_cast %add3A_1449 : i32 to index
        %get3A_1455 = arith.constant 32 : index
        %get3A_1456 = tpu.vector_load %get3A_1453[%get3A_1454, %get3A_1455] {strides = array<i32>} : memref<512x64xbf16, #tpu.memory_space<vmem>>, vector<32xbf16>,
        %unpack3A_1457 = tpu.unpack_subelements %get3A_1456, 0 {pack_format = #tpu.pack_format<interleaved>} : vector<32xbf16> -> vector<16xf32>
        %unpack3A_1458 = tpu.unpack_subelements %get3A_1456, 1 {pack_format = #tpu.pack_format<interleaved>} : vector<32xbf16> -> vector<16xf32>
        %slice3A_1459 = vector.extract_strided_slice %get3A_1386 {offsets = [1], sizes = [1], strides = [1]} : vector<16xf32> to vector<1xf32>
        %squeeze3A_1460 = vector.extract %slice3A_1459[0] : f32 from vector<1xf32>
        %slice3A_1461 = vector.extract_strided_slice %get3A_1395 {offsets = [1], sizes = [1], strides = [1]} : vector<16xf32> to vector<1xf32>
        %squeeze3A_1462 = vector.extract %slice3A_1461[0] : f32 from vector<1xf32>
        %mul3A_1463 = vector.broadcast %squeeze3A_1460 : f32 to vector<16xf32>
        %mul3A_1464 = arith.mulf %mul3A_1463, %unpack3A_1446 : vector<16xf32>
        %add3A_1465 = arith.addf %add3A_1430, %mul3A_1464 : vector<16xf32>
        %mul3A_1466 = vector.broadcast %squeeze3A_1462 : f32 to vector<16xf32>
        %mul3A_1467 = arith.mulf %mul3A_1466, %unpack3A_1457 : vector<16xf32>
        %add3A_1468 = arith.addf %add3A_1465, %mul3A_1467 : vector<16xf32>
        %mul3A_1469 = vector.broadcast %squeeze3A_1460 : f32 to vector<16xf32>
        %mul3A_1470 = arith.mulf %mul3A_1469, %unpack3A_1447 : vector<16xf32>
        %add3A_1471 = arith.addf %add3A_1436, %mul3A_1470 : vector<16xf32>
        %mul3A_1472 = vector.broadcast %squeeze3A_1462 : f32 to vector<16xf32>
        %mul3A_1473 = arith.mulf %mul3A_1472, %unpack3A_1458 : vector<16xf32>
        %add3A_1474 = arith.addf %add3A_1471, %mul3A_1473 : vector<16xf32>
        %add3A_1475 = arith.constant 2 : i32
        %add3A_1476 = arith.addi %add3A_1398, %add3A_1475 : i32
        %get3A_1477 = arith.constant 0 : i32
        %get3A_1478 = arith.constant 0 : i32
        %get3A_1479 = tpu.memref_slice %arg11[%scan3A_674, %get3A_1477, %get3A_1478] : memref<2x512x64xbf16, #tpu.memory_space<vmem>> -> memref<1x512x64xbf16, #tpu.memory_space<vmem>>
        %get3A_1480 = tpu.memref_squeeze %get3A_1479 : memref<1x512x64xbf16, #tpu.memory_space<vmem>> -> memref<512x64xbf16, #tpu.memory_space<vmem>>
        %get3A_1481 = arith.index_cast %add3A_1476 : i32 to index
        %get3A_1482 = arith.constant 0 : index
        %get3A_1483 = tpu.vector_load %get3A_1480[%get3A_1481, %get3A_1482] {strides = array<i32>} : memref<512x64xbf16, #tpu.memory_space<vmem>>, vector<32xbf16>,
        %unpack3A_1484 = tpu.unpack_subelements %get3A_1483, 0 {pack_format = #tpu.pack_format<interleaved>} : vector<32xbf16> -> vector<16xf32>
        %unpack3A_1485 = tpu.unpack_subelements %get3A_1483, 1 {pack_format = #tpu.pack_format<interleaved>} : vector<32xbf16> -> vector<16xf32>
        %add3A_1486 = arith.constant 2 : i32
        %add3A_1487 = arith.addi %add3A_1398, %add3A_1486 : i32
        %get3A_1488 = arith.constant 0 : i32
        %get3A_1489 = arith.constant 0 : i32
        %get3A_1490 = tpu.memref_slice %arg11[%scan3A_674, %get3A_1488, %get3A_1489] : memref<2x512x64xbf16, #tpu.memory_space<vmem>> -> memref<1x512x64xbf16, #tpu.memory_space<vmem>>
        %get3A_1491 = tpu.memref_squeeze %get3A_1490 : memref<1x512x64xbf16, #tpu.memory_space<vmem>> -> memref<512x64xbf16, #tpu.memory_space<vmem>>
        %get3A_1492 = arith.index_cast %add3A_1487 : i32 to index
        %get3A_1493 = arith.constant 32 : index
        %get3A_1494 = tpu.vector_load %get3A_1491[%get3A_1492, %get3A_1493] {strides = array<i32>} : memref<512x64xbf16, #tpu.memory_space<vmem>>, vector<32xbf16>,
        %unpack3A_1495 = tpu.unpack_subelements %get3A_1494, 0 {pack_format = #tpu.pack_format<interleaved>} : vector<32xbf16> -> vector<16xf32>
        %unpack3A_1496 = tpu.unpack_subelements %get3A_1494, 1 {pack_format = #tpu.pack_format<interleaved>} : vector<32xbf16> -> vector<16xf32>
        %slice3A_1497 = vector.extract_strided_slice %get3A_1386 {offsets = [2], sizes = [1], strides = [1]} : vector<16xf32> to vector<1xf32>
        %squeeze3A_1498 = vector.extract %slice3A_1497[0] : f32 from vector<1xf32>
        %slice3A_1499 = vector.extract_strided_slice %get3A_1395 {offsets = [2], sizes = [1], strides = [1]} : vector<16xf32> to vector<1xf32>
        %squeeze3A_1500 = vector.extract %slice3A_1499[0] : f32 from vector<1xf32>
        %mul3A_1501 = vector.broadcast %squeeze3A_1498 : f32 to vector<16xf32>
        %mul3A_1502 = arith.mulf %mul3A_1501, %unpack3A_1484 : vector<16xf32>
        %add3A_1503 = arith.addf %add3A_1468, %mul3A_1502 : vector<16xf32>
        %mul3A_1504 = vector.broadcast %squeeze3A_1500 : f32 to vector<16xf32>
        %mul3A_1505 = arith.mulf %mul3A_1504, %unpack3A_1495 : vector<16xf32>
        %add3A_1506 = arith.addf %add3A_1503, %mul3A_1505 : vector<16xf32>
        %mul3A_1507 = vector.broadcast %squeeze3A_1498 : f32 to vector<16xf32>
        %mul3A_1508 = arith.mulf %mul3A_1507, %unpack3A_1485 : vector<16xf32>
        %add3A_1509 = arith.addf %add3A_1474, %mul3A_1508 : vector<16xf32>
        %mul3A_1510 = vector.broadcast %squeeze3A_1500 : f32 to vector<16xf32>
        %mul3A_1511 = arith.mulf %mul3A_1510, %unpack3A_1496 : vector<16xf32>
        %add3A_1512 = arith.addf %add3A_1509, %mul3A_1511 : vector<16xf32>
        %add3A_1513 = arith.constant 3 : i32
        %add3A_1514 = arith.addi %add3A_1398, %add3A_1513 : i32
        %get3A_1515 = arith.constant 0 : i32
        %get3A_1516 = arith.constant 0 : i32
        %get3A_1517 = tpu.memref_slice %arg11[%scan3A_674, %get3A_1515, %get3A_1516] : memref<2x512x64xbf16, #tpu.memory_space<vmem>> -> memref<1x512x64xbf16, #tpu.memory_space<vmem>>
        %get3A_1518 = tpu.memref_squeeze %get3A_1517 : memref<1x512x64xbf16, #tpu.memory_space<vmem>> -> memref<512x64xbf16, #tpu.memory_space<vmem>>
        %get3A_1519 = arith.index_cast %add3A_1514 : i32 to index
        %get3A_1520 = arith.constant 0 : index
        %get3A_1521 = tpu.vector_load %get3A_1518[%get3A_1519, %get3A_1520] {strides = array<i32>} : memref<512x64xbf16, #tpu.memory_space<vmem>>, vector<32xbf16>,
        %unpack3A_1522 = tpu.unpack_subelements %get3A_1521, 0 {pack_format = #tpu.pack_format<interleaved>} : vector<32xbf16> -> vector<16xf32>
        %unpack3A_1523 = tpu.unpack_subelements %get3A_1521, 1 {pack_format = #tpu.pack_format<interleaved>} : vector<32xbf16> -> vector<16xf32>
        %add3A_1524 = arith.constant 3 : i32
        %add3A_1525 = arith.addi %add3A_1398, %add3A_1524 : i32
        %get3A_1526 = arith.constant 0 : i32
        %get3A_1527 = arith.constant 0 : i32
        %get3A_1528 = tpu.memref_slice %arg11[%scan3A_674, %get3A_1526, %get3A_1527] : memref<2x512x64xbf16, #tpu.memory_space<vmem>> -> memref<1x512x64xbf16, #tpu.memory_space<vmem>>
        %get3A_1529 = tpu.memref_squeeze %get3A_1528 : memref<1x512x64xbf16, #tpu.memory_space<vmem>> -> memref<512x64xbf16, #tpu.memory_space<vmem>>
        %get3A_1530 = arith.index_cast %add3A_1525 : i32 to index
        %get3A_1531 = arith.constant 32 : index
        %get3A_1532 = tpu.vector_load %get3A_1529[%get3A_1530, %get3A_1531] {strides = array<i32>} : memref<512x64xbf16, #tpu.memory_space<vmem>>, vector<32xbf16>,
        %unpack3A_1533 = tpu.unpack_subelements %get3A_1532, 0 {pack_format = #tpu.pack_format<interleaved>} : vector<32xbf16> -> vector<16xf32>
        %unpack3A_1534 = tpu.unpack_subelements %get3A_1532, 1 {pack_format = #tpu.pack_format<interleaved>} : vector<32xbf16> -> vector<16xf32>
        %slice3A_1535 = vector.extract_strided_slice %get3A_1386 {offsets = [3], sizes = [1], strides = [1]} : vector<16xf32> to vector<1xf32>
        %squeeze3A_1536 = vector.extract %slice3A_1535[0] : f32 from vector<1xf32>
        %slice3A_1537 = vector.extract_strided_slice %get3A_1395 {offsets = [3], sizes = [1], strides = [1]} : vector<16xf32> to vector<1xf32>
        %squeeze3A_1538 = vector.extract %slice3A_1537[0] : f32 from vector<1xf32>
        %mul3A_1539 = vector.broadcast %squeeze3A_1536 : f32 to vector<16xf32>
        %mul3A_1540 = arith.mulf %mul3A_1539, %unpack3A_1522 : vector<16xf32>
        %add3A_1541 = arith.addf %add3A_1506, %mul3A_1540 : vector<16xf32>
        %mul3A_1542 = vector.broadcast %squeeze3A_1538 : f32 to vector<16xf32>
        %mul3A_1543 = arith.mulf %mul3A_1542, %unpack3A_1533 : vector<16xf32>
        %add3A_1544 = arith.addf %add3A_1541, %mul3A_1543 : vector<16xf32>
        %mul3A_1545 = vector.broadcast %squeeze3A_1536 : f32 to vector<16xf32>
        %mul3A_1546 = arith.mulf %mul3A_1545, %unpack3A_1523 : vector<16xf32>
        %add3A_1547 = arith.addf %add3A_1512, %mul3A_1546 : vector<16xf32>
        %mul3A_1548 = vector.broadcast %squeeze3A_1538 : f32 to vector<16xf32>
        %mul3A_1549 = arith.mulf %mul3A_1548, %unpack3A_1534 : vector<16xf32>
        %add3A_1550 = arith.addf %add3A_1547, %mul3A_1549 : vector<16xf32>
        %add3A_1551 = arith.constant 4 : i32
        %add3A_1552 = arith.addi %add3A_1398, %add3A_1551 : i32
        %get3A_1553 = arith.constant 0 : i32
        %get3A_1554 = arith.constant 0 : i32
        %get3A_1555 = tpu.memref_slice %arg11[%scan3A_674, %get3A_1553, %get3A_1554] : memref<2x512x64xbf16, #tpu.memory_space<vmem>> -> memref<1x512x64xbf16, #tpu.memory_space<vmem>>
        %get3A_1556 = tpu.memref_squeeze %get3A_1555 : memref<1x512x64xbf16, #tpu.memory_space<vmem>> -> memref<512x64xbf16, #tpu.memory_space<vmem>>
        %get3A_1557 = arith.index_cast %add3A_1552 : i32 to index
        %get3A_1558 = arith.constant 0 : index
        %get3A_1559 = tpu.vector_load %get3A_1556[%get3A_1557, %get3A_1558] {strides = array<i32>} : memref<512x64xbf16, #tpu.memory_space<vmem>>, vector<32xbf16>,
        %unpack3A_1560 = tpu.unpack_subelements %get3A_1559, 0 {pack_format = #tpu.pack_format<interleaved>} : vector<32xbf16> -> vector<16xf32>
        %unpack3A_1561 = tpu.unpack_subelements %get3A_1559, 1 {pack_format = #tpu.pack_format<interleaved>} : vector<32xbf16> -> vector<16xf32>
        %add3A_1562 = arith.constant 4 : i32
        %add3A_1563 = arith.addi %add3A_1398, %add3A_1562 : i32
        %get3A_1564 = arith.constant 0 : i32
        %get3A_1565 = arith.constant 0 : i32
        %get3A_1566 = tpu.memref_slice %arg11[%scan3A_674, %get3A_1564, %get3A_1565] : memref<2x512x64xbf16, #tpu.memory_space<vmem>> -> memref<1x512x64xbf16, #tpu.memory_space<vmem>>
        %get3A_1567 = tpu.memref_squeeze %get3A_1566 : memref<1x512x64xbf16, #tpu.memory_space<vmem>> -> memref<512x64xbf16, #tpu.memory_space<vmem>>
        %get3A_1568 = arith.index_cast %add3A_1563 : i32 to index
        %get3A_1569 = arith.constant 32 : index
        %get3A_1570 = tpu.vector_load %get3A_1567[%get3A_1568, %get3A_1569] {strides = array<i32>} : memref<512x64xbf16, #tpu.memory_space<vmem>>, vector<32xbf16>,
        %unpack3A_1571 = tpu.unpack_subelements %get3A_1570, 0 {pack_format = #tpu.pack_format<interleaved>} : vector<32xbf16> -> vector<16xf32>
        %unpack3A_1572 = tpu.unpack_subelements %get3A_1570, 1 {pack_format = #tpu.pack_format<interleaved>} : vector<32xbf16> -> vector<16xf32>
        %slice3A_1573 = vector.extract_strided_slice %get3A_1386 {offsets = [4], sizes = [1], strides = [1]} : vector<16xf32> to vector<1xf32>
        %squeeze3A_1574 = vector.extract %slice3A_1573[0] : f32 from vector<1xf32>
        %slice3A_1575 = vector.extract_strided_slice %get3A_1395 {offsets = [4], sizes = [1], strides = [1]} : vector<16xf32> to vector<1xf32>
        %squeeze3A_1576 = vector.extract %slice3A_1575[0] : f32 from vector<1xf32>
        %mul3A_1577 = vector.broadcast %squeeze3A_1574 : f32 to vector<16xf32>
        %mul3A_1578 = arith.mulf %mul3A_1577, %unpack3A_1560 : vector<16xf32>
        %add3A_1579 = arith.addf %add3A_1544, %mul3A_1578 : vector<16xf32>
        %mul3A_1580 = vector.broadcast %squeeze3A_1576 : f32 to vector<16xf32>
        %mul3A_1581 = arith.mulf %mul3A_1580, %unpack3A_1571 : vector<16xf32>
        %add3A_1582 = arith.addf %add3A_1579, %mul3A_1581 : vector<16xf32>
        %mul3A_1583 = vector.broadcast %squeeze3A_1574 : f32 to vector<16xf32>
        %mul3A_1584 = arith.mulf %mul3A_1583, %unpack3A_1561 : vector<16xf32>
        %add3A_1585 = arith.addf %add3A_1550, %mul3A_1584 : vector<16xf32>
        %mul3A_1586 = vector.broadcast %squeeze3A_1576 : f32 to vector<16xf32>
        %mul3A_1587 = arith.mulf %mul3A_1586, %unpack3A_1572 : vector<16xf32>
        %add3A_1588 = arith.addf %add3A_1585, %mul3A_1587 : vector<16xf32>
        %add3A_1589 = arith.constant 5 : i32
        %add3A_1590 = arith.addi %add3A_1398, %add3A_1589 : i32
        %get3A_1591 = arith.constant 0 : i32
        %get3A_1592 = arith.constant 0 : i32
        %get3A_1593 = tpu.memref_slice %arg11[%scan3A_674, %get3A_1591, %get3A_1592] : memref<2x512x64xbf16, #tpu.memory_space<vmem>> -> memref<1x512x64xbf16, #tpu.memory_space<vmem>>
        %get3A_1594 = tpu.memref_squeeze %get3A_1593 : memref<1x512x64xbf16, #tpu.memory_space<vmem>> -> memref<512x64xbf16, #tpu.memory_space<vmem>>
        %get3A_1595 = arith.index_cast %add3A_1590 : i32 to index
        %get3A_1596 = arith.constant 0 : index
        %get3A_1597 = tpu.vector_load %get3A_1594[%get3A_1595, %get3A_1596] {strides = array<i32>} : memref<512x64xbf16, #tpu.memory_space<vmem>>, vector<32xbf16>,
        %unpack3A_1598 = tpu.unpack_subelements %get3A_1597, 0 {pack_format = #tpu.pack_format<interleaved>} : vector<32xbf16> -> vector<16xf32>
        %unpack3A_1599 = tpu.unpack_subelements %get3A_1597, 1 {pack_format = #tpu.pack_format<interleaved>} : vector<32xbf16> -> vector<16xf32>
        %add3A_1600 = arith.constant 5 : i32
        %add3A_1601 = arith.addi %add3A_1398, %add3A_1600 : i32
        %get3A_1602 = arith.constant 0 : i32
        %get3A_1603 = arith.constant 0 : i32
        %get3A_1604 = tpu.memref_slice %arg11[%scan3A_674, %get3A_1602, %get3A_1603] : memref<2x512x64xbf16, #tpu.memory_space<vmem>> -> memref<1x512x64xbf16, #tpu.memory_space<vmem>>
        %get3A_1605 = tpu.memref_squeeze %get3A_1604 : memref<1x512x64xbf16, #tpu.memory_space<vmem>> -> memref<512x64xbf16, #tpu.memory_space<vmem>>
        %get3A_1606 = arith.index_cast %add3A_1601 : i32 to index
        %get3A_1607 = arith.constant 32 : index
        %get3A_1608 = tpu.vector_load %get3A_1605[%get3A_1606, %get3A_1607] {strides = array<i32>} : memref<512x64xbf16, #tpu.memory_space<vmem>>, vector<32xbf16>,
        %unpack3A_1609 = tpu.unpack_subelements %get3A_1608, 0 {pack_format = #tpu.pack_format<interleaved>} : vector<32xbf16> -> vector<16xf32>
        %unpack3A_1610 = tpu.unpack_subelements %get3A_1608, 1 {pack_format = #tpu.pack_format<interleaved>} : vector<32xbf16> -> vector<16xf32>
        %slice3A_1611 = vector.extract_strided_slice %get3A_1386 {offsets = [5], sizes = [1], strides = [1]} : vector<16xf32> to vector<1xf32>
        %squeeze3A_1612 = vector.extract %slice3A_1611[0] : f32 from vector<1xf32>
        %slice3A_1613 = vector.extract_strided_slice %get3A_1395 {offsets = [5], sizes = [1], strides = [1]} : vector<16xf32> to vector<1xf32>
        %squeeze3A_1614 = vector.extract %slice3A_1613[0] : f32 from vector<1xf32>
        %mul3A_1615 = vector.broadcast %squeeze3A_1612 : f32 to vector<16xf32>
        %mul3A_1616 = arith.mulf %mul3A_1615, %unpack3A_1598 : vector<16xf32>
        %add3A_1617 = arith.addf %add3A_1582, %mul3A_1616 : vector<16xf32>
        %mul3A_1618 = vector.broadcast %squeeze3A_1614 : f32 to vector<16xf32>
        %mul3A_1619 = arith.mulf %mul3A_1618, %unpack3A_1609 : vector<16xf32>
        %add3A_1620 = arith.addf %add3A_1617, %mul3A_1619 : vector<16xf32>
        %mul3A_1621 = vector.broadcast %squeeze3A_1612 : f32 to vector<16xf32>
        %mul3A_1622 = arith.mulf %mul3A_1621, %unpack3A_1599 : vector<16xf32>
        %add3A_1623 = arith.addf %add3A_1588, %mul3A_1622 : vector<16xf32>
        %mul3A_1624 = vector.broadcast %squeeze3A_1614 : f32 to vector<16xf32>
        %mul3A_1625 = arith.mulf %mul3A_1624, %unpack3A_1610 : vector<16xf32>
        %add3A_1626 = arith.addf %add3A_1623, %mul3A_1625 : vector<16xf32>
        %add3A_1627 = arith.constant 6 : i32
        %add3A_1628 = arith.addi %add3A_1398, %add3A_1627 : i32
        %get3A_1629 = arith.constant 0 : i32
        %get3A_1630 = arith.constant 0 : i32
        %get3A_1631 = tpu.memref_slice %arg11[%scan3A_674, %get3A_1629, %get3A_1630] : memref<2x512x64xbf16, #tpu.memory_space<vmem>> -> memref<1x512x64xbf16, #tpu.memory_space<vmem>>
        %get3A_1632 = tpu.memref_squeeze %get3A_1631 : memref<1x512x64xbf16, #tpu.memory_space<vmem>> -> memref<512x64xbf16, #tpu.memory_space<vmem>>
        %get3A_1633 = arith.index_cast %add3A_1628 : i32 to index
        %get3A_1634 = arith.constant 0 : index
        %get3A_1635 = tpu.vector_load %get3A_1632[%get3A_1633, %get3A_1634] {strides = array<i32>} : memref<512x64xbf16, #tpu.memory_space<vmem>>, vector<32xbf16>,
        %unpack3A_1636 = tpu.unpack_subelements %get3A_1635, 0 {pack_format = #tpu.pack_format<interleaved>} : vector<32xbf16> -> vector<16xf32>
        %unpack3A_1637 = tpu.unpack_subelements %get3A_1635, 1 {pack_format = #tpu.pack_format<interleaved>} : vector<32xbf16> -> vector<16xf32>
        %add3A_1638 = arith.constant 6 : i32
        %add3A_1639 = arith.addi %add3A_1398, %add3A_1638 : i32
        %get3A_1640 = arith.constant 0 : i32
        %get3A_1641 = arith.constant 0 : i32
        %get3A_1642 = tpu.memref_slice %arg11[%scan3A_674, %get3A_1640, %get3A_1641] : memref<2x512x64xbf16, #tpu.memory_space<vmem>> -> memref<1x512x64xbf16, #tpu.memory_space<vmem>>
        %get3A_1643 = tpu.memref_squeeze %get3A_1642 : memref<1x512x64xbf16, #tpu.memory_space<vmem>> -> memref<512x64xbf16, #tpu.memory_space<vmem>>
        %get3A_1644 = arith.index_cast %add3A_1639 : i32 to index
        %get3A_1645 = arith.constant 32 : index
        %get3A_1646 = tpu.vector_load %get3A_1643[%get3A_1644, %get3A_1645] {strides = array<i32>} : memref<512x64xbf16, #tpu.memory_space<vmem>>, vector<32xbf16>,
        %unpack3A_1647 = tpu.unpack_subelements %get3A_1646, 0 {pack_format = #tpu.pack_format<interleaved>} : vector<32xbf16> -> vector<16xf32>
        %unpack3A_1648 = tpu.unpack_subelements %get3A_1646, 1 {pack_format = #tpu.pack_format<interleaved>} : vector<32xbf16> -> vector<16xf32>
        %slice3A_1649 = vector.extract_strided_slice %get3A_1386 {offsets = [6], sizes = [1], strides = [1]} : vector<16xf32> to vector<1xf32>
        %squeeze3A_1650 = vector.extract %slice3A_1649[0] : f32 from vector<1xf32>
        %slice3A_1651 = vector.extract_strided_slice %get3A_1395 {offsets = [6], sizes = [1], strides = [1]} : vector<16xf32> to vector<1xf32>
        %squeeze3A_1652 = vector.extract %slice3A_1651[0] : f32 from vector<1xf32>
        %mul3A_1653 = vector.broadcast %squeeze3A_1650 : f32 to vector<16xf32>
        %mul3A_1654 = arith.mulf %mul3A_1653, %unpack3A_1636 : vector<16xf32>
        %add3A_1655 = arith.addf %add3A_1620, %mul3A_1654 : vector<16xf32>
        %mul3A_1656 = vector.broadcast %squeeze3A_1652 : f32 to vector<16xf32>
        %mul3A_1657 = arith.mulf %mul3A_1656, %unpack3A_1647 : vector<16xf32>
        %add3A_1658 = arith.addf %add3A_1655, %mul3A_1657 : vector<16xf32>
        %mul3A_1659 = vector.broadcast %squeeze3A_1650 : f32 to vector<16xf32>
        %mul3A_1660 = arith.mulf %mul3A_1659, %unpack3A_1637 : vector<16xf32>
        %add3A_1661 = arith.addf %add3A_1626, %mul3A_1660 : vector<16xf32>
        %mul3A_1662 = vector.broadcast %squeeze3A_1652 : f32 to vector<16xf32>
        %mul3A_1663 = arith.mulf %mul3A_1662, %unpack3A_1648 : vector<16xf32>
        %add3A_1664 = arith.addf %add3A_1661, %mul3A_1663 : vector<16xf32>
        %add3A_1665 = arith.constant 7 : i32
        %add3A_1666 = arith.addi %add3A_1398, %add3A_1665 : i32
        %get3A_1667 = arith.constant 0 : i32
        %get3A_1668 = arith.constant 0 : i32
        %get3A_1669 = tpu.memref_slice %arg11[%scan3A_674, %get3A_1667, %get3A_1668] : memref<2x512x64xbf16, #tpu.memory_space<vmem>> -> memref<1x512x64xbf16, #tpu.memory_space<vmem>>
        %get3A_1670 = tpu.memref_squeeze %get3A_1669 : memref<1x512x64xbf16, #tpu.memory_space<vmem>> -> memref<512x64xbf16, #tpu.memory_space<vmem>>
        %get3A_1671 = arith.index_cast %add3A_1666 : i32 to index
        %get3A_1672 = arith.constant 0 : index
        %get3A_1673 = tpu.vector_load %get3A_1670[%get3A_1671, %get3A_1672] {strides = array<i32>} : memref<512x64xbf16, #tpu.memory_space<vmem>>, vector<32xbf16>,
        %unpack3A_1674 = tpu.unpack_subelements %get3A_1673, 0 {pack_format = #tpu.pack_format<interleaved>} : vector<32xbf16> -> vector<16xf32>
        %unpack3A_1675 = tpu.unpack_subelements %get3A_1673, 1 {pack_format = #tpu.pack_format<interleaved>} : vector<32xbf16> -> vector<16xf32>
        %add3A_1676 = arith.constant 7 : i32
        %add3A_1677 = arith.addi %add3A_1398, %add3A_1676 : i32
        %get3A_1678 = arith.constant 0 : i32
        %get3A_1679 = arith.constant 0 : i32
        %get3A_1680 = tpu.memref_slice %arg11[%scan3A_674, %get3A_1678, %get3A_1679] : memref<2x512x64xbf16, #tpu.memory_space<vmem>> -> memref<1x512x64xbf16, #tpu.memory_space<vmem>>
        %get3A_1681 = tpu.memref_squeeze %get3A_1680 : memref<1x512x64xbf16, #tpu.memory_space<vmem>> -> memref<512x64xbf16, #tpu.memory_space<vmem>>
        %get3A_1682 = arith.index_cast %add3A_1677 : i32 to index
        %get3A_1683 = arith.constant 32 : index
        %get3A_1684 = tpu.vector_load %get3A_1681[%get3A_1682, %get3A_1683] {strides = array<i32>} : memref<512x64xbf16, #tpu.memory_space<vmem>>, vector<32xbf16>,
        %unpack3A_1685 = tpu.unpack_subelements %get3A_1684, 0 {pack_format = #tpu.pack_format<interleaved>} : vector<32xbf16> -> vector<16xf32>
        %unpack3A_1686 = tpu.unpack_subelements %get3A_1684, 1 {pack_format = #tpu.pack_format<interleaved>} : vector<32xbf16> -> vector<16xf32>
        %slice3A_1687 = vector.extract_strided_slice %get3A_1386 {offsets = [7], sizes = [1], strides = [1]} : vector<16xf32> to vector<1xf32>
        %squeeze3A_1688 = vector.extract %slice3A_1687[0] : f32 from vector<1xf32>
        %slice3A_1689 = vector.extract_strided_slice %get3A_1395 {offsets = [7], sizes = [1], strides = [1]} : vector<16xf32> to vector<1xf32>
        %squeeze3A_1690 = vector.extract %slice3A_1689[0] : f32 from vector<1xf32>
        %mul3A_1691 = vector.broadcast %squeeze3A_1688 : f32 to vector<16xf32>
        %mul3A_1692 = arith.mulf %mul3A_1691, %unpack3A_1674 : vector<16xf32>
        %add3A_1693 = arith.addf %add3A_1658, %mul3A_1692 : vector<16xf32>
        %mul3A_1694 = vector.broadcast %squeeze3A_1690 : f32 to vector<16xf32>
        %mul3A_1695 = arith.mulf %mul3A_1694, %unpack3A_1685 : vector<16xf32>
        %add3A_1696 = arith.addf %add3A_1693, %mul3A_1695 : vector<16xf32>
        %mul3A_1697 = vector.broadcast %squeeze3A_1688 : f32 to vector<16xf32>
        %mul3A_1698 = arith.mulf %mul3A_1697, %unpack3A_1675 : vector<16xf32>
        %add3A_1699 = arith.addf %add3A_1664, %mul3A_1698 : vector<16xf32>
        %mul3A_1700 = vector.broadcast %squeeze3A_1690 : f32 to vector<16xf32>
        %mul3A_1701 = arith.mulf %mul3A_1700, %unpack3A_1686 : vector<16xf32>
        %add3A_1702 = arith.addf %add3A_1699, %mul3A_1701 : vector<16xf32>
        %add3A_1703 = arith.constant 8 : i32
        %add3A_1704 = arith.addi %add3A_1398, %add3A_1703 : i32
        %get3A_1705 = arith.constant 0 : i32
        %get3A_1706 = arith.constant 0 : i32
        %get3A_1707 = tpu.memref_slice %arg11[%scan3A_674, %get3A_1705, %get3A_1706] : memref<2x512x64xbf16, #tpu.memory_space<vmem>> -> memref<1x512x64xbf16, #tpu.memory_space<vmem>>
        %get3A_1708 = tpu.memref_squeeze %get3A_1707 : memref<1x512x64xbf16, #tpu.memory_space<vmem>> -> memref<512x64xbf16, #tpu.memory_space<vmem>>
        %get3A_1709 = arith.index_cast %add3A_1704 : i32 to index
        %get3A_1710 = arith.constant 0 : index
        %get3A_1711 = tpu.vector_load %get3A_1708[%get3A_1709, %get3A_1710] {strides = array<i32>} : memref<512x64xbf16, #tpu.memory_space<vmem>>, vector<32xbf16>,
        %unpack3A_1712 = tpu.unpack_subelements %get3A_1711, 0 {pack_format = #tpu.pack_format<interleaved>} : vector<32xbf16> -> vector<16xf32>
        %unpack3A_1713 = tpu.unpack_subelements %get3A_1711, 1 {pack_format = #tpu.pack_format<interleaved>} : vector<32xbf16> -> vector<16xf32>
        %add3A_1714 = arith.constant 8 : i32
        %add3A_1715 = arith.addi %add3A_1398, %add3A_1714 : i32
        %get3A_1716 = arith.constant 0 : i32
        %get3A_1717 = arith.constant 0 : i32
        %get3A_1718 = tpu.memref_slice %arg11[%scan3A_674, %get3A_1716, %get3A_1717] : memref<2x512x64xbf16, #tpu.memory_space<vmem>> -> memref<1x512x64xbf16, #tpu.memory_space<vmem>>
        %get3A_1719 = tpu.memref_squeeze %get3A_1718 : memref<1x512x64xbf16, #tpu.memory_space<vmem>> -> memref<512x64xbf16, #tpu.memory_space<vmem>>
        %get3A_1720 = arith.index_cast %add3A_1715 : i32 to index
        %get3A_1721 = arith.constant 32 : index
        %get3A_1722 = tpu.vector_load %get3A_1719[%get3A_1720, %get3A_1721] {strides = array<i32>} : memref<512x64xbf16, #tpu.memory_space<vmem>>, vector<32xbf16>,
        %unpack3A_1723 = tpu.unpack_subelements %get3A_1722, 0 {pack_format = #tpu.pack_format<interleaved>} : vector<32xbf16> -> vector<16xf32>
        %unpack3A_1724 = tpu.unpack_subelements %get3A_1722, 1 {pack_format = #tpu.pack_format<interleaved>} : vector<32xbf16> -> vector<16xf32>
        %slice3A_1725 = vector.extract_strided_slice %get3A_1386 {offsets = [8], sizes = [1], strides = [1]} : vector<16xf32> to vector<1xf32>
        %squeeze3A_1726 = vector.extract %slice3A_1725[0] : f32 from vector<1xf32>
        %slice3A_1727 = vector.extract_strided_slice %get3A_1395 {offsets = [8], sizes = [1], strides = [1]} : vector<16xf32> to vector<1xf32>
        %squeeze3A_1728 = vector.extract %slice3A_1727[0] : f32 from vector<1xf32>
        %mul3A_1729 = vector.broadcast %squeeze3A_1726 : f32 to vector<16xf32>
        %mul3A_1730 = arith.mulf %mul3A_1729, %unpack3A_1712 : vector<16xf32>
        %add3A_1731 = arith.addf %add3A_1696, %mul3A_1730 : vector<16xf32>
        %mul3A_1732 = vector.broadcast %squeeze3A_1728 : f32 to vector<16xf32>
        %mul3A_1733 = arith.mulf %mul3A_1732, %unpack3A_1723 : vector<16xf32>
        %add3A_1734 = arith.addf %add3A_1731, %mul3A_1733 : vector<16xf32>
        %mul3A_1735 = vector.broadcast %squeeze3A_1726 : f32 to vector<16xf32>
        %mul3A_1736 = arith.mulf %mul3A_1735, %unpack3A_1713 : vector<16xf32>
        %add3A_1737 = arith.addf %add3A_1702, %mul3A_1736 : vector<16xf32>
        %mul3A_1738 = vector.broadcast %squeeze3A_1728 : f32 to vector<16xf32>
        %mul3A_1739 = arith.mulf %mul3A_1738, %unpack3A_1724 : vector<16xf32>
        %add3A_1740 = arith.addf %add3A_1737, %mul3A_1739 : vector<16xf32>
        %add3A_1741 = arith.constant 9 : i32
        %add3A_1742 = arith.addi %add3A_1398, %add3A_1741 : i32
        %get3A_1743 = arith.constant 0 : i32
        %get3A_1744 = arith.constant 0 : i32
        %get3A_1745 = tpu.memref_slice %arg11[%scan3A_674, %get3A_1743, %get3A_1744] : memref<2x512x64xbf16, #tpu.memory_space<vmem>> -> memref<1x512x64xbf16, #tpu.memory_space<vmem>>
        %get3A_1746 = tpu.memref_squeeze %get3A_1745 : memref<1x512x64xbf16, #tpu.memory_space<vmem>> -> memref<512x64xbf16, #tpu.memory_space<vmem>>
        %get3A_1747 = arith.index_cast %add3A_1742 : i32 to index
        %get3A_1748 = arith.constant 0 : index
        %get3A_1749 = tpu.vector_load %get3A_1746[%get3A_1747, %get3A_1748] {strides = array<i32>} : memref<512x64xbf16, #tpu.memory_space<vmem>>, vector<32xbf16>,
        %unpack3A_1750 = tpu.unpack_subelements %get3A_1749, 0 {pack_format = #tpu.pack_format<interleaved>} : vector<32xbf16> -> vector<16xf32>
        %unpack3A_1751 = tpu.unpack_subelements %get3A_1749, 1 {pack_format = #tpu.pack_format<interleaved>} : vector<32xbf16> -> vector<16xf32>
        %add3A_1752 = arith.constant 9 : i32
        %add3A_1753 = arith.addi %add3A_1398, %add3A_1752 : i32
        %get3A_1754 = arith.constant 0 : i32
        %get3A_1755 = arith.constant 0 : i32
        %get3A_1756 = tpu.memref_slice %arg11[%scan3A_674, %get3A_1754, %get3A_1755] : memref<2x512x64xbf16, #tpu.memory_space<vmem>> -> memref<1x512x64xbf16, #tpu.memory_space<vmem>>
        %get3A_1757 = tpu.memref_squeeze %get3A_1756 : memref<1x512x64xbf16, #tpu.memory_space<vmem>> -> memref<512x64xbf16, #tpu.memory_space<vmem>>
        %get3A_1758 = arith.index_cast %add3A_1753 : i32 to index
        %get3A_1759 = arith.constant 32 : index
        %get3A_1760 = tpu.vector_load %get3A_1757[%get3A_1758, %get3A_1759] {strides = array<i32>} : memref<512x64xbf16, #tpu.memory_space<vmem>>, vector<32xbf16>,
        %unpack3A_1761 = tpu.unpack_subelements %get3A_1760, 0 {pack_format = #tpu.pack_format<interleaved>} : vector<32xbf16> -> vector<16xf32>
        %unpack3A_1762 = tpu.unpack_subelements %get3A_1760, 1 {pack_format = #tpu.pack_format<interleaved>} : vector<32xbf16> -> vector<16xf32>
        %slice3A_1763 = vector.extract_strided_slice %get3A_1386 {offsets = [9], sizes = [1], strides = [1]} : vector<16xf32> to vector<1xf32>
        %squeeze3A_1764 = vector.extract %slice3A_1763[0] : f32 from vector<1xf32>
        %slice3A_1765 = vector.extract_strided_slice %get3A_1395 {offsets = [9], sizes = [1], strides = [1]} : vector<16xf32> to vector<1xf32>
        %squeeze3A_1766 = vector.extract %slice3A_1765[0] : f32 from vector<1xf32>
        %mul3A_1767 = vector.broadcast %squeeze3A_1764 : f32 to vector<16xf32>
        %mul3A_1768 = arith.mulf %mul3A_1767, %unpack3A_1750 : vector<16xf32>
        %add3A_1769 = arith.addf %add3A_1734, %mul3A_1768 : vector<16xf32>
        %mul3A_1770 = vector.broadcast %squeeze3A_1766 : f32 to vector<16xf32>
        %mul3A_1771 = arith.mulf %mul3A_1770, %unpack3A_1761 : vector<16xf32>
        %add3A_1772 = arith.addf %add3A_1769, %mul3A_1771 : vector<16xf32>
        %mul3A_1773 = vector.broadcast %squeeze3A_1764 : f32 to vector<16xf32>
        %mul3A_1774 = arith.mulf %mul3A_1773, %unpack3A_1751 : vector<16xf32>
        %add3A_1775 = arith.addf %add3A_1740, %mul3A_1774 : vector<16xf32>
        %mul3A_1776 = vector.broadcast %squeeze3A_1766 : f32 to vector<16xf32>
        %mul3A_1777 = arith.mulf %mul3A_1776, %unpack3A_1762 : vector<16xf32>
        %add3A_1778 = arith.addf %add3A_1775, %mul3A_1777 : vector<16xf32>
        %add3A_1779 = arith.constant 10 : i32
        %add3A_1780 = arith.addi %add3A_1398, %add3A_1779 : i32
        %get3A_1781 = arith.constant 0 : i32
        %get3A_1782 = arith.constant 0 : i32
        %get3A_1783 = tpu.memref_slice %arg11[%scan3A_674, %get3A_1781, %get3A_1782] : memref<2x512x64xbf16, #tpu.memory_space<vmem>> -> memref<1x512x64xbf16, #tpu.memory_space<vmem>>
        %get3A_1784 = tpu.memref_squeeze %get3A_1783 : memref<1x512x64xbf16, #tpu.memory_space<vmem>> -> memref<512x64xbf16, #tpu.memory_space<vmem>>
        %get3A_1785 = arith.index_cast %add3A_1780 : i32 to index
        %get3A_1786 = arith.constant 0 : index
        %get3A_1787 = tpu.vector_load %get3A_1784[%get3A_1785, %get3A_1786] {strides = array<i32>} : memref<512x64xbf16, #tpu.memory_space<vmem>>, vector<32xbf16>,
        %unpack3A_1788 = tpu.unpack_subelements %get3A_1787, 0 {pack_format = #tpu.pack_format<interleaved>} : vector<32xbf16> -> vector<16xf32>
        %unpack3A_1789 = tpu.unpack_subelements %get3A_1787, 1 {pack_format = #tpu.pack_format<interleaved>} : vector<32xbf16> -> vector<16xf32>
        %add3A_1790 = arith.constant 10 : i32
        %add3A_1791 = arith.addi %add3A_1398, %add3A_1790 : i32
        %get3A_1792 = arith.constant 0 : i32
        %get3A_1793 = arith.constant 0 : i32
        %get3A_1794 = tpu.memref_slice %arg11[%scan3A_674, %get3A_1792, %get3A_1793] : memref<2x512x64xbf16, #tpu.memory_space<vmem>> -> memref<1x512x64xbf16, #tpu.memory_space<vmem>>
        %get3A_1795 = tpu.memref_squeeze %get3A_1794 : memref<1x512x64xbf16, #tpu.memory_space<vmem>> -> memref<512x64xbf16, #tpu.memory_space<vmem>>
        %get3A_1796 = arith.index_cast %add3A_1791 : i32 to index
        %get3A_1797 = arith.constant 32 : index
        %get3A_1798 = tpu.vector_load %get3A_1795[%get3A_1796, %get3A_1797] {strides = array<i32>} : memref<512x64xbf16, #tpu.memory_space<vmem>>, vector<32xbf16>,
        %unpack3A_1799 = tpu.unpack_subelements %get3A_1798, 0 {pack_format = #tpu.pack_format<interleaved>} : vector<32xbf16> -> vector<16xf32>
        %unpack3A_1800 = tpu.unpack_subelements %get3A_1798, 1 {pack_format = #tpu.pack_format<interleaved>} : vector<32xbf16> -> vector<16xf32>
        %slice3A_1801 = vector.extract_strided_slice %get3A_1386 {offsets = [10], sizes = [1], strides = [1]} : vector<16xf32> to vector<1xf32>
        %squeeze3A_1802 = vector.extract %slice3A_1801[0] : f32 from vector<1xf32>
        %slice3A_1803 = vector.extract_strided_slice %get3A_1395 {offsets = [10], sizes = [1], strides = [1]} : vector<16xf32> to vector<1xf32>
        %squeeze3A_1804 = vector.extract %slice3A_1803[0] : f32 from vector<1xf32>
        %mul3A_1805 = vector.broadcast %squeeze3A_1802 : f32 to vector<16xf32>
        %mul3A_1806 = arith.mulf %mul3A_1805, %unpack3A_1788 : vector<16xf32>
        %add3A_1807 = arith.addf %add3A_1772, %mul3A_1806 : vector<16xf32>
        %mul3A_1808 = vector.broadcast %squeeze3A_1804 : f32 to vector<16xf32>
        %mul3A_1809 = arith.mulf %mul3A_1808, %unpack3A_1799 : vector<16xf32>
        %add3A_1810 = arith.addf %add3A_1807, %mul3A_1809 : vector<16xf32>
        %mul3A_1811 = vector.broadcast %squeeze3A_1802 : f32 to vector<16xf32>
        %mul3A_1812 = arith.mulf %mul3A_1811, %unpack3A_1789 : vector<16xf32>
        %add3A_1813 = arith.addf %add3A_1778, %mul3A_1812 : vector<16xf32>
        %mul3A_1814 = vector.broadcast %squeeze3A_1804 : f32 to vector<16xf32>
        %mul3A_1815 = arith.mulf %mul3A_1814, %unpack3A_1800 : vector<16xf32>
        %add3A_1816 = arith.addf %add3A_1813, %mul3A_1815 : vector<16xf32>
        %add3A_1817 = arith.constant 11 : i32
        %add3A_1818 = arith.addi %add3A_1398, %add3A_1817 : i32
        %get3A_1819 = arith.constant 0 : i32
        %get3A_1820 = arith.constant 0 : i32
        %get3A_1821 = tpu.memref_slice %arg11[%scan3A_674, %get3A_1819, %get3A_1820] : memref<2x512x64xbf16, #tpu.memory_space<vmem>> -> memref<1x512x64xbf16, #tpu.memory_space<vmem>>
        %get3A_1822 = tpu.memref_squeeze %get3A_1821 : memref<1x512x64xbf16, #tpu.memory_space<vmem>> -> memref<512x64xbf16, #tpu.memory_space<vmem>>
        %get3A_1823 = arith.index_cast %add3A_1818 : i32 to index
        %get3A_1824 = arith.constant 0 : index
        %get3A_1825 = tpu.vector_load %get3A_1822[%get3A_1823, %get3A_1824] {strides = array<i32>} : memref<512x64xbf16, #tpu.memory_space<vmem>>, vector<32xbf16>,
        %unpack3A_1826 = tpu.unpack_subelements %get3A_1825, 0 {pack_format = #tpu.pack_format<interleaved>} : vector<32xbf16> -> vector<16xf32>
        %unpack3A_1827 = tpu.unpack_subelements %get3A_1825, 1 {pack_format = #tpu.pack_format<interleaved>} : vector<32xbf16> -> vector<16xf32>
        %add3A_1828 = arith.constant 11 : i32
        %add3A_1829 = arith.addi %add3A_1398, %add3A_1828 : i32
        %get3A_1830 = arith.constant 0 : i32
        %get3A_1831 = arith.constant 0 : i32
        %get3A_1832 = tpu.memref_slice %arg11[%scan3A_674, %get3A_1830, %get3A_1831] : memref<2x512x64xbf16, #tpu.memory_space<vmem>> -> memref<1x512x64xbf16, #tpu.memory_space<vmem>>
        %get3A_1833 = tpu.memref_squeeze %get3A_1832 : memref<1x512x64xbf16, #tpu.memory_space<vmem>> -> memref<512x64xbf16, #tpu.memory_space<vmem>>
        %get3A_1834 = arith.index_cast %add3A_1829 : i32 to index
        %get3A_1835 = arith.constant 32 : index
        %get3A_1836 = tpu.vector_load %get3A_1833[%get3A_1834, %get3A_1835] {strides = array<i32>} : memref<512x64xbf16, #tpu.memory_space<vmem>>, vector<32xbf16>,
        %unpack3A_1837 = tpu.unpack_subelements %get3A_1836, 0 {pack_format = #tpu.pack_format<interleaved>} : vector<32xbf16> -> vector<16xf32>
        %unpack3A_1838 = tpu.unpack_subelements %get3A_1836, 1 {pack_format = #tpu.pack_format<interleaved>} : vector<32xbf16> -> vector<16xf32>
        %slice3A_1839 = vector.extract_strided_slice %get3A_1386 {offsets = [11], sizes = [1], strides = [1]} : vector<16xf32> to vector<1xf32>
        %squeeze3A_1840 = vector.extract %slice3A_1839[0] : f32 from vector<1xf32>
        %slice3A_1841 = vector.extract_strided_slice %get3A_1395 {offsets = [11], sizes = [1], strides = [1]} : vector<16xf32> to vector<1xf32>
        %squeeze3A_1842 = vector.extract %slice3A_1841[0] : f32 from vector<1xf32>
        %mul3A_1843 = vector.broadcast %squeeze3A_1840 : f32 to vector<16xf32>
        %mul3A_1844 = arith.mulf %mul3A_1843, %unpack3A_1826 : vector<16xf32>
        %add3A_1845 = arith.addf %add3A_1810, %mul3A_1844 : vector<16xf32>
        %mul3A_1846 = vector.broadcast %squeeze3A_1842 : f32 to vector<16xf32>
        %mul3A_1847 = arith.mulf %mul3A_1846, %unpack3A_1837 : vector<16xf32>
        %add3A_1848 = arith.addf %add3A_1845, %mul3A_1847 : vector<16xf32>
        %mul3A_1849 = vector.broadcast %squeeze3A_1840 : f32 to vector<16xf32>
        %mul3A_1850 = arith.mulf %mul3A_1849, %unpack3A_1827 : vector<16xf32>
        %add3A_1851 = arith.addf %add3A_1816, %mul3A_1850 : vector<16xf32>
        %mul3A_1852 = vector.broadcast %squeeze3A_1842 : f32 to vector<16xf32>
        %mul3A_1853 = arith.mulf %mul3A_1852, %unpack3A_1838 : vector<16xf32>
        %add3A_1854 = arith.addf %add3A_1851, %mul3A_1853 : vector<16xf32>
        %add3A_1855 = arith.constant 12 : i32
        %add3A_1856 = arith.addi %add3A_1398, %add3A_1855 : i32
        %get3A_1857 = arith.constant 0 : i32
        %get3A_1858 = arith.constant 0 : i32
        %get3A_1859 = tpu.memref_slice %arg11[%scan3A_674, %get3A_1857, %get3A_1858] : memref<2x512x64xbf16, #tpu.memory_space<vmem>> -> memref<1x512x64xbf16, #tpu.memory_space<vmem>>
        %get3A_1860 = tpu.memref_squeeze %get3A_1859 : memref<1x512x64xbf16, #tpu.memory_space<vmem>> -> memref<512x64xbf16, #tpu.memory_space<vmem>>
        %get3A_1861 = arith.index_cast %add3A_1856 : i32 to index
        %get3A_1862 = arith.constant 0 : index
        %get3A_1863 = tpu.vector_load %get3A_1860[%get3A_1861, %get3A_1862] {strides = array<i32>} : memref<512x64xbf16, #tpu.memory_space<vmem>>, vector<32xbf16>,
        %unpack3A_1864 = tpu.unpack_subelements %get3A_1863, 0 {pack_format = #tpu.pack_format<interleaved>} : vector<32xbf16> -> vector<16xf32>
        %unpack3A_1865 = tpu.unpack_subelements %get3A_1863, 1 {pack_format = #tpu.pack_format<interleaved>} : vector<32xbf16> -> vector<16xf32>
        %add3A_1866 = arith.constant 12 : i32
        %add3A_1867 = arith.addi %add3A_1398, %add3A_1866 : i32
        %get3A_1868 = arith.constant 0 : i32
        %get3A_1869 = arith.constant 0 : i32
        %get3A_1870 = tpu.memref_slice %arg11[%scan3A_674, %get3A_1868, %get3A_1869] : memref<2x512x64xbf16, #tpu.memory_space<vmem>> -> memref<1x512x64xbf16, #tpu.memory_space<vmem>>
        %get3A_1871 = tpu.memref_squeeze %get3A_1870 : memref<1x512x64xbf16, #tpu.memory_space<vmem>> -> memref<512x64xbf16, #tpu.memory_space<vmem>>
        %get3A_1872 = arith.index_cast %add3A_1867 : i32 to index
        %get3A_1873 = arith.constant 32 : index
        %get3A_1874 = tpu.vector_load %get3A_1871[%get3A_1872, %get3A_1873] {strides = array<i32>} : memref<512x64xbf16, #tpu.memory_space<vmem>>, vector<32xbf16>,
        %unpack3A_1875 = tpu.unpack_subelements %get3A_1874, 0 {pack_format = #tpu.pack_format<interleaved>} : vector<32xbf16> -> vector<16xf32>
        %unpack3A_1876 = tpu.unpack_subelements %get3A_1874, 1 {pack_format = #tpu.pack_format<interleaved>} : vector<32xbf16> -> vector<16xf32>
        %slice3A_1877 = vector.extract_strided_slice %get3A_1386 {offsets = [12], sizes = [1], strides = [1]} : vector<16xf32> to vector<1xf32>
        %squeeze3A_1878 = vector.extract %slice3A_1877[0] : f32 from vector<1xf32>
        %slice3A_1879 = vector.extract_strided_slice %get3A_1395 {offsets = [12], sizes = [1], strides = [1]} : vector<16xf32> to vector<1xf32>
        %squeeze3A_1880 = vector.extract %slice3A_1879[0] : f32 from vector<1xf32>
        %mul3A_1881 = vector.broadcast %squeeze3A_1878 : f32 to vector<16xf32>
        %mul3A_1882 = arith.mulf %mul3A_1881, %unpack3A_1864 : vector<16xf32>
        %add3A_1883 = arith.addf %add3A_1848, %mul3A_1882 : vector<16xf32>
        %mul3A_1884 = vector.broadcast %squeeze3A_1880 : f32 to vector<16xf32>
        %mul3A_1885 = arith.mulf %mul3A_1884, %unpack3A_1875 : vector<16xf32>
        %add3A_1886 = arith.addf %add3A_1883, %mul3A_1885 : vector<16xf32>
        %mul3A_1887 = vector.broadcast %squeeze3A_1878 : f32 to vector<16xf32>
        %mul3A_1888 = arith.mulf %mul3A_1887, %unpack3A_1865 : vector<16xf32>
        %add3A_1889 = arith.addf %add3A_1854, %mul3A_1888 : vector<16xf32>
        %mul3A_1890 = vector.broadcast %squeeze3A_1880 : f32 to vector<16xf32>
        %mul3A_1891 = arith.mulf %mul3A_1890, %unpack3A_1876 : vector<16xf32>
        %add3A_1892 = arith.addf %add3A_1889, %mul3A_1891 : vector<16xf32>
        %add3A_1893 = arith.constant 13 : i32
        %add3A_1894 = arith.addi %add3A_1398, %add3A_1893 : i32
        %get3A_1895 = arith.constant 0 : i32
        %get3A_1896 = arith.constant 0 : i32
        %get3A_1897 = tpu.memref_slice %arg11[%scan3A_674, %get3A_1895, %get3A_1896] : memref<2x512x64xbf16, #tpu.memory_space<vmem>> -> memref<1x512x64xbf16, #tpu.memory_space<vmem>>
        %get3A_1898 = tpu.memref_squeeze %get3A_1897 : memref<1x512x64xbf16, #tpu.memory_space<vmem>> -> memref<512x64xbf16, #tpu.memory_space<vmem>>
        %get3A_1899 = arith.index_cast %add3A_1894 : i32 to index
        %get3A_1900 = arith.constant 0 : index
        %get3A_1901 = tpu.vector_load %get3A_1898[%get3A_1899, %get3A_1900] {strides = array<i32>} : memref<512x64xbf16, #tpu.memory_space<vmem>>, vector<32xbf16>,
        %unpack3A_1902 = tpu.unpack_subelements %get3A_1901, 0 {pack_format = #tpu.pack_format<interleaved>} : vector<32xbf16> -> vector<16xf32>
        %unpack3A_1903 = tpu.unpack_subelements %get3A_1901, 1 {pack_format = #tpu.pack_format<interleaved>} : vector<32xbf16> -> vector<16xf32>
        %add3A_1904 = arith.constant 13 : i32
        %add3A_1905 = arith.addi %add3A_1398, %add3A_1904 : i32
        %get3A_1906 = arith.constant 0 : i32
        %get3A_1907 = arith.constant 0 : i32
        %get3A_1908 = tpu.memref_slice %arg11[%scan3A_674, %get3A_1906, %get3A_1907] : memref<2x512x64xbf16, #tpu.memory_space<vmem>> -> memref<1x512x64xbf16, #tpu.memory_space<vmem>>
        %get3A_1909 = tpu.memref_squeeze %get3A_1908 : memref<1x512x64xbf16, #tpu.memory_space<vmem>> -> memref<512x64xbf16, #tpu.memory_space<vmem>>
        %get3A_1910 = arith.index_cast %add3A_1905 : i32 to index
        %get3A_1911 = arith.constant 32 : index
        %get3A_1912 = tpu.vector_load %get3A_1909[%get3A_1910, %get3A_1911] {strides = array<i32>} : memref<512x64xbf16, #tpu.memory_space<vmem>>, vector<32xbf16>,
        %unpack3A_1913 = tpu.unpack_subelements %get3A_1912, 0 {pack_format = #tpu.pack_format<interleaved>} : vector<32xbf16> -> vector<16xf32>
        %unpack3A_1914 = tpu.unpack_subelements %get3A_1912, 1 {pack_format = #tpu.pack_format<interleaved>} : vector<32xbf16> -> vector<16xf32>
        %slice3A_1915 = vector.extract_strided_slice %get3A_1386 {offsets = [13], sizes = [1], strides = [1]} : vector<16xf32> to vector<1xf32>
        %squeeze3A_1916 = vector.extract %slice3A_1915[0] : f32 from vector<1xf32>
        %slice3A_1917 = vector.extract_strided_slice %get3A_1395 {offsets = [13], sizes = [1], strides = [1]} : vector<16xf32> to vector<1xf32>
        %squeeze3A_1918 = vector.extract %slice3A_1917[0] : f32 from vector<1xf32>
        %mul3A_1919 = vector.broadcast %squeeze3A_1916 : f32 to vector<16xf32>
        %mul3A_1920 = arith.mulf %mul3A_1919, %unpack3A_1902 : vector<16xf32>
        %add3A_1921 = arith.addf %add3A_1886, %mul3A_1920 : vector<16xf32>
        %mul3A_1922 = vector.broadcast %squeeze3A_1918 : f32 to vector<16xf32>
        %mul3A_1923 = arith.mulf %mul3A_1922, %unpack3A_1913 : vector<16xf32>
        %add3A_1924 = arith.addf %add3A_1921, %mul3A_1923 : vector<16xf32>
        %mul3A_1925 = vector.broadcast %squeeze3A_1916 : f32 to vector<16xf32>
        %mul3A_1926 = arith.mulf %mul3A_1925, %unpack3A_1903 : vector<16xf32>
        %add3A_1927 = arith.addf %add3A_1892, %mul3A_1926 : vector<16xf32>
        %mul3A_1928 = vector.broadcast %squeeze3A_1918 : f32 to vector<16xf32>
        %mul3A_1929 = arith.mulf %mul3A_1928, %unpack3A_1914 : vector<16xf32>
        %add3A_1930 = arith.addf %add3A_1927, %mul3A_1929 : vector<16xf32>
        %add3A_1931 = arith.constant 14 : i32
        %add3A_1932 = arith.addi %add3A_1398, %add3A_1931 : i32
        %get3A_1933 = arith.constant 0 : i32
        %get3A_1934 = arith.constant 0 : i32
        %get3A_1935 = tpu.memref_slice %arg11[%scan3A_674, %get3A_1933, %get3A_1934] : memref<2x512x64xbf16, #tpu.memory_space<vmem>> -> memref<1x512x64xbf16, #tpu.memory_space<vmem>>
        %get3A_1936 = tpu.memref_squeeze %get3A_1935 : memref<1x512x64xbf16, #tpu.memory_space<vmem>> -> memref<512x64xbf16, #tpu.memory_space<vmem>>
        %get3A_1937 = arith.index_cast %add3A_1932 : i32 to index
        %get3A_1938 = arith.constant 0 : index
        %get3A_1939 = tpu.vector_load %get3A_1936[%get3A_1937, %get3A_1938] {strides = array<i32>} : memref<512x64xbf16, #tpu.memory_space<vmem>>, vector<32xbf16>,
        %unpack3A_1940 = tpu.unpack_subelements %get3A_1939, 0 {pack_format = #tpu.pack_format<interleaved>} : vector<32xbf16> -> vector<16xf32>
        %unpack3A_1941 = tpu.unpack_subelements %get3A_1939, 1 {pack_format = #tpu.pack_format<interleaved>} : vector<32xbf16> -> vector<16xf32>
        %add3A_1942 = arith.constant 14 : i32
        %add3A_1943 = arith.addi %add3A_1398, %add3A_1942 : i32
        %get3A_1944 = arith.constant 0 : i32
        %get3A_1945 = arith.constant 0 : i32
        %get3A_1946 = tpu.memref_slice %arg11[%scan3A_674, %get3A_1944, %get3A_1945] : memref<2x512x64xbf16, #tpu.memory_space<vmem>> -> memref<1x512x64xbf16, #tpu.memory_space<vmem>>
        %get3A_1947 = tpu.memref_squeeze %get3A_1946 : memref<1x512x64xbf16, #tpu.memory_space<vmem>> -> memref<512x64xbf16, #tpu.memory_space<vmem>>
        %get3A_1948 = arith.index_cast %add3A_1943 : i32 to index
        %get3A_1949 = arith.constant 32 : index
        %get3A_1950 = tpu.vector_load %get3A_1947[%get3A_1948, %get3A_1949] {strides = array<i32>} : memref<512x64xbf16, #tpu.memory_space<vmem>>, vector<32xbf16>,
        %unpack3A_1951 = tpu.unpack_subelements %get3A_1950, 0 {pack_format = #tpu.pack_format<interleaved>} : vector<32xbf16> -> vector<16xf32>
        %unpack3A_1952 = tpu.unpack_subelements %get3A_1950, 1 {pack_format = #tpu.pack_format<interleaved>} : vector<32xbf16> -> vector<16xf32>
        %slice3A_1953 = vector.extract_strided_slice %get3A_1386 {offsets = [14], sizes = [1], strides = [1]} : vector<16xf32> to vector<1xf32>
        %squeeze3A_1954 = vector.extract %slice3A_1953[0] : f32 from vector<1xf32>
        %slice3A_1955 = vector.extract_strided_slice %get3A_1395 {offsets = [14], sizes = [1], strides = [1]} : vector<16xf32> to vector<1xf32>
        %squeeze3A_1956 = vector.extract %slice3A_1955[0] : f32 from vector<1xf32>
        %mul3A_1957 = vector.broadcast %squeeze3A_1954 : f32 to vector<16xf32>
        %mul3A_1958 = arith.mulf %mul3A_1957, %unpack3A_1940 : vector<16xf32>
        %add3A_1959 = arith.addf %add3A_1924, %mul3A_1958 : vector<16xf32>
        %mul3A_1960 = vector.broadcast %squeeze3A_1956 : f32 to vector<16xf32>
        %mul3A_1961 = arith.mulf %mul3A_1960, %unpack3A_1951 : vector<16xf32>
        %add3A_1962 = arith.addf %add3A_1959, %mul3A_1961 : vector<16xf32>
        %mul3A_1963 = vector.broadcast %squeeze3A_1954 : f32 to vector<16xf32>
        %mul3A_1964 = arith.mulf %mul3A_1963, %unpack3A_1941 : vector<16xf32>
        %add3A_1965 = arith.addf %add3A_1930, %mul3A_1964 : vector<16xf32>
        %mul3A_1966 = vector.broadcast %squeeze3A_1956 : f32 to vector<16xf32>
        %mul3A_1967 = arith.mulf %mul3A_1966, %unpack3A_1952 : vector<16xf32>
        %add3A_1968 = arith.addf %add3A_1965, %mul3A_1967 : vector<16xf32>
        %add3A_1969 = arith.constant 15 : i32
        %add3A_1970 = arith.addi %add3A_1398, %add3A_1969 : i32
        %get3A_1971 = arith.constant 0 : i32
        %get3A_1972 = arith.constant 0 : i32
        %get3A_1973 = tpu.memref_slice %arg11[%scan3A_674, %get3A_1971, %get3A_1972] : memref<2x512x64xbf16, #tpu.memory_space<vmem>> -> memref<1x512x64xbf16, #tpu.memory_space<vmem>>
        %get3A_1974 = tpu.memref_squeeze %get3A_1973 : memref<1x512x64xbf16, #tpu.memory_space<vmem>> -> memref<512x64xbf16, #tpu.memory_space<vmem>>
        %get3A_1975 = arith.index_cast %add3A_1970 : i32 to index
        %get3A_1976 = arith.constant 0 : index
        %get3A_1977 = tpu.vector_load %get3A_1974[%get3A_1975, %get3A_1976] {strides = array<i32>} : memref<512x64xbf16, #tpu.memory_space<vmem>>, vector<32xbf16>,
        %unpack3A_1978 = tpu.unpack_subelements %get3A_1977, 0 {pack_format = #tpu.pack_format<interleaved>} : vector<32xbf16> -> vector<16xf32>
        %unpack3A_1979 = tpu.unpack_subelements %get3A_1977, 1 {pack_format = #tpu.pack_format<interleaved>} : vector<32xbf16> -> vector<16xf32>
        %add3A_1980 = arith.constant 15 : i32
        %add3A_1981 = arith.addi %add3A_1398, %add3A_1980 : i32
        %get3A_1982 = arith.constant 0 : i32
        %get3A_1983 = arith.constant 0 : i32
        %get3A_1984 = tpu.memref_slice %arg11[%scan3A_674, %get3A_1982, %get3A_1983] : memref<2x512x64xbf16, #tpu.memory_space<vmem>> -> memref<1x512x64xbf16, #tpu.memory_space<vmem>>
        %get3A_1985 = tpu.memref_squeeze %get3A_1984 : memref<1x512x64xbf16, #tpu.memory_space<vmem>> -> memref<512x64xbf16, #tpu.memory_space<vmem>>
        %get3A_1986 = arith.index_cast %add3A_1981 : i32 to index
        %get3A_1987 = arith.constant 32 : index
        %get3A_1988 = tpu.vector_load %get3A_1985[%get3A_1986, %get3A_1987] {strides = array<i32>} : memref<512x64xbf16, #tpu.memory_space<vmem>>, vector<32xbf16>,
        %unpack3A_1989 = tpu.unpack_subelements %get3A_1988, 0 {pack_format = #tpu.pack_format<interleaved>} : vector<32xbf16> -> vector<16xf32>
        %unpack3A_1990 = tpu.unpack_subelements %get3A_1988, 1 {pack_format = #tpu.pack_format<interleaved>} : vector<32xbf16> -> vector<16xf32>
        %slice3A_1991 = vector.extract_strided_slice %get3A_1386 {offsets = [15], sizes = [1], strides = [1]} : vector<16xf32> to vector<1xf32>
        %squeeze3A_1992 = vector.extract %slice3A_1991[0] : f32 from vector<1xf32>
        %slice3A_1993 = vector.extract_strided_slice %get3A_1395 {offsets = [15], sizes = [1], strides = [1]} : vector<16xf32> to vector<1xf32>
        %squeeze3A_1994 = vector.extract %slice3A_1993[0] : f32 from vector<1xf32>
        %mul3A_1995 = vector.broadcast %squeeze3A_1992 : f32 to vector<16xf32>
        %mul3A_1996 = arith.mulf %mul3A_1995, %unpack3A_1978 : vector<16xf32>
        %add3A_1997 = arith.addf %add3A_1962, %mul3A_1996 : vector<16xf32>
        %mul3A_1998 = vector.broadcast %squeeze3A_1994 : f32 to vector<16xf32>
        %mul3A_1999 = arith.mulf %mul3A_1998, %unpack3A_1989 : vector<16xf32>
        %add3A_2000 = arith.addf %add3A_1997, %mul3A_1999 : vector<16xf32>
        %mul3A_2001 = vector.broadcast %squeeze3A_1992 : f32 to vector<16xf32>
        %mul3A_2002 = arith.mulf %mul3A_2001, %unpack3A_1979 : vector<16xf32>
        %add3A_2003 = arith.addf %add3A_1968, %mul3A_2002 : vector<16xf32>
        %mul3A_2004 = vector.broadcast %squeeze3A_1994 : f32 to vector<16xf32>
        %mul3A_2005 = arith.mulf %mul3A_2004, %unpack3A_1990 : vector<16xf32>
        %add3A_2006 = arith.addf %add3A_2003, %mul3A_2005 : vector<16xf32>
        %swap3A = arith.index_cast %scan3A_724 : i32 to index
        %swap3A_2007 = arith.constant 0 : index
        %swap3A_2008 = tpu.vector_load %arg13[%swap3A, %swap3A_2007] {strides = array<i32>} : memref<16x32xf32, #tpu.memory_space<vmem>>, vector<16xf32>,
        tpu.vector_store %arg13[%swap3A, %swap3A_2007], %add3A_2000 {strides = array<i32>} : memref<16x32xf32, #tpu.memory_space<vmem>>, vector<16xf32>,
        %swap3A_2009 = arith.index_cast %scan3A_724 : i32 to index
        %swap3A_2010 = arith.constant 16 : index
        %swap3A_2011 = tpu.vector_load %arg13[%swap3A_2009, %swap3A_2010] {strides = array<i32>} : memref<16x32xf32, #tpu.memory_space<vmem>>, vector<16xf32>,
        tpu.vector_store %arg13[%swap3A_2009, %swap3A_2010], %add3A_2006 {strides = array<i32>} : memref<16x32xf32, #tpu.memory_space<vmem>>, vector<16xf32>,
      }
      %scan3A_679 = arith.constant 16 : i32
      %mul3A_680 = arith.constant 2 : i32
      %mul3A_681 = arith.muli %mul3A_330, %mul3A_680 : i32
      %add3A_682 = arith.addi %mul3A_2, %mul3A_681 : i32
      %multiple_of3A_683 = tpu.assume_multiple %add3A_682, 2 : i32
      %mul3A_684 = arith.constant 8 : i32
      %mul3A_685 = arith.muli %multiple_of3A_683, %mul3A_684 : i32
      "tpu.region"() ({
        %run_scoped3A = tpu.sem_alloc : memref<!tpu.dma_semaphore, #tpu.memory_space<semaphore_mem>>
        %dma_start3A_724 = arith.constant 0 : i32
        %dma_start3A_725 = tpu.memref_slice %arg9[%mul3A_685, %dma_start3A_724] : memref<29696x32xf32, #tpu.memory_space<hbm>> -> memref<16x32xf32, #tpu.memory_space<hbm>>
        %dma_start3A_726 = arith.constant 0 : i32
        %dma_start3A_727 = tpu.memref_slice %arg9[%mul3A_685, %dma_start3A_726] : memref<29696x32xf32, #tpu.memory_space<hbm>> -> memref<16x32xf32, #tpu.memory_space<hbm>>
        tpu.enqueue_dma source(%arg13 : memref<16x32xf32, #tpu.memory_space<vmem>>) target(%dma_start3A_727 : memref<16x32xf32, #tpu.memory_space<hbm>>) target_semaphore(%run_scoped3A : memref<!tpu.dma_semaphore, #tpu.memory_space<semaphore_mem>>)
        %dma_wait3A_728 = arith.constant 0 : i32
        %dma_wait3A_729 = tpu.memref_slice %arg9[%mul3A_685, %dma_wait3A_728] : memref<29696x32xf32, #tpu.memory_space<hbm>> -> memref<16x32xf32, #tpu.memory_space<hbm>>
        %dma_wait3A_730 = arith.constant 0 : i32
        %dma_wait3A_731 = tpu.memref_slice %arg9[%mul3A_685, %dma_wait3A_730] : memref<29696x32xf32, #tpu.memory_space<hbm>> -> memref<16x32xf32, #tpu.memory_space<hbm>>
        tpu.wait_dma2 semaphore(%run_scoped3A : memref<!tpu.dma_semaphore, #tpu.memory_space<semaphore_mem>>) src(%arg13 : memref<16x32xf32, #tpu.memory_space<vmem>>) dst(%dma_wait3A_731 : memref<16x32xf32, #tpu.memory_space<hbm>>)
        tpu.yield
      }) : () -> ()
      %lt3A = arith.constant 28 : i32
      %lt3A_686 = arith.cmpi slt, %scan3A_328, %lt3A : i32
      %convert_element_type3A = arith.extui %lt3A_686 : i1 to i32
      %cond3A = arith.constant 0 : i32
      %cond3A_687 = arith.cmpi ne, %convert_element_type3A, %cond3A : i32
      scf.if %cond3A_687 {
        %add3A_724 = arith.constant 2 : i32
        %add3A_725 = arith.addi %mul3A_330, %add3A_724 : i32
        %mul3A_726 = arith.constant 2 : i32
        %mul3A_727 = arith.muli %add3A_725, %mul3A_726 : i32
        %add3A_728 = arith.addi %mul3A_2, %mul3A_727 : i32
        %multiple_of3A_729 = tpu.assume_multiple %add3A_728, 2 : i32
        %dma_start3A_730 = arith.constant 0 : i32
        %dma_start3A_731 = arith.constant 0 : i32
        %dma_start3A_732 = arith.constant 0 : i32
        %dma_start3A_733 = tpu.memref_slice %arg10[%dma_start3A_730, %dma_start3A_731, %dma_start3A_732] : memref<2x4x128xi32, #tpu.memory_space<vmem>> -> memref<1x4x128xi32, #tpu.memory_space<vmem>>
        %dma_start3A_734 = tpu.memref_squeeze %dma_start3A_733 : memref<1x4x128xi32, #tpu.memory_space<vmem>> -> memref<4x128xi32, #tpu.memory_space<vmem>>
        %dma_start3A_735 = arith.constant 0 : i32
        %dma_start3A_736 = arith.constant 0 : i32
        %dma_start3A_737 = tpu.memref_slice %dma_start3A_734[%dma_start3A_735, %dma_start3A_736] : memref<4x128xi32, #tpu.memory_space<vmem>> -> memref<2x128xi32, #tpu.memory_space<vmem>>
        %dma_start3A_738 = arith.constant 0 : i32
        %dma_start3A_739 = tpu.memref_slice %arg3[%multiple_of3A_729, %dma_start3A_738] : memref<3712x128xi32, #tpu.memory_space<hbm>> -> memref<2x128xi32, #tpu.memory_space<hbm>>
        %dma_start3A_740 = arith.constant 0 : i32
        %dma_start3A_741 = arith.constant 0 : i32
        %dma_start3A_742 = tpu.memref_slice %arg10[%dma_start3A_730, %dma_start3A_740, %dma_start3A_741] : memref<2x4x128xi32, #tpu.memory_space<vmem>> -> memref<1x4x128xi32, #tpu.memory_space<vmem>>
        %dma_start3A_743 = tpu.memref_squeeze %dma_start3A_742 : memref<1x4x128xi32, #tpu.memory_space<vmem>> -> memref<4x128xi32, #tpu.memory_space<vmem>>
        %dma_start3A_744 = arith.constant 0 : i32
        %dma_start3A_745 = arith.constant 0 : i32
        %dma_start3A_746 = tpu.memref_slice %dma_start3A_743[%dma_start3A_744, %dma_start3A_745] : memref<4x128xi32, #tpu.memory_space<vmem>> -> memref<2x128xi32, #tpu.memory_space<vmem>>
        %dma_start3A_747 = arith.constant 0 : i32
        %dma_start3A_748 = tpu.memref_slice %arg3[%multiple_of3A_729, %dma_start3A_747] : memref<3712x128xi32, #tpu.memory_space<hbm>> -> memref<2x128xi32, #tpu.memory_space<hbm>>
        tpu.enqueue_dma source(%dma_start3A_748 : memref<2x128xi32, #tpu.memory_space<hbm>>) target(%dma_start3A_746 : memref<2x128xi32, #tpu.memory_space<vmem>>) target_semaphore(%arg16 : memref<!tpu.dma_semaphore, #tpu.memory_space<semaphore_mem>>)
        %dma_start3A_749 = arith.constant 0 : i32
        %dma_start3A_750 = arith.constant 0 : i32
        %dma_start3A_751 = arith.constant 0 : i32
        %dma_start3A_752 = tpu.memref_slice %arg10[%dma_start3A_749, %dma_start3A_750, %dma_start3A_751] : memref<2x4x128xi32, #tpu.memory_space<vmem>> -> memref<1x4x128xi32, #tpu.memory_space<vmem>>
        %dma_start3A_753 = tpu.memref_squeeze %dma_start3A_752 : memref<1x4x128xi32, #tpu.memory_space<vmem>> -> memref<4x128xi32, #tpu.memory_space<vmem>>
        %dma_start3A_754 = arith.constant 2 : i32
        %dma_start3A_755 = arith.constant 0 : i32
        %dma_start3A_756 = tpu.memref_slice %dma_start3A_753[%dma_start3A_754, %dma_start3A_755] : memref<4x128xi32, #tpu.memory_space<vmem>> -> memref<2x128xi32, #tpu.memory_space<vmem>>
        %dma_start3A_757 = arith.constant 0 : i32
        %dma_start3A_758 = tpu.memref_slice %arg4[%multiple_of3A_729, %dma_start3A_757] : memref<3712x128xi32, #tpu.memory_space<hbm>> -> memref<2x128xi32, #tpu.memory_space<hbm>>
        %dma_start3A_759 = arith.constant 0 : i32
        %dma_start3A_760 = arith.constant 0 : i32
        %dma_start3A_761 = tpu.memref_slice %arg10[%dma_start3A_749, %dma_start3A_759, %dma_start3A_760] : memref<2x4x128xi32, #tpu.memory_space<vmem>> -> memref<1x4x128xi32, #tpu.memory_space<vmem>>
        %dma_start3A_762 = tpu.memref_squeeze %dma_start3A_761 : memref<1x4x128xi32, #tpu.memory_space<vmem>> -> memref<4x128xi32, #tpu.memory_space<vmem>>
        %dma_start3A_763 = arith.constant 2 : i32
        %dma_start3A_764 = arith.constant 0 : i32
        %dma_start3A_765 = tpu.memref_slice %dma_start3A_762[%dma_start3A_763, %dma_start3A_764] : memref<4x128xi32, #tpu.memory_space<vmem>> -> memref<2x128xi32, #tpu.memory_space<vmem>>
        %dma_start3A_766 = arith.constant 0 : i32
        %dma_start3A_767 = tpu.memref_slice %arg4[%multiple_of3A_729, %dma_start3A_766] : memref<3712x128xi32, #tpu.memory_space<hbm>> -> memref<2x128xi32, #tpu.memory_space<hbm>>
        tpu.enqueue_dma source(%dma_start3A_767 : memref<2x128xi32, #tpu.memory_space<hbm>>) target(%dma_start3A_765 : memref<2x128xi32, #tpu.memory_space<vmem>>) target_semaphore(%arg16 : memref<!tpu.dma_semaphore, #tpu.memory_space<semaphore_mem>>)
        %dma_start3A_768 = arith.constant 0 : i32
        %dma_start3A_769 = arith.constant 0 : i32
        %dma_start3A_770 = arith.constant 0 : i32
        %dma_start3A_771 = tpu.memref_slice %arg12[%dma_start3A_768, %dma_start3A_769, %dma_start3A_770] : memref<2x8x128xf32, #tpu.memory_space<vmem>> -> memref<1x8x128xf32, #tpu.memory_space<vmem>>
        %dma_start3A_772 = tpu.memref_squeeze %dma_start3A_771 : memref<1x8x128xf32, #tpu.memory_space<vmem>> -> memref<8x128xf32, #tpu.memory_space<vmem>>
        %dma_start3A_773 = arith.constant 0 : i32
        %dma_start3A_774 = arith.constant 0 : i32
        %dma_start3A_775 = tpu.memref_slice %dma_start3A_772[%dma_start3A_773, %dma_start3A_774] : memref<8x128xf32, #tpu.memory_space<vmem>> -> memref<2x128xf32, #tpu.memory_space<vmem>>
        %dma_start3A_776 = arith.constant 0 : i32
        %dma_start3A_777 = tpu.memref_slice %arg5[%multiple_of3A_729, %dma_start3A_776] : memref<3712x128xf32, #tpu.memory_space<hbm>> -> memref<2x128xf32, #tpu.memory_space<hbm>>
        %dma_start3A_778 = arith.constant 0 : i32
        %dma_start3A_779 = arith.constant 0 : i32
        %dma_start3A_780 = tpu.memref_slice %arg12[%dma_start3A_768, %dma_start3A_778, %dma_start3A_779] : memref<2x8x128xf32, #tpu.memory_space<vmem>> -> memref<1x8x128xf32, #tpu.memory_space<vmem>>
        %dma_start3A_781 = tpu.memref_squeeze %dma_start3A_780 : memref<1x8x128xf32, #tpu.memory_space<vmem>> -> memref<8x128xf32, #tpu.memory_space<vmem>>
        %dma_start3A_782 = arith.constant 0 : i32
        %dma_start3A_783 = arith.constant 0 : i32
        %dma_start3A_784 = tpu.memref_slice %dma_start3A_781[%dma_start3A_782, %dma_start3A_783] : memref<8x128xf32, #tpu.memory_space<vmem>> -> memref<2x128xf32, #tpu.memory_space<vmem>>
        %dma_start3A_785 = arith.constant 0 : i32
        %dma_start3A_786 = tpu.memref_slice %arg5[%multiple_of3A_729, %dma_start3A_785] : memref<3712x128xf32, #tpu.memory_space<hbm>> -> memref<2x128xf32, #tpu.memory_space<hbm>>
        tpu.enqueue_dma source(%dma_start3A_786 : memref<2x128xf32, #tpu.memory_space<hbm>>) target(%dma_start3A_784 : memref<2x128xf32, #tpu.memory_space<vmem>>) target_semaphore(%arg16 : memref<!tpu.dma_semaphore, #tpu.memory_space<semaphore_mem>>)
        %dma_start3A_787 = arith.constant 0 : i32
        %dma_start3A_788 = arith.constant 0 : i32
        %dma_start3A_789 = arith.constant 0 : i32
        %dma_start3A_790 = tpu.memref_slice %arg12[%dma_start3A_787, %dma_start3A_788, %dma_start3A_789] : memref<2x8x128xf32, #tpu.memory_space<vmem>> -> memref<1x8x128xf32, #tpu.memory_space<vmem>>
        %dma_start3A_791 = tpu.memref_squeeze %dma_start3A_790 : memref<1x8x128xf32, #tpu.memory_space<vmem>> -> memref<8x128xf32, #tpu.memory_space<vmem>>
        %dma_start3A_792 = arith.constant 2 : i32
        %dma_start3A_793 = arith.constant 0 : i32
        %dma_start3A_794 = tpu.memref_slice %dma_start3A_791[%dma_start3A_792, %dma_start3A_793] : memref<8x128xf32, #tpu.memory_space<vmem>> -> memref<2x128xf32, #tpu.memory_space<vmem>>
        %dma_start3A_795 = arith.constant 0 : i32
        %dma_start3A_796 = tpu.memref_slice %arg6[%multiple_of3A_729, %dma_start3A_795] : memref<3712x128xf32, #tpu.memory_space<hbm>> -> memref<2x128xf32, #tpu.memory_space<hbm>>
        %dma_start3A_797 = arith.constant 0 : i32
        %dma_start3A_798 = arith.constant 0 : i32
        %dma_start3A_799 = tpu.memref_slice %arg12[%dma_start3A_787, %dma_start3A_797, %dma_start3A_798] : memref<2x8x128xf32, #tpu.memory_space<vmem>> -> memref<1x8x128xf32, #tpu.memory_space<vmem>>
        %dma_start3A_800 = tpu.memref_squeeze %dma_start3A_799 : memref<1x8x128xf32, #tpu.memory_space<vmem>> -> memref<8x128xf32, #tpu.memory_space<vmem>>
        %dma_start3A_801 = arith.constant 2 : i32
        %dma_start3A_802 = arith.constant 0 : i32
        %dma_start3A_803 = tpu.memref_slice %dma_start3A_800[%dma_start3A_801, %dma_start3A_802] : memref<8x128xf32, #tpu.memory_space<vmem>> -> memref<2x128xf32, #tpu.memory_space<vmem>>
        %dma_start3A_804 = arith.constant 0 : i32
        %dma_start3A_805 = tpu.memref_slice %arg6[%multiple_of3A_729, %dma_start3A_804] : memref<3712x128xf32, #tpu.memory_space<hbm>> -> memref<2x128xf32, #tpu.memory_space<hbm>>
        tpu.enqueue_dma source(%dma_start3A_805 : memref<2x128xf32, #tpu.memory_space<hbm>>) target(%dma_start3A_803 : memref<2x128xf32, #tpu.memory_space<vmem>>) target_semaphore(%arg16 : memref<!tpu.dma_semaphore, #tpu.memory_space<semaphore_mem>>)
        %dma_start3A_806 = arith.constant 0 : i32
        %dma_start3A_807 = arith.constant 0 : i32
        %dma_start3A_808 = arith.constant 0 : i32
        %dma_start3A_809 = tpu.memref_slice %arg12[%dma_start3A_806, %dma_start3A_807, %dma_start3A_808] : memref<2x8x128xf32, #tpu.memory_space<vmem>> -> memref<1x8x128xf32, #tpu.memory_space<vmem>>
        %dma_start3A_810 = tpu.memref_squeeze %dma_start3A_809 : memref<1x8x128xf32, #tpu.memory_space<vmem>> -> memref<8x128xf32, #tpu.memory_space<vmem>>
        %dma_start3A_811 = arith.constant 4 : i32
        %dma_start3A_812 = arith.constant 0 : i32
        %dma_start3A_813 = tpu.memref_slice %dma_start3A_810[%dma_start3A_811, %dma_start3A_812] : memref<8x128xf32, #tpu.memory_space<vmem>> -> memref<2x128xf32, #tpu.memory_space<vmem>>
        %dma_start3A_814 = arith.constant 0 : i32
        %dma_start3A_815 = tpu.memref_slice %arg7[%multiple_of3A_729, %dma_start3A_814] : memref<3712x128xf32, #tpu.memory_space<hbm>> -> memref<2x128xf32, #tpu.memory_space<hbm>>
        %dma_start3A_816 = arith.constant 0 : i32
        %dma_start3A_817 = arith.constant 0 : i32
        %dma_start3A_818 = tpu.memref_slice %arg12[%dma_start3A_806, %dma_start3A_816, %dma_start3A_817] : memref<2x8x128xf32, #tpu.memory_space<vmem>> -> memref<1x8x128xf32, #tpu.memory_space<vmem>>
        %dma_start3A_819 = tpu.memref_squeeze %dma_start3A_818 : memref<1x8x128xf32, #tpu.memory_space<vmem>> -> memref<8x128xf32, #tpu.memory_space<vmem>>
        %dma_start3A_820 = arith.constant 4 : i32
        %dma_start3A_821 = arith.constant 0 : i32
        %dma_start3A_822 = tpu.memref_slice %dma_start3A_819[%dma_start3A_820, %dma_start3A_821] : memref<8x128xf32, #tpu.memory_space<vmem>> -> memref<2x128xf32, #tpu.memory_space<vmem>>
        %dma_start3A_823 = arith.constant 0 : i32
        %dma_start3A_824 = tpu.memref_slice %arg7[%multiple_of3A_729, %dma_start3A_823] : memref<3712x128xf32, #tpu.memory_space<hbm>> -> memref<2x128xf32, #tpu.memory_space<hbm>>
        tpu.enqueue_dma source(%dma_start3A_824 : memref<2x128xf32, #tpu.memory_space<hbm>>) target(%dma_start3A_822 : memref<2x128xf32, #tpu.memory_space<vmem>>) target_semaphore(%arg16 : memref<!tpu.dma_semaphore, #tpu.memory_space<semaphore_mem>>)
        %dma_start3A_825 = arith.constant 0 : i32
        %dma_start3A_826 = arith.constant 0 : i32
        %dma_start3A_827 = arith.constant 0 : i32
        %dma_start3A_828 = tpu.memref_slice %arg12[%dma_start3A_825, %dma_start3A_826, %dma_start3A_827] : memref<2x8x128xf32, #tpu.memory_space<vmem>> -> memref<1x8x128xf32, #tpu.memory_space<vmem>>
        %dma_start3A_829 = tpu.memref_squeeze %dma_start3A_828 : memref<1x8x128xf32, #tpu.memory_space<vmem>> -> memref<8x128xf32, #tpu.memory_space<vmem>>
        %dma_start3A_830 = arith.constant 6 : i32
        %dma_start3A_831 = arith.constant 0 : i32
        %dma_start3A_832 = tpu.memref_slice %dma_start3A_829[%dma_start3A_830, %dma_start3A_831] : memref<8x128xf32, #tpu.memory_space<vmem>> -> memref<2x128xf32, #tpu.memory_space<vmem>>
        %dma_start3A_833 = arith.constant 0 : i32
        %dma_start3A_834 = tpu.memref_slice %arg8[%multiple_of3A_729, %dma_start3A_833] : memref<3712x128xf32, #tpu.memory_space<hbm>> -> memref<2x128xf32, #tpu.memory_space<hbm>>
        %dma_start3A_835 = arith.constant 0 : i32
        %dma_start3A_836 = arith.constant 0 : i32
        %dma_start3A_837 = tpu.memref_slice %arg12[%dma_start3A_825, %dma_start3A_835, %dma_start3A_836] : memref<2x8x128xf32, #tpu.memory_space<vmem>> -> memref<1x8x128xf32, #tpu.memory_space<vmem>>
        %dma_start3A_838 = tpu.memref_squeeze %dma_start3A_837 : memref<1x8x128xf32, #tpu.memory_space<vmem>> -> memref<8x128xf32, #tpu.memory_space<vmem>>
        %dma_start3A_839 = arith.constant 6 : i32
        %dma_start3A_840 = arith.constant 0 : i32
        %dma_start3A_841 = tpu.memref_slice %dma_start3A_838[%dma_start3A_839, %dma_start3A_840] : memref<8x128xf32, #tpu.memory_space<vmem>> -> memref<2x128xf32, #tpu.memory_space<vmem>>
        %dma_start3A_842 = arith.constant 0 : i32
        %dma_start3A_843 = tpu.memref_slice %arg8[%multiple_of3A_729, %dma_start3A_842] : memref<3712x128xf32, #tpu.memory_space<hbm>> -> memref<2x128xf32, #tpu.memory_space<hbm>>
        tpu.enqueue_dma source(%dma_start3A_843 : memref<2x128xf32, #tpu.memory_space<hbm>>) target(%dma_start3A_841 : memref<2x128xf32, #tpu.memory_space<vmem>>) target_semaphore(%arg16 : memref<!tpu.dma_semaphore, #tpu.memory_space<semaphore_mem>>)
      } else {
      }
      %dma_wait3A_688 = arith.constant 1 : i32
      %dma_wait3A_689 = arith.constant 0 : i32
      %dma_wait3A_690 = arith.constant 0 : i32
      %dma_wait3A_691 = tpu.memref_slice %arg11[%dma_wait3A_688, %dma_wait3A_689, %dma_wait3A_690] : memref<2x512x64xbf16, #tpu.memory_space<vmem>> -> memref<1x512x64xbf16, #tpu.memory_space<vmem>>
      %dma_wait3A_692 = tpu.memref_squeeze %dma_wait3A_691 : memref<1x512x64xbf16, #tpu.memory_space<vmem>> -> memref<512x64xbf16, #tpu.memory_space<vmem>>
      %dma_wait3A_693 = arith.constant 0 : i32
      %dma_wait3A_694 = arith.constant 0 : i32
      %dma_wait3A_695 = tpu.memref_slice %arg2[%dma_wait3A_693, %dma_wait3A_694] : memref<696320x64xbf16, #tpu.memory_space<hbm>> -> memref<512x64xbf16, #tpu.memory_space<hbm>>
      %dma_wait3A_696 = arith.constant 0 : i32
      %dma_wait3A_697 = arith.constant 0 : i32
      %dma_wait3A_698 = tpu.memref_slice %arg11[%dma_wait3A_688, %dma_wait3A_696, %dma_wait3A_697] : memref<2x512x64xbf16, #tpu.memory_space<vmem>> -> memref<1x512x64xbf16, #tpu.memory_space<vmem>>
      %dma_wait3A_699 = tpu.memref_squeeze %dma_wait3A_698 : memref<1x512x64xbf16, #tpu.memory_space<vmem>> -> memref<512x64xbf16, #tpu.memory_space<vmem>>
      %dma_wait3A_700 = arith.constant 0 : i32
      %dma_wait3A_701 = arith.constant 0 : i32
      %dma_wait3A_702 = tpu.memref_slice %arg2[%dma_wait3A_700, %dma_wait3A_701] : memref<696320x64xbf16, #tpu.memory_space<hbm>> -> memref<512x64xbf16, #tpu.memory_space<hbm>>
      tpu.wait_dma2 semaphore(%arg15 : memref<!tpu.dma_semaphore, #tpu.memory_space<semaphore_mem>>) src(%dma_wait3A_702 : memref<512x64xbf16, #tpu.memory_space<hbm>>) dst(%dma_wait3A_699 : memref<512x64xbf16, #tpu.memory_space<vmem>>)
      %lt3A_703 = arith.constant 28 : i32
      %lt3A_704 = arith.cmpi slt, %scan3A_328, %lt3A_703 : i32
      %convert_element_type3A_705 = arith.extui %lt3A_704 : i1 to i32
      %cond3A_706 = arith.constant 0 : i32
      %cond3A_707 = arith.cmpi ne, %convert_element_type3A_705, %cond3A_706 : i32
      scf.if %cond3A_707 {
        %dma_wait3A_724 = arith.constant 0 : i32
        %dma_wait3A_725 = arith.constant 0 : i32
        %dma_wait3A_726 = arith.constant 0 : i32
        %dma_wait3A_727 = tpu.memref_slice %arg10[%dma_wait3A_724, %dma_wait3A_725, %dma_wait3A_726] : memref<2x4x128xi32, #tpu.memory_space<vmem>> -> memref<1x4x128xi32, #tpu.memory_space<vmem>>
        %dma_wait3A_728 = tpu.memref_squeeze %dma_wait3A_727 : memref<1x4x128xi32, #tpu.memory_space<vmem>> -> memref<4x128xi32, #tpu.memory_space<vmem>>
        %dma_wait3A_729 = arith.constant 0 : i32
        %dma_wait3A_730 = arith.constant 0 : i32
        %dma_wait3A_731 = tpu.memref_slice %dma_wait3A_728[%dma_wait3A_729, %dma_wait3A_730] : memref<4x128xi32, #tpu.memory_space<vmem>> -> memref<2x128xi32, #tpu.memory_space<vmem>>
        %dma_wait3A_732 = arith.constant 0 : i32
        %dma_wait3A_733 = arith.constant 0 : i32
        %dma_wait3A_734 = tpu.memref_slice %arg3[%dma_wait3A_732, %dma_wait3A_733] : memref<3712x128xi32, #tpu.memory_space<hbm>> -> memref<2x128xi32, #tpu.memory_space<hbm>>
        %dma_wait3A_735 = arith.constant 0 : i32
        %dma_wait3A_736 = arith.constant 0 : i32
        %dma_wait3A_737 = tpu.memref_slice %arg10[%dma_wait3A_724, %dma_wait3A_735, %dma_wait3A_736] : memref<2x4x128xi32, #tpu.memory_space<vmem>> -> memref<1x4x128xi32, #tpu.memory_space<vmem>>
        %dma_wait3A_738 = tpu.memref_squeeze %dma_wait3A_737 : memref<1x4x128xi32, #tpu.memory_space<vmem>> -> memref<4x128xi32, #tpu.memory_space<vmem>>
        %dma_wait3A_739 = arith.constant 0 : i32
        %dma_wait3A_740 = arith.constant 0 : i32
        %dma_wait3A_741 = tpu.memref_slice %dma_wait3A_738[%dma_wait3A_739, %dma_wait3A_740] : memref<4x128xi32, #tpu.memory_space<vmem>> -> memref<2x128xi32, #tpu.memory_space<vmem>>
        %dma_wait3A_742 = arith.constant 0 : i32
        %dma_wait3A_743 = arith.constant 0 : i32
        %dma_wait3A_744 = tpu.memref_slice %arg3[%dma_wait3A_742, %dma_wait3A_743] : memref<3712x128xi32, #tpu.memory_space<hbm>> -> memref<2x128xi32, #tpu.memory_space<hbm>>
        tpu.wait_dma2 semaphore(%arg16 : memref<!tpu.dma_semaphore, #tpu.memory_space<semaphore_mem>>) src(%dma_wait3A_744 : memref<2x128xi32, #tpu.memory_space<hbm>>) dst(%dma_wait3A_741 : memref<2x128xi32, #tpu.memory_space<vmem>>)
        %dma_wait3A_745 = arith.constant 0 : i32
        %dma_wait3A_746 = arith.constant 0 : i32
        %dma_wait3A_747 = arith.constant 0 : i32
        %dma_wait3A_748 = tpu.memref_slice %arg10[%dma_wait3A_745, %dma_wait3A_746, %dma_wait3A_747] : memref<2x4x128xi32, #tpu.memory_space<vmem>> -> memref<1x4x128xi32, #tpu.memory_space<vmem>>
        %dma_wait3A_749 = tpu.memref_squeeze %dma_wait3A_748 : memref<1x4x128xi32, #tpu.memory_space<vmem>> -> memref<4x128xi32, #tpu.memory_space<vmem>>
        %dma_wait3A_750 = arith.constant 2 : i32
        %dma_wait3A_751 = arith.constant 0 : i32
        %dma_wait3A_752 = tpu.memref_slice %dma_wait3A_749[%dma_wait3A_750, %dma_wait3A_751] : memref<4x128xi32, #tpu.memory_space<vmem>> -> memref<2x128xi32, #tpu.memory_space<vmem>>
        %dma_wait3A_753 = arith.constant 0 : i32
        %dma_wait3A_754 = arith.constant 0 : i32
        %dma_wait3A_755 = tpu.memref_slice %arg4[%dma_wait3A_753, %dma_wait3A_754] : memref<3712x128xi32, #tpu.memory_space<hbm>> -> memref<2x128xi32, #tpu.memory_space<hbm>>
        %dma_wait3A_756 = arith.constant 0 : i32
        %dma_wait3A_757 = arith.constant 0 : i32
        %dma_wait3A_758 = tpu.memref_slice %arg10[%dma_wait3A_745, %dma_wait3A_756, %dma_wait3A_757] : memref<2x4x128xi32, #tpu.memory_space<vmem>> -> memref<1x4x128xi32, #tpu.memory_space<vmem>>
        %dma_wait3A_759 = tpu.memref_squeeze %dma_wait3A_758 : memref<1x4x128xi32, #tpu.memory_space<vmem>> -> memref<4x128xi32, #tpu.memory_space<vmem>>
        %dma_wait3A_760 = arith.constant 2 : i32
        %dma_wait3A_761 = arith.constant 0 : i32
        %dma_wait3A_762 = tpu.memref_slice %dma_wait3A_759[%dma_wait3A_760, %dma_wait3A_761] : memref<4x128xi32, #tpu.memory_space<vmem>> -> memref<2x128xi32, #tpu.memory_space<vmem>>
        %dma_wait3A_763 = arith.constant 0 : i32
        %dma_wait3A_764 = arith.constant 0 : i32
        %dma_wait3A_765 = tpu.memref_slice %arg4[%dma_wait3A_763, %dma_wait3A_764] : memref<3712x128xi32, #tpu.memory_space<hbm>> -> memref<2x128xi32, #tpu.memory_space<hbm>>
        tpu.wait_dma2 semaphore(%arg16 : memref<!tpu.dma_semaphore, #tpu.memory_space<semaphore_mem>>) src(%dma_wait3A_765 : memref<2x128xi32, #tpu.memory_space<hbm>>) dst(%dma_wait3A_762 : memref<2x128xi32, #tpu.memory_space<vmem>>)
        %dma_wait3A_766 = arith.constant 0 : i32
        %dma_wait3A_767 = arith.constant 0 : i32
        %dma_wait3A_768 = arith.constant 0 : i32
        %dma_wait3A_769 = tpu.memref_slice %arg12[%dma_wait3A_766, %dma_wait3A_767, %dma_wait3A_768] : memref<2x8x128xf32, #tpu.memory_space<vmem>> -> memref<1x8x128xf32, #tpu.memory_space<vmem>>
        %dma_wait3A_770 = tpu.memref_squeeze %dma_wait3A_769 : memref<1x8x128xf32, #tpu.memory_space<vmem>> -> memref<8x128xf32, #tpu.memory_space<vmem>>
        %dma_wait3A_771 = arith.constant 0 : i32
        %dma_wait3A_772 = arith.constant 0 : i32
        %dma_wait3A_773 = tpu.memref_slice %dma_wait3A_770[%dma_wait3A_771, %dma_wait3A_772] : memref<8x128xf32, #tpu.memory_space<vmem>> -> memref<2x128xf32, #tpu.memory_space<vmem>>
        %dma_wait3A_774 = arith.constant 0 : i32
        %dma_wait3A_775 = arith.constant 0 : i32
        %dma_wait3A_776 = tpu.memref_slice %arg5[%dma_wait3A_774, %dma_wait3A_775] : memref<3712x128xf32, #tpu.memory_space<hbm>> -> memref<2x128xf32, #tpu.memory_space<hbm>>
        %dma_wait3A_777 = arith.constant 0 : i32
        %dma_wait3A_778 = arith.constant 0 : i32
        %dma_wait3A_779 = tpu.memref_slice %arg12[%dma_wait3A_766, %dma_wait3A_777, %dma_wait3A_778] : memref<2x8x128xf32, #tpu.memory_space<vmem>> -> memref<1x8x128xf32, #tpu.memory_space<vmem>>
        %dma_wait3A_780 = tpu.memref_squeeze %dma_wait3A_779 : memref<1x8x128xf32, #tpu.memory_space<vmem>> -> memref<8x128xf32, #tpu.memory_space<vmem>>
        %dma_wait3A_781 = arith.constant 0 : i32
        %dma_wait3A_782 = arith.constant 0 : i32
        %dma_wait3A_783 = tpu.memref_slice %dma_wait3A_780[%dma_wait3A_781, %dma_wait3A_782] : memref<8x128xf32, #tpu.memory_space<vmem>> -> memref<2x128xf32, #tpu.memory_space<vmem>>
        %dma_wait3A_784 = arith.constant 0 : i32
        %dma_wait3A_785 = arith.constant 0 : i32
        %dma_wait3A_786 = tpu.memref_slice %arg5[%dma_wait3A_784, %dma_wait3A_785] : memref<3712x128xf32, #tpu.memory_space<hbm>> -> memref<2x128xf32, #tpu.memory_space<hbm>>
        tpu.wait_dma2 semaphore(%arg16 : memref<!tpu.dma_semaphore, #tpu.memory_space<semaphore_mem>>) src(%dma_wait3A_786 : memref<2x128xf32, #tpu.memory_space<hbm>>) dst(%dma_wait3A_783 : memref<2x128xf32, #tpu.memory_space<vmem>>)
        %dma_wait3A_787 = arith.constant 0 : i32
        %dma_wait3A_788 = arith.constant 0 : i32
        %dma_wait3A_789 = arith.constant 0 : i32
        %dma_wait3A_790 = tpu.memref_slice %arg12[%dma_wait3A_787, %dma_wait3A_788, %dma_wait3A_789] : memref<2x8x128xf32, #tpu.memory_space<vmem>> -> memref<1x8x128xf32, #tpu.memory_space<vmem>>
        %dma_wait3A_791 = tpu.memref_squeeze %dma_wait3A_790 : memref<1x8x128xf32, #tpu.memory_space<vmem>> -> memref<8x128xf32, #tpu.memory_space<vmem>>
        %dma_wait3A_792 = arith.constant 2 : i32
        %dma_wait3A_793 = arith.constant 0 : i32
        %dma_wait3A_794 = tpu.memref_slice %dma_wait3A_791[%dma_wait3A_792, %dma_wait3A_793] : memref<8x128xf32, #tpu.memory_space<vmem>> -> memref<2x128xf32, #tpu.memory_space<vmem>>
        %dma_wait3A_795 = arith.constant 0 : i32
        %dma_wait3A_796 = arith.constant 0 : i32
        %dma_wait3A_797 = tpu.memref_slice %arg6[%dma_wait3A_795, %dma_wait3A_796] : memref<3712x128xf32, #tpu.memory_space<hbm>> -> memref<2x128xf32, #tpu.memory_space<hbm>>
        %dma_wait3A_798 = arith.constant 0 : i32
        %dma_wait3A_799 = arith.constant 0 : i32
        %dma_wait3A_800 = tpu.memref_slice %arg12[%dma_wait3A_787, %dma_wait3A_798, %dma_wait3A_799] : memref<2x8x128xf32, #tpu.memory_space<vmem>> -> memref<1x8x128xf32, #tpu.memory_space<vmem>>
        %dma_wait3A_801 = tpu.memref_squeeze %dma_wait3A_800 : memref<1x8x128xf32, #tpu.memory_space<vmem>> -> memref<8x128xf32, #tpu.memory_space<vmem>>
        %dma_wait3A_802 = arith.constant 2 : i32
        %dma_wait3A_803 = arith.constant 0 : i32
        %dma_wait3A_804 = tpu.memref_slice %dma_wait3A_801[%dma_wait3A_802, %dma_wait3A_803] : memref<8x128xf32, #tpu.memory_space<vmem>> -> memref<2x128xf32, #tpu.memory_space<vmem>>
        %dma_wait3A_805 = arith.constant 0 : i32
        %dma_wait3A_806 = arith.constant 0 : i32
        %dma_wait3A_807 = tpu.memref_slice %arg6[%dma_wait3A_805, %dma_wait3A_806] : memref<3712x128xf32, #tpu.memory_space<hbm>> -> memref<2x128xf32, #tpu.memory_space<hbm>>
        tpu.wait_dma2 semaphore(%arg16 : memref<!tpu.dma_semaphore, #tpu.memory_space<semaphore_mem>>) src(%dma_wait3A_807 : memref<2x128xf32, #tpu.memory_space<hbm>>) dst(%dma_wait3A_804 : memref<2x128xf32, #tpu.memory_space<vmem>>)
        %dma_wait3A_808 = arith.constant 0 : i32
        %dma_wait3A_809 = arith.constant 0 : i32
        %dma_wait3A_810 = arith.constant 0 : i32
        %dma_wait3A_811 = tpu.memref_slice %arg12[%dma_wait3A_808, %dma_wait3A_809, %dma_wait3A_810] : memref<2x8x128xf32, #tpu.memory_space<vmem>> -> memref<1x8x128xf32, #tpu.memory_space<vmem>>
        %dma_wait3A_812 = tpu.memref_squeeze %dma_wait3A_811 : memref<1x8x128xf32, #tpu.memory_space<vmem>> -> memref<8x128xf32, #tpu.memory_space<vmem>>
        %dma_wait3A_813 = arith.constant 4 : i32
        %dma_wait3A_814 = arith.constant 0 : i32
        %dma_wait3A_815 = tpu.memref_slice %dma_wait3A_812[%dma_wait3A_813, %dma_wait3A_814] : memref<8x128xf32, #tpu.memory_space<vmem>> -> memref<2x128xf32, #tpu.memory_space<vmem>>
        %dma_wait3A_816 = arith.constant 0 : i32
        %dma_wait3A_817 = arith.constant 0 : i32
        %dma_wait3A_818 = tpu.memref_slice %arg7[%dma_wait3A_816, %dma_wait3A_817] : memref<3712x128xf32, #tpu.memory_space<hbm>> -> memref<2x128xf32, #tpu.memory_space<hbm>>
        %dma_wait3A_819 = arith.constant 0 : i32
        %dma_wait3A_820 = arith.constant 0 : i32
        %dma_wait3A_821 = tpu.memref_slice %arg12[%dma_wait3A_808, %dma_wait3A_819, %dma_wait3A_820] : memref<2x8x128xf32, #tpu.memory_space<vmem>> -> memref<1x8x128xf32, #tpu.memory_space<vmem>>
        %dma_wait3A_822 = tpu.memref_squeeze %dma_wait3A_821 : memref<1x8x128xf32, #tpu.memory_space<vmem>> -> memref<8x128xf32, #tpu.memory_space<vmem>>
        %dma_wait3A_823 = arith.constant 4 : i32
        %dma_wait3A_824 = arith.constant 0 : i32
        %dma_wait3A_825 = tpu.memref_slice %dma_wait3A_822[%dma_wait3A_823, %dma_wait3A_824] : memref<8x128xf32, #tpu.memory_space<vmem>> -> memref<2x128xf32, #tpu.memory_space<vmem>>
        %dma_wait3A_826 = arith.constant 0 : i32
        %dma_wait3A_827 = arith.constant 0 : i32
        %dma_wait3A_828 = tpu.memref_slice %arg7[%dma_wait3A_826, %dma_wait3A_827] : memref<3712x128xf32, #tpu.memory_space<hbm>> -> memref<2x128xf32, #tpu.memory_space<hbm>>
        tpu.wait_dma2 semaphore(%arg16 : memref<!tpu.dma_semaphore, #tpu.memory_space<semaphore_mem>>) src(%dma_wait3A_828 : memref<2x128xf32, #tpu.memory_space<hbm>>) dst(%dma_wait3A_825 : memref<2x128xf32, #tpu.memory_space<vmem>>)
        %dma_wait3A_829 = arith.constant 0 : i32
        %dma_wait3A_830 = arith.constant 0 : i32
        %dma_wait3A_831 = arith.constant 0 : i32
        %dma_wait3A_832 = tpu.memref_slice %arg12[%dma_wait3A_829, %dma_wait3A_830, %dma_wait3A_831] : memref<2x8x128xf32, #tpu.memory_space<vmem>> -> memref<1x8x128xf32, #tpu.memory_space<vmem>>
        %dma_wait3A_833 = tpu.memref_squeeze %dma_wait3A_832 : memref<1x8x128xf32, #tpu.memory_space<vmem>> -> memref<8x128xf32, #tpu.memory_space<vmem>>
        %dma_wait3A_834 = arith.constant 6 : i32
        %dma_wait3A_835 = arith.constant 0 : i32
        %dma_wait3A_836 = tpu.memref_slice %dma_wait3A_833[%dma_wait3A_834, %dma_wait3A_835] : memref<8x128xf32, #tpu.memory_space<vmem>> -> memref<2x128xf32, #tpu.memory_space<vmem>>
        %dma_wait3A_837 = arith.constant 0 : i32
        %dma_wait3A_838 = arith.constant 0 : i32
        %dma_wait3A_839 = tpu.memref_slice %arg8[%dma_wait3A_837, %dma_wait3A_838] : memref<3712x128xf32, #tpu.memory_space<hbm>> -> memref<2x128xf32, #tpu.memory_space<hbm>>
        %dma_wait3A_840 = arith.constant 0 : i32
        %dma_wait3A_841 = arith.constant 0 : i32
        %dma_wait3A_842 = tpu.memref_slice %arg12[%dma_wait3A_829, %dma_wait3A_840, %dma_wait3A_841] : memref<2x8x128xf32, #tpu.memory_space<vmem>> -> memref<1x8x128xf32, #tpu.memory_space<vmem>>
        %dma_wait3A_843 = tpu.memref_squeeze %dma_wait3A_842 : memref<1x8x128xf32, #tpu.memory_space<vmem>> -> memref<8x128xf32, #tpu.memory_space<vmem>>
        %dma_wait3A_844 = arith.constant 6 : i32
        %dma_wait3A_845 = arith.constant 0 : i32
        %dma_wait3A_846 = tpu.memref_slice %dma_wait3A_843[%dma_wait3A_844, %dma_wait3A_845] : memref<8x128xf32, #tpu.memory_space<vmem>> -> memref<2x128xf32, #tpu.memory_space<vmem>>
        %dma_wait3A_847 = arith.constant 0 : i32
        %dma_wait3A_848 = arith.constant 0 : i32
        %dma_wait3A_849 = tpu.memref_slice %arg8[%dma_wait3A_847, %dma_wait3A_848] : memref<3712x128xf32, #tpu.memory_space<hbm>> -> memref<2x128xf32, #tpu.memory_space<hbm>>
        tpu.wait_dma2 semaphore(%arg16 : memref<!tpu.dma_semaphore, #tpu.memory_space<semaphore_mem>>) src(%dma_wait3A_849 : memref<2x128xf32, #tpu.memory_space<hbm>>) dst(%dma_wait3A_846 : memref<2x128xf32, #tpu.memory_space<vmem>>)
        %dma_start3A_850 = arith.constant 0 : i32
        %dma_start3A_851 = arith.constant 0 : i32
        %dma_start3A_852 = arith.constant 0 : i32
        %dma_start3A_853 = arith.constant 0 : i32
        %dma_start3A_854 = arith.constant 0 : i32
        %dma_start3A_855 = tpu.memref_slice %arg11[%dma_start3A_852, %dma_start3A_853, %dma_start3A_854] : memref<2x512x64xbf16, #tpu.memory_space<vmem>> -> memref<1x512x64xbf16, #tpu.memory_space<vmem>>
        %dma_start3A_856 = tpu.memref_squeeze %dma_start3A_855 : memref<1x512x64xbf16, #tpu.memory_space<vmem>> -> memref<512x64xbf16, #tpu.memory_space<vmem>>
        %dma_start3A_857 = arith.constant 0 : i32
        %dma_start3A_858 = arith.constant 0 : i32
        %dma_start3A_859 = tpu.memref_slice %dma_start3A_856[%dma_start3A_857, %dma_start3A_858] : memref<512x64xbf16, #tpu.memory_space<vmem>> -> memref<128x64xbf16, #tpu.memory_space<vmem>>
        %dma_start3A_860 = arith.constant 0 : i32
        %dma_start3A_861 = arith.constant 0 : i32
        %dma_start3A_862 = tpu.memref_slice %arg10[%dma_start3A_850, %dma_start3A_860, %dma_start3A_861] : memref<2x4x128xi32, #tpu.memory_space<vmem>> -> memref<1x4x128xi32, #tpu.memory_space<vmem>>
        %dma_start3A_863 = tpu.memref_squeeze %dma_start3A_862 : memref<1x4x128xi32, #tpu.memory_space<vmem>> -> memref<4x128xi32, #tpu.memory_space<vmem>>
        %dma_start3A_864 = arith.constant 0 : i32
        %dma_start3A_865 = tpu.memref_slice %dma_start3A_863[%dma_start3A_851, %dma_start3A_864] : memref<4x128xi32, #tpu.memory_space<vmem>> -> memref<1x128xi32, #tpu.memory_space<vmem>>
        %dma_start3A_866 = tpu.memref_squeeze %dma_start3A_865 : memref<1x128xi32, #tpu.memory_space<vmem>> -> memref<128xi32, #tpu.memory_space<vmem>>
        %dma_start3A_867 = arith.constant 0 : i32
        %dma_start3A_868 = arith.constant 0 : i32
        %dma_start3A_869 = tpu.memref_slice %arg2[%dma_start3A_867, %dma_start3A_868] : memref<696320x64xbf16, #tpu.memory_space<hbm>> -> memref<696320x64xbf16, #tpu.memory_space<hbm>>
        tpu.enqueue_indirect_dma source(%dma_start3A_869 : memref<696320x64xbf16, #tpu.memory_space<hbm>>) target(%dma_start3A_859 : memref<128x64xbf16, #tpu.memory_space<vmem>>) offsets(%dma_start3A_866 : memref<128xi32, #tpu.memory_space<vmem>>) semaphore(%arg14 : memref<!tpu.dma_semaphore, #tpu.memory_space<semaphore_mem>>)
        %dma_start3A_870 = arith.constant 0 : i32
        %dma_start3A_871 = arith.constant 1 : i32
        %dma_start3A_872 = arith.constant 0 : i32
        %dma_start3A_873 = arith.constant 0 : i32
        %dma_start3A_874 = arith.constant 0 : i32
        %dma_start3A_875 = tpu.memref_slice %arg11[%dma_start3A_872, %dma_start3A_873, %dma_start3A_874] : memref<2x512x64xbf16, #tpu.memory_space<vmem>> -> memref<1x512x64xbf16, #tpu.memory_space<vmem>>
        %dma_start3A_876 = tpu.memref_squeeze %dma_start3A_875 : memref<1x512x64xbf16, #tpu.memory_space<vmem>> -> memref<512x64xbf16, #tpu.memory_space<vmem>>
        %dma_start3A_877 = arith.constant 128 : i32
        %dma_start3A_878 = arith.constant 0 : i32
        %dma_start3A_879 = tpu.memref_slice %dma_start3A_876[%dma_start3A_877, %dma_start3A_878] : memref<512x64xbf16, #tpu.memory_space<vmem>> -> memref<128x64xbf16, #tpu.memory_space<vmem>>
        %dma_start3A_880 = arith.constant 0 : i32
        %dma_start3A_881 = arith.constant 0 : i32
        %dma_start3A_882 = tpu.memref_slice %arg10[%dma_start3A_870, %dma_start3A_880, %dma_start3A_881] : memref<2x4x128xi32, #tpu.memory_space<vmem>> -> memref<1x4x128xi32, #tpu.memory_space<vmem>>
        %dma_start3A_883 = tpu.memref_squeeze %dma_start3A_882 : memref<1x4x128xi32, #tpu.memory_space<vmem>> -> memref<4x128xi32, #tpu.memory_space<vmem>>
        %dma_start3A_884 = arith.constant 0 : i32
        %dma_start3A_885 = tpu.memref_slice %dma_start3A_883[%dma_start3A_871, %dma_start3A_884] : memref<4x128xi32, #tpu.memory_space<vmem>> -> memref<1x128xi32, #tpu.memory_space<vmem>>
        %dma_start3A_886 = tpu.memref_squeeze %dma_start3A_885 : memref<1x128xi32, #tpu.memory_space<vmem>> -> memref<128xi32, #tpu.memory_space<vmem>>
        %dma_start3A_887 = arith.constant 0 : i32
        %dma_start3A_888 = arith.constant 0 : i32
        %dma_start3A_889 = tpu.memref_slice %arg2[%dma_start3A_887, %dma_start3A_888] : memref<696320x64xbf16, #tpu.memory_space<hbm>> -> memref<696320x64xbf16, #tpu.memory_space<hbm>>
        tpu.enqueue_indirect_dma source(%dma_start3A_889 : memref<696320x64xbf16, #tpu.memory_space<hbm>>) target(%dma_start3A_879 : memref<128x64xbf16, #tpu.memory_space<vmem>>) offsets(%dma_start3A_886 : memref<128xi32, #tpu.memory_space<vmem>>) semaphore(%arg14 : memref<!tpu.dma_semaphore, #tpu.memory_space<semaphore_mem>>)
        %dma_start3A_890 = arith.constant 0 : i32
        %dma_start3A_891 = arith.constant 2 : i32
        %dma_start3A_892 = arith.constant 0 : i32
        %dma_start3A_893 = arith.constant 0 : i32
        %dma_start3A_894 = arith.constant 0 : i32
        %dma_start3A_895 = tpu.memref_slice %arg11[%dma_start3A_892, %dma_start3A_893, %dma_start3A_894] : memref<2x512x64xbf16, #tpu.memory_space<vmem>> -> memref<1x512x64xbf16, #tpu.memory_space<vmem>>
        %dma_start3A_896 = tpu.memref_squeeze %dma_start3A_895 : memref<1x512x64xbf16, #tpu.memory_space<vmem>> -> memref<512x64xbf16, #tpu.memory_space<vmem>>
        %dma_start3A_897 = arith.constant 256 : i32
        %dma_start3A_898 = arith.constant 0 : i32
        %dma_start3A_899 = tpu.memref_slice %dma_start3A_896[%dma_start3A_897, %dma_start3A_898] : memref<512x64xbf16, #tpu.memory_space<vmem>> -> memref<128x64xbf16, #tpu.memory_space<vmem>>
        %dma_start3A_900 = arith.constant 0 : i32
        %dma_start3A_901 = arith.constant 0 : i32
        %dma_start3A_902 = tpu.memref_slice %arg10[%dma_start3A_890, %dma_start3A_900, %dma_start3A_901] : memref<2x4x128xi32, #tpu.memory_space<vmem>> -> memref<1x4x128xi32, #tpu.memory_space<vmem>>
        %dma_start3A_903 = tpu.memref_squeeze %dma_start3A_902 : memref<1x4x128xi32, #tpu.memory_space<vmem>> -> memref<4x128xi32, #tpu.memory_space<vmem>>
        %dma_start3A_904 = arith.constant 0 : i32
        %dma_start3A_905 = tpu.memref_slice %dma_start3A_903[%dma_start3A_891, %dma_start3A_904] : memref<4x128xi32, #tpu.memory_space<vmem>> -> memref<1x128xi32, #tpu.memory_space<vmem>>
        %dma_start3A_906 = tpu.memref_squeeze %dma_start3A_905 : memref<1x128xi32, #tpu.memory_space<vmem>> -> memref<128xi32, #tpu.memory_space<vmem>>
        %dma_start3A_907 = arith.constant 0 : i32
        %dma_start3A_908 = arith.constant 0 : i32
        %dma_start3A_909 = tpu.memref_slice %arg2[%dma_start3A_907, %dma_start3A_908] : memref<696320x64xbf16, #tpu.memory_space<hbm>> -> memref<696320x64xbf16, #tpu.memory_space<hbm>>
        tpu.enqueue_indirect_dma source(%dma_start3A_909 : memref<696320x64xbf16, #tpu.memory_space<hbm>>) target(%dma_start3A_899 : memref<128x64xbf16, #tpu.memory_space<vmem>>) offsets(%dma_start3A_906 : memref<128xi32, #tpu.memory_space<vmem>>) semaphore(%arg14 : memref<!tpu.dma_semaphore, #tpu.memory_space<semaphore_mem>>)
        %dma_start3A_910 = arith.constant 0 : i32
        %dma_start3A_911 = arith.constant 3 : i32
        %dma_start3A_912 = arith.constant 0 : i32
        %dma_start3A_913 = arith.constant 0 : i32
        %dma_start3A_914 = arith.constant 0 : i32
        %dma_start3A_915 = tpu.memref_slice %arg11[%dma_start3A_912, %dma_start3A_913, %dma_start3A_914] : memref<2x512x64xbf16, #tpu.memory_space<vmem>> -> memref<1x512x64xbf16, #tpu.memory_space<vmem>>
        %dma_start3A_916 = tpu.memref_squeeze %dma_start3A_915 : memref<1x512x64xbf16, #tpu.memory_space<vmem>> -> memref<512x64xbf16, #tpu.memory_space<vmem>>
        %dma_start3A_917 = arith.constant 384 : i32
        %dma_start3A_918 = arith.constant 0 : i32
        %dma_start3A_919 = tpu.memref_slice %dma_start3A_916[%dma_start3A_917, %dma_start3A_918] : memref<512x64xbf16, #tpu.memory_space<vmem>> -> memref<128x64xbf16, #tpu.memory_space<vmem>>
        %dma_start3A_920 = arith.constant 0 : i32
        %dma_start3A_921 = arith.constant 0 : i32
        %dma_start3A_922 = tpu.memref_slice %arg10[%dma_start3A_910, %dma_start3A_920, %dma_start3A_921] : memref<2x4x128xi32, #tpu.memory_space<vmem>> -> memref<1x4x128xi32, #tpu.memory_space<vmem>>
        %dma_start3A_923 = tpu.memref_squeeze %dma_start3A_922 : memref<1x4x128xi32, #tpu.memory_space<vmem>> -> memref<4x128xi32, #tpu.memory_space<vmem>>
        %dma_start3A_924 = arith.constant 0 : i32
        %dma_start3A_925 = tpu.memref_slice %dma_start3A_923[%dma_start3A_911, %dma_start3A_924] : memref<4x128xi32, #tpu.memory_space<vmem>> -> memref<1x128xi32, #tpu.memory_space<vmem>>
        %dma_start3A_926 = tpu.memref_squeeze %dma_start3A_925 : memref<1x128xi32, #tpu.memory_space<vmem>> -> memref<128xi32, #tpu.memory_space<vmem>>
        %dma_start3A_927 = arith.constant 0 : i32
        %dma_start3A_928 = arith.constant 0 : i32
        %dma_start3A_929 = tpu.memref_slice %arg2[%dma_start3A_927, %dma_start3A_928] : memref<696320x64xbf16, #tpu.memory_space<hbm>> -> memref<696320x64xbf16, #tpu.memory_space<hbm>>
        tpu.enqueue_indirect_dma source(%dma_start3A_929 : memref<696320x64xbf16, #tpu.memory_space<hbm>>) target(%dma_start3A_919 : memref<128x64xbf16, #tpu.memory_space<vmem>>) offsets(%dma_start3A_926 : memref<128xi32, #tpu.memory_space<vmem>>) semaphore(%arg14 : memref<!tpu.dma_semaphore, #tpu.memory_space<semaphore_mem>>)
      } else {
      }
      %add3A_708 = arith.constant 1 : i32
      %add3A_709 = arith.addi %mul3A_330, %add3A_708 : i32
      %scan3A_710 = arith.constant 0 : i32
      %scan3A_711 = arith.constant 1 : i32
      %scan3A_712 = arith.constant 1 : i32
      %scan3A_713 = arith.constant 0 : i32
      %scan3A_714 = arith.constant 16 : i32
      %scan3A_715 = arith.addi %scan3A_713, %scan3A_714 : i32
      %scan3A_716 = arith.constant 1 : i32
      scf.for %scan3A_724 = %scan3A_713 to %scan3A_715 step %scan3A_716  : i32 {
        %jit3A = arith.constant 8 : i32
        %div3A = arith.divsi %scan3A_724, %jit3A : i32
        %sign3A = arith.constant 0 : i32
        %sign3A_725 = arith.cmpi sgt, %scan3A_724, %sign3A : i32
        %sign3A_726 = arith.extui %sign3A_725 : i1 to i32
        %sign3A_727 = arith.constant 0 : i32
        %sign3A_728 = arith.cmpi slt, %scan3A_724, %sign3A_727 : i32
        %sign3A_729 = arith.extui %sign3A_728 : i1 to i32
        %sign3A_730 = arith.subi %sign3A_726, %sign3A_729 : i32
        %sign3A_731 = arith.constant 0 : i32
        %sign3A_732 = arith.cmpi sgt, %jit3A, %sign3A_731 : i32
        %sign3A_733 = arith.extui %sign3A_732 : i1 to i32
        %sign3A_734 = arith.constant 0 : i32
        %sign3A_735 = arith.cmpi slt, %jit3A, %sign3A_734 : i32
        %sign3A_736 = arith.extui %sign3A_735 : i1 to i32
        %sign3A_737 = arith.subi %sign3A_733, %sign3A_736 : i32
        %ne3A = arith.cmpi ne, %sign3A_730, %sign3A_737 : i32
        %rem3A = arith.remsi %scan3A_724, %jit3A : i32
        %ne3A_738 = arith.constant 0 : i32
        %ne3A_739 = arith.cmpi ne, %rem3A, %ne3A_738 : i32
        %and3A = arith.andi %ne3A, %ne3A_739 : i1
        %sub3A = arith.constant 1 : i32
        %sub3A_740 = arith.subi %div3A, %sub3A : i32
        %select_n3A = arith.select %and3A, %sub3A_740, %div3A : i32
        %mul3A_741 = arith.constant 8 : i32
        %mul3A_742 = arith.muli %select_n3A, %mul3A_741 : i32
        %sub3A_743 = arith.subi %scan3A_724, %mul3A_742 : i32
        %mul3A_744 = arith.constant 16 : i32
        %mul3A_745 = arith.muli %sub3A_743, %mul3A_744 : i32
        %broadcast_in_dim3A = arith.constant 0.000000e+00 : f32
        %broadcast_in_dim3A_746 = vector.broadcast %broadcast_in_dim3A : f32 to vector<16xf32>
        %broadcast_in_dim3A_747 = arith.constant 0.000000e+00 : f32
        %broadcast_in_dim3A_748 = vector.broadcast %broadcast_in_dim3A_747 : f32 to vector<16xf32>
        %add3A_749 = arith.constant 0 : i32
        %add3A_750 = arith.addi %add3A_749, %select_n3A : i32
        %add3A_751 = arith.constant 0 : i32
        %add3A_752 = arith.addi %add3A_751, %select_n3A : i32
        %get3A = arith.constant 0 : i32
        %get3A_753 = arith.constant 0 : i32
        %get3A_754 = tpu.memref_slice %arg12[%scan3A_711, %get3A, %get3A_753] : memref<2x8x128xf32, #tpu.memory_space<vmem>> -> memref<1x8x128xf32, #tpu.memory_space<vmem>>
        %get3A_755 = tpu.memref_squeeze %get3A_754 : memref<1x8x128xf32, #tpu.memory_space<vmem>> -> memref<8x128xf32, #tpu.memory_space<vmem>>
        %get3A_756 = arith.index_cast %add3A_752 : i32 to index
        %get3A_757 = arith.index_cast %mul3A_745 : i32 to index
        %get3A_758 = tpu.vector_load %get3A_755[%get3A_756, %get3A_757] {strides = array<i32>} : memref<8x128xf32, #tpu.memory_space<vmem>>, vector<16xf32>,
        %add3A_759 = arith.constant 2 : i32
        %add3A_760 = arith.addi %add3A_759, %select_n3A : i32
        %get3A_761 = arith.constant 0 : i32
        %get3A_762 = arith.constant 0 : i32
        %get3A_763 = tpu.memref_slice %arg12[%scan3A_711, %get3A_761, %get3A_762] : memref<2x8x128xf32, #tpu.memory_space<vmem>> -> memref<1x8x128xf32, #tpu.memory_space<vmem>>
        %get3A_764 = tpu.memref_squeeze %get3A_763 : memref<1x8x128xf32, #tpu.memory_space<vmem>> -> memref<8x128xf32, #tpu.memory_space<vmem>>
        %get3A_765 = arith.index_cast %add3A_760 : i32 to index
        %get3A_766 = arith.index_cast %mul3A_745 : i32 to index
        %get3A_767 = tpu.vector_load %get3A_764[%get3A_765, %get3A_766] {strides = array<i32>} : memref<8x128xf32, #tpu.memory_space<vmem>>, vector<16xf32>,
        %mul3A_768 = arith.constant 128 : i32
        %mul3A_769 = arith.muli %add3A_750, %mul3A_768 : i32
        %add3A_770 = arith.addi %mul3A_769, %mul3A_745 : i32
        %add3A_771 = arith.constant 0 : i32
        %add3A_772 = arith.addi %add3A_770, %add3A_771 : i32
        %get3A_773 = arith.constant 0 : i32
        %get3A_774 = arith.constant 0 : i32
        %get3A_775 = tpu.memref_slice %arg11[%scan3A_712, %get3A_773, %get3A_774] : memref<2x512x64xbf16, #tpu.memory_space<vmem>> -> memref<1x512x64xbf16, #tpu.memory_space<vmem>>
        %get3A_776 = tpu.memref_squeeze %get3A_775 : memref<1x512x64xbf16, #tpu.memory_space<vmem>> -> memref<512x64xbf16, #tpu.memory_space<vmem>>
        %get3A_777 = arith.index_cast %add3A_772 : i32 to index
        %get3A_778 = arith.constant 0 : index
        %get3A_779 = tpu.vector_load %get3A_776[%get3A_777, %get3A_778] {strides = array<i32>} : memref<512x64xbf16, #tpu.memory_space<vmem>>, vector<32xbf16>,
        %unpack3A = tpu.unpack_subelements %get3A_779, 0 {pack_format = #tpu.pack_format<interleaved>} : vector<32xbf16> -> vector<16xf32>
        %unpack3A_780 = tpu.unpack_subelements %get3A_779, 1 {pack_format = #tpu.pack_format<interleaved>} : vector<32xbf16> -> vector<16xf32>
        %add3A_781 = arith.constant 0 : i32
        %add3A_782 = arith.addi %add3A_770, %add3A_781 : i32
        %get3A_783 = arith.constant 0 : i32
        %get3A_784 = arith.constant 0 : i32
        %get3A_785 = tpu.memref_slice %arg11[%scan3A_712, %get3A_783, %get3A_784] : memref<2x512x64xbf16, #tpu.memory_space<vmem>> -> memref<1x512x64xbf16, #tpu.memory_space<vmem>>
        %get3A_786 = tpu.memref_squeeze %get3A_785 : memref<1x512x64xbf16, #tpu.memory_space<vmem>> -> memref<512x64xbf16, #tpu.memory_space<vmem>>
        %get3A_787 = arith.index_cast %add3A_782 : i32 to index
        %get3A_788 = arith.constant 32 : index
        %get3A_789 = tpu.vector_load %get3A_786[%get3A_787, %get3A_788] {strides = array<i32>} : memref<512x64xbf16, #tpu.memory_space<vmem>>, vector<32xbf16>,
        %unpack3A_790 = tpu.unpack_subelements %get3A_789, 0 {pack_format = #tpu.pack_format<interleaved>} : vector<32xbf16> -> vector<16xf32>
        %unpack3A_791 = tpu.unpack_subelements %get3A_789, 1 {pack_format = #tpu.pack_format<interleaved>} : vector<32xbf16> -> vector<16xf32>
        %slice3A = vector.extract_strided_slice %get3A_758 {offsets = [0], sizes = [1], strides = [1]} : vector<16xf32> to vector<1xf32>
        %squeeze3A = vector.extract %slice3A[0] : f32 from vector<1xf32>
        %slice3A_792 = vector.extract_strided_slice %get3A_767 {offsets = [0], sizes = [1], strides = [1]} : vector<16xf32> to vector<1xf32>
        %squeeze3A_793 = vector.extract %slice3A_792[0] : f32 from vector<1xf32>
        %mul3A_794 = vector.broadcast %squeeze3A : f32 to vector<16xf32>
        %mul3A_795 = arith.mulf %mul3A_794, %unpack3A : vector<16xf32>
        %add3A_796 = arith.addf %broadcast_in_dim3A_746, %mul3A_795 : vector<16xf32>
        %mul3A_797 = vector.broadcast %squeeze3A_793 : f32 to vector<16xf32>
        %mul3A_798 = arith.mulf %mul3A_797, %unpack3A_790 : vector<16xf32>
        %add3A_799 = arith.addf %add3A_796, %mul3A_798 : vector<16xf32>
        %mul3A_800 = vector.broadcast %squeeze3A : f32 to vector<16xf32>
        %mul3A_801 = arith.mulf %mul3A_800, %unpack3A_780 : vector<16xf32>
        %add3A_802 = arith.addf %broadcast_in_dim3A_748, %mul3A_801 : vector<16xf32>
        %mul3A_803 = vector.broadcast %squeeze3A_793 : f32 to vector<16xf32>
        %mul3A_804 = arith.mulf %mul3A_803, %unpack3A_791 : vector<16xf32>
        %add3A_805 = arith.addf %add3A_802, %mul3A_804 : vector<16xf32>
        %add3A_806 = arith.constant 1 : i32
        %add3A_807 = arith.addi %add3A_770, %add3A_806 : i32
        %get3A_808 = arith.constant 0 : i32
        %get3A_809 = arith.constant 0 : i32
        %get3A_810 = tpu.memref_slice %arg11[%scan3A_712, %get3A_808, %get3A_809] : memref<2x512x64xbf16, #tpu.memory_space<vmem>> -> memref<1x512x64xbf16, #tpu.memory_space<vmem>>
        %get3A_811 = tpu.memref_squeeze %get3A_810 : memref<1x512x64xbf16, #tpu.memory_space<vmem>> -> memref<512x64xbf16, #tpu.memory_space<vmem>>
        %get3A_812 = arith.index_cast %add3A_807 : i32 to index
        %get3A_813 = arith.constant 0 : index
        %get3A_814 = tpu.vector_load %get3A_811[%get3A_812, %get3A_813] {strides = array<i32>} : memref<512x64xbf16, #tpu.memory_space<vmem>>, vector<32xbf16>,
        %unpack3A_815 = tpu.unpack_subelements %get3A_814, 0 {pack_format = #tpu.pack_format<interleaved>} : vector<32xbf16> -> vector<16xf32>
        %unpack3A_816 = tpu.unpack_subelements %get3A_814, 1 {pack_format = #tpu.pack_format<interleaved>} : vector<32xbf16> -> vector<16xf32>
        %add3A_817 = arith.constant 1 : i32
        %add3A_818 = arith.addi %add3A_770, %add3A_817 : i32
        %get3A_819 = arith.constant 0 : i32
        %get3A_820 = arith.constant 0 : i32
        %get3A_821 = tpu.memref_slice %arg11[%scan3A_712, %get3A_819, %get3A_820] : memref<2x512x64xbf16, #tpu.memory_space<vmem>> -> memref<1x512x64xbf16, #tpu.memory_space<vmem>>
        %get3A_822 = tpu.memref_squeeze %get3A_821 : memref<1x512x64xbf16, #tpu.memory_space<vmem>> -> memref<512x64xbf16, #tpu.memory_space<vmem>>
        %get3A_823 = arith.index_cast %add3A_818 : i32 to index
        %get3A_824 = arith.constant 32 : index
        %get3A_825 = tpu.vector_load %get3A_822[%get3A_823, %get3A_824] {strides = array<i32>} : memref<512x64xbf16, #tpu.memory_space<vmem>>, vector<32xbf16>,
        %unpack3A_826 = tpu.unpack_subelements %get3A_825, 0 {pack_format = #tpu.pack_format<interleaved>} : vector<32xbf16> -> vector<16xf32>
        %unpack3A_827 = tpu.unpack_subelements %get3A_825, 1 {pack_format = #tpu.pack_format<interleaved>} : vector<32xbf16> -> vector<16xf32>
        %slice3A_828 = vector.extract_strided_slice %get3A_758 {offsets = [1], sizes = [1], strides = [1]} : vector<16xf32> to vector<1xf32>
        %squeeze3A_829 = vector.extract %slice3A_828[0] : f32 from vector<1xf32>
        %slice3A_830 = vector.extract_strided_slice %get3A_767 {offsets = [1], sizes = [1], strides = [1]} : vector<16xf32> to vector<1xf32>
        %squeeze3A_831 = vector.extract %slice3A_830[0] : f32 from vector<1xf32>
        %mul3A_832 = vector.broadcast %squeeze3A_829 : f32 to vector<16xf32>
        %mul3A_833 = arith.mulf %mul3A_832, %unpack3A_815 : vector<16xf32>
        %add3A_834 = arith.addf %add3A_799, %mul3A_833 : vector<16xf32>
        %mul3A_835 = vector.broadcast %squeeze3A_831 : f32 to vector<16xf32>
        %mul3A_836 = arith.mulf %mul3A_835, %unpack3A_826 : vector<16xf32>
        %add3A_837 = arith.addf %add3A_834, %mul3A_836 : vector<16xf32>
        %mul3A_838 = vector.broadcast %squeeze3A_829 : f32 to vector<16xf32>
        %mul3A_839 = arith.mulf %mul3A_838, %unpack3A_816 : vector<16xf32>
        %add3A_840 = arith.addf %add3A_805, %mul3A_839 : vector<16xf32>
        %mul3A_841 = vector.broadcast %squeeze3A_831 : f32 to vector<16xf32>
        %mul3A_842 = arith.mulf %mul3A_841, %unpack3A_827 : vector<16xf32>
        %add3A_843 = arith.addf %add3A_840, %mul3A_842 : vector<16xf32>
        %add3A_844 = arith.constant 2 : i32
        %add3A_845 = arith.addi %add3A_770, %add3A_844 : i32
        %get3A_846 = arith.constant 0 : i32
        %get3A_847 = arith.constant 0 : i32
        %get3A_848 = tpu.memref_slice %arg11[%scan3A_712, %get3A_846, %get3A_847] : memref<2x512x64xbf16, #tpu.memory_space<vmem>> -> memref<1x512x64xbf16, #tpu.memory_space<vmem>>
        %get3A_849 = tpu.memref_squeeze %get3A_848 : memref<1x512x64xbf16, #tpu.memory_space<vmem>> -> memref<512x64xbf16, #tpu.memory_space<vmem>>
        %get3A_850 = arith.index_cast %add3A_845 : i32 to index
        %get3A_851 = arith.constant 0 : index
        %get3A_852 = tpu.vector_load %get3A_849[%get3A_850, %get3A_851] {strides = array<i32>} : memref<512x64xbf16, #tpu.memory_space<vmem>>, vector<32xbf16>,
        %unpack3A_853 = tpu.unpack_subelements %get3A_852, 0 {pack_format = #tpu.pack_format<interleaved>} : vector<32xbf16> -> vector<16xf32>
        %unpack3A_854 = tpu.unpack_subelements %get3A_852, 1 {pack_format = #tpu.pack_format<interleaved>} : vector<32xbf16> -> vector<16xf32>
        %add3A_855 = arith.constant 2 : i32
        %add3A_856 = arith.addi %add3A_770, %add3A_855 : i32
        %get3A_857 = arith.constant 0 : i32
        %get3A_858 = arith.constant 0 : i32
        %get3A_859 = tpu.memref_slice %arg11[%scan3A_712, %get3A_857, %get3A_858] : memref<2x512x64xbf16, #tpu.memory_space<vmem>> -> memref<1x512x64xbf16, #tpu.memory_space<vmem>>
        %get3A_860 = tpu.memref_squeeze %get3A_859 : memref<1x512x64xbf16, #tpu.memory_space<vmem>> -> memref<512x64xbf16, #tpu.memory_space<vmem>>
        %get3A_861 = arith.index_cast %add3A_856 : i32 to index
        %get3A_862 = arith.constant 32 : index
        %get3A_863 = tpu.vector_load %get3A_860[%get3A_861, %get3A_862] {strides = array<i32>} : memref<512x64xbf16, #tpu.memory_space<vmem>>, vector<32xbf16>,
        %unpack3A_864 = tpu.unpack_subelements %get3A_863, 0 {pack_format = #tpu.pack_format<interleaved>} : vector<32xbf16> -> vector<16xf32>
        %unpack3A_865 = tpu.unpack_subelements %get3A_863, 1 {pack_format = #tpu.pack_format<interleaved>} : vector<32xbf16> -> vector<16xf32>
        %slice3A_866 = vector.extract_strided_slice %get3A_758 {offsets = [2], sizes = [1], strides = [1]} : vector<16xf32> to vector<1xf32>
        %squeeze3A_867 = vector.extract %slice3A_866[0] : f32 from vector<1xf32>
        %slice3A_868 = vector.extract_strided_slice %get3A_767 {offsets = [2], sizes = [1], strides = [1]} : vector<16xf32> to vector<1xf32>
        %squeeze3A_869 = vector.extract %slice3A_868[0] : f32 from vector<1xf32>
        %mul3A_870 = vector.broadcast %squeeze3A_867 : f32 to vector<16xf32>
        %mul3A_871 = arith.mulf %mul3A_870, %unpack3A_853 : vector<16xf32>
        %add3A_872 = arith.addf %add3A_837, %mul3A_871 : vector<16xf32>
        %mul3A_873 = vector.broadcast %squeeze3A_869 : f32 to vector<16xf32>
        %mul3A_874 = arith.mulf %mul3A_873, %unpack3A_864 : vector<16xf32>
        %add3A_875 = arith.addf %add3A_872, %mul3A_874 : vector<16xf32>
        %mul3A_876 = vector.broadcast %squeeze3A_867 : f32 to vector<16xf32>
        %mul3A_877 = arith.mulf %mul3A_876, %unpack3A_854 : vector<16xf32>
        %add3A_878 = arith.addf %add3A_843, %mul3A_877 : vector<16xf32>
        %mul3A_879 = vector.broadcast %squeeze3A_869 : f32 to vector<16xf32>
        %mul3A_880 = arith.mulf %mul3A_879, %unpack3A_865 : vector<16xf32>
        %add3A_881 = arith.addf %add3A_878, %mul3A_880 : vector<16xf32>
        %add3A_882 = arith.constant 3 : i32
        %add3A_883 = arith.addi %add3A_770, %add3A_882 : i32
        %get3A_884 = arith.constant 0 : i32
        %get3A_885 = arith.constant 0 : i32
        %get3A_886 = tpu.memref_slice %arg11[%scan3A_712, %get3A_884, %get3A_885] : memref<2x512x64xbf16, #tpu.memory_space<vmem>> -> memref<1x512x64xbf16, #tpu.memory_space<vmem>>
        %get3A_887 = tpu.memref_squeeze %get3A_886 : memref<1x512x64xbf16, #tpu.memory_space<vmem>> -> memref<512x64xbf16, #tpu.memory_space<vmem>>
        %get3A_888 = arith.index_cast %add3A_883 : i32 to index
        %get3A_889 = arith.constant 0 : index
        %get3A_890 = tpu.vector_load %get3A_887[%get3A_888, %get3A_889] {strides = array<i32>} : memref<512x64xbf16, #tpu.memory_space<vmem>>, vector<32xbf16>,
        %unpack3A_891 = tpu.unpack_subelements %get3A_890, 0 {pack_format = #tpu.pack_format<interleaved>} : vector<32xbf16> -> vector<16xf32>
        %unpack3A_892 = tpu.unpack_subelements %get3A_890, 1 {pack_format = #tpu.pack_format<interleaved>} : vector<32xbf16> -> vector<16xf32>
        %add3A_893 = arith.constant 3 : i32
        %add3A_894 = arith.addi %add3A_770, %add3A_893 : i32
        %get3A_895 = arith.constant 0 : i32
        %get3A_896 = arith.constant 0 : i32
        %get3A_897 = tpu.memref_slice %arg11[%scan3A_712, %get3A_895, %get3A_896] : memref<2x512x64xbf16, #tpu.memory_space<vmem>> -> memref<1x512x64xbf16, #tpu.memory_space<vmem>>
        %get3A_898 = tpu.memref_squeeze %get3A_897 : memref<1x512x64xbf16, #tpu.memory_space<vmem>> -> memref<512x64xbf16, #tpu.memory_space<vmem>>
        %get3A_899 = arith.index_cast %add3A_894 : i32 to index
        %get3A_900 = arith.constant 32 : index
        %get3A_901 = tpu.vector_load %get3A_898[%get3A_899, %get3A_900] {strides = array<i32>} : memref<512x64xbf16, #tpu.memory_space<vmem>>, vector<32xbf16>,
        %unpack3A_902 = tpu.unpack_subelements %get3A_901, 0 {pack_format = #tpu.pack_format<interleaved>} : vector<32xbf16> -> vector<16xf32>
        %unpack3A_903 = tpu.unpack_subelements %get3A_901, 1 {pack_format = #tpu.pack_format<interleaved>} : vector<32xbf16> -> vector<16xf32>
        %slice3A_904 = vector.extract_strided_slice %get3A_758 {offsets = [3], sizes = [1], strides = [1]} : vector<16xf32> to vector<1xf32>
        %squeeze3A_905 = vector.extract %slice3A_904[0] : f32 from vector<1xf32>
        %slice3A_906 = vector.extract_strided_slice %get3A_767 {offsets = [3], sizes = [1], strides = [1]} : vector<16xf32> to vector<1xf32>
        %squeeze3A_907 = vector.extract %slice3A_906[0] : f32 from vector<1xf32>
        %mul3A_908 = vector.broadcast %squeeze3A_905 : f32 to vector<16xf32>
        %mul3A_909 = arith.mulf %mul3A_908, %unpack3A_891 : vector<16xf32>
        %add3A_910 = arith.addf %add3A_875, %mul3A_909 : vector<16xf32>
        %mul3A_911 = vector.broadcast %squeeze3A_907 : f32 to vector<16xf32>
        %mul3A_912 = arith.mulf %mul3A_911, %unpack3A_902 : vector<16xf32>
        %add3A_913 = arith.addf %add3A_910, %mul3A_912 : vector<16xf32>
        %mul3A_914 = vector.broadcast %squeeze3A_905 : f32 to vector<16xf32>
        %mul3A_915 = arith.mulf %mul3A_914, %unpack3A_892 : vector<16xf32>
        %add3A_916 = arith.addf %add3A_881, %mul3A_915 : vector<16xf32>
        %mul3A_917 = vector.broadcast %squeeze3A_907 : f32 to vector<16xf32>
        %mul3A_918 = arith.mulf %mul3A_917, %unpack3A_903 : vector<16xf32>
        %add3A_919 = arith.addf %add3A_916, %mul3A_918 : vector<16xf32>
        %add3A_920 = arith.constant 4 : i32
        %add3A_921 = arith.addi %add3A_770, %add3A_920 : i32
        %get3A_922 = arith.constant 0 : i32
        %get3A_923 = arith.constant 0 : i32
        %get3A_924 = tpu.memref_slice %arg11[%scan3A_712, %get3A_922, %get3A_923] : memref<2x512x64xbf16, #tpu.memory_space<vmem>> -> memref<1x512x64xbf16, #tpu.memory_space<vmem>>
        %get3A_925 = tpu.memref_squeeze %get3A_924 : memref<1x512x64xbf16, #tpu.memory_space<vmem>> -> memref<512x64xbf16, #tpu.memory_space<vmem>>
        %get3A_926 = arith.index_cast %add3A_921 : i32 to index
        %get3A_927 = arith.constant 0 : index
        %get3A_928 = tpu.vector_load %get3A_925[%get3A_926, %get3A_927] {strides = array<i32>} : memref<512x64xbf16, #tpu.memory_space<vmem>>, vector<32xbf16>,
        %unpack3A_929 = tpu.unpack_subelements %get3A_928, 0 {pack_format = #tpu.pack_format<interleaved>} : vector<32xbf16> -> vector<16xf32>
        %unpack3A_930 = tpu.unpack_subelements %get3A_928, 1 {pack_format = #tpu.pack_format<interleaved>} : vector<32xbf16> -> vector<16xf32>
        %add3A_931 = arith.constant 4 : i32
        %add3A_932 = arith.addi %add3A_770, %add3A_931 : i32
        %get3A_933 = arith.constant 0 : i32
        %get3A_934 = arith.constant 0 : i32
        %get3A_935 = tpu.memref_slice %arg11[%scan3A_712, %get3A_933, %get3A_934] : memref<2x512x64xbf16, #tpu.memory_space<vmem>> -> memref<1x512x64xbf16, #tpu.memory_space<vmem>>
        %get3A_936 = tpu.memref_squeeze %get3A_935 : memref<1x512x64xbf16, #tpu.memory_space<vmem>> -> memref<512x64xbf16, #tpu.memory_space<vmem>>
        %get3A_937 = arith.index_cast %add3A_932 : i32 to index
        %get3A_938 = arith.constant 32 : index
        %get3A_939 = tpu.vector_load %get3A_936[%get3A_937, %get3A_938] {strides = array<i32>} : memref<512x64xbf16, #tpu.memory_space<vmem>>, vector<32xbf16>,
        %unpack3A_940 = tpu.unpack_subelements %get3A_939, 0 {pack_format = #tpu.pack_format<interleaved>} : vector<32xbf16> -> vector<16xf32>
        %unpack3A_941 = tpu.unpack_subelements %get3A_939, 1 {pack_format = #tpu.pack_format<interleaved>} : vector<32xbf16> -> vector<16xf32>
        %slice3A_942 = vector.extract_strided_slice %get3A_758 {offsets = [4], sizes = [1], strides = [1]} : vector<16xf32> to vector<1xf32>
        %squeeze3A_943 = vector.extract %slice3A_942[0] : f32 from vector<1xf32>
        %slice3A_944 = vector.extract_strided_slice %get3A_767 {offsets = [4], sizes = [1], strides = [1]} : vector<16xf32> to vector<1xf32>
        %squeeze3A_945 = vector.extract %slice3A_944[0] : f32 from vector<1xf32>
        %mul3A_946 = vector.broadcast %squeeze3A_943 : f32 to vector<16xf32>
        %mul3A_947 = arith.mulf %mul3A_946, %unpack3A_929 : vector<16xf32>
        %add3A_948 = arith.addf %add3A_913, %mul3A_947 : vector<16xf32>
        %mul3A_949 = vector.broadcast %squeeze3A_945 : f32 to vector<16xf32>
        %mul3A_950 = arith.mulf %mul3A_949, %unpack3A_940 : vector<16xf32>
        %add3A_951 = arith.addf %add3A_948, %mul3A_950 : vector<16xf32>
        %mul3A_952 = vector.broadcast %squeeze3A_943 : f32 to vector<16xf32>
        %mul3A_953 = arith.mulf %mul3A_952, %unpack3A_930 : vector<16xf32>
        %add3A_954 = arith.addf %add3A_919, %mul3A_953 : vector<16xf32>
        %mul3A_955 = vector.broadcast %squeeze3A_945 : f32 to vector<16xf32>
        %mul3A_956 = arith.mulf %mul3A_955, %unpack3A_941 : vector<16xf32>
        %add3A_957 = arith.addf %add3A_954, %mul3A_956 : vector<16xf32>
        %add3A_958 = arith.constant 5 : i32
        %add3A_959 = arith.addi %add3A_770, %add3A_958 : i32
        %get3A_960 = arith.constant 0 : i32
        %get3A_961 = arith.constant 0 : i32
        %get3A_962 = tpu.memref_slice %arg11[%scan3A_712, %get3A_960, %get3A_961] : memref<2x512x64xbf16, #tpu.memory_space<vmem>> -> memref<1x512x64xbf16, #tpu.memory_space<vmem>>
        %get3A_963 = tpu.memref_squeeze %get3A_962 : memref<1x512x64xbf16, #tpu.memory_space<vmem>> -> memref<512x64xbf16, #tpu.memory_space<vmem>>
        %get3A_964 = arith.index_cast %add3A_959 : i32 to index
        %get3A_965 = arith.constant 0 : index
        %get3A_966 = tpu.vector_load %get3A_963[%get3A_964, %get3A_965] {strides = array<i32>} : memref<512x64xbf16, #tpu.memory_space<vmem>>, vector<32xbf16>,
        %unpack3A_967 = tpu.unpack_subelements %get3A_966, 0 {pack_format = #tpu.pack_format<interleaved>} : vector<32xbf16> -> vector<16xf32>
        %unpack3A_968 = tpu.unpack_subelements %get3A_966, 1 {pack_format = #tpu.pack_format<interleaved>} : vector<32xbf16> -> vector<16xf32>
        %add3A_969 = arith.constant 5 : i32
        %add3A_970 = arith.addi %add3A_770, %add3A_969 : i32
        %get3A_971 = arith.constant 0 : i32
        %get3A_972 = arith.constant 0 : i32
        %get3A_973 = tpu.memref_slice %arg11[%scan3A_712, %get3A_971, %get3A_972] : memref<2x512x64xbf16, #tpu.memory_space<vmem>> -> memref<1x512x64xbf16, #tpu.memory_space<vmem>>
        %get3A_974 = tpu.memref_squeeze %get3A_973 : memref<1x512x64xbf16, #tpu.memory_space<vmem>> -> memref<512x64xbf16, #tpu.memory_space<vmem>>
        %get3A_975 = arith.index_cast %add3A_970 : i32 to index
        %get3A_976 = arith.constant 32 : index
        %get3A_977 = tpu.vector_load %get3A_974[%get3A_975, %get3A_976] {strides = array<i32>} : memref<512x64xbf16, #tpu.memory_space<vmem>>, vector<32xbf16>,
        %unpack3A_978 = tpu.unpack_subelements %get3A_977, 0 {pack_format = #tpu.pack_format<interleaved>} : vector<32xbf16> -> vector<16xf32>
        %unpack3A_979 = tpu.unpack_subelements %get3A_977, 1 {pack_format = #tpu.pack_format<interleaved>} : vector<32xbf16> -> vector<16xf32>
        %slice3A_980 = vector.extract_strided_slice %get3A_758 {offsets = [5], sizes = [1], strides = [1]} : vector<16xf32> to vector<1xf32>
        %squeeze3A_981 = vector.extract %slice3A_980[0] : f32 from vector<1xf32>
        %slice3A_982 = vector.extract_strided_slice %get3A_767 {offsets = [5], sizes = [1], strides = [1]} : vector<16xf32> to vector<1xf32>
        %squeeze3A_983 = vector.extract %slice3A_982[0] : f32 from vector<1xf32>
        %mul3A_984 = vector.broadcast %squeeze3A_981 : f32 to vector<16xf32>
        %mul3A_985 = arith.mulf %mul3A_984, %unpack3A_967 : vector<16xf32>
        %add3A_986 = arith.addf %add3A_951, %mul3A_985 : vector<16xf32>
        %mul3A_987 = vector.broadcast %squeeze3A_983 : f32 to vector<16xf32>
        %mul3A_988 = arith.mulf %mul3A_987, %unpack3A_978 : vector<16xf32>
        %add3A_989 = arith.addf %add3A_986, %mul3A_988 : vector<16xf32>
        %mul3A_990 = vector.broadcast %squeeze3A_981 : f32 to vector<16xf32>
        %mul3A_991 = arith.mulf %mul3A_990, %unpack3A_968 : vector<16xf32>
        %add3A_992 = arith.addf %add3A_957, %mul3A_991 : vector<16xf32>
        %mul3A_993 = vector.broadcast %squeeze3A_983 : f32 to vector<16xf32>
        %mul3A_994 = arith.mulf %mul3A_993, %unpack3A_979 : vector<16xf32>
        %add3A_995 = arith.addf %add3A_992, %mul3A_994 : vector<16xf32>
        %add3A_996 = arith.constant 6 : i32
        %add3A_997 = arith.addi %add3A_770, %add3A_996 : i32
        %get3A_998 = arith.constant 0 : i32
        %get3A_999 = arith.constant 0 : i32
        %get3A_1000 = tpu.memref_slice %arg11[%scan3A_712, %get3A_998, %get3A_999] : memref<2x512x64xbf16, #tpu.memory_space<vmem>> -> memref<1x512x64xbf16, #tpu.memory_space<vmem>>
        %get3A_1001 = tpu.memref_squeeze %get3A_1000 : memref<1x512x64xbf16, #tpu.memory_space<vmem>> -> memref<512x64xbf16, #tpu.memory_space<vmem>>
        %get3A_1002 = arith.index_cast %add3A_997 : i32 to index
        %get3A_1003 = arith.constant 0 : index
        %get3A_1004 = tpu.vector_load %get3A_1001[%get3A_1002, %get3A_1003] {strides = array<i32>} : memref<512x64xbf16, #tpu.memory_space<vmem>>, vector<32xbf16>,
        %unpack3A_1005 = tpu.unpack_subelements %get3A_1004, 0 {pack_format = #tpu.pack_format<interleaved>} : vector<32xbf16> -> vector<16xf32>
        %unpack3A_1006 = tpu.unpack_subelements %get3A_1004, 1 {pack_format = #tpu.pack_format<interleaved>} : vector<32xbf16> -> vector<16xf32>
        %add3A_1007 = arith.constant 6 : i32
        %add3A_1008 = arith.addi %add3A_770, %add3A_1007 : i32
        %get3A_1009 = arith.constant 0 : i32
        %get3A_1010 = arith.constant 0 : i32
        %get3A_1011 = tpu.memref_slice %arg11[%scan3A_712, %get3A_1009, %get3A_1010] : memref<2x512x64xbf16, #tpu.memory_space<vmem>> -> memref<1x512x64xbf16, #tpu.memory_space<vmem>>
        %get3A_1012 = tpu.memref_squeeze %get3A_1011 : memref<1x512x64xbf16, #tpu.memory_space<vmem>> -> memref<512x64xbf16, #tpu.memory_space<vmem>>
        %get3A_1013 = arith.index_cast %add3A_1008 : i32 to index
        %get3A_1014 = arith.constant 32 : index
        %get3A_1015 = tpu.vector_load %get3A_1012[%get3A_1013, %get3A_1014] {strides = array<i32>} : memref<512x64xbf16, #tpu.memory_space<vmem>>, vector<32xbf16>,
        %unpack3A_1016 = tpu.unpack_subelements %get3A_1015, 0 {pack_format = #tpu.pack_format<interleaved>} : vector<32xbf16> -> vector<16xf32>
        %unpack3A_1017 = tpu.unpack_subelements %get3A_1015, 1 {pack_format = #tpu.pack_format<interleaved>} : vector<32xbf16> -> vector<16xf32>
        %slice3A_1018 = vector.extract_strided_slice %get3A_758 {offsets = [6], sizes = [1], strides = [1]} : vector<16xf32> to vector<1xf32>
        %squeeze3A_1019 = vector.extract %slice3A_1018[0] : f32 from vector<1xf32>
        %slice3A_1020 = vector.extract_strided_slice %get3A_767 {offsets = [6], sizes = [1], strides = [1]} : vector<16xf32> to vector<1xf32>
        %squeeze3A_1021 = vector.extract %slice3A_1020[0] : f32 from vector<1xf32>
        %mul3A_1022 = vector.broadcast %squeeze3A_1019 : f32 to vector<16xf32>
        %mul3A_1023 = arith.mulf %mul3A_1022, %unpack3A_1005 : vector<16xf32>
        %add3A_1024 = arith.addf %add3A_989, %mul3A_1023 : vector<16xf32>
        %mul3A_1025 = vector.broadcast %squeeze3A_1021 : f32 to vector<16xf32>
        %mul3A_1026 = arith.mulf %mul3A_1025, %unpack3A_1016 : vector<16xf32>
        %add3A_1027 = arith.addf %add3A_1024, %mul3A_1026 : vector<16xf32>
        %mul3A_1028 = vector.broadcast %squeeze3A_1019 : f32 to vector<16xf32>
        %mul3A_1029 = arith.mulf %mul3A_1028, %unpack3A_1006 : vector<16xf32>
        %add3A_1030 = arith.addf %add3A_995, %mul3A_1029 : vector<16xf32>
        %mul3A_1031 = vector.broadcast %squeeze3A_1021 : f32 to vector<16xf32>
        %mul3A_1032 = arith.mulf %mul3A_1031, %unpack3A_1017 : vector<16xf32>
        %add3A_1033 = arith.addf %add3A_1030, %mul3A_1032 : vector<16xf32>
        %add3A_1034 = arith.constant 7 : i32
        %add3A_1035 = arith.addi %add3A_770, %add3A_1034 : i32
        %get3A_1036 = arith.constant 0 : i32
        %get3A_1037 = arith.constant 0 : i32
        %get3A_1038 = tpu.memref_slice %arg11[%scan3A_712, %get3A_1036, %get3A_1037] : memref<2x512x64xbf16, #tpu.memory_space<vmem>> -> memref<1x512x64xbf16, #tpu.memory_space<vmem>>
        %get3A_1039 = tpu.memref_squeeze %get3A_1038 : memref<1x512x64xbf16, #tpu.memory_space<vmem>> -> memref<512x64xbf16, #tpu.memory_space<vmem>>
        %get3A_1040 = arith.index_cast %add3A_1035 : i32 to index
        %get3A_1041 = arith.constant 0 : index
        %get3A_1042 = tpu.vector_load %get3A_1039[%get3A_1040, %get3A_1041] {strides = array<i32>} : memref<512x64xbf16, #tpu.memory_space<vmem>>, vector<32xbf16>,
        %unpack3A_1043 = tpu.unpack_subelements %get3A_1042, 0 {pack_format = #tpu.pack_format<interleaved>} : vector<32xbf16> -> vector<16xf32>
        %unpack3A_1044 = tpu.unpack_subelements %get3A_1042, 1 {pack_format = #tpu.pack_format<interleaved>} : vector<32xbf16> -> vector<16xf32>
        %add3A_1045 = arith.constant 7 : i32
        %add3A_1046 = arith.addi %add3A_770, %add3A_1045 : i32
        %get3A_1047 = arith.constant 0 : i32
        %get3A_1048 = arith.constant 0 : i32
        %get3A_1049 = tpu.memref_slice %arg11[%scan3A_712, %get3A_1047, %get3A_1048] : memref<2x512x64xbf16, #tpu.memory_space<vmem>> -> memref<1x512x64xbf16, #tpu.memory_space<vmem>>
        %get3A_1050 = tpu.memref_squeeze %get3A_1049 : memref<1x512x64xbf16, #tpu.memory_space<vmem>> -> memref<512x64xbf16, #tpu.memory_space<vmem>>
        %get3A_1051 = arith.index_cast %add3A_1046 : i32 to index
        %get3A_1052 = arith.constant 32 : index
        %get3A_1053 = tpu.vector_load %get3A_1050[%get3A_1051, %get3A_1052] {strides = array<i32>} : memref<512x64xbf16, #tpu.memory_space<vmem>>, vector<32xbf16>,
        %unpack3A_1054 = tpu.unpack_subelements %get3A_1053, 0 {pack_format = #tpu.pack_format<interleaved>} : vector<32xbf16> -> vector<16xf32>
        %unpack3A_1055 = tpu.unpack_subelements %get3A_1053, 1 {pack_format = #tpu.pack_format<interleaved>} : vector<32xbf16> -> vector<16xf32>
        %slice3A_1056 = vector.extract_strided_slice %get3A_758 {offsets = [7], sizes = [1], strides = [1]} : vector<16xf32> to vector<1xf32>
        %squeeze3A_1057 = vector.extract %slice3A_1056[0] : f32 from vector<1xf32>
        %slice3A_1058 = vector.extract_strided_slice %get3A_767 {offsets = [7], sizes = [1], strides = [1]} : vector<16xf32> to vector<1xf32>
        %squeeze3A_1059 = vector.extract %slice3A_1058[0] : f32 from vector<1xf32>
        %mul3A_1060 = vector.broadcast %squeeze3A_1057 : f32 to vector<16xf32>
        %mul3A_1061 = arith.mulf %mul3A_1060, %unpack3A_1043 : vector<16xf32>
        %add3A_1062 = arith.addf %add3A_1027, %mul3A_1061 : vector<16xf32>
        %mul3A_1063 = vector.broadcast %squeeze3A_1059 : f32 to vector<16xf32>
        %mul3A_1064 = arith.mulf %mul3A_1063, %unpack3A_1054 : vector<16xf32>
        %add3A_1065 = arith.addf %add3A_1062, %mul3A_1064 : vector<16xf32>
        %mul3A_1066 = vector.broadcast %squeeze3A_1057 : f32 to vector<16xf32>
        %mul3A_1067 = arith.mulf %mul3A_1066, %unpack3A_1044 : vector<16xf32>
        %add3A_1068 = arith.addf %add3A_1033, %mul3A_1067 : vector<16xf32>
        %mul3A_1069 = vector.broadcast %squeeze3A_1059 : f32 to vector<16xf32>
        %mul3A_1070 = arith.mulf %mul3A_1069, %unpack3A_1055 : vector<16xf32>
        %add3A_1071 = arith.addf %add3A_1068, %mul3A_1070 : vector<16xf32>
        %add3A_1072 = arith.constant 8 : i32
        %add3A_1073 = arith.addi %add3A_770, %add3A_1072 : i32
        %get3A_1074 = arith.constant 0 : i32
        %get3A_1075 = arith.constant 0 : i32
        %get3A_1076 = tpu.memref_slice %arg11[%scan3A_712, %get3A_1074, %get3A_1075] : memref<2x512x64xbf16, #tpu.memory_space<vmem>> -> memref<1x512x64xbf16, #tpu.memory_space<vmem>>
        %get3A_1077 = tpu.memref_squeeze %get3A_1076 : memref<1x512x64xbf16, #tpu.memory_space<vmem>> -> memref<512x64xbf16, #tpu.memory_space<vmem>>
        %get3A_1078 = arith.index_cast %add3A_1073 : i32 to index
        %get3A_1079 = arith.constant 0 : index
        %get3A_1080 = tpu.vector_load %get3A_1077[%get3A_1078, %get3A_1079] {strides = array<i32>} : memref<512x64xbf16, #tpu.memory_space<vmem>>, vector<32xbf16>,
        %unpack3A_1081 = tpu.unpack_subelements %get3A_1080, 0 {pack_format = #tpu.pack_format<interleaved>} : vector<32xbf16> -> vector<16xf32>
        %unpack3A_1082 = tpu.unpack_subelements %get3A_1080, 1 {pack_format = #tpu.pack_format<interleaved>} : vector<32xbf16> -> vector<16xf32>
        %add3A_1083 = arith.constant 8 : i32
        %add3A_1084 = arith.addi %add3A_770, %add3A_1083 : i32
        %get3A_1085 = arith.constant 0 : i32
        %get3A_1086 = arith.constant 0 : i32
        %get3A_1087 = tpu.memref_slice %arg11[%scan3A_712, %get3A_1085, %get3A_1086] : memref<2x512x64xbf16, #tpu.memory_space<vmem>> -> memref<1x512x64xbf16, #tpu.memory_space<vmem>>
        %get3A_1088 = tpu.memref_squeeze %get3A_1087 : memref<1x512x64xbf16, #tpu.memory_space<vmem>> -> memref<512x64xbf16, #tpu.memory_space<vmem>>
        %get3A_1089 = arith.index_cast %add3A_1084 : i32 to index
        %get3A_1090 = arith.constant 32 : index
        %get3A_1091 = tpu.vector_load %get3A_1088[%get3A_1089, %get3A_1090] {strides = array<i32>} : memref<512x64xbf16, #tpu.memory_space<vmem>>, vector<32xbf16>,
        %unpack3A_1092 = tpu.unpack_subelements %get3A_1091, 0 {pack_format = #tpu.pack_format<interleaved>} : vector<32xbf16> -> vector<16xf32>
        %unpack3A_1093 = tpu.unpack_subelements %get3A_1091, 1 {pack_format = #tpu.pack_format<interleaved>} : vector<32xbf16> -> vector<16xf32>
        %slice3A_1094 = vector.extract_strided_slice %get3A_758 {offsets = [8], sizes = [1], strides = [1]} : vector<16xf32> to vector<1xf32>
        %squeeze3A_1095 = vector.extract %slice3A_1094[0] : f32 from vector<1xf32>
        %slice3A_1096 = vector.extract_strided_slice %get3A_767 {offsets = [8], sizes = [1], strides = [1]} : vector<16xf32> to vector<1xf32>
        %squeeze3A_1097 = vector.extract %slice3A_1096[0] : f32 from vector<1xf32>
        %mul3A_1098 = vector.broadcast %squeeze3A_1095 : f32 to vector<16xf32>
        %mul3A_1099 = arith.mulf %mul3A_1098, %unpack3A_1081 : vector<16xf32>
        %add3A_1100 = arith.addf %add3A_1065, %mul3A_1099 : vector<16xf32>
        %mul3A_1101 = vector.broadcast %squeeze3A_1097 : f32 to vector<16xf32>
        %mul3A_1102 = arith.mulf %mul3A_1101, %unpack3A_1092 : vector<16xf32>
        %add3A_1103 = arith.addf %add3A_1100, %mul3A_1102 : vector<16xf32>
        %mul3A_1104 = vector.broadcast %squeeze3A_1095 : f32 to vector<16xf32>
        %mul3A_1105 = arith.mulf %mul3A_1104, %unpack3A_1082 : vector<16xf32>
        %add3A_1106 = arith.addf %add3A_1071, %mul3A_1105 : vector<16xf32>
        %mul3A_1107 = vector.broadcast %squeeze3A_1097 : f32 to vector<16xf32>
        %mul3A_1108 = arith.mulf %mul3A_1107, %unpack3A_1093 : vector<16xf32>
        %add3A_1109 = arith.addf %add3A_1106, %mul3A_1108 : vector<16xf32>
        %add3A_1110 = arith.constant 9 : i32
        %add3A_1111 = arith.addi %add3A_770, %add3A_1110 : i32
        %get3A_1112 = arith.constant 0 : i32
        %get3A_1113 = arith.constant 0 : i32
        %get3A_1114 = tpu.memref_slice %arg11[%scan3A_712, %get3A_1112, %get3A_1113] : memref<2x512x64xbf16, #tpu.memory_space<vmem>> -> memref<1x512x64xbf16, #tpu.memory_space<vmem>>
        %get3A_1115 = tpu.memref_squeeze %get3A_1114 : memref<1x512x64xbf16, #tpu.memory_space<vmem>> -> memref<512x64xbf16, #tpu.memory_space<vmem>>
        %get3A_1116 = arith.index_cast %add3A_1111 : i32 to index
        %get3A_1117 = arith.constant 0 : index
        %get3A_1118 = tpu.vector_load %get3A_1115[%get3A_1116, %get3A_1117] {strides = array<i32>} : memref<512x64xbf16, #tpu.memory_space<vmem>>, vector<32xbf16>,
        %unpack3A_1119 = tpu.unpack_subelements %get3A_1118, 0 {pack_format = #tpu.pack_format<interleaved>} : vector<32xbf16> -> vector<16xf32>
        %unpack3A_1120 = tpu.unpack_subelements %get3A_1118, 1 {pack_format = #tpu.pack_format<interleaved>} : vector<32xbf16> -> vector<16xf32>
        %add3A_1121 = arith.constant 9 : i32
        %add3A_1122 = arith.addi %add3A_770, %add3A_1121 : i32
        %get3A_1123 = arith.constant 0 : i32
        %get3A_1124 = arith.constant 0 : i32
        %get3A_1125 = tpu.memref_slice %arg11[%scan3A_712, %get3A_1123, %get3A_1124] : memref<2x512x64xbf16, #tpu.memory_space<vmem>> -> memref<1x512x64xbf16, #tpu.memory_space<vmem>>
        %get3A_1126 = tpu.memref_squeeze %get3A_1125 : memref<1x512x64xbf16, #tpu.memory_space<vmem>> -> memref<512x64xbf16, #tpu.memory_space<vmem>>
        %get3A_1127 = arith.index_cast %add3A_1122 : i32 to index
        %get3A_1128 = arith.constant 32 : index
        %get3A_1129 = tpu.vector_load %get3A_1126[%get3A_1127, %get3A_1128] {strides = array<i32>} : memref<512x64xbf16, #tpu.memory_space<vmem>>, vector<32xbf16>,
        %unpack3A_1130 = tpu.unpack_subelements %get3A_1129, 0 {pack_format = #tpu.pack_format<interleaved>} : vector<32xbf16> -> vector<16xf32>
        %unpack3A_1131 = tpu.unpack_subelements %get3A_1129, 1 {pack_format = #tpu.pack_format<interleaved>} : vector<32xbf16> -> vector<16xf32>
        %slice3A_1132 = vector.extract_strided_slice %get3A_758 {offsets = [9], sizes = [1], strides = [1]} : vector<16xf32> to vector<1xf32>
        %squeeze3A_1133 = vector.extract %slice3A_1132[0] : f32 from vector<1xf32>
        %slice3A_1134 = vector.extract_strided_slice %get3A_767 {offsets = [9], sizes = [1], strides = [1]} : vector<16xf32> to vector<1xf32>
        %squeeze3A_1135 = vector.extract %slice3A_1134[0] : f32 from vector<1xf32>
        %mul3A_1136 = vector.broadcast %squeeze3A_1133 : f32 to vector<16xf32>
        %mul3A_1137 = arith.mulf %mul3A_1136, %unpack3A_1119 : vector<16xf32>
        %add3A_1138 = arith.addf %add3A_1103, %mul3A_1137 : vector<16xf32>
        %mul3A_1139 = vector.broadcast %squeeze3A_1135 : f32 to vector<16xf32>
        %mul3A_1140 = arith.mulf %mul3A_1139, %unpack3A_1130 : vector<16xf32>
        %add3A_1141 = arith.addf %add3A_1138, %mul3A_1140 : vector<16xf32>
        %mul3A_1142 = vector.broadcast %squeeze3A_1133 : f32 to vector<16xf32>
        %mul3A_1143 = arith.mulf %mul3A_1142, %unpack3A_1120 : vector<16xf32>
        %add3A_1144 = arith.addf %add3A_1109, %mul3A_1143 : vector<16xf32>
        %mul3A_1145 = vector.broadcast %squeeze3A_1135 : f32 to vector<16xf32>
        %mul3A_1146 = arith.mulf %mul3A_1145, %unpack3A_1131 : vector<16xf32>
        %add3A_1147 = arith.addf %add3A_1144, %mul3A_1146 : vector<16xf32>
        %add3A_1148 = arith.constant 10 : i32
        %add3A_1149 = arith.addi %add3A_770, %add3A_1148 : i32
        %get3A_1150 = arith.constant 0 : i32
        %get3A_1151 = arith.constant 0 : i32
        %get3A_1152 = tpu.memref_slice %arg11[%scan3A_712, %get3A_1150, %get3A_1151] : memref<2x512x64xbf16, #tpu.memory_space<vmem>> -> memref<1x512x64xbf16, #tpu.memory_space<vmem>>
        %get3A_1153 = tpu.memref_squeeze %get3A_1152 : memref<1x512x64xbf16, #tpu.memory_space<vmem>> -> memref<512x64xbf16, #tpu.memory_space<vmem>>
        %get3A_1154 = arith.index_cast %add3A_1149 : i32 to index
        %get3A_1155 = arith.constant 0 : index
        %get3A_1156 = tpu.vector_load %get3A_1153[%get3A_1154, %get3A_1155] {strides = array<i32>} : memref<512x64xbf16, #tpu.memory_space<vmem>>, vector<32xbf16>,
        %unpack3A_1157 = tpu.unpack_subelements %get3A_1156, 0 {pack_format = #tpu.pack_format<interleaved>} : vector<32xbf16> -> vector<16xf32>
        %unpack3A_1158 = tpu.unpack_subelements %get3A_1156, 1 {pack_format = #tpu.pack_format<interleaved>} : vector<32xbf16> -> vector<16xf32>
        %add3A_1159 = arith.constant 10 : i32
        %add3A_1160 = arith.addi %add3A_770, %add3A_1159 : i32
        %get3A_1161 = arith.constant 0 : i32
        %get3A_1162 = arith.constant 0 : i32
        %get3A_1163 = tpu.memref_slice %arg11[%scan3A_712, %get3A_1161, %get3A_1162] : memref<2x512x64xbf16, #tpu.memory_space<vmem>> -> memref<1x512x64xbf16, #tpu.memory_space<vmem>>
        %get3A_1164 = tpu.memref_squeeze %get3A_1163 : memref<1x512x64xbf16, #tpu.memory_space<vmem>> -> memref<512x64xbf16, #tpu.memory_space<vmem>>
        %get3A_1165 = arith.index_cast %add3A_1160 : i32 to index
        %get3A_1166 = arith.constant 32 : index
        %get3A_1167 = tpu.vector_load %get3A_1164[%get3A_1165, %get3A_1166] {strides = array<i32>} : memref<512x64xbf16, #tpu.memory_space<vmem>>, vector<32xbf16>,
        %unpack3A_1168 = tpu.unpack_subelements %get3A_1167, 0 {pack_format = #tpu.pack_format<interleaved>} : vector<32xbf16> -> vector<16xf32>
        %unpack3A_1169 = tpu.unpack_subelements %get3A_1167, 1 {pack_format = #tpu.pack_format<interleaved>} : vector<32xbf16> -> vector<16xf32>
        %slice3A_1170 = vector.extract_strided_slice %get3A_758 {offsets = [10], sizes = [1], strides = [1]} : vector<16xf32> to vector<1xf32>
        %squeeze3A_1171 = vector.extract %slice3A_1170[0] : f32 from vector<1xf32>
        %slice3A_1172 = vector.extract_strided_slice %get3A_767 {offsets = [10], sizes = [1], strides = [1]} : vector<16xf32> to vector<1xf32>
        %squeeze3A_1173 = vector.extract %slice3A_1172[0] : f32 from vector<1xf32>
        %mul3A_1174 = vector.broadcast %squeeze3A_1171 : f32 to vector<16xf32>
        %mul3A_1175 = arith.mulf %mul3A_1174, %unpack3A_1157 : vector<16xf32>
        %add3A_1176 = arith.addf %add3A_1141, %mul3A_1175 : vector<16xf32>
        %mul3A_1177 = vector.broadcast %squeeze3A_1173 : f32 to vector<16xf32>
        %mul3A_1178 = arith.mulf %mul3A_1177, %unpack3A_1168 : vector<16xf32>
        %add3A_1179 = arith.addf %add3A_1176, %mul3A_1178 : vector<16xf32>
        %mul3A_1180 = vector.broadcast %squeeze3A_1171 : f32 to vector<16xf32>
        %mul3A_1181 = arith.mulf %mul3A_1180, %unpack3A_1158 : vector<16xf32>
        %add3A_1182 = arith.addf %add3A_1147, %mul3A_1181 : vector<16xf32>
        %mul3A_1183 = vector.broadcast %squeeze3A_1173 : f32 to vector<16xf32>
        %mul3A_1184 = arith.mulf %mul3A_1183, %unpack3A_1169 : vector<16xf32>
        %add3A_1185 = arith.addf %add3A_1182, %mul3A_1184 : vector<16xf32>
        %add3A_1186 = arith.constant 11 : i32
        %add3A_1187 = arith.addi %add3A_770, %add3A_1186 : i32
        %get3A_1188 = arith.constant 0 : i32
        %get3A_1189 = arith.constant 0 : i32
        %get3A_1190 = tpu.memref_slice %arg11[%scan3A_712, %get3A_1188, %get3A_1189] : memref<2x512x64xbf16, #tpu.memory_space<vmem>> -> memref<1x512x64xbf16, #tpu.memory_space<vmem>>
        %get3A_1191 = tpu.memref_squeeze %get3A_1190 : memref<1x512x64xbf16, #tpu.memory_space<vmem>> -> memref<512x64xbf16, #tpu.memory_space<vmem>>
        %get3A_1192 = arith.index_cast %add3A_1187 : i32 to index
        %get3A_1193 = arith.constant 0 : index
        %get3A_1194 = tpu.vector_load %get3A_1191[%get3A_1192, %get3A_1193] {strides = array<i32>} : memref<512x64xbf16, #tpu.memory_space<vmem>>, vector<32xbf16>,
        %unpack3A_1195 = tpu.unpack_subelements %get3A_1194, 0 {pack_format = #tpu.pack_format<interleaved>} : vector<32xbf16> -> vector<16xf32>
        %unpack3A_1196 = tpu.unpack_subelements %get3A_1194, 1 {pack_format = #tpu.pack_format<interleaved>} : vector<32xbf16> -> vector<16xf32>
        %add3A_1197 = arith.constant 11 : i32
        %add3A_1198 = arith.addi %add3A_770, %add3A_1197 : i32
        %get3A_1199 = arith.constant 0 : i32
        %get3A_1200 = arith.constant 0 : i32
        %get3A_1201 = tpu.memref_slice %arg11[%scan3A_712, %get3A_1199, %get3A_1200] : memref<2x512x64xbf16, #tpu.memory_space<vmem>> -> memref<1x512x64xbf16, #tpu.memory_space<vmem>>
        %get3A_1202 = tpu.memref_squeeze %get3A_1201 : memref<1x512x64xbf16, #tpu.memory_space<vmem>> -> memref<512x64xbf16, #tpu.memory_space<vmem>>
        %get3A_1203 = arith.index_cast %add3A_1198 : i32 to index
        %get3A_1204 = arith.constant 32 : index
        %get3A_1205 = tpu.vector_load %get3A_1202[%get3A_1203, %get3A_1204] {strides = array<i32>} : memref<512x64xbf16, #tpu.memory_space<vmem>>, vector<32xbf16>,
        %unpack3A_1206 = tpu.unpack_subelements %get3A_1205, 0 {pack_format = #tpu.pack_format<interleaved>} : vector<32xbf16> -> vector<16xf32>
        %unpack3A_1207 = tpu.unpack_subelements %get3A_1205, 1 {pack_format = #tpu.pack_format<interleaved>} : vector<32xbf16> -> vector<16xf32>
        %slice3A_1208 = vector.extract_strided_slice %get3A_758 {offsets = [11], sizes = [1], strides = [1]} : vector<16xf32> to vector<1xf32>
        %squeeze3A_1209 = vector.extract %slice3A_1208[0] : f32 from vector<1xf32>
        %slice3A_1210 = vector.extract_strided_slice %get3A_767 {offsets = [11], sizes = [1], strides = [1]} : vector<16xf32> to vector<1xf32>
        %squeeze3A_1211 = vector.extract %slice3A_1210[0] : f32 from vector<1xf32>
        %mul3A_1212 = vector.broadcast %squeeze3A_1209 : f32 to vector<16xf32>
        %mul3A_1213 = arith.mulf %mul3A_1212, %unpack3A_1195 : vector<16xf32>
        %add3A_1214 = arith.addf %add3A_1179, %mul3A_1213 : vector<16xf32>
        %mul3A_1215 = vector.broadcast %squeeze3A_1211 : f32 to vector<16xf32>
        %mul3A_1216 = arith.mulf %mul3A_1215, %unpack3A_1206 : vector<16xf32>
        %add3A_1217 = arith.addf %add3A_1214, %mul3A_1216 : vector<16xf32>
        %mul3A_1218 = vector.broadcast %squeeze3A_1209 : f32 to vector<16xf32>
        %mul3A_1219 = arith.mulf %mul3A_1218, %unpack3A_1196 : vector<16xf32>
        %add3A_1220 = arith.addf %add3A_1185, %mul3A_1219 : vector<16xf32>
        %mul3A_1221 = vector.broadcast %squeeze3A_1211 : f32 to vector<16xf32>
        %mul3A_1222 = arith.mulf %mul3A_1221, %unpack3A_1207 : vector<16xf32>
        %add3A_1223 = arith.addf %add3A_1220, %mul3A_1222 : vector<16xf32>
        %add3A_1224 = arith.constant 12 : i32
        %add3A_1225 = arith.addi %add3A_770, %add3A_1224 : i32
        %get3A_1226 = arith.constant 0 : i32
        %get3A_1227 = arith.constant 0 : i32
        %get3A_1228 = tpu.memref_slice %arg11[%scan3A_712, %get3A_1226, %get3A_1227] : memref<2x512x64xbf16, #tpu.memory_space<vmem>> -> memref<1x512x64xbf16, #tpu.memory_space<vmem>>
        %get3A_1229 = tpu.memref_squeeze %get3A_1228 : memref<1x512x64xbf16, #tpu.memory_space<vmem>> -> memref<512x64xbf16, #tpu.memory_space<vmem>>
        %get3A_1230 = arith.index_cast %add3A_1225 : i32 to index
        %get3A_1231 = arith.constant 0 : index
        %get3A_1232 = tpu.vector_load %get3A_1229[%get3A_1230, %get3A_1231] {strides = array<i32>} : memref<512x64xbf16, #tpu.memory_space<vmem>>, vector<32xbf16>,
        %unpack3A_1233 = tpu.unpack_subelements %get3A_1232, 0 {pack_format = #tpu.pack_format<interleaved>} : vector<32xbf16> -> vector<16xf32>
        %unpack3A_1234 = tpu.unpack_subelements %get3A_1232, 1 {pack_format = #tpu.pack_format<interleaved>} : vector<32xbf16> -> vector<16xf32>
        %add3A_1235 = arith.constant 12 : i32
        %add3A_1236 = arith.addi %add3A_770, %add3A_1235 : i32
        %get3A_1237 = arith.constant 0 : i32
        %get3A_1238 = arith.constant 0 : i32
        %get3A_1239 = tpu.memref_slice %arg11[%scan3A_712, %get3A_1237, %get3A_1238] : memref<2x512x64xbf16, #tpu.memory_space<vmem>> -> memref<1x512x64xbf16, #tpu.memory_space<vmem>>
        %get3A_1240 = tpu.memref_squeeze %get3A_1239 : memref<1x512x64xbf16, #tpu.memory_space<vmem>> -> memref<512x64xbf16, #tpu.memory_space<vmem>>
        %get3A_1241 = arith.index_cast %add3A_1236 : i32 to index
        %get3A_1242 = arith.constant 32 : index
        %get3A_1243 = tpu.vector_load %get3A_1240[%get3A_1241, %get3A_1242] {strides = array<i32>} : memref<512x64xbf16, #tpu.memory_space<vmem>>, vector<32xbf16>,
        %unpack3A_1244 = tpu.unpack_subelements %get3A_1243, 0 {pack_format = #tpu.pack_format<interleaved>} : vector<32xbf16> -> vector<16xf32>
        %unpack3A_1245 = tpu.unpack_subelements %get3A_1243, 1 {pack_format = #tpu.pack_format<interleaved>} : vector<32xbf16> -> vector<16xf32>
        %slice3A_1246 = vector.extract_strided_slice %get3A_758 {offsets = [12], sizes = [1], strides = [1]} : vector<16xf32> to vector<1xf32>
        %squeeze3A_1247 = vector.extract %slice3A_1246[0] : f32 from vector<1xf32>
        %slice3A_1248 = vector.extract_strided_slice %get3A_767 {offsets = [12], sizes = [1], strides = [1]} : vector<16xf32> to vector<1xf32>
        %squeeze3A_1249 = vector.extract %slice3A_1248[0] : f32 from vector<1xf32>
        %mul3A_1250 = vector.broadcast %squeeze3A_1247 : f32 to vector<16xf32>
        %mul3A_1251 = arith.mulf %mul3A_1250, %unpack3A_1233 : vector<16xf32>
        %add3A_1252 = arith.addf %add3A_1217, %mul3A_1251 : vector<16xf32>
        %mul3A_1253 = vector.broadcast %squeeze3A_1249 : f32 to vector<16xf32>
        %mul3A_1254 = arith.mulf %mul3A_1253, %unpack3A_1244 : vector<16xf32>
        %add3A_1255 = arith.addf %add3A_1252, %mul3A_1254 : vector<16xf32>
        %mul3A_1256 = vector.broadcast %squeeze3A_1247 : f32 to vector<16xf32>
        %mul3A_1257 = arith.mulf %mul3A_1256, %unpack3A_1234 : vector<16xf32>
        %add3A_1258 = arith.addf %add3A_1223, %mul3A_1257 : vector<16xf32>
        %mul3A_1259 = vector.broadcast %squeeze3A_1249 : f32 to vector<16xf32>
        %mul3A_1260 = arith.mulf %mul3A_1259, %unpack3A_1245 : vector<16xf32>
        %add3A_1261 = arith.addf %add3A_1258, %mul3A_1260 : vector<16xf32>
        %add3A_1262 = arith.constant 13 : i32
        %add3A_1263 = arith.addi %add3A_770, %add3A_1262 : i32
        %get3A_1264 = arith.constant 0 : i32
        %get3A_1265 = arith.constant 0 : i32
        %get3A_1266 = tpu.memref_slice %arg11[%scan3A_712, %get3A_1264, %get3A_1265] : memref<2x512x64xbf16, #tpu.memory_space<vmem>> -> memref<1x512x64xbf16, #tpu.memory_space<vmem>>
        %get3A_1267 = tpu.memref_squeeze %get3A_1266 : memref<1x512x64xbf16, #tpu.memory_space<vmem>> -> memref<512x64xbf16, #tpu.memory_space<vmem>>
        %get3A_1268 = arith.index_cast %add3A_1263 : i32 to index
        %get3A_1269 = arith.constant 0 : index
        %get3A_1270 = tpu.vector_load %get3A_1267[%get3A_1268, %get3A_1269] {strides = array<i32>} : memref<512x64xbf16, #tpu.memory_space<vmem>>, vector<32xbf16>,
        %unpack3A_1271 = tpu.unpack_subelements %get3A_1270, 0 {pack_format = #tpu.pack_format<interleaved>} : vector<32xbf16> -> vector<16xf32>
        %unpack3A_1272 = tpu.unpack_subelements %get3A_1270, 1 {pack_format = #tpu.pack_format<interleaved>} : vector<32xbf16> -> vector<16xf32>
        %add3A_1273 = arith.constant 13 : i32
        %add3A_1274 = arith.addi %add3A_770, %add3A_1273 : i32
        %get3A_1275 = arith.constant 0 : i32
        %get3A_1276 = arith.constant 0 : i32
        %get3A_1277 = tpu.memref_slice %arg11[%scan3A_712, %get3A_1275, %get3A_1276] : memref<2x512x64xbf16, #tpu.memory_space<vmem>> -> memref<1x512x64xbf16, #tpu.memory_space<vmem>>
        %get3A_1278 = tpu.memref_squeeze %get3A_1277 : memref<1x512x64xbf16, #tpu.memory_space<vmem>> -> memref<512x64xbf16, #tpu.memory_space<vmem>>
        %get3A_1279 = arith.index_cast %add3A_1274 : i32 to index
        %get3A_1280 = arith.constant 32 : index
        %get3A_1281 = tpu.vector_load %get3A_1278[%get3A_1279, %get3A_1280] {strides = array<i32>} : memref<512x64xbf16, #tpu.memory_space<vmem>>, vector<32xbf16>,
        %unpack3A_1282 = tpu.unpack_subelements %get3A_1281, 0 {pack_format = #tpu.pack_format<interleaved>} : vector<32xbf16> -> vector<16xf32>
        %unpack3A_1283 = tpu.unpack_subelements %get3A_1281, 1 {pack_format = #tpu.pack_format<interleaved>} : vector<32xbf16> -> vector<16xf32>
        %slice3A_1284 = vector.extract_strided_slice %get3A_758 {offsets = [13], sizes = [1], strides = [1]} : vector<16xf32> to vector<1xf32>
        %squeeze3A_1285 = vector.extract %slice3A_1284[0] : f32 from vector<1xf32>
        %slice3A_1286 = vector.extract_strided_slice %get3A_767 {offsets = [13], sizes = [1], strides = [1]} : vector<16xf32> to vector<1xf32>
        %squeeze3A_1287 = vector.extract %slice3A_1286[0] : f32 from vector<1xf32>
        %mul3A_1288 = vector.broadcast %squeeze3A_1285 : f32 to vector<16xf32>
        %mul3A_1289 = arith.mulf %mul3A_1288, %unpack3A_1271 : vector<16xf32>
        %add3A_1290 = arith.addf %add3A_1255, %mul3A_1289 : vector<16xf32>
        %mul3A_1291 = vector.broadcast %squeeze3A_1287 : f32 to vector<16xf32>
        %mul3A_1292 = arith.mulf %mul3A_1291, %unpack3A_1282 : vector<16xf32>
        %add3A_1293 = arith.addf %add3A_1290, %mul3A_1292 : vector<16xf32>
        %mul3A_1294 = vector.broadcast %squeeze3A_1285 : f32 to vector<16xf32>
        %mul3A_1295 = arith.mulf %mul3A_1294, %unpack3A_1272 : vector<16xf32>
        %add3A_1296 = arith.addf %add3A_1261, %mul3A_1295 : vector<16xf32>
        %mul3A_1297 = vector.broadcast %squeeze3A_1287 : f32 to vector<16xf32>
        %mul3A_1298 = arith.mulf %mul3A_1297, %unpack3A_1283 : vector<16xf32>
        %add3A_1299 = arith.addf %add3A_1296, %mul3A_1298 : vector<16xf32>
        %add3A_1300 = arith.constant 14 : i32
        %add3A_1301 = arith.addi %add3A_770, %add3A_1300 : i32
        %get3A_1302 = arith.constant 0 : i32
        %get3A_1303 = arith.constant 0 : i32
        %get3A_1304 = tpu.memref_slice %arg11[%scan3A_712, %get3A_1302, %get3A_1303] : memref<2x512x64xbf16, #tpu.memory_space<vmem>> -> memref<1x512x64xbf16, #tpu.memory_space<vmem>>
        %get3A_1305 = tpu.memref_squeeze %get3A_1304 : memref<1x512x64xbf16, #tpu.memory_space<vmem>> -> memref<512x64xbf16, #tpu.memory_space<vmem>>
        %get3A_1306 = arith.index_cast %add3A_1301 : i32 to index
        %get3A_1307 = arith.constant 0 : index
        %get3A_1308 = tpu.vector_load %get3A_1305[%get3A_1306, %get3A_1307] {strides = array<i32>} : memref<512x64xbf16, #tpu.memory_space<vmem>>, vector<32xbf16>,
        %unpack3A_1309 = tpu.unpack_subelements %get3A_1308, 0 {pack_format = #tpu.pack_format<interleaved>} : vector<32xbf16> -> vector<16xf32>
        %unpack3A_1310 = tpu.unpack_subelements %get3A_1308, 1 {pack_format = #tpu.pack_format<interleaved>} : vector<32xbf16> -> vector<16xf32>
        %add3A_1311 = arith.constant 14 : i32
        %add3A_1312 = arith.addi %add3A_770, %add3A_1311 : i32
        %get3A_1313 = arith.constant 0 : i32
        %get3A_1314 = arith.constant 0 : i32
        %get3A_1315 = tpu.memref_slice %arg11[%scan3A_712, %get3A_1313, %get3A_1314] : memref<2x512x64xbf16, #tpu.memory_space<vmem>> -> memref<1x512x64xbf16, #tpu.memory_space<vmem>>
        %get3A_1316 = tpu.memref_squeeze %get3A_1315 : memref<1x512x64xbf16, #tpu.memory_space<vmem>> -> memref<512x64xbf16, #tpu.memory_space<vmem>>
        %get3A_1317 = arith.index_cast %add3A_1312 : i32 to index
        %get3A_1318 = arith.constant 32 : index
        %get3A_1319 = tpu.vector_load %get3A_1316[%get3A_1317, %get3A_1318] {strides = array<i32>} : memref<512x64xbf16, #tpu.memory_space<vmem>>, vector<32xbf16>,
        %unpack3A_1320 = tpu.unpack_subelements %get3A_1319, 0 {pack_format = #tpu.pack_format<interleaved>} : vector<32xbf16> -> vector<16xf32>
        %unpack3A_1321 = tpu.unpack_subelements %get3A_1319, 1 {pack_format = #tpu.pack_format<interleaved>} : vector<32xbf16> -> vector<16xf32>
        %slice3A_1322 = vector.extract_strided_slice %get3A_758 {offsets = [14], sizes = [1], strides = [1]} : vector<16xf32> to vector<1xf32>
        %squeeze3A_1323 = vector.extract %slice3A_1322[0] : f32 from vector<1xf32>
        %slice3A_1324 = vector.extract_strided_slice %get3A_767 {offsets = [14], sizes = [1], strides = [1]} : vector<16xf32> to vector<1xf32>
        %squeeze3A_1325 = vector.extract %slice3A_1324[0] : f32 from vector<1xf32>
        %mul3A_1326 = vector.broadcast %squeeze3A_1323 : f32 to vector<16xf32>
        %mul3A_1327 = arith.mulf %mul3A_1326, %unpack3A_1309 : vector<16xf32>
        %add3A_1328 = arith.addf %add3A_1293, %mul3A_1327 : vector<16xf32>
        %mul3A_1329 = vector.broadcast %squeeze3A_1325 : f32 to vector<16xf32>
        %mul3A_1330 = arith.mulf %mul3A_1329, %unpack3A_1320 : vector<16xf32>
        %add3A_1331 = arith.addf %add3A_1328, %mul3A_1330 : vector<16xf32>
        %mul3A_1332 = vector.broadcast %squeeze3A_1323 : f32 to vector<16xf32>
        %mul3A_1333 = arith.mulf %mul3A_1332, %unpack3A_1310 : vector<16xf32>
        %add3A_1334 = arith.addf %add3A_1299, %mul3A_1333 : vector<16xf32>
        %mul3A_1335 = vector.broadcast %squeeze3A_1325 : f32 to vector<16xf32>
        %mul3A_1336 = arith.mulf %mul3A_1335, %unpack3A_1321 : vector<16xf32>
        %add3A_1337 = arith.addf %add3A_1334, %mul3A_1336 : vector<16xf32>
        %add3A_1338 = arith.constant 15 : i32
        %add3A_1339 = arith.addi %add3A_770, %add3A_1338 : i32
        %get3A_1340 = arith.constant 0 : i32
        %get3A_1341 = arith.constant 0 : i32
        %get3A_1342 = tpu.memref_slice %arg11[%scan3A_712, %get3A_1340, %get3A_1341] : memref<2x512x64xbf16, #tpu.memory_space<vmem>> -> memref<1x512x64xbf16, #tpu.memory_space<vmem>>
        %get3A_1343 = tpu.memref_squeeze %get3A_1342 : memref<1x512x64xbf16, #tpu.memory_space<vmem>> -> memref<512x64xbf16, #tpu.memory_space<vmem>>
        %get3A_1344 = arith.index_cast %add3A_1339 : i32 to index
        %get3A_1345 = arith.constant 0 : index
        %get3A_1346 = tpu.vector_load %get3A_1343[%get3A_1344, %get3A_1345] {strides = array<i32>} : memref<512x64xbf16, #tpu.memory_space<vmem>>, vector<32xbf16>,
        %unpack3A_1347 = tpu.unpack_subelements %get3A_1346, 0 {pack_format = #tpu.pack_format<interleaved>} : vector<32xbf16> -> vector<16xf32>
        %unpack3A_1348 = tpu.unpack_subelements %get3A_1346, 1 {pack_format = #tpu.pack_format<interleaved>} : vector<32xbf16> -> vector<16xf32>
        %add3A_1349 = arith.constant 15 : i32
        %add3A_1350 = arith.addi %add3A_770, %add3A_1349 : i32
        %get3A_1351 = arith.constant 0 : i32
        %get3A_1352 = arith.constant 0 : i32
        %get3A_1353 = tpu.memref_slice %arg11[%scan3A_712, %get3A_1351, %get3A_1352] : memref<2x512x64xbf16, #tpu.memory_space<vmem>> -> memref<1x512x64xbf16, #tpu.memory_space<vmem>>
        %get3A_1354 = tpu.memref_squeeze %get3A_1353 : memref<1x512x64xbf16, #tpu.memory_space<vmem>> -> memref<512x64xbf16, #tpu.memory_space<vmem>>
        %get3A_1355 = arith.index_cast %add3A_1350 : i32 to index
        %get3A_1356 = arith.constant 32 : index
        %get3A_1357 = tpu.vector_load %get3A_1354[%get3A_1355, %get3A_1356] {strides = array<i32>} : memref<512x64xbf16, #tpu.memory_space<vmem>>, vector<32xbf16>,
        %unpack3A_1358 = tpu.unpack_subelements %get3A_1357, 0 {pack_format = #tpu.pack_format<interleaved>} : vector<32xbf16> -> vector<16xf32>
        %unpack3A_1359 = tpu.unpack_subelements %get3A_1357, 1 {pack_format = #tpu.pack_format<interleaved>} : vector<32xbf16> -> vector<16xf32>
        %slice3A_1360 = vector.extract_strided_slice %get3A_758 {offsets = [15], sizes = [1], strides = [1]} : vector<16xf32> to vector<1xf32>
        %squeeze3A_1361 = vector.extract %slice3A_1360[0] : f32 from vector<1xf32>
        %slice3A_1362 = vector.extract_strided_slice %get3A_767 {offsets = [15], sizes = [1], strides = [1]} : vector<16xf32> to vector<1xf32>
        %squeeze3A_1363 = vector.extract %slice3A_1362[0] : f32 from vector<1xf32>
        %mul3A_1364 = vector.broadcast %squeeze3A_1361 : f32 to vector<16xf32>
        %mul3A_1365 = arith.mulf %mul3A_1364, %unpack3A_1347 : vector<16xf32>
        %add3A_1366 = arith.addf %add3A_1331, %mul3A_1365 : vector<16xf32>
        %mul3A_1367 = vector.broadcast %squeeze3A_1363 : f32 to vector<16xf32>
        %mul3A_1368 = arith.mulf %mul3A_1367, %unpack3A_1358 : vector<16xf32>
        %add3A_1369 = arith.addf %add3A_1366, %mul3A_1368 : vector<16xf32>
        %mul3A_1370 = vector.broadcast %squeeze3A_1361 : f32 to vector<16xf32>
        %mul3A_1371 = arith.mulf %mul3A_1370, %unpack3A_1348 : vector<16xf32>
        %add3A_1372 = arith.addf %add3A_1337, %mul3A_1371 : vector<16xf32>
        %mul3A_1373 = vector.broadcast %squeeze3A_1363 : f32 to vector<16xf32>
        %mul3A_1374 = arith.mulf %mul3A_1373, %unpack3A_1359 : vector<16xf32>
        %add3A_1375 = arith.addf %add3A_1372, %mul3A_1374 : vector<16xf32>
        %add3A_1376 = arith.constant 2 : i32
        %add3A_1377 = arith.addi %add3A_1376, %select_n3A : i32
        %add3A_1378 = arith.constant 4 : i32
        %add3A_1379 = arith.addi %add3A_1378, %select_n3A : i32
        %get3A_1380 = arith.constant 0 : i32
        %get3A_1381 = arith.constant 0 : i32
        %get3A_1382 = tpu.memref_slice %arg12[%scan3A_711, %get3A_1380, %get3A_1381] : memref<2x8x128xf32, #tpu.memory_space<vmem>> -> memref<1x8x128xf32, #tpu.memory_space<vmem>>
        %get3A_1383 = tpu.memref_squeeze %get3A_1382 : memref<1x8x128xf32, #tpu.memory_space<vmem>> -> memref<8x128xf32, #tpu.memory_space<vmem>>
        %get3A_1384 = arith.index_cast %add3A_1379 : i32 to index
        %get3A_1385 = arith.index_cast %mul3A_745 : i32 to index
        %get3A_1386 = tpu.vector_load %get3A_1383[%get3A_1384, %get3A_1385] {strides = array<i32>} : memref<8x128xf32, #tpu.memory_space<vmem>>, vector<16xf32>,
        %add3A_1387 = arith.constant 6 : i32
        %add3A_1388 = arith.addi %add3A_1387, %select_n3A : i32
        %get3A_1389 = arith.constant 0 : i32
        %get3A_1390 = arith.constant 0 : i32
        %get3A_1391 = tpu.memref_slice %arg12[%scan3A_711, %get3A_1389, %get3A_1390] : memref<2x8x128xf32, #tpu.memory_space<vmem>> -> memref<1x8x128xf32, #tpu.memory_space<vmem>>
        %get3A_1392 = tpu.memref_squeeze %get3A_1391 : memref<1x8x128xf32, #tpu.memory_space<vmem>> -> memref<8x128xf32, #tpu.memory_space<vmem>>
        %get3A_1393 = arith.index_cast %add3A_1388 : i32 to index
        %get3A_1394 = arith.index_cast %mul3A_745 : i32 to index
        %get3A_1395 = tpu.vector_load %get3A_1392[%get3A_1393, %get3A_1394] {strides = array<i32>} : memref<8x128xf32, #tpu.memory_space<vmem>>, vector<16xf32>,
        %mul3A_1396 = arith.constant 128 : i32
        %mul3A_1397 = arith.muli %add3A_1377, %mul3A_1396 : i32
        %add3A_1398 = arith.addi %mul3A_1397, %mul3A_745 : i32
        %add3A_1399 = arith.constant 0 : i32
        %add3A_1400 = arith.addi %add3A_1398, %add3A_1399 : i32
        %get3A_1401 = arith.constant 0 : i32
        %get3A_1402 = arith.constant 0 : i32
        %get3A_1403 = tpu.memref_slice %arg11[%scan3A_712, %get3A_1401, %get3A_1402] : memref<2x512x64xbf16, #tpu.memory_space<vmem>> -> memref<1x512x64xbf16, #tpu.memory_space<vmem>>
        %get3A_1404 = tpu.memref_squeeze %get3A_1403 : memref<1x512x64xbf16, #tpu.memory_space<vmem>> -> memref<512x64xbf16, #tpu.memory_space<vmem>>
        %get3A_1405 = arith.index_cast %add3A_1400 : i32 to index
        %get3A_1406 = arith.constant 0 : index
        %get3A_1407 = tpu.vector_load %get3A_1404[%get3A_1405, %get3A_1406] {strides = array<i32>} : memref<512x64xbf16, #tpu.memory_space<vmem>>, vector<32xbf16>,
        %unpack3A_1408 = tpu.unpack_subelements %get3A_1407, 0 {pack_format = #tpu.pack_format<interleaved>} : vector<32xbf16> -> vector<16xf32>
        %unpack3A_1409 = tpu.unpack_subelements %get3A_1407, 1 {pack_format = #tpu.pack_format<interleaved>} : vector<32xbf16> -> vector<16xf32>
        %add3A_1410 = arith.constant 0 : i32
        %add3A_1411 = arith.addi %add3A_1398, %add3A_1410 : i32
        %get3A_1412 = arith.constant 0 : i32
        %get3A_1413 = arith.constant 0 : i32
        %get3A_1414 = tpu.memref_slice %arg11[%scan3A_712, %get3A_1412, %get3A_1413] : memref<2x512x64xbf16, #tpu.memory_space<vmem>> -> memref<1x512x64xbf16, #tpu.memory_space<vmem>>
        %get3A_1415 = tpu.memref_squeeze %get3A_1414 : memref<1x512x64xbf16, #tpu.memory_space<vmem>> -> memref<512x64xbf16, #tpu.memory_space<vmem>>
        %get3A_1416 = arith.index_cast %add3A_1411 : i32 to index
        %get3A_1417 = arith.constant 32 : index
        %get3A_1418 = tpu.vector_load %get3A_1415[%get3A_1416, %get3A_1417] {strides = array<i32>} : memref<512x64xbf16, #tpu.memory_space<vmem>>, vector<32xbf16>,
        %unpack3A_1419 = tpu.unpack_subelements %get3A_1418, 0 {pack_format = #tpu.pack_format<interleaved>} : vector<32xbf16> -> vector<16xf32>
        %unpack3A_1420 = tpu.unpack_subelements %get3A_1418, 1 {pack_format = #tpu.pack_format<interleaved>} : vector<32xbf16> -> vector<16xf32>
        %slice3A_1421 = vector.extract_strided_slice %get3A_1386 {offsets = [0], sizes = [1], strides = [1]} : vector<16xf32> to vector<1xf32>
        %squeeze3A_1422 = vector.extract %slice3A_1421[0] : f32 from vector<1xf32>
        %slice3A_1423 = vector.extract_strided_slice %get3A_1395 {offsets = [0], sizes = [1], strides = [1]} : vector<16xf32> to vector<1xf32>
        %squeeze3A_1424 = vector.extract %slice3A_1423[0] : f32 from vector<1xf32>
        %mul3A_1425 = vector.broadcast %squeeze3A_1422 : f32 to vector<16xf32>
        %mul3A_1426 = arith.mulf %mul3A_1425, %unpack3A_1408 : vector<16xf32>
        %add3A_1427 = arith.addf %add3A_1369, %mul3A_1426 : vector<16xf32>
        %mul3A_1428 = vector.broadcast %squeeze3A_1424 : f32 to vector<16xf32>
        %mul3A_1429 = arith.mulf %mul3A_1428, %unpack3A_1419 : vector<16xf32>
        %add3A_1430 = arith.addf %add3A_1427, %mul3A_1429 : vector<16xf32>
        %mul3A_1431 = vector.broadcast %squeeze3A_1422 : f32 to vector<16xf32>
        %mul3A_1432 = arith.mulf %mul3A_1431, %unpack3A_1409 : vector<16xf32>
        %add3A_1433 = arith.addf %add3A_1375, %mul3A_1432 : vector<16xf32>
        %mul3A_1434 = vector.broadcast %squeeze3A_1424 : f32 to vector<16xf32>
        %mul3A_1435 = arith.mulf %mul3A_1434, %unpack3A_1420 : vector<16xf32>
        %add3A_1436 = arith.addf %add3A_1433, %mul3A_1435 : vector<16xf32>
        %add3A_1437 = arith.constant 1 : i32
        %add3A_1438 = arith.addi %add3A_1398, %add3A_1437 : i32
        %get3A_1439 = arith.constant 0 : i32
        %get3A_1440 = arith.constant 0 : i32
        %get3A_1441 = tpu.memref_slice %arg11[%scan3A_712, %get3A_1439, %get3A_1440] : memref<2x512x64xbf16, #tpu.memory_space<vmem>> -> memref<1x512x64xbf16, #tpu.memory_space<vmem>>
        %get3A_1442 = tpu.memref_squeeze %get3A_1441 : memref<1x512x64xbf16, #tpu.memory_space<vmem>> -> memref<512x64xbf16, #tpu.memory_space<vmem>>
        %get3A_1443 = arith.index_cast %add3A_1438 : i32 to index
        %get3A_1444 = arith.constant 0 : index
        %get3A_1445 = tpu.vector_load %get3A_1442[%get3A_1443, %get3A_1444] {strides = array<i32>} : memref<512x64xbf16, #tpu.memory_space<vmem>>, vector<32xbf16>,
        %unpack3A_1446 = tpu.unpack_subelements %get3A_1445, 0 {pack_format = #tpu.pack_format<interleaved>} : vector<32xbf16> -> vector<16xf32>
        %unpack3A_1447 = tpu.unpack_subelements %get3A_1445, 1 {pack_format = #tpu.pack_format<interleaved>} : vector<32xbf16> -> vector<16xf32>
        %add3A_1448 = arith.constant 1 : i32
        %add3A_1449 = arith.addi %add3A_1398, %add3A_1448 : i32
        %get3A_1450 = arith.constant 0 : i32
        %get3A_1451 = arith.constant 0 : i32
        %get3A_1452 = tpu.memref_slice %arg11[%scan3A_712, %get3A_1450, %get3A_1451] : memref<2x512x64xbf16, #tpu.memory_space<vmem>> -> memref<1x512x64xbf16, #tpu.memory_space<vmem>>
        %get3A_1453 = tpu.memref_squeeze %get3A_1452 : memref<1x512x64xbf16, #tpu.memory_space<vmem>> -> memref<512x64xbf16, #tpu.memory_space<vmem>>
        %get3A_1454 = arith.index_cast %add3A_1449 : i32 to index
        %get3A_1455 = arith.constant 32 : index
        %get3A_1456 = tpu.vector_load %get3A_1453[%get3A_1454, %get3A_1455] {strides = array<i32>} : memref<512x64xbf16, #tpu.memory_space<vmem>>, vector<32xbf16>,
        %unpack3A_1457 = tpu.unpack_subelements %get3A_1456, 0 {pack_format = #tpu.pack_format<interleaved>} : vector<32xbf16> -> vector<16xf32>
        %unpack3A_1458 = tpu.unpack_subelements %get3A_1456, 1 {pack_format = #tpu.pack_format<interleaved>} : vector<32xbf16> -> vector<16xf32>
        %slice3A_1459 = vector.extract_strided_slice %get3A_1386 {offsets = [1], sizes = [1], strides = [1]} : vector<16xf32> to vector<1xf32>
        %squeeze3A_1460 = vector.extract %slice3A_1459[0] : f32 from vector<1xf32>
        %slice3A_1461 = vector.extract_strided_slice %get3A_1395 {offsets = [1], sizes = [1], strides = [1]} : vector<16xf32> to vector<1xf32>
        %squeeze3A_1462 = vector.extract %slice3A_1461[0] : f32 from vector<1xf32>
        %mul3A_1463 = vector.broadcast %squeeze3A_1460 : f32 to vector<16xf32>
        %mul3A_1464 = arith.mulf %mul3A_1463, %unpack3A_1446 : vector<16xf32>
        %add3A_1465 = arith.addf %add3A_1430, %mul3A_1464 : vector<16xf32>
        %mul3A_1466 = vector.broadcast %squeeze3A_1462 : f32 to vector<16xf32>
        %mul3A_1467 = arith.mulf %mul3A_1466, %unpack3A_1457 : vector<16xf32>
        %add3A_1468 = arith.addf %add3A_1465, %mul3A_1467 : vector<16xf32>
        %mul3A_1469 = vector.broadcast %squeeze3A_1460 : f32 to vector<16xf32>
        %mul3A_1470 = arith.mulf %mul3A_1469, %unpack3A_1447 : vector<16xf32>
        %add3A_1471 = arith.addf %add3A_1436, %mul3A_1470 : vector<16xf32>
        %mul3A_1472 = vector.broadcast %squeeze3A_1462 : f32 to vector<16xf32>
        %mul3A_1473 = arith.mulf %mul3A_1472, %unpack3A_1458 : vector<16xf32>
        %add3A_1474 = arith.addf %add3A_1471, %mul3A_1473 : vector<16xf32>
        %add3A_1475 = arith.constant 2 : i32
        %add3A_1476 = arith.addi %add3A_1398, %add3A_1475 : i32
        %get3A_1477 = arith.constant 0 : i32
        %get3A_1478 = arith.constant 0 : i32
        %get3A_1479 = tpu.memref_slice %arg11[%scan3A_712, %get3A_1477, %get3A_1478] : memref<2x512x64xbf16, #tpu.memory_space<vmem>> -> memref<1x512x64xbf16, #tpu.memory_space<vmem>>
        %get3A_1480 = tpu.memref_squeeze %get3A_1479 : memref<1x512x64xbf16, #tpu.memory_space<vmem>> -> memref<512x64xbf16, #tpu.memory_space<vmem>>
        %get3A_1481 = arith.index_cast %add3A_1476 : i32 to index
        %get3A_1482 = arith.constant 0 : index
        %get3A_1483 = tpu.vector_load %get3A_1480[%get3A_1481, %get3A_1482] {strides = array<i32>} : memref<512x64xbf16, #tpu.memory_space<vmem>>, vector<32xbf16>,
        %unpack3A_1484 = tpu.unpack_subelements %get3A_1483, 0 {pack_format = #tpu.pack_format<interleaved>} : vector<32xbf16> -> vector<16xf32>
        %unpack3A_1485 = tpu.unpack_subelements %get3A_1483, 1 {pack_format = #tpu.pack_format<interleaved>} : vector<32xbf16> -> vector<16xf32>
        %add3A_1486 = arith.constant 2 : i32
        %add3A_1487 = arith.addi %add3A_1398, %add3A_1486 : i32
        %get3A_1488 = arith.constant 0 : i32
        %get3A_1489 = arith.constant 0 : i32
        %get3A_1490 = tpu.memref_slice %arg11[%scan3A_712, %get3A_1488, %get3A_1489] : memref<2x512x64xbf16, #tpu.memory_space<vmem>> -> memref<1x512x64xbf16, #tpu.memory_space<vmem>>
        %get3A_1491 = tpu.memref_squeeze %get3A_1490 : memref<1x512x64xbf16, #tpu.memory_space<vmem>> -> memref<512x64xbf16, #tpu.memory_space<vmem>>
        %get3A_1492 = arith.index_cast %add3A_1487 : i32 to index
        %get3A_1493 = arith.constant 32 : index
        %get3A_1494 = tpu.vector_load %get3A_1491[%get3A_1492, %get3A_1493] {strides = array<i32>} : memref<512x64xbf16, #tpu.memory_space<vmem>>, vector<32xbf16>,
        %unpack3A_1495 = tpu.unpack_subelements %get3A_1494, 0 {pack_format = #tpu.pack_format<interleaved>} : vector<32xbf16> -> vector<16xf32>
        %unpack3A_1496 = tpu.unpack_subelements %get3A_1494, 1 {pack_format = #tpu.pack_format<interleaved>} : vector<32xbf16> -> vector<16xf32>
        %slice3A_1497 = vector.extract_strided_slice %get3A_1386 {offsets = [2], sizes = [1], strides = [1]} : vector<16xf32> to vector<1xf32>
        %squeeze3A_1498 = vector.extract %slice3A_1497[0] : f32 from vector<1xf32>
        %slice3A_1499 = vector.extract_strided_slice %get3A_1395 {offsets = [2], sizes = [1], strides = [1]} : vector<16xf32> to vector<1xf32>
        %squeeze3A_1500 = vector.extract %slice3A_1499[0] : f32 from vector<1xf32>
        %mul3A_1501 = vector.broadcast %squeeze3A_1498 : f32 to vector<16xf32>
        %mul3A_1502 = arith.mulf %mul3A_1501, %unpack3A_1484 : vector<16xf32>
        %add3A_1503 = arith.addf %add3A_1468, %mul3A_1502 : vector<16xf32>
        %mul3A_1504 = vector.broadcast %squeeze3A_1500 : f32 to vector<16xf32>
        %mul3A_1505 = arith.mulf %mul3A_1504, %unpack3A_1495 : vector<16xf32>
        %add3A_1506 = arith.addf %add3A_1503, %mul3A_1505 : vector<16xf32>
        %mul3A_1507 = vector.broadcast %squeeze3A_1498 : f32 to vector<16xf32>
        %mul3A_1508 = arith.mulf %mul3A_1507, %unpack3A_1485 : vector<16xf32>
        %add3A_1509 = arith.addf %add3A_1474, %mul3A_1508 : vector<16xf32>
        %mul3A_1510 = vector.broadcast %squeeze3A_1500 : f32 to vector<16xf32>
        %mul3A_1511 = arith.mulf %mul3A_1510, %unpack3A_1496 : vector<16xf32>
        %add3A_1512 = arith.addf %add3A_1509, %mul3A_1511 : vector<16xf32>
        %add3A_1513 = arith.constant 3 : i32
        %add3A_1514 = arith.addi %add3A_1398, %add3A_1513 : i32
        %get3A_1515 = arith.constant 0 : i32
        %get3A_1516 = arith.constant 0 : i32
        %get3A_1517 = tpu.memref_slice %arg11[%scan3A_712, %get3A_1515, %get3A_1516] : memref<2x512x64xbf16, #tpu.memory_space<vmem>> -> memref<1x512x64xbf16, #tpu.memory_space<vmem>>
        %get3A_1518 = tpu.memref_squeeze %get3A_1517 : memref<1x512x64xbf16, #tpu.memory_space<vmem>> -> memref<512x64xbf16, #tpu.memory_space<vmem>>
        %get3A_1519 = arith.index_cast %add3A_1514 : i32 to index
        %get3A_1520 = arith.constant 0 : index
        %get3A_1521 = tpu.vector_load %get3A_1518[%get3A_1519, %get3A_1520] {strides = array<i32>} : memref<512x64xbf16, #tpu.memory_space<vmem>>, vector<32xbf16>,
        %unpack3A_1522 = tpu.unpack_subelements %get3A_1521, 0 {pack_format = #tpu.pack_format<interleaved>} : vector<32xbf16> -> vector<16xf32>
        %unpack3A_1523 = tpu.unpack_subelements %get3A_1521, 1 {pack_format = #tpu.pack_format<interleaved>} : vector<32xbf16> -> vector<16xf32>
        %add3A_1524 = arith.constant 3 : i32
        %add3A_1525 = arith.addi %add3A_1398, %add3A_1524 : i32
        %get3A_1526 = arith.constant 0 : i32
        %get3A_1527 = arith.constant 0 : i32
        %get3A_1528 = tpu.memref_slice %arg11[%scan3A_712, %get3A_1526, %get3A_1527] : memref<2x512x64xbf16, #tpu.memory_space<vmem>> -> memref<1x512x64xbf16, #tpu.memory_space<vmem>>
        %get3A_1529 = tpu.memref_squeeze %get3A_1528 : memref<1x512x64xbf16, #tpu.memory_space<vmem>> -> memref<512x64xbf16, #tpu.memory_space<vmem>>
        %get3A_1530 = arith.index_cast %add3A_1525 : i32 to index
        %get3A_1531 = arith.constant 32 : index
        %get3A_1532 = tpu.vector_load %get3A_1529[%get3A_1530, %get3A_1531] {strides = array<i32>} : memref<512x64xbf16, #tpu.memory_space<vmem>>, vector<32xbf16>,
        %unpack3A_1533 = tpu.unpack_subelements %get3A_1532, 0 {pack_format = #tpu.pack_format<interleaved>} : vector<32xbf16> -> vector<16xf32>
        %unpack3A_1534 = tpu.unpack_subelements %get3A_1532, 1 {pack_format = #tpu.pack_format<interleaved>} : vector<32xbf16> -> vector<16xf32>
        %slice3A_1535 = vector.extract_strided_slice %get3A_1386 {offsets = [3], sizes = [1], strides = [1]} : vector<16xf32> to vector<1xf32>
        %squeeze3A_1536 = vector.extract %slice3A_1535[0] : f32 from vector<1xf32>
        %slice3A_1537 = vector.extract_strided_slice %get3A_1395 {offsets = [3], sizes = [1], strides = [1]} : vector<16xf32> to vector<1xf32>
        %squeeze3A_1538 = vector.extract %slice3A_1537[0] : f32 from vector<1xf32>
        %mul3A_1539 = vector.broadcast %squeeze3A_1536 : f32 to vector<16xf32>
        %mul3A_1540 = arith.mulf %mul3A_1539, %unpack3A_1522 : vector<16xf32>
        %add3A_1541 = arith.addf %add3A_1506, %mul3A_1540 : vector<16xf32>
        %mul3A_1542 = vector.broadcast %squeeze3A_1538 : f32 to vector<16xf32>
        %mul3A_1543 = arith.mulf %mul3A_1542, %unpack3A_1533 : vector<16xf32>
        %add3A_1544 = arith.addf %add3A_1541, %mul3A_1543 : vector<16xf32>
        %mul3A_1545 = vector.broadcast %squeeze3A_1536 : f32 to vector<16xf32>
        %mul3A_1546 = arith.mulf %mul3A_1545, %unpack3A_1523 : vector<16xf32>
        %add3A_1547 = arith.addf %add3A_1512, %mul3A_1546 : vector<16xf32>
        %mul3A_1548 = vector.broadcast %squeeze3A_1538 : f32 to vector<16xf32>
        %mul3A_1549 = arith.mulf %mul3A_1548, %unpack3A_1534 : vector<16xf32>
        %add3A_1550 = arith.addf %add3A_1547, %mul3A_1549 : vector<16xf32>
        %add3A_1551 = arith.constant 4 : i32
        %add3A_1552 = arith.addi %add3A_1398, %add3A_1551 : i32
        %get3A_1553 = arith.constant 0 : i32
        %get3A_1554 = arith.constant 0 : i32
        %get3A_1555 = tpu.memref_slice %arg11[%scan3A_712, %get3A_1553, %get3A_1554] : memref<2x512x64xbf16, #tpu.memory_space<vmem>> -> memref<1x512x64xbf16, #tpu.memory_space<vmem>>
        %get3A_1556 = tpu.memref_squeeze %get3A_1555 : memref<1x512x64xbf16, #tpu.memory_space<vmem>> -> memref<512x64xbf16, #tpu.memory_space<vmem>>
        %get3A_1557 = arith.index_cast %add3A_1552 : i32 to index
        %get3A_1558 = arith.constant 0 : index
        %get3A_1559 = tpu.vector_load %get3A_1556[%get3A_1557, %get3A_1558] {strides = array<i32>} : memref<512x64xbf16, #tpu.memory_space<vmem>>, vector<32xbf16>,
        %unpack3A_1560 = tpu.unpack_subelements %get3A_1559, 0 {pack_format = #tpu.pack_format<interleaved>} : vector<32xbf16> -> vector<16xf32>
        %unpack3A_1561 = tpu.unpack_subelements %get3A_1559, 1 {pack_format = #tpu.pack_format<interleaved>} : vector<32xbf16> -> vector<16xf32>
        %add3A_1562 = arith.constant 4 : i32
        %add3A_1563 = arith.addi %add3A_1398, %add3A_1562 : i32
        %get3A_1564 = arith.constant 0 : i32
        %get3A_1565 = arith.constant 0 : i32
        %get3A_1566 = tpu.memref_slice %arg11[%scan3A_712, %get3A_1564, %get3A_1565] : memref<2x512x64xbf16, #tpu.memory_space<vmem>> -> memref<1x512x64xbf16, #tpu.memory_space<vmem>>
        %get3A_1567 = tpu.memref_squeeze %get3A_1566 : memref<1x512x64xbf16, #tpu.memory_space<vmem>> -> memref<512x64xbf16, #tpu.memory_space<vmem>>
        %get3A_1568 = arith.index_cast %add3A_1563 : i32 to index
        %get3A_1569 = arith.constant 32 : index
        %get3A_1570 = tpu.vector_load %get3A_1567[%get3A_1568, %get3A_1569] {strides = array<i32>} : memref<512x64xbf16, #tpu.memory_space<vmem>>, vector<32xbf16>,
        %unpack3A_1571 = tpu.unpack_subelements %get3A_1570, 0 {pack_format = #tpu.pack_format<interleaved>} : vector<32xbf16> -> vector<16xf32>
        %unpack3A_1572 = tpu.unpack_subelements %get3A_1570, 1 {pack_format = #tpu.pack_format<interleaved>} : vector<32xbf16> -> vector<16xf32>
        %slice3A_1573 = vector.extract_strided_slice %get3A_1386 {offsets = [4], sizes = [1], strides = [1]} : vector<16xf32> to vector<1xf32>
        %squeeze3A_1574 = vector.extract %slice3A_1573[0] : f32 from vector<1xf32>
        %slice3A_1575 = vector.extract_strided_slice %get3A_1395 {offsets = [4], sizes = [1], strides = [1]} : vector<16xf32> to vector<1xf32>
        %squeeze3A_1576 = vector.extract %slice3A_1575[0] : f32 from vector<1xf32>
        %mul3A_1577 = vector.broadcast %squeeze3A_1574 : f32 to vector<16xf32>
        %mul3A_1578 = arith.mulf %mul3A_1577, %unpack3A_1560 : vector<16xf32>
        %add3A_1579 = arith.addf %add3A_1544, %mul3A_1578 : vector<16xf32>
        %mul3A_1580 = vector.broadcast %squeeze3A_1576 : f32 to vector<16xf32>
        %mul3A_1581 = arith.mulf %mul3A_1580, %unpack3A_1571 : vector<16xf32>
        %add3A_1582 = arith.addf %add3A_1579, %mul3A_1581 : vector<16xf32>
        %mul3A_1583 = vector.broadcast %squeeze3A_1574 : f32 to vector<16xf32>
        %mul3A_1584 = arith.mulf %mul3A_1583, %unpack3A_1561 : vector<16xf32>
        %add3A_1585 = arith.addf %add3A_1550, %mul3A_1584 : vector<16xf32>
        %mul3A_1586 = vector.broadcast %squeeze3A_1576 : f32 to vector<16xf32>
        %mul3A_1587 = arith.mulf %mul3A_1586, %unpack3A_1572 : vector<16xf32>
        %add3A_1588 = arith.addf %add3A_1585, %mul3A_1587 : vector<16xf32>
        %add3A_1589 = arith.constant 5 : i32
        %add3A_1590 = arith.addi %add3A_1398, %add3A_1589 : i32
        %get3A_1591 = arith.constant 0 : i32
        %get3A_1592 = arith.constant 0 : i32
        %get3A_1593 = tpu.memref_slice %arg11[%scan3A_712, %get3A_1591, %get3A_1592] : memref<2x512x64xbf16, #tpu.memory_space<vmem>> -> memref<1x512x64xbf16, #tpu.memory_space<vmem>>
        %get3A_1594 = tpu.memref_squeeze %get3A_1593 : memref<1x512x64xbf16, #tpu.memory_space<vmem>> -> memref<512x64xbf16, #tpu.memory_space<vmem>>
        %get3A_1595 = arith.index_cast %add3A_1590 : i32 to index
        %get3A_1596 = arith.constant 0 : index
        %get3A_1597 = tpu.vector_load %get3A_1594[%get3A_1595, %get3A_1596] {strides = array<i32>} : memref<512x64xbf16, #tpu.memory_space<vmem>>, vector<32xbf16>,
        %unpack3A_1598 = tpu.unpack_subelements %get3A_1597, 0 {pack_format = #tpu.pack_format<interleaved>} : vector<32xbf16> -> vector<16xf32>
        %unpack3A_1599 = tpu.unpack_subelements %get3A_1597, 1 {pack_format = #tpu.pack_format<interleaved>} : vector<32xbf16> -> vector<16xf32>
        %add3A_1600 = arith.constant 5 : i32
        %add3A_1601 = arith.addi %add3A_1398, %add3A_1600 : i32
        %get3A_1602 = arith.constant 0 : i32
        %get3A_1603 = arith.constant 0 : i32
        %get3A_1604 = tpu.memref_slice %arg11[%scan3A_712, %get3A_1602, %get3A_1603] : memref<2x512x64xbf16, #tpu.memory_space<vmem>> -> memref<1x512x64xbf16, #tpu.memory_space<vmem>>
        %get3A_1605 = tpu.memref_squeeze %get3A_1604 : memref<1x512x64xbf16, #tpu.memory_space<vmem>> -> memref<512x64xbf16, #tpu.memory_space<vmem>>
        %get3A_1606 = arith.index_cast %add3A_1601 : i32 to index
        %get3A_1607 = arith.constant 32 : index
        %get3A_1608 = tpu.vector_load %get3A_1605[%get3A_1606, %get3A_1607] {strides = array<i32>} : memref<512x64xbf16, #tpu.memory_space<vmem>>, vector<32xbf16>,
        %unpack3A_1609 = tpu.unpack_subelements %get3A_1608, 0 {pack_format = #tpu.pack_format<interleaved>} : vector<32xbf16> -> vector<16xf32>
        %unpack3A_1610 = tpu.unpack_subelements %get3A_1608, 1 {pack_format = #tpu.pack_format<interleaved>} : vector<32xbf16> -> vector<16xf32>
        %slice3A_1611 = vector.extract_strided_slice %get3A_1386 {offsets = [5], sizes = [1], strides = [1]} : vector<16xf32> to vector<1xf32>
        %squeeze3A_1612 = vector.extract %slice3A_1611[0] : f32 from vector<1xf32>
        %slice3A_1613 = vector.extract_strided_slice %get3A_1395 {offsets = [5], sizes = [1], strides = [1]} : vector<16xf32> to vector<1xf32>
        %squeeze3A_1614 = vector.extract %slice3A_1613[0] : f32 from vector<1xf32>
        %mul3A_1615 = vector.broadcast %squeeze3A_1612 : f32 to vector<16xf32>
        %mul3A_1616 = arith.mulf %mul3A_1615, %unpack3A_1598 : vector<16xf32>
        %add3A_1617 = arith.addf %add3A_1582, %mul3A_1616 : vector<16xf32>
        %mul3A_1618 = vector.broadcast %squeeze3A_1614 : f32 to vector<16xf32>
        %mul3A_1619 = arith.mulf %mul3A_1618, %unpack3A_1609 : vector<16xf32>
        %add3A_1620 = arith.addf %add3A_1617, %mul3A_1619 : vector<16xf32>
        %mul3A_1621 = vector.broadcast %squeeze3A_1612 : f32 to vector<16xf32>
        %mul3A_1622 = arith.mulf %mul3A_1621, %unpack3A_1599 : vector<16xf32>
        %add3A_1623 = arith.addf %add3A_1588, %mul3A_1622 : vector<16xf32>
        %mul3A_1624 = vector.broadcast %squeeze3A_1614 : f32 to vector<16xf32>
        %mul3A_1625 = arith.mulf %mul3A_1624, %unpack3A_1610 : vector<16xf32>
        %add3A_1626 = arith.addf %add3A_1623, %mul3A_1625 : vector<16xf32>
        %add3A_1627 = arith.constant 6 : i32
        %add3A_1628 = arith.addi %add3A_1398, %add3A_1627 : i32
        %get3A_1629 = arith.constant 0 : i32
        %get3A_1630 = arith.constant 0 : i32
        %get3A_1631 = tpu.memref_slice %arg11[%scan3A_712, %get3A_1629, %get3A_1630] : memref<2x512x64xbf16, #tpu.memory_space<vmem>> -> memref<1x512x64xbf16, #tpu.memory_space<vmem>>
        %get3A_1632 = tpu.memref_squeeze %get3A_1631 : memref<1x512x64xbf16, #tpu.memory_space<vmem>> -> memref<512x64xbf16, #tpu.memory_space<vmem>>
        %get3A_1633 = arith.index_cast %add3A_1628 : i32 to index
        %get3A_1634 = arith.constant 0 : index
        %get3A_1635 = tpu.vector_load %get3A_1632[%get3A_1633, %get3A_1634] {strides = array<i32>} : memref<512x64xbf16, #tpu.memory_space<vmem>>, vector<32xbf16>,
        %unpack3A_1636 = tpu.unpack_subelements %get3A_1635, 0 {pack_format = #tpu.pack_format<interleaved>} : vector<32xbf16> -> vector<16xf32>
        %unpack3A_1637 = tpu.unpack_subelements %get3A_1635, 1 {pack_format = #tpu.pack_format<interleaved>} : vector<32xbf16> -> vector<16xf32>
        %add3A_1638 = arith.constant 6 : i32
        %add3A_1639 = arith.addi %add3A_1398, %add3A_1638 : i32
        %get3A_1640 = arith.constant 0 : i32
        %get3A_1641 = arith.constant 0 : i32
        %get3A_1642 = tpu.memref_slice %arg11[%scan3A_712, %get3A_1640, %get3A_1641] : memref<2x512x64xbf16, #tpu.memory_space<vmem>> -> memref<1x512x64xbf16, #tpu.memory_space<vmem>>
        %get3A_1643 = tpu.memref_squeeze %get3A_1642 : memref<1x512x64xbf16, #tpu.memory_space<vmem>> -> memref<512x64xbf16, #tpu.memory_space<vmem>>
        %get3A_1644 = arith.index_cast %add3A_1639 : i32 to index
        %get3A_1645 = arith.constant 32 : index
        %get3A_1646 = tpu.vector_load %get3A_1643[%get3A_1644, %get3A_1645] {strides = array<i32>} : memref<512x64xbf16, #tpu.memory_space<vmem>>, vector<32xbf16>,
        %unpack3A_1647 = tpu.unpack_subelements %get3A_1646, 0 {pack_format = #tpu.pack_format<interleaved>} : vector<32xbf16> -> vector<16xf32>
        %unpack3A_1648 = tpu.unpack_subelements %get3A_1646, 1 {pack_format = #tpu.pack_format<interleaved>} : vector<32xbf16> -> vector<16xf32>
        %slice3A_1649 = vector.extract_strided_slice %get3A_1386 {offsets = [6], sizes = [1], strides = [1]} : vector<16xf32> to vector<1xf32>
        %squeeze3A_1650 = vector.extract %slice3A_1649[0] : f32 from vector<1xf32>
        %slice3A_1651 = vector.extract_strided_slice %get3A_1395 {offsets = [6], sizes = [1], strides = [1]} : vector<16xf32> to vector<1xf32>
        %squeeze3A_1652 = vector.extract %slice3A_1651[0] : f32 from vector<1xf32>
        %mul3A_1653 = vector.broadcast %squeeze3A_1650 : f32 to vector<16xf32>
        %mul3A_1654 = arith.mulf %mul3A_1653, %unpack3A_1636 : vector<16xf32>
        %add3A_1655 = arith.addf %add3A_1620, %mul3A_1654 : vector<16xf32>
        %mul3A_1656 = vector.broadcast %squeeze3A_1652 : f32 to vector<16xf32>
        %mul3A_1657 = arith.mulf %mul3A_1656, %unpack3A_1647 : vector<16xf32>
        %add3A_1658 = arith.addf %add3A_1655, %mul3A_1657 : vector<16xf32>
        %mul3A_1659 = vector.broadcast %squeeze3A_1650 : f32 to vector<16xf32>
        %mul3A_1660 = arith.mulf %mul3A_1659, %unpack3A_1637 : vector<16xf32>
        %add3A_1661 = arith.addf %add3A_1626, %mul3A_1660 : vector<16xf32>
        %mul3A_1662 = vector.broadcast %squeeze3A_1652 : f32 to vector<16xf32>
        %mul3A_1663 = arith.mulf %mul3A_1662, %unpack3A_1648 : vector<16xf32>
        %add3A_1664 = arith.addf %add3A_1661, %mul3A_1663 : vector<16xf32>
        %add3A_1665 = arith.constant 7 : i32
        %add3A_1666 = arith.addi %add3A_1398, %add3A_1665 : i32
        %get3A_1667 = arith.constant 0 : i32
        %get3A_1668 = arith.constant 0 : i32
        %get3A_1669 = tpu.memref_slice %arg11[%scan3A_712, %get3A_1667, %get3A_1668] : memref<2x512x64xbf16, #tpu.memory_space<vmem>> -> memref<1x512x64xbf16, #tpu.memory_space<vmem>>
        %get3A_1670 = tpu.memref_squeeze %get3A_1669 : memref<1x512x64xbf16, #tpu.memory_space<vmem>> -> memref<512x64xbf16, #tpu.memory_space<vmem>>
        %get3A_1671 = arith.index_cast %add3A_1666 : i32 to index
        %get3A_1672 = arith.constant 0 : index
        %get3A_1673 = tpu.vector_load %get3A_1670[%get3A_1671, %get3A_1672] {strides = array<i32>} : memref<512x64xbf16, #tpu.memory_space<vmem>>, vector<32xbf16>,
        %unpack3A_1674 = tpu.unpack_subelements %get3A_1673, 0 {pack_format = #tpu.pack_format<interleaved>} : vector<32xbf16> -> vector<16xf32>
        %unpack3A_1675 = tpu.unpack_subelements %get3A_1673, 1 {pack_format = #tpu.pack_format<interleaved>} : vector<32xbf16> -> vector<16xf32>
        %add3A_1676 = arith.constant 7 : i32
        %add3A_1677 = arith.addi %add3A_1398, %add3A_1676 : i32
        %get3A_1678 = arith.constant 0 : i32
        %get3A_1679 = arith.constant 0 : i32
        %get3A_1680 = tpu.memref_slice %arg11[%scan3A_712, %get3A_1678, %get3A_1679] : memref<2x512x64xbf16, #tpu.memory_space<vmem>> -> memref<1x512x64xbf16, #tpu.memory_space<vmem>>
        %get3A_1681 = tpu.memref_squeeze %get3A_1680 : memref<1x512x64xbf16, #tpu.memory_space<vmem>> -> memref<512x64xbf16, #tpu.memory_space<vmem>>
        %get3A_1682 = arith.index_cast %add3A_1677 : i32 to index
        %get3A_1683 = arith.constant 32 : index
        %get3A_1684 = tpu.vector_load %get3A_1681[%get3A_1682, %get3A_1683] {strides = array<i32>} : memref<512x64xbf16, #tpu.memory_space<vmem>>, vector<32xbf16>,
        %unpack3A_1685 = tpu.unpack_subelements %get3A_1684, 0 {pack_format = #tpu.pack_format<interleaved>} : vector<32xbf16> -> vector<16xf32>
        %unpack3A_1686 = tpu.unpack_subelements %get3A_1684, 1 {pack_format = #tpu.pack_format<interleaved>} : vector<32xbf16> -> vector<16xf32>
        %slice3A_1687 = vector.extract_strided_slice %get3A_1386 {offsets = [7], sizes = [1], strides = [1]} : vector<16xf32> to vector<1xf32>
        %squeeze3A_1688 = vector.extract %slice3A_1687[0] : f32 from vector<1xf32>
        %slice3A_1689 = vector.extract_strided_slice %get3A_1395 {offsets = [7], sizes = [1], strides = [1]} : vector<16xf32> to vector<1xf32>
        %squeeze3A_1690 = vector.extract %slice3A_1689[0] : f32 from vector<1xf32>
        %mul3A_1691 = vector.broadcast %squeeze3A_1688 : f32 to vector<16xf32>
        %mul3A_1692 = arith.mulf %mul3A_1691, %unpack3A_1674 : vector<16xf32>
        %add3A_1693 = arith.addf %add3A_1658, %mul3A_1692 : vector<16xf32>
        %mul3A_1694 = vector.broadcast %squeeze3A_1690 : f32 to vector<16xf32>
        %mul3A_1695 = arith.mulf %mul3A_1694, %unpack3A_1685 : vector<16xf32>
        %add3A_1696 = arith.addf %add3A_1693, %mul3A_1695 : vector<16xf32>
        %mul3A_1697 = vector.broadcast %squeeze3A_1688 : f32 to vector<16xf32>
        %mul3A_1698 = arith.mulf %mul3A_1697, %unpack3A_1675 : vector<16xf32>
        %add3A_1699 = arith.addf %add3A_1664, %mul3A_1698 : vector<16xf32>
        %mul3A_1700 = vector.broadcast %squeeze3A_1690 : f32 to vector<16xf32>
        %mul3A_1701 = arith.mulf %mul3A_1700, %unpack3A_1686 : vector<16xf32>
        %add3A_1702 = arith.addf %add3A_1699, %mul3A_1701 : vector<16xf32>
        %add3A_1703 = arith.constant 8 : i32
        %add3A_1704 = arith.addi %add3A_1398, %add3A_1703 : i32
        %get3A_1705 = arith.constant 0 : i32
        %get3A_1706 = arith.constant 0 : i32
        %get3A_1707 = tpu.memref_slice %arg11[%scan3A_712, %get3A_1705, %get3A_1706] : memref<2x512x64xbf16, #tpu.memory_space<vmem>> -> memref<1x512x64xbf16, #tpu.memory_space<vmem>>
        %get3A_1708 = tpu.memref_squeeze %get3A_1707 : memref<1x512x64xbf16, #tpu.memory_space<vmem>> -> memref<512x64xbf16, #tpu.memory_space<vmem>>
        %get3A_1709 = arith.index_cast %add3A_1704 : i32 to index
        %get3A_1710 = arith.constant 0 : index
        %get3A_1711 = tpu.vector_load %get3A_1708[%get3A_1709, %get3A_1710] {strides = array<i32>} : memref<512x64xbf16, #tpu.memory_space<vmem>>, vector<32xbf16>,
        %unpack3A_1712 = tpu.unpack_subelements %get3A_1711, 0 {pack_format = #tpu.pack_format<interleaved>} : vector<32xbf16> -> vector<16xf32>
        %unpack3A_1713 = tpu.unpack_subelements %get3A_1711, 1 {pack_format = #tpu.pack_format<interleaved>} : vector<32xbf16> -> vector<16xf32>
        %add3A_1714 = arith.constant 8 : i32
        %add3A_1715 = arith.addi %add3A_1398, %add3A_1714 : i32
        %get3A_1716 = arith.constant 0 : i32
        %get3A_1717 = arith.constant 0 : i32
        %get3A_1718 = tpu.memref_slice %arg11[%scan3A_712, %get3A_1716, %get3A_1717] : memref<2x512x64xbf16, #tpu.memory_space<vmem>> -> memref<1x512x64xbf16, #tpu.memory_space<vmem>>
        %get3A_1719 = tpu.memref_squeeze %get3A_1718 : memref<1x512x64xbf16, #tpu.memory_space<vmem>> -> memref<512x64xbf16, #tpu.memory_space<vmem>>
        %get3A_1720 = arith.index_cast %add3A_1715 : i32 to index
        %get3A_1721 = arith.constant 32 : index
        %get3A_1722 = tpu.vector_load %get3A_1719[%get3A_1720, %get3A_1721] {strides = array<i32>} : memref<512x64xbf16, #tpu.memory_space<vmem>>, vector<32xbf16>,
        %unpack3A_1723 = tpu.unpack_subelements %get3A_1722, 0 {pack_format = #tpu.pack_format<interleaved>} : vector<32xbf16> -> vector<16xf32>
        %unpack3A_1724 = tpu.unpack_subelements %get3A_1722, 1 {pack_format = #tpu.pack_format<interleaved>} : vector<32xbf16> -> vector<16xf32>
        %slice3A_1725 = vector.extract_strided_slice %get3A_1386 {offsets = [8], sizes = [1], strides = [1]} : vector<16xf32> to vector<1xf32>
        %squeeze3A_1726 = vector.extract %slice3A_1725[0] : f32 from vector<1xf32>
        %slice3A_1727 = vector.extract_strided_slice %get3A_1395 {offsets = [8], sizes = [1], strides = [1]} : vector<16xf32> to vector<1xf32>
        %squeeze3A_1728 = vector.extract %slice3A_1727[0] : f32 from vector<1xf32>
        %mul3A_1729 = vector.broadcast %squeeze3A_1726 : f32 to vector<16xf32>
        %mul3A_1730 = arith.mulf %mul3A_1729, %unpack3A_1712 : vector<16xf32>
        %add3A_1731 = arith.addf %add3A_1696, %mul3A_1730 : vector<16xf32>
        %mul3A_1732 = vector.broadcast %squeeze3A_1728 : f32 to vector<16xf32>
        %mul3A_1733 = arith.mulf %mul3A_1732, %unpack3A_1723 : vector<16xf32>
        %add3A_1734 = arith.addf %add3A_1731, %mul3A_1733 : vector<16xf32>
        %mul3A_1735 = vector.broadcast %squeeze3A_1726 : f32 to vector<16xf32>
        %mul3A_1736 = arith.mulf %mul3A_1735, %unpack3A_1713 : vector<16xf32>
        %add3A_1737 = arith.addf %add3A_1702, %mul3A_1736 : vector<16xf32>
        %mul3A_1738 = vector.broadcast %squeeze3A_1728 : f32 to vector<16xf32>
        %mul3A_1739 = arith.mulf %mul3A_1738, %unpack3A_1724 : vector<16xf32>
        %add3A_1740 = arith.addf %add3A_1737, %mul3A_1739 : vector<16xf32>
        %add3A_1741 = arith.constant 9 : i32
        %add3A_1742 = arith.addi %add3A_1398, %add3A_1741 : i32
        %get3A_1743 = arith.constant 0 : i32
        %get3A_1744 = arith.constant 0 : i32
        %get3A_1745 = tpu.memref_slice %arg11[%scan3A_712, %get3A_1743, %get3A_1744] : memref<2x512x64xbf16, #tpu.memory_space<vmem>> -> memref<1x512x64xbf16, #tpu.memory_space<vmem>>
        %get3A_1746 = tpu.memref_squeeze %get3A_1745 : memref<1x512x64xbf16, #tpu.memory_space<vmem>> -> memref<512x64xbf16, #tpu.memory_space<vmem>>
        %get3A_1747 = arith.index_cast %add3A_1742 : i32 to index
        %get3A_1748 = arith.constant 0 : index
        %get3A_1749 = tpu.vector_load %get3A_1746[%get3A_1747, %get3A_1748] {strides = array<i32>} : memref<512x64xbf16, #tpu.memory_space<vmem>>, vector<32xbf16>,
        %unpack3A_1750 = tpu.unpack_subelements %get3A_1749, 0 {pack_format = #tpu.pack_format<interleaved>} : vector<32xbf16> -> vector<16xf32>
        %unpack3A_1751 = tpu.unpack_subelements %get3A_1749, 1 {pack_format = #tpu.pack_format<interleaved>} : vector<32xbf16> -> vector<16xf32>
        %add3A_1752 = arith.constant 9 : i32
        %add3A_1753 = arith.addi %add3A_1398, %add3A_1752 : i32
        %get3A_1754 = arith.constant 0 : i32
        %get3A_1755 = arith.constant 0 : i32
        %get3A_1756 = tpu.memref_slice %arg11[%scan3A_712, %get3A_1754, %get3A_1755] : memref<2x512x64xbf16, #tpu.memory_space<vmem>> -> memref<1x512x64xbf16, #tpu.memory_space<vmem>>
        %get3A_1757 = tpu.memref_squeeze %get3A_1756 : memref<1x512x64xbf16, #tpu.memory_space<vmem>> -> memref<512x64xbf16, #tpu.memory_space<vmem>>
        %get3A_1758 = arith.index_cast %add3A_1753 : i32 to index
        %get3A_1759 = arith.constant 32 : index
        %get3A_1760 = tpu.vector_load %get3A_1757[%get3A_1758, %get3A_1759] {strides = array<i32>} : memref<512x64xbf16, #tpu.memory_space<vmem>>, vector<32xbf16>,
        %unpack3A_1761 = tpu.unpack_subelements %get3A_1760, 0 {pack_format = #tpu.pack_format<interleaved>} : vector<32xbf16> -> vector<16xf32>
        %unpack3A_1762 = tpu.unpack_subelements %get3A_1760, 1 {pack_format = #tpu.pack_format<interleaved>} : vector<32xbf16> -> vector<16xf32>
        %slice3A_1763 = vector.extract_strided_slice %get3A_1386 {offsets = [9], sizes = [1], strides = [1]} : vector<16xf32> to vector<1xf32>
        %squeeze3A_1764 = vector.extract %slice3A_1763[0] : f32 from vector<1xf32>
        %slice3A_1765 = vector.extract_strided_slice %get3A_1395 {offsets = [9], sizes = [1], strides = [1]} : vector<16xf32> to vector<1xf32>
        %squeeze3A_1766 = vector.extract %slice3A_1765[0] : f32 from vector<1xf32>
        %mul3A_1767 = vector.broadcast %squeeze3A_1764 : f32 to vector<16xf32>
        %mul3A_1768 = arith.mulf %mul3A_1767, %unpack3A_1750 : vector<16xf32>
        %add3A_1769 = arith.addf %add3A_1734, %mul3A_1768 : vector<16xf32>
        %mul3A_1770 = vector.broadcast %squeeze3A_1766 : f32 to vector<16xf32>
        %mul3A_1771 = arith.mulf %mul3A_1770, %unpack3A_1761 : vector<16xf32>
        %add3A_1772 = arith.addf %add3A_1769, %mul3A_1771 : vector<16xf32>
        %mul3A_1773 = vector.broadcast %squeeze3A_1764 : f32 to vector<16xf32>
        %mul3A_1774 = arith.mulf %mul3A_1773, %unpack3A_1751 : vector<16xf32>
        %add3A_1775 = arith.addf %add3A_1740, %mul3A_1774 : vector<16xf32>
        %mul3A_1776 = vector.broadcast %squeeze3A_1766 : f32 to vector<16xf32>
        %mul3A_1777 = arith.mulf %mul3A_1776, %unpack3A_1762 : vector<16xf32>
        %add3A_1778 = arith.addf %add3A_1775, %mul3A_1777 : vector<16xf32>
        %add3A_1779 = arith.constant 10 : i32
        %add3A_1780 = arith.addi %add3A_1398, %add3A_1779 : i32
        %get3A_1781 = arith.constant 0 : i32
        %get3A_1782 = arith.constant 0 : i32
        %get3A_1783 = tpu.memref_slice %arg11[%scan3A_712, %get3A_1781, %get3A_1782] : memref<2x512x64xbf16, #tpu.memory_space<vmem>> -> memref<1x512x64xbf16, #tpu.memory_space<vmem>>
        %get3A_1784 = tpu.memref_squeeze %get3A_1783 : memref<1x512x64xbf16, #tpu.memory_space<vmem>> -> memref<512x64xbf16, #tpu.memory_space<vmem>>
        %get3A_1785 = arith.index_cast %add3A_1780 : i32 to index
        %get3A_1786 = arith.constant 0 : index
        %get3A_1787 = tpu.vector_load %get3A_1784[%get3A_1785, %get3A_1786] {strides = array<i32>} : memref<512x64xbf16, #tpu.memory_space<vmem>>, vector<32xbf16>,
        %unpack3A_1788 = tpu.unpack_subelements %get3A_1787, 0 {pack_format = #tpu.pack_format<interleaved>} : vector<32xbf16> -> vector<16xf32>
        %unpack3A_1789 = tpu.unpack_subelements %get3A_1787, 1 {pack_format = #tpu.pack_format<interleaved>} : vector<32xbf16> -> vector<16xf32>
        %add3A_1790 = arith.constant 10 : i32
        %add3A_1791 = arith.addi %add3A_1398, %add3A_1790 : i32
        %get3A_1792 = arith.constant 0 : i32
        %get3A_1793 = arith.constant 0 : i32
        %get3A_1794 = tpu.memref_slice %arg11[%scan3A_712, %get3A_1792, %get3A_1793] : memref<2x512x64xbf16, #tpu.memory_space<vmem>> -> memref<1x512x64xbf16, #tpu.memory_space<vmem>>
        %get3A_1795 = tpu.memref_squeeze %get3A_1794 : memref<1x512x64xbf16, #tpu.memory_space<vmem>> -> memref<512x64xbf16, #tpu.memory_space<vmem>>
        %get3A_1796 = arith.index_cast %add3A_1791 : i32 to index
        %get3A_1797 = arith.constant 32 : index
        %get3A_1798 = tpu.vector_load %get3A_1795[%get3A_1796, %get3A_1797] {strides = array<i32>} : memref<512x64xbf16, #tpu.memory_space<vmem>>, vector<32xbf16>,
        %unpack3A_1799 = tpu.unpack_subelements %get3A_1798, 0 {pack_format = #tpu.pack_format<interleaved>} : vector<32xbf16> -> vector<16xf32>
        %unpack3A_1800 = tpu.unpack_subelements %get3A_1798, 1 {pack_format = #tpu.pack_format<interleaved>} : vector<32xbf16> -> vector<16xf32>
        %slice3A_1801 = vector.extract_strided_slice %get3A_1386 {offsets = [10], sizes = [1], strides = [1]} : vector<16xf32> to vector<1xf32>
        %squeeze3A_1802 = vector.extract %slice3A_1801[0] : f32 from vector<1xf32>
        %slice3A_1803 = vector.extract_strided_slice %get3A_1395 {offsets = [10], sizes = [1], strides = [1]} : vector<16xf32> to vector<1xf32>
        %squeeze3A_1804 = vector.extract %slice3A_1803[0] : f32 from vector<1xf32>
        %mul3A_1805 = vector.broadcast %squeeze3A_1802 : f32 to vector<16xf32>
        %mul3A_1806 = arith.mulf %mul3A_1805, %unpack3A_1788 : vector<16xf32>
        %add3A_1807 = arith.addf %add3A_1772, %mul3A_1806 : vector<16xf32>
        %mul3A_1808 = vector.broadcast %squeeze3A_1804 : f32 to vector<16xf32>
        %mul3A_1809 = arith.mulf %mul3A_1808, %unpack3A_1799 : vector<16xf32>
        %add3A_1810 = arith.addf %add3A_1807, %mul3A_1809 : vector<16xf32>
        %mul3A_1811 = vector.broadcast %squeeze3A_1802 : f32 to vector<16xf32>
        %mul3A_1812 = arith.mulf %mul3A_1811, %unpack3A_1789 : vector<16xf32>
        %add3A_1813 = arith.addf %add3A_1778, %mul3A_1812 : vector<16xf32>
        %mul3A_1814 = vector.broadcast %squeeze3A_1804 : f32 to vector<16xf32>
        %mul3A_1815 = arith.mulf %mul3A_1814, %unpack3A_1800 : vector<16xf32>
        %add3A_1816 = arith.addf %add3A_1813, %mul3A_1815 : vector<16xf32>
        %add3A_1817 = arith.constant 11 : i32
        %add3A_1818 = arith.addi %add3A_1398, %add3A_1817 : i32
        %get3A_1819 = arith.constant 0 : i32
        %get3A_1820 = arith.constant 0 : i32
        %get3A_1821 = tpu.memref_slice %arg11[%scan3A_712, %get3A_1819, %get3A_1820] : memref<2x512x64xbf16, #tpu.memory_space<vmem>> -> memref<1x512x64xbf16, #tpu.memory_space<vmem>>
        %get3A_1822 = tpu.memref_squeeze %get3A_1821 : memref<1x512x64xbf16, #tpu.memory_space<vmem>> -> memref<512x64xbf16, #tpu.memory_space<vmem>>
        %get3A_1823 = arith.index_cast %add3A_1818 : i32 to index
        %get3A_1824 = arith.constant 0 : index
        %get3A_1825 = tpu.vector_load %get3A_1822[%get3A_1823, %get3A_1824] {strides = array<i32>} : memref<512x64xbf16, #tpu.memory_space<vmem>>, vector<32xbf16>,
        %unpack3A_1826 = tpu.unpack_subelements %get3A_1825, 0 {pack_format = #tpu.pack_format<interleaved>} : vector<32xbf16> -> vector<16xf32>
        %unpack3A_1827 = tpu.unpack_subelements %get3A_1825, 1 {pack_format = #tpu.pack_format<interleaved>} : vector<32xbf16> -> vector<16xf32>
        %add3A_1828 = arith.constant 11 : i32
        %add3A_1829 = arith.addi %add3A_1398, %add3A_1828 : i32
        %get3A_1830 = arith.constant 0 : i32
        %get3A_1831 = arith.constant 0 : i32
        %get3A_1832 = tpu.memref_slice %arg11[%scan3A_712, %get3A_1830, %get3A_1831] : memref<2x512x64xbf16, #tpu.memory_space<vmem>> -> memref<1x512x64xbf16, #tpu.memory_space<vmem>>
        %get3A_1833 = tpu.memref_squeeze %get3A_1832 : memref<1x512x64xbf16, #tpu.memory_space<vmem>> -> memref<512x64xbf16, #tpu.memory_space<vmem>>
        %get3A_1834 = arith.index_cast %add3A_1829 : i32 to index
        %get3A_1835 = arith.constant 32 : index
        %get3A_1836 = tpu.vector_load %get3A_1833[%get3A_1834, %get3A_1835] {strides = array<i32>} : memref<512x64xbf16, #tpu.memory_space<vmem>>, vector<32xbf16>,
        %unpack3A_1837 = tpu.unpack_subelements %get3A_1836, 0 {pack_format = #tpu.pack_format<interleaved>} : vector<32xbf16> -> vector<16xf32>
        %unpack3A_1838 = tpu.unpack_subelements %get3A_1836, 1 {pack_format = #tpu.pack_format<interleaved>} : vector<32xbf16> -> vector<16xf32>
        %slice3A_1839 = vector.extract_strided_slice %get3A_1386 {offsets = [11], sizes = [1], strides = [1]} : vector<16xf32> to vector<1xf32>
        %squeeze3A_1840 = vector.extract %slice3A_1839[0] : f32 from vector<1xf32>
        %slice3A_1841 = vector.extract_strided_slice %get3A_1395 {offsets = [11], sizes = [1], strides = [1]} : vector<16xf32> to vector<1xf32>
        %squeeze3A_1842 = vector.extract %slice3A_1841[0] : f32 from vector<1xf32>
        %mul3A_1843 = vector.broadcast %squeeze3A_1840 : f32 to vector<16xf32>
        %mul3A_1844 = arith.mulf %mul3A_1843, %unpack3A_1826 : vector<16xf32>
        %add3A_1845 = arith.addf %add3A_1810, %mul3A_1844 : vector<16xf32>
        %mul3A_1846 = vector.broadcast %squeeze3A_1842 : f32 to vector<16xf32>
        %mul3A_1847 = arith.mulf %mul3A_1846, %unpack3A_1837 : vector<16xf32>
        %add3A_1848 = arith.addf %add3A_1845, %mul3A_1847 : vector<16xf32>
        %mul3A_1849 = vector.broadcast %squeeze3A_1840 : f32 to vector<16xf32>
        %mul3A_1850 = arith.mulf %mul3A_1849, %unpack3A_1827 : vector<16xf32>
        %add3A_1851 = arith.addf %add3A_1816, %mul3A_1850 : vector<16xf32>
        %mul3A_1852 = vector.broadcast %squeeze3A_1842 : f32 to vector<16xf32>
        %mul3A_1853 = arith.mulf %mul3A_1852, %unpack3A_1838 : vector<16xf32>
        %add3A_1854 = arith.addf %add3A_1851, %mul3A_1853 : vector<16xf32>
        %add3A_1855 = arith.constant 12 : i32
        %add3A_1856 = arith.addi %add3A_1398, %add3A_1855 : i32
        %get3A_1857 = arith.constant 0 : i32
        %get3A_1858 = arith.constant 0 : i32
        %get3A_1859 = tpu.memref_slice %arg11[%scan3A_712, %get3A_1857, %get3A_1858] : memref<2x512x64xbf16, #tpu.memory_space<vmem>> -> memref<1x512x64xbf16, #tpu.memory_space<vmem>>
        %get3A_1860 = tpu.memref_squeeze %get3A_1859 : memref<1x512x64xbf16, #tpu.memory_space<vmem>> -> memref<512x64xbf16, #tpu.memory_space<vmem>>
        %get3A_1861 = arith.index_cast %add3A_1856 : i32 to index
        %get3A_1862 = arith.constant 0 : index
        %get3A_1863 = tpu.vector_load %get3A_1860[%get3A_1861, %get3A_1862] {strides = array<i32>} : memref<512x64xbf16, #tpu.memory_space<vmem>>, vector<32xbf16>,
        %unpack3A_1864 = tpu.unpack_subelements %get3A_1863, 0 {pack_format = #tpu.pack_format<interleaved>} : vector<32xbf16> -> vector<16xf32>
        %unpack3A_1865 = tpu.unpack_subelements %get3A_1863, 1 {pack_format = #tpu.pack_format<interleaved>} : vector<32xbf16> -> vector<16xf32>
        %add3A_1866 = arith.constant 12 : i32
        %add3A_1867 = arith.addi %add3A_1398, %add3A_1866 : i32
        %get3A_1868 = arith.constant 0 : i32
        %get3A_1869 = arith.constant 0 : i32
        %get3A_1870 = tpu.memref_slice %arg11[%scan3A_712, %get3A_1868, %get3A_1869] : memref<2x512x64xbf16, #tpu.memory_space<vmem>> -> memref<1x512x64xbf16, #tpu.memory_space<vmem>>
        %get3A_1871 = tpu.memref_squeeze %get3A_1870 : memref<1x512x64xbf16, #tpu.memory_space<vmem>> -> memref<512x64xbf16, #tpu.memory_space<vmem>>
        %get3A_1872 = arith.index_cast %add3A_1867 : i32 to index
        %get3A_1873 = arith.constant 32 : index
        %get3A_1874 = tpu.vector_load %get3A_1871[%get3A_1872, %get3A_1873] {strides = array<i32>} : memref<512x64xbf16, #tpu.memory_space<vmem>>, vector<32xbf16>,
        %unpack3A_1875 = tpu.unpack_subelements %get3A_1874, 0 {pack_format = #tpu.pack_format<interleaved>} : vector<32xbf16> -> vector<16xf32>
        %unpack3A_1876 = tpu.unpack_subelements %get3A_1874, 1 {pack_format = #tpu.pack_format<interleaved>} : vector<32xbf16> -> vector<16xf32>
        %slice3A_1877 = vector.extract_strided_slice %get3A_1386 {offsets = [12], sizes = [1], strides = [1]} : vector<16xf32> to vector<1xf32>
        %squeeze3A_1878 = vector.extract %slice3A_1877[0] : f32 from vector<1xf32>
        %slice3A_1879 = vector.extract_strided_slice %get3A_1395 {offsets = [12], sizes = [1], strides = [1]} : vector<16xf32> to vector<1xf32>
        %squeeze3A_1880 = vector.extract %slice3A_1879[0] : f32 from vector<1xf32>
        %mul3A_1881 = vector.broadcast %squeeze3A_1878 : f32 to vector<16xf32>
        %mul3A_1882 = arith.mulf %mul3A_1881, %unpack3A_1864 : vector<16xf32>
        %add3A_1883 = arith.addf %add3A_1848, %mul3A_1882 : vector<16xf32>
        %mul3A_1884 = vector.broadcast %squeeze3A_1880 : f32 to vector<16xf32>
        %mul3A_1885 = arith.mulf %mul3A_1884, %unpack3A_1875 : vector<16xf32>
        %add3A_1886 = arith.addf %add3A_1883, %mul3A_1885 : vector<16xf32>
        %mul3A_1887 = vector.broadcast %squeeze3A_1878 : f32 to vector<16xf32>
        %mul3A_1888 = arith.mulf %mul3A_1887, %unpack3A_1865 : vector<16xf32>
        %add3A_1889 = arith.addf %add3A_1854, %mul3A_1888 : vector<16xf32>
        %mul3A_1890 = vector.broadcast %squeeze3A_1880 : f32 to vector<16xf32>
        %mul3A_1891 = arith.mulf %mul3A_1890, %unpack3A_1876 : vector<16xf32>
        %add3A_1892 = arith.addf %add3A_1889, %mul3A_1891 : vector<16xf32>
        %add3A_1893 = arith.constant 13 : i32
        %add3A_1894 = arith.addi %add3A_1398, %add3A_1893 : i32
        %get3A_1895 = arith.constant 0 : i32
        %get3A_1896 = arith.constant 0 : i32
        %get3A_1897 = tpu.memref_slice %arg11[%scan3A_712, %get3A_1895, %get3A_1896] : memref<2x512x64xbf16, #tpu.memory_space<vmem>> -> memref<1x512x64xbf16, #tpu.memory_space<vmem>>
        %get3A_1898 = tpu.memref_squeeze %get3A_1897 : memref<1x512x64xbf16, #tpu.memory_space<vmem>> -> memref<512x64xbf16, #tpu.memory_space<vmem>>
        %get3A_1899 = arith.index_cast %add3A_1894 : i32 to index
        %get3A_1900 = arith.constant 0 : index
        %get3A_1901 = tpu.vector_load %get3A_1898[%get3A_1899, %get3A_1900] {strides = array<i32>} : memref<512x64xbf16, #tpu.memory_space<vmem>>, vector<32xbf16>,
        %unpack3A_1902 = tpu.unpack_subelements %get3A_1901, 0 {pack_format = #tpu.pack_format<interleaved>} : vector<32xbf16> -> vector<16xf32>
        %unpack3A_1903 = tpu.unpack_subelements %get3A_1901, 1 {pack_format = #tpu.pack_format<interleaved>} : vector<32xbf16> -> vector<16xf32>
        %add3A_1904 = arith.constant 13 : i32
        %add3A_1905 = arith.addi %add3A_1398, %add3A_1904 : i32
        %get3A_1906 = arith.constant 0 : i32
        %get3A_1907 = arith.constant 0 : i32
        %get3A_1908 = tpu.memref_slice %arg11[%scan3A_712, %get3A_1906, %get3A_1907] : memref<2x512x64xbf16, #tpu.memory_space<vmem>> -> memref<1x512x64xbf16, #tpu.memory_space<vmem>>
        %get3A_1909 = tpu.memref_squeeze %get3A_1908 : memref<1x512x64xbf16, #tpu.memory_space<vmem>> -> memref<512x64xbf16, #tpu.memory_space<vmem>>
        %get3A_1910 = arith.index_cast %add3A_1905 : i32 to index
        %get3A_1911 = arith.constant 32 : index
        %get3A_1912 = tpu.vector_load %get3A_1909[%get3A_1910, %get3A_1911] {strides = array<i32>} : memref<512x64xbf16, #tpu.memory_space<vmem>>, vector<32xbf16>,
        %unpack3A_1913 = tpu.unpack_subelements %get3A_1912, 0 {pack_format = #tpu.pack_format<interleaved>} : vector<32xbf16> -> vector<16xf32>
        %unpack3A_1914 = tpu.unpack_subelements %get3A_1912, 1 {pack_format = #tpu.pack_format<interleaved>} : vector<32xbf16> -> vector<16xf32>
        %slice3A_1915 = vector.extract_strided_slice %get3A_1386 {offsets = [13], sizes = [1], strides = [1]} : vector<16xf32> to vector<1xf32>
        %squeeze3A_1916 = vector.extract %slice3A_1915[0] : f32 from vector<1xf32>
        %slice3A_1917 = vector.extract_strided_slice %get3A_1395 {offsets = [13], sizes = [1], strides = [1]} : vector<16xf32> to vector<1xf32>
        %squeeze3A_1918 = vector.extract %slice3A_1917[0] : f32 from vector<1xf32>
        %mul3A_1919 = vector.broadcast %squeeze3A_1916 : f32 to vector<16xf32>
        %mul3A_1920 = arith.mulf %mul3A_1919, %unpack3A_1902 : vector<16xf32>
        %add3A_1921 = arith.addf %add3A_1886, %mul3A_1920 : vector<16xf32>
        %mul3A_1922 = vector.broadcast %squeeze3A_1918 : f32 to vector<16xf32>
        %mul3A_1923 = arith.mulf %mul3A_1922, %unpack3A_1913 : vector<16xf32>
        %add3A_1924 = arith.addf %add3A_1921, %mul3A_1923 : vector<16xf32>
        %mul3A_1925 = vector.broadcast %squeeze3A_1916 : f32 to vector<16xf32>
        %mul3A_1926 = arith.mulf %mul3A_1925, %unpack3A_1903 : vector<16xf32>
        %add3A_1927 = arith.addf %add3A_1892, %mul3A_1926 : vector<16xf32>
        %mul3A_1928 = vector.broadcast %squeeze3A_1918 : f32 to vector<16xf32>
        %mul3A_1929 = arith.mulf %mul3A_1928, %unpack3A_1914 : vector<16xf32>
        %add3A_1930 = arith.addf %add3A_1927, %mul3A_1929 : vector<16xf32>
        %add3A_1931 = arith.constant 14 : i32
        %add3A_1932 = arith.addi %add3A_1398, %add3A_1931 : i32
        %get3A_1933 = arith.constant 0 : i32
        %get3A_1934 = arith.constant 0 : i32
        %get3A_1935 = tpu.memref_slice %arg11[%scan3A_712, %get3A_1933, %get3A_1934] : memref<2x512x64xbf16, #tpu.memory_space<vmem>> -> memref<1x512x64xbf16, #tpu.memory_space<vmem>>
        %get3A_1936 = tpu.memref_squeeze %get3A_1935 : memref<1x512x64xbf16, #tpu.memory_space<vmem>> -> memref<512x64xbf16, #tpu.memory_space<vmem>>
        %get3A_1937 = arith.index_cast %add3A_1932 : i32 to index
        %get3A_1938 = arith.constant 0 : index
        %get3A_1939 = tpu.vector_load %get3A_1936[%get3A_1937, %get3A_1938] {strides = array<i32>} : memref<512x64xbf16, #tpu.memory_space<vmem>>, vector<32xbf16>,
        %unpack3A_1940 = tpu.unpack_subelements %get3A_1939, 0 {pack_format = #tpu.pack_format<interleaved>} : vector<32xbf16> -> vector<16xf32>
        %unpack3A_1941 = tpu.unpack_subelements %get3A_1939, 1 {pack_format = #tpu.pack_format<interleaved>} : vector<32xbf16> -> vector<16xf32>
        %add3A_1942 = arith.constant 14 : i32
        %add3A_1943 = arith.addi %add3A_1398, %add3A_1942 : i32
        %get3A_1944 = arith.constant 0 : i32
        %get3A_1945 = arith.constant 0 : i32
        %get3A_1946 = tpu.memref_slice %arg11[%scan3A_712, %get3A_1944, %get3A_1945] : memref<2x512x64xbf16, #tpu.memory_space<vmem>> -> memref<1x512x64xbf16, #tpu.memory_space<vmem>>
        %get3A_1947 = tpu.memref_squeeze %get3A_1946 : memref<1x512x64xbf16, #tpu.memory_space<vmem>> -> memref<512x64xbf16, #tpu.memory_space<vmem>>
        %get3A_1948 = arith.index_cast %add3A_1943 : i32 to index
        %get3A_1949 = arith.constant 32 : index
        %get3A_1950 = tpu.vector_load %get3A_1947[%get3A_1948, %get3A_1949] {strides = array<i32>} : memref<512x64xbf16, #tpu.memory_space<vmem>>, vector<32xbf16>,
        %unpack3A_1951 = tpu.unpack_subelements %get3A_1950, 0 {pack_format = #tpu.pack_format<interleaved>} : vector<32xbf16> -> vector<16xf32>
        %unpack3A_1952 = tpu.unpack_subelements %get3A_1950, 1 {pack_format = #tpu.pack_format<interleaved>} : vector<32xbf16> -> vector<16xf32>
        %slice3A_1953 = vector.extract_strided_slice %get3A_1386 {offsets = [14], sizes = [1], strides = [1]} : vector<16xf32> to vector<1xf32>
        %squeeze3A_1954 = vector.extract %slice3A_1953[0] : f32 from vector<1xf32>
        %slice3A_1955 = vector.extract_strided_slice %get3A_1395 {offsets = [14], sizes = [1], strides = [1]} : vector<16xf32> to vector<1xf32>
        %squeeze3A_1956 = vector.extract %slice3A_1955[0] : f32 from vector<1xf32>
        %mul3A_1957 = vector.broadcast %squeeze3A_1954 : f32 to vector<16xf32>
        %mul3A_1958 = arith.mulf %mul3A_1957, %unpack3A_1940 : vector<16xf32>
        %add3A_1959 = arith.addf %add3A_1924, %mul3A_1958 : vector<16xf32>
        %mul3A_1960 = vector.broadcast %squeeze3A_1956 : f32 to vector<16xf32>
        %mul3A_1961 = arith.mulf %mul3A_1960, %unpack3A_1951 : vector<16xf32>
        %add3A_1962 = arith.addf %add3A_1959, %mul3A_1961 : vector<16xf32>
        %mul3A_1963 = vector.broadcast %squeeze3A_1954 : f32 to vector<16xf32>
        %mul3A_1964 = arith.mulf %mul3A_1963, %unpack3A_1941 : vector<16xf32>
        %add3A_1965 = arith.addf %add3A_1930, %mul3A_1964 : vector<16xf32>
        %mul3A_1966 = vector.broadcast %squeeze3A_1956 : f32 to vector<16xf32>
        %mul3A_1967 = arith.mulf %mul3A_1966, %unpack3A_1952 : vector<16xf32>
        %add3A_1968 = arith.addf %add3A_1965, %mul3A_1967 : vector<16xf32>
        %add3A_1969 = arith.constant 15 : i32
        %add3A_1970 = arith.addi %add3A_1398, %add3A_1969 : i32
        %get3A_1971 = arith.constant 0 : i32
        %get3A_1972 = arith.constant 0 : i32
        %get3A_1973 = tpu.memref_slice %arg11[%scan3A_712, %get3A_1971, %get3A_1972] : memref<2x512x64xbf16, #tpu.memory_space<vmem>> -> memref<1x512x64xbf16, #tpu.memory_space<vmem>>
        %get3A_1974 = tpu.memref_squeeze %get3A_1973 : memref<1x512x64xbf16, #tpu.memory_space<vmem>> -> memref<512x64xbf16, #tpu.memory_space<vmem>>
        %get3A_1975 = arith.index_cast %add3A_1970 : i32 to index
        %get3A_1976 = arith.constant 0 : index
        %get3A_1977 = tpu.vector_load %get3A_1974[%get3A_1975, %get3A_1976] {strides = array<i32>} : memref<512x64xbf16, #tpu.memory_space<vmem>>, vector<32xbf16>,
        %unpack3A_1978 = tpu.unpack_subelements %get3A_1977, 0 {pack_format = #tpu.pack_format<interleaved>} : vector<32xbf16> -> vector<16xf32>
        %unpack3A_1979 = tpu.unpack_subelements %get3A_1977, 1 {pack_format = #tpu.pack_format<interleaved>} : vector<32xbf16> -> vector<16xf32>
        %add3A_1980 = arith.constant 15 : i32
        %add3A_1981 = arith.addi %add3A_1398, %add3A_1980 : i32
        %get3A_1982 = arith.constant 0 : i32
        %get3A_1983 = arith.constant 0 : i32
        %get3A_1984 = tpu.memref_slice %arg11[%scan3A_712, %get3A_1982, %get3A_1983] : memref<2x512x64xbf16, #tpu.memory_space<vmem>> -> memref<1x512x64xbf16, #tpu.memory_space<vmem>>
        %get3A_1985 = tpu.memref_squeeze %get3A_1984 : memref<1x512x64xbf16, #tpu.memory_space<vmem>> -> memref<512x64xbf16, #tpu.memory_space<vmem>>
        %get3A_1986 = arith.index_cast %add3A_1981 : i32 to index
        %get3A_1987 = arith.constant 32 : index
        %get3A_1988 = tpu.vector_load %get3A_1985[%get3A_1986, %get3A_1987] {strides = array<i32>} : memref<512x64xbf16, #tpu.memory_space<vmem>>, vector<32xbf16>,
        %unpack3A_1989 = tpu.unpack_subelements %get3A_1988, 0 {pack_format = #tpu.pack_format<interleaved>} : vector<32xbf16> -> vector<16xf32>
        %unpack3A_1990 = tpu.unpack_subelements %get3A_1988, 1 {pack_format = #tpu.pack_format<interleaved>} : vector<32xbf16> -> vector<16xf32>
        %slice3A_1991 = vector.extract_strided_slice %get3A_1386 {offsets = [15], sizes = [1], strides = [1]} : vector<16xf32> to vector<1xf32>
        %squeeze3A_1992 = vector.extract %slice3A_1991[0] : f32 from vector<1xf32>
        %slice3A_1993 = vector.extract_strided_slice %get3A_1395 {offsets = [15], sizes = [1], strides = [1]} : vector<16xf32> to vector<1xf32>
        %squeeze3A_1994 = vector.extract %slice3A_1993[0] : f32 from vector<1xf32>
        %mul3A_1995 = vector.broadcast %squeeze3A_1992 : f32 to vector<16xf32>
        %mul3A_1996 = arith.mulf %mul3A_1995, %unpack3A_1978 : vector<16xf32>
        %add3A_1997 = arith.addf %add3A_1962, %mul3A_1996 : vector<16xf32>
        %mul3A_1998 = vector.broadcast %squeeze3A_1994 : f32 to vector<16xf32>
        %mul3A_1999 = arith.mulf %mul3A_1998, %unpack3A_1989 : vector<16xf32>
        %add3A_2000 = arith.addf %add3A_1997, %mul3A_1999 : vector<16xf32>
        %mul3A_2001 = vector.broadcast %squeeze3A_1992 : f32 to vector<16xf32>
        %mul3A_2002 = arith.mulf %mul3A_2001, %unpack3A_1979 : vector<16xf32>
        %add3A_2003 = arith.addf %add3A_1968, %mul3A_2002 : vector<16xf32>
        %mul3A_2004 = vector.broadcast %squeeze3A_1994 : f32 to vector<16xf32>
        %mul3A_2005 = arith.mulf %mul3A_2004, %unpack3A_1990 : vector<16xf32>
        %add3A_2006 = arith.addf %add3A_2003, %mul3A_2005 : vector<16xf32>
        %swap3A = arith.index_cast %scan3A_724 : i32 to index
        %swap3A_2007 = arith.constant 0 : index
        %swap3A_2008 = tpu.vector_load %arg13[%swap3A, %swap3A_2007] {strides = array<i32>} : memref<16x32xf32, #tpu.memory_space<vmem>>, vector<16xf32>,
        tpu.vector_store %arg13[%swap3A, %swap3A_2007], %add3A_2000 {strides = array<i32>} : memref<16x32xf32, #tpu.memory_space<vmem>>, vector<16xf32>,
        %swap3A_2009 = arith.index_cast %scan3A_724 : i32 to index
        %swap3A_2010 = arith.constant 16 : index
        %swap3A_2011 = tpu.vector_load %arg13[%swap3A_2009, %swap3A_2010] {strides = array<i32>} : memref<16x32xf32, #tpu.memory_space<vmem>>, vector<16xf32>,
        tpu.vector_store %arg13[%swap3A_2009, %swap3A_2010], %add3A_2006 {strides = array<i32>} : memref<16x32xf32, #tpu.memory_space<vmem>>, vector<16xf32>,
      }
      %scan3A_717 = arith.constant 16 : i32
      %mul3A_718 = arith.constant 2 : i32
      %mul3A_719 = arith.muli %add3A_709, %mul3A_718 : i32
      %add3A_720 = arith.addi %mul3A_2, %mul3A_719 : i32
      %multiple_of3A_721 = tpu.assume_multiple %add3A_720, 2 : i32
      %mul3A_722 = arith.constant 8 : i32
      %mul3A_723 = arith.muli %multiple_of3A_721, %mul3A_722 : i32
      "tpu.region"() ({
        %run_scoped3A = tpu.sem_alloc : memref<!tpu.dma_semaphore, #tpu.memory_space<semaphore_mem>>
        %dma_start3A_724 = arith.constant 0 : i32
        %dma_start3A_725 = tpu.memref_slice %arg9[%mul3A_723, %dma_start3A_724] : memref<29696x32xf32, #tpu.memory_space<hbm>> -> memref<16x32xf32, #tpu.memory_space<hbm>>
        %dma_start3A_726 = arith.constant 0 : i32
        %dma_start3A_727 = tpu.memref_slice %arg9[%mul3A_723, %dma_start3A_726] : memref<29696x32xf32, #tpu.memory_space<hbm>> -> memref<16x32xf32, #tpu.memory_space<hbm>>
        tpu.enqueue_dma source(%arg13 : memref<16x32xf32, #tpu.memory_space<vmem>>) target(%dma_start3A_727 : memref<16x32xf32, #tpu.memory_space<hbm>>) target_semaphore(%run_scoped3A : memref<!tpu.dma_semaphore, #tpu.memory_space<semaphore_mem>>)
        %dma_wait3A_728 = arith.constant 0 : i32
        %dma_wait3A_729 = tpu.memref_slice %arg9[%mul3A_723, %dma_wait3A_728] : memref<29696x32xf32, #tpu.memory_space<hbm>> -> memref<16x32xf32, #tpu.memory_space<hbm>>
        %dma_wait3A_730 = arith.constant 0 : i32
        %dma_wait3A_731 = tpu.memref_slice %arg9[%mul3A_723, %dma_wait3A_730] : memref<29696x32xf32, #tpu.memory_space<hbm>> -> memref<16x32xf32, #tpu.memory_space<hbm>>
        tpu.wait_dma2 semaphore(%run_scoped3A : memref<!tpu.dma_semaphore, #tpu.memory_space<semaphore_mem>>) src(%arg13 : memref<16x32xf32, #tpu.memory_space<vmem>>) dst(%dma_wait3A_731 : memref<16x32xf32, #tpu.memory_space<hbm>>)
        tpu.yield
      }) : () -> ()
    }
    %scan3A_327 = arith.constant 29 : i32
    return
  }
}

module attributes {stable_mosaic.version = 14 : i64} {
  func.func @body(%arg0: i32, %arg1: memref<512x256xf32, #tpu.memory_space<vmem>>, %arg2: memref<256x256xf32, #tpu.memory_space<vmem>>, %arg3: memref<1x256xf32, #tpu.memory_space<vmem>>, %arg4: memref<512x256xbf16, #tpu.memory_space<vmem>>) attributes {dimension_semantics = [#tpu.dimension_semantics<arbitrary>], iteration_bounds = array<i64: 170>, scalar_prefetch = 0 : i64, scratch_operands = 0 : i64, tpu.core_type = #tpu.core_type<tc>, window_params = [{transform_indices = @transform_0, window_bounds = array<i64: 512, 256>}, {pipeline_mode = #tpu.pipeline_mode<synchronous>, transform_indices = @transform_1, window_bounds = array<i64: 256, 256>}, {pipeline_mode = #tpu.pipeline_mode<synchronous>, transform_indices = @transform_2, window_bounds = array<i64: 1, 256>}, {transform_indices = @transform_3, window_bounds = array<i64: 512, 256>}]} {
    %get3A = arith.constant 0 : index
    %get3A_0 = arith.constant 0 : index
    %get3A_1 = vector.load %arg1[%get3A, %get3A_0] : memref<512x256xf32, #tpu.memory_space<vmem>>, vector<512x256xf32>
    %get3A_2 = arith.constant 0 : index
    %get3A_3 = arith.constant 0 : index
    %get3A_4 = vector.load %arg2[%get3A_2, %get3A_3] : memref<256x256xf32, #tpu.memory_space<vmem>>, vector<256x256xf32>
    %dot_general3A = arith.constant dense<0.000000e+00> : vector<512x256xf32>
    %dot_general3A_5 = tpu.matmul %get3A_1, %get3A_4, %dot_general3A {dimension_numbers = #tpu.dot_dimension_numbers<[1], [0], [0], [1], [0, 0, 1, 1], [], []>, transpose_lhs_hint = false} : vector<512x256xf32>, vector<256x256xf32>, vector<512x256xf32> -> vector<512x256xf32>
    %get3A_6 = arith.constant 0 : index
    %get3A_7 = arith.constant 0 : index
    %get3A_8 = vector.load %arg3[%get3A_6, %get3A_7] : memref<1x256xf32, #tpu.memory_space<vmem>>, vector<1x256xf32>
    %add3A = vector.broadcast %get3A_8 : vector<1x256xf32> to vector<512x256xf32>
    %add3A_9 = arith.addf %dot_general3A_5, %add3A : vector<512x256xf32>
    %convert_element_type3A = arith.truncf %add3A_9 : vector<512x256xf32> to vector<512x256xbf16>
    %swap3A = arith.constant 0 : index
    %swap3A_10 = arith.constant 0 : index
    %swap3A_11 = vector.load %arg4[%swap3A, %swap3A_10] : memref<512x256xbf16, #tpu.memory_space<vmem>>, vector<512x256xbf16>
    tpu.vector_store %arg4[%swap3A, %swap3A_10], %convert_element_type3A {strides = array<i32>} : memref<512x256xbf16, #tpu.memory_space<vmem>>, vector<512x256xbf16>,
    return
  }
  func.func @transform_0(%arg0: i32) -> (i32, i32) {
    %c0_i32 = arith.constant 0 : i32
    %c0_i32_0 = arith.constant 0 : i32
    return %arg0, %c0_i32 : i32, i32
  }
  func.func @transform_1(%arg0: i32) -> (i32, i32) {
    %c0_i32 = arith.constant 0 : i32
    %c0_i32_0 = arith.constant 0 : i32
    %c0_i32_1 = arith.constant 0 : i32
    return %c0_i32, %c0_i32_0 : i32, i32
  }
  func.func @transform_2(%arg0: i32) -> (i32, i32) {
    %c0_i32 = arith.constant 0 : i32
    %c0_i32_0 = arith.constant 0 : i32
    %c0_i32_1 = arith.constant 0 : i32
    return %c0_i32, %c0_i32_0 : i32, i32
  }
  func.func @transform_3(%arg0: i32) -> (i32, i32) {
    %c0_i32 = arith.constant 0 : i32
    %c0_i32_0 = arith.constant 0 : i32
    return %arg0, %c0_i32 : i32, i32
  }
}

module attributes {stable_mosaic.version = 14 : i64} {
  func.func @_sample_body(%arg0: i32, %arg1: memref<1800x256xf32, #tpu.memory_space<vmem>>, %arg2: memref<256x128xf32, #tpu.memory_space<vmem>>, %arg3: memref<1x128xf32, #tpu.memory_space<vmem>>, %arg4: memref<256x128xf32, #tpu.memory_space<vmem>>, %arg5: memref<1x128xf32, #tpu.memory_space<vmem>>, %arg6: memref<256x128xf32, #tpu.memory_space<vmem>>, %arg7: memref<1x128xf32, #tpu.memory_space<vmem>>, %arg8: memref<128x128xf32, #tpu.memory_space<vmem>>, %arg9: memref<1800x128xf32, #tpu.memory_space<vmem>>, %arg10: memref<1800x128xf32, #tpu.memory_space<vmem>>, %arg11: memref<1x128xf32, #tpu.memory_space<vmem>>, %arg12: memref<1x128xf32, #tpu.memory_space<vmem>>, %arg13: memref<1x128xi32, #tpu.memory_space<vmem>>, %arg14: memref<1x128xi32, #tpu.memory_space<vmem>>, %arg15: memref<1x128xi32, #tpu.memory_space<vmem>>, %arg16: memref<1x128xi32, #tpu.memory_space<vmem>>, %arg17: memref<1800x128xi32, #tpu.memory_space<vmem>>, %arg18: memref<1800x128xi32, #tpu.memory_space<vmem>>, %arg19: memref<1800x128xi32, #tpu.memory_space<vmem>>, %arg20: memref<1800x128xf32, #tpu.memory_space<vmem>>, %arg21: memref<1800x128xf32, #tpu.memory_space<vmem>>, %arg22: memref<1800x128xf32, #tpu.memory_space<vmem>>, %arg23: memref<1800x128xf32, #tpu.memory_space<vmem>>) attributes {dimension_semantics = [#tpu.dimension_semantics<arbitrary>], iteration_bounds = array<i64: 2>, scalar_prefetch = 0 : i64, scratch_operands = 0 : i64, tpu.core_type = #tpu.core_type<tc>, window_params = [{transform_indices = @transform_0, window_bounds = array<i64: 1800, 256>}, {pipeline_mode = #tpu.pipeline_mode<synchronous>, transform_indices = @transform_1, window_bounds = array<i64: 256, 128>}, {pipeline_mode = #tpu.pipeline_mode<synchronous>, transform_indices = @transform_2, window_bounds = array<i64: 1, 128>}, {pipeline_mode = #tpu.pipeline_mode<synchronous>, transform_indices = @transform_3, window_bounds = array<i64: 256, 128>}, {pipeline_mode = #tpu.pipeline_mode<synchronous>, transform_indices = @transform_4, window_bounds = array<i64: 1, 128>}, {pipeline_mode = #tpu.pipeline_mode<synchronous>, transform_indices = @transform_5, window_bounds = array<i64: 256, 128>}, {pipeline_mode = #tpu.pipeline_mode<synchronous>, transform_indices = @transform_6, window_bounds = array<i64: 1, 128>}, {pipeline_mode = #tpu.pipeline_mode<synchronous>, transform_indices = @transform_7, window_bounds = array<i64: 128, 128>}, {transform_indices = @transform_8, window_bounds = array<i64: 1800, 128>}, {transform_indices = @transform_9, window_bounds = array<i64: 1800, 128>}, {pipeline_mode = #tpu.pipeline_mode<synchronous>, transform_indices = @transform_10, window_bounds = array<i64: 1, 128>}, {pipeline_mode = #tpu.pipeline_mode<synchronous>, transform_indices = @transform_11, window_bounds = array<i64: 1, 128>}, {pipeline_mode = #tpu.pipeline_mode<synchronous>, transform_indices = @transform_12, window_bounds = array<i64: 1, 128>}, {pipeline_mode = #tpu.pipeline_mode<synchronous>, transform_indices = @transform_13, window_bounds = array<i64: 1, 128>}, {pipeline_mode = #tpu.pipeline_mode<synchronous>, transform_indices = @transform_14, window_bounds = array<i64: 1, 128>}, {pipeline_mode = #tpu.pipeline_mode<synchronous>, transform_indices = @transform_15, window_bounds = array<i64: 1, 128>}, {transform_indices = @transform_16, window_bounds = array<i64: 1800, 128>}, {transform_indices = @transform_17, window_bounds = array<i64: 1800, 128>}, {transform_indices = @transform_18, window_bounds = array<i64: 1800, 128>}, {transform_indices = @transform_19, window_bounds = array<i64: 1800, 128>}, {transform_indices = @transform_20, window_bounds = array<i64: 1800, 128>}, {transform_indices = @transform_21, window_bounds = array<i64: 1800, 128>}, {transform_indices = @transform_22, window_bounds = array<i64: 1800, 128>}]} {
    %get3A = arith.constant 0 : index
    %get3A_0 = arith.constant 0 : index
    %get3A_1 = vector.load %arg1[%get3A, %get3A_0] : memref<1800x256xf32, #tpu.memory_space<vmem>>, vector<1800x256xf32>
    %get3A_2 = arith.constant 0 : index
    %get3A_3 = arith.constant 0 : index
    %get3A_4 = vector.load %arg2[%get3A_2, %get3A_3] : memref<256x128xf32, #tpu.memory_space<vmem>>, vector<256x128xf32>
    %dot_general3A = arith.constant dense<0.000000e+00> : vector<1800x128xf32>
    %dot_general3A_5 = tpu.matmul %get3A_1, %get3A_4, %dot_general3A {dimension_numbers = #tpu.dot_dimension_numbers<[1], [0], [0], [1], [0, 0, 1, 1], [], []>, transpose_lhs_hint = false} : vector<1800x256xf32>, vector<256x128xf32>, vector<1800x128xf32> -> vector<1800x128xf32>
    %get3A_6 = arith.constant 0 : index
    %get3A_7 = arith.constant 0 : index
    %get3A_8 = vector.load %arg3[%get3A_6, %get3A_7] : memref<1x128xf32, #tpu.memory_space<vmem>>, vector<1x128xf32>
    %add3A = vector.broadcast %get3A_8 : vector<1x128xf32> to vector<1800x128xf32>
    %add3A_9 = arith.addf %dot_general3A_5, %add3A : vector<1800x128xf32>
    %get3A_10 = arith.constant 0 : index
    %get3A_11 = arith.constant 0 : index
    %get3A_12 = vector.load %arg4[%get3A_10, %get3A_11] : memref<256x128xf32, #tpu.memory_space<vmem>>, vector<256x128xf32>
    %dot_general3A_13 = arith.constant dense<0.000000e+00> : vector<1800x128xf32>
    %dot_general3A_14 = tpu.matmul %get3A_1, %get3A_12, %dot_general3A_13 {dimension_numbers = #tpu.dot_dimension_numbers<[1], [0], [0], [1], [0, 0, 1, 1], [], []>, transpose_lhs_hint = false} : vector<1800x256xf32>, vector<256x128xf32>, vector<1800x128xf32> -> vector<1800x128xf32>
    %get3A_15 = arith.constant 0 : index
    %get3A_16 = arith.constant 0 : index
    %get3A_17 = vector.load %arg5[%get3A_15, %get3A_16] : memref<1x128xf32, #tpu.memory_space<vmem>>, vector<1x128xf32>
    %add3A_18 = vector.broadcast %get3A_17 : vector<1x128xf32> to vector<1800x128xf32>
    %add3A_19 = arith.addf %dot_general3A_14, %add3A_18 : vector<1800x128xf32>
    %get3A_20 = arith.constant 0 : index
    %get3A_21 = arith.constant 0 : index
    %get3A_22 = vector.load %arg6[%get3A_20, %get3A_21] : memref<256x128xf32, #tpu.memory_space<vmem>>, vector<256x128xf32>
    %dot_general3A_23 = arith.constant dense<0.000000e+00> : vector<1800x128xf32>
    %dot_general3A_24 = tpu.matmul %get3A_1, %get3A_22, %dot_general3A_23 {dimension_numbers = #tpu.dot_dimension_numbers<[1], [0], [0], [1], [0, 0, 1, 1], [], []>, transpose_lhs_hint = false} : vector<1800x256xf32>, vector<256x128xf32>, vector<1800x128xf32> -> vector<1800x128xf32>
    %get3A_25 = arith.constant 0 : index
    %get3A_26 = arith.constant 0 : index
    %get3A_27 = vector.load %arg7[%get3A_25, %get3A_26] : memref<1x128xf32, #tpu.memory_space<vmem>>, vector<1x128xf32>
    %add3A_28 = vector.broadcast %get3A_27 : vector<1x128xf32> to vector<1800x128xf32>
    %add3A_29 = arith.addf %dot_general3A_24, %add3A_28 : vector<1800x128xf32>
    %reduce_max3A = arith.constant dense<0xFF800000> : vector<1800xf32>
    %reduce_max3A_30 = vector.multi_reduction <maximumf>, %add3A_29, %reduce_max3A [1] : vector<1800x128xf32> to vector<1800xf32>
    %broadcast_in_dim3A = vector.shape_cast %reduce_max3A_30 : vector<1800xf32> to vector<1800x1xf32>
    %sub3A = vector.broadcast %broadcast_in_dim3A : vector<1800x1xf32> to vector<1800x128xf32>
    %sub3A_31 = arith.subf %add3A_29, %sub3A : vector<1800x128xf32>
    %exp3A = math.exp %sub3A_31 : vector<1800x128xf32>
    %get3A_32 = arith.constant 0 : index
    %get3A_33 = arith.constant 0 : index
    %get3A_34 = vector.load %arg8[%get3A_32, %get3A_33] : memref<128x128xf32, #tpu.memory_space<vmem>>, vector<128x128xf32>
    %dot_general3A_35 = arith.constant dense<0.000000e+00> : vector<1800x128xf32>
    %dot_general3A_36 = tpu.matmul %exp3A, %get3A_34, %dot_general3A_35 {dimension_numbers = #tpu.dot_dimension_numbers<[1], [0], [0], [1], [0, 0, 1, 1], [], []>, transpose_lhs_hint = false} : vector<1800x128xf32>, vector<128x128xf32>, vector<1800x128xf32> -> vector<1800x128xf32>
    %div3A = arith.divf %exp3A, %dot_general3A_36 : vector<1800x128xf32>
    %get3A_37 = arith.constant 0 : index
    %get3A_38 = arith.constant 0 : index
    %get3A_39 = vector.load %arg9[%get3A_37, %get3A_38] : memref<1800x128xf32, #tpu.memory_space<vmem>>, vector<1800x128xf32>
    %get3A_40 = arith.constant 0 : index
    %get3A_41 = arith.constant 0 : index
    %get3A_42 = vector.load %arg11[%get3A_40, %get3A_41] : memref<1x128xf32, #tpu.memory_space<vmem>>, vector<1x128xf32>
    %mul3A = vector.broadcast %get3A_42 : vector<1x128xf32> to vector<1800x128xf32>
    %mul3A_43 = arith.mulf %get3A_39, %mul3A : vector<1800x128xf32>
    %add3A_44 = arith.addf %mul3A_43, %add3A_9 : vector<1800x128xf32>
    %sub3A_45 = arith.constant 5.000000e-01 : f32
    %sub3A_46 = vector.broadcast %sub3A_45 : f32 to vector<1800x128xf32>
    %sub3A_47 = arith.subf %add3A_44, %sub3A_46 : vector<1800x128xf32>
    %get3A_48 = arith.constant 0 : index
    %get3A_49 = arith.constant 0 : index
    %get3A_50 = vector.load %arg10[%get3A_48, %get3A_49] : memref<1800x128xf32, #tpu.memory_space<vmem>>, vector<1800x128xf32>
    %get3A_51 = arith.constant 0 : index
    %get3A_52 = arith.constant 0 : index
    %get3A_53 = vector.load %arg12[%get3A_51, %get3A_52] : memref<1x128xf32, #tpu.memory_space<vmem>>, vector<1x128xf32>
    %mul3A_54 = vector.broadcast %get3A_53 : vector<1x128xf32> to vector<1800x128xf32>
    %mul3A_55 = arith.mulf %get3A_50, %mul3A_54 : vector<1800x128xf32>
    %add3A_56 = arith.addf %mul3A_55, %add3A_19 : vector<1800x128xf32>
    %sub3A_57 = arith.constant 5.000000e-01 : f32
    %sub3A_58 = vector.broadcast %sub3A_57 : f32 to vector<1800x128xf32>
    %sub3A_59 = arith.subf %add3A_56, %sub3A_58 : vector<1800x128xf32>
    %floor3A = math.floor %sub3A_47 : vector<1800x128xf32>
    %floor3A_60 = math.floor %sub3A_59 : vector<1800x128xf32>
    %sub3A_61 = arith.subf %sub3A_59, %floor3A_60 : vector<1800x128xf32>
    %convert_element_type3A = arith.fptosi %floor3A : vector<1800x128xf32> to vector<1800x128xi32>
    %convert_element_type3A_62 = arith.fptosi %floor3A_60 : vector<1800x128xf32> to vector<1800x128xi32>
    %add3A_63 = arith.constant 1 : i32
    %add3A_64 = vector.broadcast %add3A_63 : i32 to vector<1800x128xi32>
    %add3A_65 = arith.addi %convert_element_type3A_62, %add3A_64 : vector<1800x128xi32>
    %get3A_66 = arith.constant 0 : index
    %get3A_67 = arith.constant 0 : index
    %get3A_68 = vector.load %arg13[%get3A_66, %get3A_67] : memref<1x128xi32, #tpu.memory_space<vmem>>, vector<1x128xi32>
    %sub3A_69 = arith.constant 1 : i32
    %sub3A_70 = vector.broadcast %sub3A_69 : i32 to vector<1x128xi32>
    %sub3A_71 = arith.subi %get3A_68, %sub3A_70 : vector<1x128xi32>
    %get3A_72 = arith.constant 0 : index
    %get3A_73 = arith.constant 0 : index
    %get3A_74 = vector.load %arg14[%get3A_72, %get3A_73] : memref<1x128xi32, #tpu.memory_space<vmem>>, vector<1x128xi32>
    %sub3A_75 = arith.constant 1 : i32
    %sub3A_76 = vector.broadcast %sub3A_75 : i32 to vector<1x128xi32>
    %sub3A_77 = arith.subi %get3A_74, %sub3A_76 : vector<1x128xi32>
    %ge3A = arith.constant 0 : i32
    %ge3A_78 = vector.broadcast %ge3A : i32 to vector<1800x128xi32>
    %ge3A_79 = arith.cmpi sge, %convert_element_type3A_62, %ge3A_78 : vector<1800x128xi32>
    %le3A = vector.broadcast %sub3A_77 : vector<1x128xi32> to vector<1800x128xi32>
    %le3A_80 = arith.cmpi sle, %convert_element_type3A_62, %le3A : vector<1800x128xi32>
    %and3A = arith.andi %ge3A_79, %le3A_80 : vector<1800x128xi1>
    %ge3A_81 = arith.constant 0 : i32
    %ge3A_82 = vector.broadcast %ge3A_81 : i32 to vector<1800x128xi32>
    %ge3A_83 = arith.cmpi sge, %add3A_65, %ge3A_82 : vector<1800x128xi32>
    %le3A_84 = vector.broadcast %sub3A_77 : vector<1x128xi32> to vector<1800x128xi32>
    %le3A_85 = arith.cmpi sle, %add3A_65, %le3A_84 : vector<1800x128xi32>
    %and3A_86 = arith.andi %ge3A_83, %le3A_85 : vector<1800x128xi1>
    %jit3A = arith.constant 0 : i32
    %max3A = vector.broadcast %jit3A : i32 to vector<1800x128xi32>
    %max3A_87 = arith.maxsi %max3A, %convert_element_type3A_62 : vector<1800x128xi32>
    %min3A = vector.broadcast %sub3A_77 : vector<1x128xi32> to vector<1800x128xi32>
    %min3A_88 = arith.minsi %min3A, %max3A_87 : vector<1800x128xi32>
    %jit3A_89 = arith.constant 0 : i32
    %max3A_90 = vector.broadcast %jit3A_89 : i32 to vector<1800x128xi32>
    %max3A_91 = arith.maxsi %max3A_90, %add3A_65 : vector<1800x128xi32>
    %min3A_92 = vector.broadcast %sub3A_77 : vector<1x128xi32> to vector<1800x128xi32>
    %min3A_93 = arith.minsi %min3A_92, %max3A_91 : vector<1800x128xi32>
    %sub3A_94 = arith.constant 1 : i32
    %sub3A_95 = vector.broadcast %sub3A_94 : i32 to vector<1x128xi32>
    %sub3A_96 = arith.subi %sub3A_71, %sub3A_95 : vector<1x128xi32>
    %jit3A_97 = arith.constant 0 : i32
    %max3A_98 = vector.broadcast %jit3A_97 : i32 to vector<1800x128xi32>
    %max3A_99 = arith.maxsi %max3A_98, %convert_element_type3A : vector<1800x128xi32>
    %min3A_100 = vector.broadcast %sub3A_96 : vector<1x128xi32> to vector<1800x128xi32>
    %min3A_101 = arith.minsi %min3A_100, %max3A_99 : vector<1800x128xi32>
    %convert_element_type3A_102 = arith.sitofp %min3A_101 : vector<1800x128xi32> to vector<1800x128xf32>
    %sub3A_103 = arith.subf %sub3A_47, %convert_element_type3A_102 : vector<1800x128xf32>
    %abs3A = math.absf %sub3A_103 : vector<1800x128xf32>
    %sub3A_104 = arith.constant 1.000000e+00 : f32
    %sub3A_105 = vector.broadcast %sub3A_104 : f32 to vector<1800x128xf32>
    %sub3A_106 = arith.subf %sub3A_105, %abs3A : vector<1800x128xf32>
    %max3A_107 = arith.constant 0.000000e+00 : f32
    %max3A_108 = vector.broadcast %max3A_107 : f32 to vector<1800x128xf32>
    %max3A_109 = arith.maximumf %max3A_108, %sub3A_106 : vector<1800x128xf32>
    %sub3A_110 = arith.constant 1.000000e+00 : f32
    %sub3A_111 = vector.broadcast %sub3A_110 : f32 to vector<1800x128xf32>
    %sub3A_112 = arith.subf %sub3A_103, %sub3A_111 : vector<1800x128xf32>
    %abs3A_113 = math.absf %sub3A_112 : vector<1800x128xf32>
    %sub3A_114 = arith.constant 1.000000e+00 : f32
    %sub3A_115 = vector.broadcast %sub3A_114 : f32 to vector<1800x128xf32>
    %sub3A_116 = arith.subf %sub3A_115, %abs3A_113 : vector<1800x128xf32>
    %max3A_117 = arith.constant 0.000000e+00 : f32
    %max3A_118 = vector.broadcast %max3A_117 : f32 to vector<1800x128xf32>
    %max3A_119 = arith.maximumf %max3A_118, %sub3A_116 : vector<1800x128xf32>
    %get3A_120 = arith.constant 0 : index
    %get3A_121 = arith.constant 0 : index
    %get3A_122 = vector.load %arg17[%get3A_120, %get3A_121] : memref<1800x128xi32, #tpu.memory_space<vmem>>, vector<1800x128xi32>
    %get3A_123 = arith.constant 0 : index
    %get3A_124 = arith.constant 0 : index
    %get3A_125 = vector.load %arg15[%get3A_123, %get3A_124] : memref<1x128xi32, #tpu.memory_space<vmem>>, vector<1x128xi32>
    %get3A_126 = arith.constant 0 : index
    %get3A_127 = arith.constant 0 : index
    %get3A_128 = vector.load %arg16[%get3A_126, %get3A_127] : memref<1x128xi32, #tpu.memory_space<vmem>>, vector<1x128xi32>
    %get3A_129 = arith.constant 0 : index
    %get3A_130 = arith.constant 0 : index
    %get3A_131 = vector.load %arg13[%get3A_129, %get3A_130] : memref<1x128xi32, #tpu.memory_space<vmem>>, vector<1x128xi32>
    %mul3A_132 = vector.broadcast %get3A_131 : vector<1x128xi32> to vector<1800x128xi32>
    %mul3A_133 = arith.muli %min3A_88, %mul3A_132 : vector<1800x128xi32>
    %add3A_134 = vector.broadcast %get3A_125 : vector<1x128xi32> to vector<1800x128xi32>
    %add3A_135 = arith.addi %add3A_134, %mul3A_133 : vector<1800x128xi32>
    %add3A_136 = arith.addi %add3A_135, %min3A_101 : vector<1800x128xi32>
    %add3A_137 = arith.addi %get3A_122, %add3A_136 : vector<1800x128xi32>
    %mul3A_138 = arith.constant 8 : i32
    %mul3A_139 = vector.broadcast %mul3A_138 : i32 to vector<1800x128xi32>
    %mul3A_140 = arith.muli %add3A_137, %mul3A_139 : vector<1800x128xi32>
    %add3A_141 = vector.broadcast %get3A_128 : vector<1x128xi32> to vector<1800x128xi32>
    %add3A_142 = arith.addi %mul3A_140, %add3A_141 : vector<1800x128xi32>
    %swap3A = arith.constant 0 : index
    %swap3A_143 = arith.constant 0 : index
    %swap3A_144 = vector.load %arg18[%swap3A, %swap3A_143] : memref<1800x128xi32, #tpu.memory_space<vmem>>, vector<1800x128xi32>
    tpu.vector_store %arg18[%swap3A, %swap3A_143], %add3A_142 {strides = array<i32>} : memref<1800x128xi32, #tpu.memory_space<vmem>>, vector<1800x128xi32>,
    %mul3A_145 = vector.broadcast %get3A_131 : vector<1x128xi32> to vector<1800x128xi32>
    %mul3A_146 = arith.muli %min3A_93, %mul3A_145 : vector<1800x128xi32>
    %add3A_147 = vector.broadcast %get3A_125 : vector<1x128xi32> to vector<1800x128xi32>
    %add3A_148 = arith.addi %add3A_147, %mul3A_146 : vector<1800x128xi32>
    %add3A_149 = arith.addi %add3A_148, %min3A_101 : vector<1800x128xi32>
    %add3A_150 = arith.addi %get3A_122, %add3A_149 : vector<1800x128xi32>
    %mul3A_151 = arith.constant 8 : i32
    %mul3A_152 = vector.broadcast %mul3A_151 : i32 to vector<1800x128xi32>
    %mul3A_153 = arith.muli %add3A_150, %mul3A_152 : vector<1800x128xi32>
    %add3A_154 = vector.broadcast %get3A_128 : vector<1x128xi32> to vector<1800x128xi32>
    %add3A_155 = arith.addi %mul3A_153, %add3A_154 : vector<1800x128xi32>
    %swap3A_156 = arith.constant 0 : index
    %swap3A_157 = arith.constant 0 : index
    %swap3A_158 = vector.load %arg19[%swap3A_156, %swap3A_157] : memref<1800x128xi32, #tpu.memory_space<vmem>>, vector<1800x128xi32>
    tpu.vector_store %arg19[%swap3A_156, %swap3A_157], %add3A_155 {strides = array<i32>} : memref<1800x128xi32, #tpu.memory_space<vmem>>, vector<1800x128xi32>,
    %sub3A_159 = arith.constant 1.000000e+00 : f32
    %sub3A_160 = vector.broadcast %sub3A_159 : f32 to vector<1800x128xf32>
    %sub3A_161 = arith.subf %sub3A_160, %sub3A_61 : vector<1800x128xf32>
    %mul3A_162 = arith.mulf %div3A, %sub3A_161 : vector<1800x128xf32>
    %jit3A_163 = arith.constant 0.000000e+00 : f32
    %broadcast_in_dim3A_164 = vector.broadcast %jit3A_163 : f32 to vector<1800x128xf32>
    %select_n3A = arith.select %and3A, %mul3A_162, %broadcast_in_dim3A_164 : vector<1800x128xi1>, vector<1800x128xf32>
    %mul3A_165 = arith.mulf %div3A, %sub3A_61 : vector<1800x128xf32>
    %jit3A_166 = arith.constant 0.000000e+00 : f32
    %broadcast_in_dim3A_167 = vector.broadcast %jit3A_166 : f32 to vector<1800x128xf32>
    %select_n3A_168 = arith.select %and3A_86, %mul3A_165, %broadcast_in_dim3A_167 : vector<1800x128xi1>, vector<1800x128xf32>
    %mul3A_169 = arith.mulf %select_n3A, %max3A_109 : vector<1800x128xf32>
    %swap3A_170 = arith.constant 0 : index
    %swap3A_171 = arith.constant 0 : index
    %swap3A_172 = vector.load %arg20[%swap3A_170, %swap3A_171] : memref<1800x128xf32, #tpu.memory_space<vmem>>, vector<1800x128xf32>
    tpu.vector_store %arg20[%swap3A_170, %swap3A_171], %mul3A_169 {strides = array<i32>} : memref<1800x128xf32, #tpu.memory_space<vmem>>, vector<1800x128xf32>,
    %mul3A_173 = arith.mulf %select_n3A, %max3A_119 : vector<1800x128xf32>
    %swap3A_174 = arith.constant 0 : index
    %swap3A_175 = arith.constant 0 : index
    %swap3A_176 = vector.load %arg21[%swap3A_174, %swap3A_175] : memref<1800x128xf32, #tpu.memory_space<vmem>>, vector<1800x128xf32>
    tpu.vector_store %arg21[%swap3A_174, %swap3A_175], %mul3A_173 {strides = array<i32>} : memref<1800x128xf32, #tpu.memory_space<vmem>>, vector<1800x128xf32>,
    %mul3A_177 = arith.mulf %select_n3A_168, %max3A_109 : vector<1800x128xf32>
    %swap3A_178 = arith.constant 0 : index
    %swap3A_179 = arith.constant 0 : index
    %swap3A_180 = vector.load %arg22[%swap3A_178, %swap3A_179] : memref<1800x128xf32, #tpu.memory_space<vmem>>, vector<1800x128xf32>
    tpu.vector_store %arg22[%swap3A_178, %swap3A_179], %mul3A_177 {strides = array<i32>} : memref<1800x128xf32, #tpu.memory_space<vmem>>, vector<1800x128xf32>,
    %mul3A_181 = arith.mulf %select_n3A_168, %max3A_119 : vector<1800x128xf32>
    %swap3A_182 = arith.constant 0 : index
    %swap3A_183 = arith.constant 0 : index
    %swap3A_184 = vector.load %arg23[%swap3A_182, %swap3A_183] : memref<1800x128xf32, #tpu.memory_space<vmem>>, vector<1800x128xf32>
    tpu.vector_store %arg23[%swap3A_182, %swap3A_183], %mul3A_181 {strides = array<i32>} : memref<1800x128xf32, #tpu.memory_space<vmem>>, vector<1800x128xf32>,
    return
  }
  func.func @transform_0(%arg0: i32) -> (i32, i32) {
    %c0_i32 = arith.constant 0 : i32
    %c0_i32_0 = arith.constant 0 : i32
    return %arg0, %c0_i32 : i32, i32
  }
  func.func @transform_1(%arg0: i32) -> (i32, i32) {
    %c0_i32 = arith.constant 0 : i32
    %c0_i32_0 = arith.constant 0 : i32
    %c0_i32_1 = arith.constant 0 : i32
    return %c0_i32, %c0_i32_0 : i32, i32
  }
  func.func @transform_2(%arg0: i32) -> (i32, i32) {
    %c0_i32 = arith.constant 0 : i32
    %c0_i32_0 = arith.constant 0 : i32
    %c0_i32_1 = arith.constant 0 : i32
    return %c0_i32, %c0_i32_0 : i32, i32
  }
  func.func @transform_3(%arg0: i32) -> (i32, i32) {
    %c0_i32 = arith.constant 0 : i32
    %c0_i32_0 = arith.constant 0 : i32
    %c0_i32_1 = arith.constant 0 : i32
    return %c0_i32, %c0_i32_0 : i32, i32
  }
  func.func @transform_4(%arg0: i32) -> (i32, i32) {
    %c0_i32 = arith.constant 0 : i32
    %c0_i32_0 = arith.constant 0 : i32
    %c0_i32_1 = arith.constant 0 : i32
    return %c0_i32, %c0_i32_0 : i32, i32
  }
  func.func @transform_5(%arg0: i32) -> (i32, i32) {
    %c0_i32 = arith.constant 0 : i32
    %c0_i32_0 = arith.constant 0 : i32
    %c0_i32_1 = arith.constant 0 : i32
    return %c0_i32, %c0_i32_0 : i32, i32
  }
  func.func @transform_6(%arg0: i32) -> (i32, i32) {
    %c0_i32 = arith.constant 0 : i32
    %c0_i32_0 = arith.constant 0 : i32
    %c0_i32_1 = arith.constant 0 : i32
    return %c0_i32, %c0_i32_0 : i32, i32
  }
  func.func @transform_7(%arg0: i32) -> (i32, i32) {
    %c0_i32 = arith.constant 0 : i32
    %c0_i32_0 = arith.constant 0 : i32
    %c0_i32_1 = arith.constant 0 : i32
    return %c0_i32, %c0_i32_0 : i32, i32
  }
  func.func @transform_8(%arg0: i32) -> (i32, i32) {
    %c0_i32 = arith.constant 0 : i32
    %c0_i32_0 = arith.constant 0 : i32
    return %arg0, %c0_i32 : i32, i32
  }
  func.func @transform_9(%arg0: i32) -> (i32, i32) {
    %c0_i32 = arith.constant 0 : i32
    %c0_i32_0 = arith.constant 0 : i32
    return %arg0, %c0_i32 : i32, i32
  }
  func.func @transform_10(%arg0: i32) -> (i32, i32) {
    %c0_i32 = arith.constant 0 : i32
    %c0_i32_0 = arith.constant 0 : i32
    %c0_i32_1 = arith.constant 0 : i32
    return %c0_i32, %c0_i32_0 : i32, i32
  }
  func.func @transform_11(%arg0: i32) -> (i32, i32) {
    %c0_i32 = arith.constant 0 : i32
    %c0_i32_0 = arith.constant 0 : i32
    %c0_i32_1 = arith.constant 0 : i32
    return %c0_i32, %c0_i32_0 : i32, i32
  }
  func.func @transform_12(%arg0: i32) -> (i32, i32) {
    %c0_i32 = arith.constant 0 : i32
    %c0_i32_0 = arith.constant 0 : i32
    %c0_i32_1 = arith.constant 0 : i32
    return %c0_i32, %c0_i32_0 : i32, i32
  }
  func.func @transform_13(%arg0: i32) -> (i32, i32) {
    %c0_i32 = arith.constant 0 : i32
    %c0_i32_0 = arith.constant 0 : i32
    %c0_i32_1 = arith.constant 0 : i32
    return %c0_i32, %c0_i32_0 : i32, i32
  }
  func.func @transform_14(%arg0: i32) -> (i32, i32) {
    %c0_i32 = arith.constant 0 : i32
    %c0_i32_0 = arith.constant 0 : i32
    %c0_i32_1 = arith.constant 0 : i32
    return %c0_i32, %c0_i32_0 : i32, i32
  }
  func.func @transform_15(%arg0: i32) -> (i32, i32) {
    %c0_i32 = arith.constant 0 : i32
    %c0_i32_0 = arith.constant 0 : i32
    %c0_i32_1 = arith.constant 0 : i32
    return %c0_i32, %c0_i32_0 : i32, i32
  }
  func.func @transform_16(%arg0: i32) -> (i32, i32) {
    %c0_i32 = arith.constant 0 : i32
    %c0_i32_0 = arith.constant 0 : i32
    return %arg0, %c0_i32 : i32, i32
  }
  func.func @transform_17(%arg0: i32) -> (i32, i32) {
    %c0_i32 = arith.constant 0 : i32
    %c0_i32_0 = arith.constant 0 : i32
    return %arg0, %c0_i32 : i32, i32
  }
  func.func @transform_18(%arg0: i32) -> (i32, i32) {
    %c0_i32 = arith.constant 0 : i32
    %c0_i32_0 = arith.constant 0 : i32
    return %arg0, %c0_i32 : i32, i32
  }
  func.func @transform_19(%arg0: i32) -> (i32, i32) {
    %c0_i32 = arith.constant 0 : i32
    %c0_i32_0 = arith.constant 0 : i32
    return %arg0, %c0_i32 : i32, i32
  }
  func.func @transform_20(%arg0: i32) -> (i32, i32) {
    %c0_i32 = arith.constant 0 : i32
    %c0_i32_0 = arith.constant 0 : i32
    return %arg0, %c0_i32 : i32, i32
  }
  func.func @transform_21(%arg0: i32) -> (i32, i32) {
    %c0_i32 = arith.constant 0 : i32
    %c0_i32_0 = arith.constant 0 : i32
    return %arg0, %c0_i32 : i32, i32
  }
  func.func @transform_22(%arg0: i32) -> (i32, i32) {
    %c0_i32 = arith.constant 0 : i32
    %c0_i32_0 = arith.constant 0 : i32
    return %arg0, %c0_i32 : i32, i32
  }
}

module attributes {stable_mosaic.version = 14 : i64} {
  func.func @body(%arg0: i32, %arg1: memref<720x256xf32, #tpu.memory_space<vmem>>, %arg2: memref<256x256xf32, #tpu.memory_space<vmem>>, %arg3: memref<1x256xf32, #tpu.memory_space<vmem>>, %arg4: memref<720x256xf32, #tpu.memory_space<vmem>>) attributes {dimension_semantics = [#tpu.dimension_semantics<arbitrary>], iteration_bounds = array<i64: 5>, scalar_prefetch = 0 : i64, scratch_operands = 0 : i64, tpu.core_type = #tpu.core_type<tc>, window_params = [{transform_indices = @transform_0, window_bounds = array<i64: 720, 256>}, {pipeline_mode = #tpu.pipeline_mode<synchronous>, transform_indices = @transform_1, window_bounds = array<i64: 256, 256>}, {pipeline_mode = #tpu.pipeline_mode<synchronous>, transform_indices = @transform_2, window_bounds = array<i64: 1, 256>}, {transform_indices = @transform_3, window_bounds = array<i64: 720, 256>}]} {
    %get3A = arith.constant 0 : index
    %get3A_0 = arith.constant 0 : index
    %get3A_1 = vector.load %arg1[%get3A, %get3A_0] : memref<720x256xf32, #tpu.memory_space<vmem>>, vector<720x256xf32>
    %get3A_2 = arith.constant 0 : index
    %get3A_3 = arith.constant 0 : index
    %get3A_4 = vector.load %arg2[%get3A_2, %get3A_3] : memref<256x256xf32, #tpu.memory_space<vmem>>, vector<256x256xf32>
    %dot_general3A = arith.constant dense<0.000000e+00> : vector<720x256xf32>
    %dot_general3A_5 = tpu.matmul %get3A_1, %get3A_4, %dot_general3A {dimension_numbers = #tpu.dot_dimension_numbers<[1], [0], [0], [1], [0, 0, 1, 1], [], []>, transpose_lhs_hint = false} : vector<720x256xf32>, vector<256x256xf32>, vector<720x256xf32> -> vector<720x256xf32>
    %get3A_6 = arith.constant 0 : index
    %get3A_7 = arith.constant 0 : index
    %get3A_8 = vector.load %arg3[%get3A_6, %get3A_7] : memref<1x256xf32, #tpu.memory_space<vmem>>, vector<1x256xf32>
    %add3A = vector.broadcast %get3A_8 : vector<1x256xf32> to vector<720x256xf32>
    %add3A_9 = arith.addf %dot_general3A_5, %add3A : vector<720x256xf32>
    %swap3A = arith.constant 0 : index
    %swap3A_10 = arith.constant 0 : index
    %swap3A_11 = vector.load %arg4[%swap3A, %swap3A_10] : memref<720x256xf32, #tpu.memory_space<vmem>>, vector<720x256xf32>
    tpu.vector_store %arg4[%swap3A, %swap3A_10], %add3A_9 {strides = array<i32>} : memref<720x256xf32, #tpu.memory_space<vmem>>, vector<720x256xf32>,
    return
  }
  func.func @transform_0(%arg0: i32) -> (i32, i32) {
    %c0_i32 = arith.constant 0 : i32
    %c0_i32_0 = arith.constant 0 : i32
    return %arg0, %c0_i32 : i32, i32
  }
  func.func @transform_1(%arg0: i32) -> (i32, i32) {
    %c0_i32 = arith.constant 0 : i32
    %c0_i32_0 = arith.constant 0 : i32
    %c0_i32_1 = arith.constant 0 : i32
    return %c0_i32, %c0_i32_0 : i32, i32
  }
  func.func @transform_2(%arg0: i32) -> (i32, i32) {
    %c0_i32 = arith.constant 0 : i32
    %c0_i32_0 = arith.constant 0 : i32
    %c0_i32_1 = arith.constant 0 : i32
    return %c0_i32, %c0_i32_0 : i32, i32
  }
  func.func @transform_3(%arg0: i32) -> (i32, i32) {
    %c0_i32 = arith.constant 0 : i32
    %c0_i32_0 = arith.constant 0 : i32
    return %arg0, %c0_i32 : i32, i32
  }
}

</mosaic_0001>

<sc_bundles>
// kernel: kernel.6.cloned.1.call-start
scs
__scs_entry_jumppad:
0x0: {  	(pc) =	sbr.rel $0x88, $3  }
0x1: {  	(tag) =	ssettag $0x0;
	lr =	simm.s32 $0x1  }
0x2: {  	[smem:$0x3F94] =	sst lr;
	_ =	strace $0xD0000000  }
0x3: {  	_ = 	snop  }
0x4: {  	_ = 	snop  }
0x5: {  	_ = 	snop  }
0x6: {  	_ = 	snop  }
0x7: {  	_ = 	snop  }
__scs_overlays_trampoline_lowered:
0x8: {  	[smem:$0x3FA3] =	sst s0  }
0x9: {  	[smem:$0x3FA4] =	sst s1  }
0xa: {  	[smem:$0x3FA5] =	sst s2  }
0xb: {  	[smem:$0x3FA6] =	sst s3  }
0xc: {  	[smem:$0x3FA7] =	sst s4  }
0xd: {  	[smem:$0x3FA8] =	sst s5  }
0xe: {  	[smem:$0x3FA9] =	sst s6  }
0xf: {  	[smem:$0x3FAA] =	sst s7  }
0x10: {  	[smem:$0x3FAB] =	sst s8  }
0x11: {  	[smem:$0x3FAC] =	sst s9;
	s0 =	simm.s32 @!p0 $0x0  }
0x12: {  	s1 =	sld [smem:$0x3F92];
	s0 =	simm.s32 @p0 $0x1  }
0x13: {  	[smem:$0x3FAD] =	sst s0;
	s0 =	simm.s32 @!p1 $0x0  }
0x14: {  	s2 =	sld [smem:$0x3F91];
	s0 =	simm.s32 @p1 $0x1  }
0x15: {  	[smem:$0x3FAE] =	sst s0;
	s0 =	simm.s32 @!p2 $0x0  }
0x16: {  	s3 =	sld [smem:$0x3FDB];
	s0 =	simm.s32 @p2 $0x1  }
0x17: {  	s4 =	simm.s32 $0x1BF5;
	[smem:$0x3FB0] =	sst s0  }
0x18: {  	s0 =	sld [smem:$0x3F93];
	_ =	swait.ge [sflag:s4], $0x0  }
0x19: {  	s7 =	sld [smem:$0x3F94]  }
0x1a: {  	s8 =	sadd.s32 $0xFFFFE003, lr  }
0x1b: {  	s9 =	sadd.s32 $0xFFFFFEF7, lr;
	s5 =	simm.s32 $0xFFFFFFFF;
	p2 =	slt.u32 s8, $0xFFFFF086  }
0x1c: {  	p1 =	slt.u32 s9, $0xF7A;
	s5 =	simm.s32 @!p2 $0x0  }
0x1d: {  	s5 =	simm.s32 @p1 $0x1;
	p0 =	seq.s32 s7, s2  }
0x1e: {  	s7 =	smul.u32 @!p0 $0xF7A, s2;
	p2 =	seq.s32 @!p0 s5, $0x0  }
0x1f: {  	s9 =	smul.u32 $0xF7A, s1;
	s8 =	simm.s32 @!p0 $0x1BF5;
	p2 =	por !p2, p0  }
0x20: {  	[sflag:s8] =	ssyncset.s32 @!p0 $0xFFFFF086;
	s6 =	sadd.s32 @!p0 s3, s7;
	s7 =	simm.s32 @!p0 $0x108  }
0x21: {  	s3 =	sadd.s32 s3, s9;
	s6 =	sadd.s32 @!p0 $0x88, s6;
	s7 =	simm.s32 @p2 $0x1082  }
0x22: {  	[simem:s7], [sflag:s8] =	dma.local @!p0 [hbm:s6], $0xF7A  }
0x23: {  	s9 =	sor.u32 $0xD0000000, s2;
	s6 =	simm.s32 $0x108;
	_ =	swait.ge @!p0 [sflag:s8], $0x0  }
0x24: {  	s3 =	sadd.s32 $0x88, s3;
	s6 =	simm.s32 @!p1 $0x1082;
	[sflag:s4] =	ssyncset.s32 $0xFFFFF086  }
0x25: {  	[simem:s6], [sflag:s4] =	dma.local [hbm:s3], $0xF7A  }
0x26: {  	[smem:$0x3F94] =	sst s1;
	(tag) =	ssettag s2;
	_ =	strace s9  }
0x27: {  	s1 =	sld [smem:$0x3FA4]  }
0x28: {  	s2 =	sld [smem:$0x3FA5]  }
0x29: {  	s4 =	sld [smem:$0x3FA7]  }
0x2a: {  	p0 =	seq.s32 s5, $0x0;
	s5 =	sld [smem:$0x3FA8]  }
0x2b: {  	s6 =	sld [smem:$0x3FA9]  }
0x2c: {  	s7 =	sld [smem:$0x3FAA]  }
0x2d: {  	s3 =	simm.s32 $0x108;
	s8 =	sld [smem:$0x3FAB]  }
0x2e: {  	s3 =	simm.s32 @!p0 $0x1082;
	s9 =	sld [smem:$0x3FAC]  }
0x2f: {  	lr =	sadd.s32 s0, s3;
	s0 =	sld [smem:$0x3FA3]  }
0x30: {  	s3 =	sld [smem:$0x3FA6]  }
0x31: {  	[smem:$0x3FAF] =	sst s10  }
0x32: {  	s10 =	sld [smem:$0x3FAD];
	_ =	sdelay $0x3  }
0x33: {  	p0 =	seq.s32 s10, $0x1;
	s10 =	sld [smem:$0x3FAF];
	_ =	sdelay $0x3  }
0x34: {  	[smem:$0x3FAF] =	sst s10  }
0x35: {  	s10 =	sld [smem:$0x3FAE];
	_ =	sdelay $0x3  }
0x36: {  	p1 =	seq.s32 s10, $0x1;
	s10 =	sld [smem:$0x3FAF];
	_ =	sdelay $0x3  }
0x37: {  	[smem:$0x3FAF] =	sst s10  }
0x38: {  	s10 =	sld [smem:$0x3FB0]  }
0x39: {  	_ = 	snop;
	(pc) =	sbr.ind lr, $3  }
0x3a: {  	_ = 	snop  }
0x3b: {  	_ = 	snop  }
0x3c: {  	p2 =	seq.s32 s10, $0x1;
	s10 =	sld [smem:$0x3FAF]  }
0x3d: {  	_ =	shalt  }
0x3e: {  	_ =	shalt  }
0x3f: {  	_ =	shalt  }
0x40: {  	_ =	shalt  }
0x41: {  	_ =	shalt  }
0x42: {  	_ =	shalt  }
0x43: {  	_ =	shalt  }
0x44: {  	_ =	shalt  }
0x45: {  	_ =	shalt  }
0x46: {  	_ =	shalt  }
0x47: {  	_ =	shalt  }
0x48: {  	_ =	shalt  }
0x49: {  	_ =	shalt  }
0x4a: {  	_ =	shalt  }
0x4b: {  	_ =	shalt  }
0x4c: {  	_ =	shalt  }
0x4d: {  	_ =	shalt  }
0x4e: {  	_ =	shalt  }
0x4f: {  	_ =	shalt  }
0x50: {  	_ =	shalt  }
0x51: {  	_ =	shalt  }
0x52: {  	_ =	shalt  }
0x53: {  	_ =	shalt  }
0x54: {  	_ =	shalt  }
0x55: {  	_ =	shalt  }
0x56: {  	_ =	shalt  }
0x57: {  	_ =	shalt  }
0x58: {  	_ =	shalt  }
0x59: {  	_ =	shalt  }
0x5a: {  	_ =	shalt  }
0x5b: {  	_ =	shalt  }
0x5c: {  	_ =	shalt  }
0x5d: {  	_ =	shalt  }
0x5e: {  	_ =	shalt  }
0x5f: {  	_ =	shalt  }
0x60: {  	_ =	shalt  }
0x61: {  	_ =	shalt  }
0x62: {  	_ =	shalt  }
0x63: {  	_ =	shalt  }
0x64: {  	_ =	shalt  }
0x65: {  	_ =	shalt  }
0x66: {  	_ =	shalt  }
0x67: {  	_ =	shalt  }
0x68: {  	_ =	shalt  }
0x69: {  	_ =	shalt  }
0x6a: {  	_ =	shalt  }
0x6b: {  	_ =	shalt  }
0x6c: {  	_ =	shalt  }
0x6d: {  	_ =	shalt  }
0x6e: {  	_ =	shalt  }
0x6f: {  	_ =	shalt  }
0x70: {  	_ =	shalt  }
0x71: {  	_ =	shalt  }
0x72: {  	_ =	shalt  }
0x73: {  	_ =	shalt  }
0x74: {  	_ =	shalt  }
0x75: {  	_ =	shalt  }
0x76: {  	_ =	shalt  }
0x77: {  	_ =	shalt  }
0x78: {  	_ =	shalt  }
0x79: {  	_ =	shalt  }
0x7a: {  	_ =	shalt  }
0x7b: {  	_ =	shalt  }
0x7c: {  	_ =	shalt  }
0x7d: {  	_ =	shalt  }
0x7e: {  	_ =	shalt  }
0x7f: {  	_ =	shalt  }
0x80: {  	_ =	shalt  }
0x81: {  	_ =	shalt  }
0x82: {  	_ =	shalt  }
0x83: {  	_ =	shalt  }
0x84: {  	_ =	shalt  }
0x85: {  	_ =	shalt  }
0x86: {  	_ =	shalt  }
0x87: {  	_ =	shalt  }
.Lfunc_end0:
.L_simem_size_0:
called_computation.1_lowered:
.L_overlay_start_0:
0x88: {  	s2 =	sld [smem:$0x3FD9]  }
0x89: {  	s3 =	sld [smem:$0x3FFE];
	_ =	sdelay $0x1  }
0x8a: {  	s1 =	srdreg.scid  }
0x8b: {  	s0 =	sand.u32 $0x1, s1  }
0x8c: {  	s17 =	sshll.u32 s0, $0xA;
	s2 =	sadd.s32 s3, s2  }
0x8d: {  	s2 =	sadd.s32 s2, s17  }
0x8e: {  	[smem:$0x3FBB] =	sst s2  }
0x8f: {  	_ = 	snop  }
0x90: {  	s2 =	sld [smem:$0x3FD0];
	(tm) =	ssettm $0x1  }
0x91: {  	s18 =	sld [smem:$0x3FFB];
	_ =	sdelay $0x3  }
0x92: {  	_ =	strace s18  }
0x93: {  	s3 =	sld [smem:$0x3FFC];
	_ =	sdelay $0x3  }
0x94: {  	_ =	strace s3  }
0x95: {  	s3 =	sld [smem:$0x3FFD];
	_ =	sdelay $0x3  }
0x96: {  	_ =	strace s3  }
0x97: {  	_ =	strace $0x8FFFFFFF  }
0x98: {  	s19 =	sld [smem:$0x3FDB];
	_ =	sdelay $0x1  }
0x99: {  	s4 =	simm.s32 $_scs_section_size  }
0x9a: {  	s5 =	simm.s32 $_size__tile_overlayer_lowered;
	s6 =	simm.s32 $_tile_overlayer_lowered  }
0x9b: {  	s22 =	simm.s32 $0x1BFF;
	s21 =	sshll.u32 s6, $0x1;
	s3 =	sadd.s32 s4, s19  }
0x9c: {  	s7 =	simm.s32 $0x0;
	s20 =	sshll.u32 s5, $0x1;
	s5 =	sadd.s32 s21, s3  }
0x9d: {  	[timem:s7], [sflag:s22] =	dma.local [hbm:s5], s20  }
0x9e: {  	_ =	swait.ge [sflag:s22], s20  }
0x9f: {  	s4 =	ssub.s32 $0x0, s20;
	[sflag:s22] =	ssyncset.done $0x0  }
0xa0: {  	[sflag:s22] =	ssyncadd.s32 s4;
	_ =	sdelay $0x1  }
0xa1: {  	s23 =	simm.s32 $0x1B8B  }
0xa2: {  	_ =	swait.ge [sflag:s23], $0x1  }
0xa3: {  	[sflag:s23] =	ssyncset.done $0x0  }
0xa4: {  	s25 =	simm.s32 $0x1B8E;
	s24 =	sld [smem:$0x3FFE];
	[sflag:s23] =	ssyncadd.s32 $0xFFFFFFFF  }
0xa5: {  	s26 =	simm.s32 $execute0_lowered;
	[smem:$0x3FD2] =	sst s25  }
0xa6: {  	s5 =	sshll.u32 s26, $0x1;
	_ =	strace $0x80000049;
	[dreg:$0x1] =	wrdreg $0xFFFFFFFF  }
0xa7: {  	s28 =	simm.s32 $_size_execute0_lowered;
	s3 =	sadd.s32 s3, s5;
	[dreg:$0x0] =	wrdreg $0x0  }
0xa8: {  	s5 =	sshll.u32 s28, $0x1;
	[dreg:$0x2] =	wrdreg s3  }
0xa9: {  	[dreg:$0x3] =	wrdreg s5  }
0xaa: {  	[dreg:$0x4] =	wrdreg $0xC0  }
0xab: {  	_ =	task [dreg:s7], $0x5FFFF  }
0xac: {  	[dreg:$0x1] =	wrdreg $0xFFFFFFFF  }
0xad: {  	[dreg:$0x0] =	wrdreg $0x60  }
0xae: {  	[dreg:$0x2] =	wrdreg s24  }
0xaf: {  	[dreg:$0x3] =	wrdreg s2  }
0xb0: {  	[dreg:$0x4] =	wrdreg $0x9  }
0xb1: {  	_ =	task.clear_ibuf [dreg:s7], $0x5FFFF;
	_ =	strace $0x90000049  }
0xb2: {  	s29 =	simm.s32 $0x9;
	_ =	strace $0x8000004B  }
0xb3: {  	_ =	swait.ge [sflag:s29], $0x1  }
0xb4: {  	[sflag:s29] =	ssyncadd.s32 $0xFFFFFFFF  }
0xb5: {  	_ =	strace $0x9000004B  }
0xb6: {  	_ =	sfence  }
0xb7: {  	s30 =	sld [smem:$0x0];
	_ =	sdelay $0x2  }
0xb8: {  	s31 =	sshll.u32 s1, $0xD;
	s1 =	sshrl.u32 s1, $0x2  }
0xb9: {  	s3 =	sand.u32 $0x4000, s31;
	s1 =	sadd.s32 s1, s30  }
0xba: {  	s0 =	sor.u32 s3, s0;
	s1 =	sshll.u32 s1, $0x11  }
0xbb: {  	s0 =	sor.u32 s1, s0  }
0xbc: {  	s0 =	sadd.s32 $0x8F2B, s0  }
0xbd: {  	[sflag:s0] =	ssyncadd.remote.s32 $0x1  }
0xbe: {  	_ =	sfence.sel $0xFFFF  }
0xbf: {  	[dreg:$0x0] =	wrdreg $0xFFFFFFFF;
	(pc) =	sbr.abs _section_cstart, $3  }
0xc0: {  	[dreg:$0x1] =	wrdreg $0xFFFFFFFF  }
0xc1: {  	_ =	task.clear_ibuf [dreg:s7], $0x2FFFF;
	_ =	strace $0x9FFFFFFF  }
0xc2: {  	(tm) =	ssettm $0x7FFFFFFF  }
0xc3: {  	_ =	shalt  }
tec
execute0_lowered:
.L_overlay_start_1:
0x0: {  	(tag) =	ssettag $0x1  }
0x1: {  	s1 =	rddreg [dreg:$0x0]  }
0x2: {  	s2 =	rddreg [dreg:$0x1]  }
0x3: {  	s3 =	simm.s32 $0x0;
	s0 =	srdreg.scid;
	s4 =	stileid.u32  }
0x4: {  	s28 =	simm.s32 $0x80;
	s22 =	simm.s32 $0x200;
	s31 =	simm.s32 $0x1  }
0x5: {  	s21 =	simm.s32 $0x280;
	s14 =	simm.s32 $0x380;
	s15 =	simm.s32 $0x7400  }
0x6: {  	s16 =	simm.s32 $0x8C00;
	s17 =	simm.s32 $0x5;
	s20 =	simm.s32 $0x0  }
0x7: {  	[smem:$0x7FF] =	sst s3;
	s0 =	sand.u32 $0x1, s0;
	s4 =	sshll.u32 s4, $0x1  }
0x8: {  	s5 =	sadd.s32 $0x550000, s1;
	s11 =	ssub.s32 $0x2, s0;
	s0 =	sor.u32 s0, s4  }
0x9: {  	s6 =	sadd.s32 $0x55E800, s1;
	s7 =	sadd.s32 $0x56D000, s1;
	s12 =	smul.u32 $0x740, s0  }
0xa: {  	s8 =	sadd.s32 $0x57B800, s1;
	s9 =	sadd.s32 $0x58A000, s1;
	s10 =	sadd.s32 $0x2A8000, s1  }
0xb: {  	_ =	strace $0x8000004A;
	s23 =	sshrl.u32 s11, $0x1;
	s13 =	sadd.s32 s2, s12  }
0xc: {  	s18 =	smul.u32 $0x7400, s0;
	s24 =	sadd.s32 s5, s12;
	[dreg:$0x3] =	wrdreg s13  }
0xd: {  	s4 =	ssub.s32 s11, s23;
	s25 =	sadd.s32 s6, s12;
	[dreg:$0x4] =	wrdreg s24  }
0xe: {  	s11 =	smul.u32 $0x74, s0;
	s26 =	sadd.s32 s7, s12;
	[dreg:$0x5] =	wrdreg s25  }
0xf: {  	s23 =	simm.s32 $0x300;
	s29 =	sadd.s32 s8, s12;
	[dreg:$0x6] =	wrdreg s26  }
0x10: {  	s0 =	simm.s32 $0x4;
	s12 =	sadd.s32 s9, s12;
	[dreg:$0x7] =	wrdreg s29  }
0x11: {  	s30 =	smax.u32 s4, $0x1;
	[dreg:$0x8] =	wrdreg s12;
	s19 =	sadd.s32 $0x4, s11  }
0x12: {  	[dreg:$0x9] =	wrdreg s30;
	s12 =	simm.s32 $0x5400;
	s13 =	simm.s32 $0x6400  }
.LBB2_1:
0x13: {  	[dreg:$0xa] =	wrdreg s20  }
0x14: {  	s4 =	rddreg [dreg:$0x3]  }
0x15: {  	[tilespmem:s3], [sflag:$0x3] =	stream.linear.gather [hbm4b:s4+s3], $0x100, $0x38;
	[tilespmem:$0x8E00] =	vst v63  }
0x16: {  	s25 =	rddreg [dreg:$0x4];
	s20 =	simm.s32 $0x100  }
0x17: {  	[tilespmem:s20], [sflag:$0x3] =	stream.linear.gather [hbm4b:s25+s3], $0x100, $0x38;
	[tilespmem:$0x8E00] =	vst v63  }
0x18: {  	s26 =	rddreg [dreg:$0x5];
	s24 =	simm.s32 $0x8400  }
0x19: {  	[tilespmem:s24], [sflag:$0x3] =	stream.linear.gather [hbm4b:s26+s3], $0x100, $0x38;
	[tilespmem:$0x8E00] =	vst v63  }
0x1a: {  	s29 =	rddreg [dreg:$0x6];
	s30 =	simm.s32 $0x8500  }
0x1b: {  	[tilespmem:s30], [sflag:$0x3] =	stream.linear.gather [hbm4b:s29+s3], $0x100, $0x38;
	[tilespmem:$0x8E00] =	vst v63  }
0x1c: {  	s25 =	simm.s32 $0x8600;
	s24 =	rddreg [dreg:$0x7]  }
0x1d: {  	[tilespmem:s25], [sflag:$0x3] =	stream.linear.gather [hbm4b:s24+s3], $0x100, $0x38;
	[tilespmem:$0x8E00] =	vst v63  }
0x1e: {  	s26 =	rddreg [dreg:$0x8];
	s29 =	simm.s32 $0x8700;
	s30 =	simm.s32 $0x3  }
0x1f: {  	[tilespmem:s29], [sflag:$0x3] =	stream.linear.gather [hbm4b:s26+s3], $0x100, $0x38;
	[tilespmem:$0x8E00] =	vst v63  }
0x20: {  	_ =	swait.ge [sflag:s30], $0x100  }
0x21: {  	[sflag:s30] =	ssyncset.done $0x0  }
0x22: {  	[sflag:s30] =	ssyncadd.s32 $0xFFFFFF00  }
0x23: {  	_ =	swait.ge [sflag:s30], $0x100  }
0x24: {  	[sflag:s30] =	ssyncset.done $0x0  }
0x25: {  	[sflag:s30] =	ssyncadd.s32 $0xFFFFFF00  }
0x26: {  	_ =	swait.ge [sflag:s30], $0x100  }
0x27: {  	[sflag:s30] =	ssyncset.done $0x0  }
0x28: {  	[sflag:s30] =	ssyncadd.s32 $0xFFFFFF00  }
0x29: {  	_ =	swait.ge [sflag:s30], $0x100  }
0x2a: {  	[sflag:s30] =	ssyncset.done $0x0  }
0x2b: {  	[sflag:s30] =	ssyncadd.s32 $0xFFFFFF00  }
0x2c: {  	_ =	swait.ge [sflag:s30], $0x100  }
0x2d: {  	[sflag:s30] =	ssyncset.done $0x0  }
0x2e: {  	[sflag:s30] =	ssyncadd.s32 $0xFFFFFF00  }
0x2f: {  	_ =	swait.ge [sflag:s30], $0x100  }
0x30: {  	[sflag:s30] =	ssyncset.done $0x0  }
0x31: {  	s24 =	simm.s32 $0x400;
	[sflag:s30] =	ssyncadd.s32 $0xFFFFFF00  }
0x32: {  	[tilespmem:s24], [sflag:$0x1] =	stream.indirect.gather [hbm4b:s1+s28], $0x20, s3, s28, $0xb8;
	[tilespmem:$0x8E00] =	vst v63  }
0x33: {  	s25 =	simm.s32 $0x1400  }
0x34: {  	[tilespmem:s25], [sflag:$0x1] =	stream.indirect.gather [hbm4b:s1+s28], $0x20, s28, s28, $0xb8;
	[tilespmem:$0x8E00] =	vst v63  }
0x35: {  	s26 =	simm.s32 $0x2400  }
0x36: {  	[tilespmem:s26], [sflag:$0x1] =	stream.indirect.gather [hbm4b:s1+s28], $0x20, s20, s28, $0xb8;
	[tilespmem:$0x8E00] =	vst v63  }
0x37: {  	s29 =	simm.s32 $0x180;
	s30 =	simm.s32 $0x3400;
	s20 =	simm.s32 $0x0  }
0x38: {  	[tilespmem:s30], [sflag:$0x1] =	stream.indirect.gather [hbm4b:s1+s28], $0x20, s29, s28, $0xb8;
	[tilespmem:$0x8E00] =	vst v63  }
.LBB2_2:
0x39: {  	s24 =	sshll.u32 s20, $0x2  }
0x3a: {  	s4 =	sadd.s32 s24, s11  }
0x3b: {  	s26 =	sadd.s32 $0x2, s4  }
0x3c: {  	s4 =	sshll.u32 s26, $0x4  }
0x3d: {  	s4 =	sand.u32 $0x1FFFFFE0, s4  }
0x3e: {  	s25 =	simm.s32 $0x0;
	s29 =	sadd.s32 s2, s4  }
0x3f: {  	[tilespmem:s22], [sflag:$0x4] =	stream.linear.gather [hbm4b:s29+s25], $0x100, $0x38;
	[tilespmem:$0x8E00] =	vst v63  }
0x40: {  	s29 =	sadd.s32 s5, s4  }
0x41: {  	[tilespmem:s23], [sflag:$0x4] =	stream.linear.gather [hbm4b:s29+s25], $0x100, $0x38;
	[tilespmem:$0x8E00] =	vst v63  }
0x42: {  	s30 =	simm.s32 $0x8800;
	s29 =	sadd.s32 s6, s4  }
0x43: {  	[tilespmem:s30], [sflag:$0x4] =	stream.linear.gather [hbm4b:s29+s25], $0x100, $0x38;
	[tilespmem:$0x8E00] =	vst v63  }
0x44: {  	s29 =	sadd.s32 s7, s4;
	s30 =	simm.s32 $0x8900  }
0x45: {  	[tilespmem:s30], [sflag:$0x4] =	stream.linear.gather [hbm4b:s29+s25], $0x100, $0x38;
	[tilespmem:$0x8E00] =	vst v63  }
0x46: {  	s29 =	sadd.s32 s8, s4;
	s30 =	simm.s32 $0x8A00  }
0x47: {  	[tilespmem:s30], [sflag:$0x4] =	stream.linear.gather [hbm4b:s29+s25], $0x100, $0x38;
	[tilespmem:$0x8E00] =	vst v63  }
0x48: {  	s4 =	sadd.s32 s9, s4;
	s29 =	simm.s32 $0x8B00  }
0x49: {  	[tilespmem:s29], [sflag:$0x4] =	stream.linear.gather [hbm4b:s4+s25], $0x100, $0x38;
	[tilespmem:$0x8E00] =	vst v63  }
0x4a: {  	_ =	swait.ge [sflag:s31], $0x4000  }
0x4b: {  	[sflag:s31] =	ssyncset.done $0x0  }
0x4c: {  	[sflag:s31] =	ssyncadd.s32 $0xFFFFC000  }
0x4d: {  	_ =	swait.ge [sflag:s0], $0x100  }
0x4e: {  	[sflag:s0] =	ssyncset.done $0x0  }
0x4f: {  	[sflag:s0] =	ssyncadd.s32 $0xFFFFFF00  }
0x50: {  	_ =	swait.ge [sflag:s0], $0x100  }
0x51: {  	[sflag:s0] =	ssyncset.done $0x0  }
0x52: {  	[sflag:s0] =	ssyncadd.s32 $0xFFFFFF00  }
0x53: {  	_ =	swait.ge [sflag:s0], $0x100  }
0x54: {  	[sflag:s0] =	ssyncset.done $0x0  }
0x55: {  	[sflag:s0] =	ssyncadd.s32 $0xFFFFFF00  }
0x56: {  	_ =	swait.ge [sflag:s0], $0x100  }
0x57: {  	[sflag:s0] =	ssyncset.done $0x0  }
0x58: {  	[sflag:s0] =	ssyncadd.s32 $0xFFFFFF00  }
0x59: {  	_ =	swait.ge [sflag:s0], $0x100  }
0x5a: {  	[sflag:s0] =	ssyncset.done $0x0  }
0x5b: {  	[sflag:s0] =	ssyncadd.s32 $0xFFFFFF00  }
0x5c: {  	_ =	swait.ge [sflag:s0], $0x100  }
0x5d: {  	[sflag:s0] =	ssyncset.done $0x0  }
0x5e: {  	s4 =	simm.s32 $0x4400;
	[sflag:s0] =	ssyncadd.s32 $0xFFFFFF00  }
0x5f: {  	[tilespmem:s4], [sflag:$0x2] =	stream.indirect.gather [hbm4b:s1+s28], $0x20, s22, s28, $0xb8;
	[tilespmem:$0x8E00] =	vst v63  }
0x60: {  	_ = 	snop  }
0x61: {  	[tilespmem:s12], [sflag:$0x2] =	stream.indirect.gather [hbm4b:s1+s28], $0x20, s21, s28, $0xb8;
	[tilespmem:$0x8E00] =	vst v63  }
0x62: {  	_ = 	snop  }
0x63: {  	[tilespmem:s13], [sflag:$0x2] =	stream.indirect.gather [hbm4b:s1+s28], $0x20, s23, s28, $0xb8;
	[tilespmem:$0x8E00] =	vst v63  }
0x64: {  	s30 =	simm.s32 $0x8600;
	s29 =	simm.s32 $0x8C10;
	s4 =	simm.s32 $0x2400  }
0x65: {  	[tilespmem:s15], [sflag:$0x2] =	stream.indirect.gather [hbm4b:s1+s28], $0x20, s14, s28, $0xb8;
	[tilespmem:$0x8E00] =	vst v63  }
.LBB2_3:
0x66: {  	v0 =	vld [tilespmem:s30+$0xFFFFFE00]  }
0x67: {  	v2 =	vld [tilespmem:s4+$0xFFFFE000]  }
0x68: {  	v1 =	vld [tilespmem:s30+$0xFFFFFF00]  }
0x69: {  	v3 =	vld [tilespmem:s4+$0xFFFFE010]  }
0x6a: {  	v5 =	vld [tilespmem:s4+$0xFFFFE020]  }
0x6b: {  	v54 =	vld [tilespmem:s4+$0xFFFFE030]  }
0x6c: {  	v57 =	vld [tilespmem:s4+$0xFFFFE040]  }
0x6d: {  	v60 =	vld [tilespmem:s4+$0xFFFFE050]  }
0x6e: {  	v63 =	vld [tilespmem:s4+$0xFFFFE060];
	v4 =	vbroadcast v0, $0x0;
	v6 =	vunpack.i.l.bf16.f32 v2;
	v2 =	vunpack.i.u.bf16.f32 v2  }
0x6f: {  	v15 =	vld [tilespmem:s4+$0xFFFFE070];
	v7 =	vbroadcast v1, $0x0;
	v8 =	vunpack.i.u.bf16.f32 v3;
	v3 =	vunpack.i.l.bf16.f32 v3  }
0x70: {  	v21 =	vld [tilespmem:s4+$0xFFFFE080];
	v9 =	vbroadcast v0, $0x1;
	v55 =	vunpack.i.l.bf16.f32 v5;
	v5 =	vunpack.i.u.bf16.f32 v5  }
0x71: {  	v58 =	vbroadcast v1, $0x1;
	v59 =	vunpack.i.u.bf16.f32 v54;
	v62 =	vbroadcast v0, $0x2  }
0x72: {  	v27 =	vld [tilespmem:s4+$0xFFFFE0A0];
	v12 =	vunpack.i.l.bf16.f32 v57;
	v13 =	vunpack.i.u.bf16.f32 v57;
	v14 =	vbroadcast v1, $0x2  }
0x73: {  	v10 =	vunpack.i.u.bf16.f32 v60;
	v17 =	vbroadcast v0, $0x3;
	v19 =	vunpack.i.l.bf16.f32 v63  }
0x74: {  	v24 =	vld [tilespmem:s4+$0xFFFFE090];
	v20 =	vunpack.i.u.bf16.f32 v63;
	v22 =	vbroadcast v1, $0x3;
	v23 =	vunpack.i.u.bf16.f32 v15  }
0x75: {  	v32 =	vld [tilespmem:s4+$0xFFFFE0B0];
	v26 =	vbroadcast v0, $0x4;
	v28 =	vunpack.i.l.bf16.f32 v21;
	v30 =	vbroadcast v1, $0x4  }
0x76: {  	v39 =	vld [tilespmem:s4+$0xFFFFE0C0];
	v29 =	vunpack.i.u.bf16.f32 v21;
	v34 =	vbroadcast v0, $0x5;
	v40 =	vbroadcast v1, $0x5  }
0x77: {  	v36 =	vunpack.i.l.bf16.f32 v27;
	v44 =	vbroadcast v0, $0x6;
	v48 =	vbroadcast v1, $0x6  }
0x78: {  	v42 =	vld [tilespmem:s4+$0xFFFFE0D0];
	v37 =	vunpack.i.u.bf16.f32 v27;
	v52 =	vbroadcast v0, $0x7;
	v27 =	vbroadcast v0, $0xA  }
0x79: {  	v31 =	vunpack.i.u.bf16.f32 v24;
	v6 =	vmul.f32 v6, v4;
	v2 =	vmul.f32 v2, v4  }
0x7a: {  	v45 =	vld [tilespmem:s4+$0xFFFFE0E0];
	v41 =	vunpack.i.u.bf16.f32 v32;
	v3 =	vmul.f32 v3, v7;
	v7 =	vmul.f32 v8, v7  }
0x7b: {  	v46 =	vunpack.i.l.bf16.f32 v39;
	v56 =	vmul.f32 v55, v9;
	v5 =	vmul.f32 v5, v9  }
0x7c: {  	v50 =	vld [tilespmem:s4+$0xFFFFE0F0];
	v47 =	vunpack.i.u.bf16.f32 v39;
	v61 =	vmul.f32 v59, v58;
	v18 =	vmul.f32 v10, v14  }
0x7d: {  	v49 =	vunpack.i.u.bf16.f32 v42;
	v8 =	vmul.f32 v19, v17;
	v25 =	vmul.f32 v23, v22  }
0x7e: {  	v57 =	vld [tilespmem:s4+$0xFFFFE100];
	v4 =	vunpack.i.l.bf16.f32 v54;
	v35 =	vmul.f32 v31, v30;
	v38 =	vmul.f32 v36, v34  }
0x7f: {  	v63 =	vld [tilespmem:s4+$0xFFFFE120];
	v43 =	vmul.f32 v41, v40;
	v53 =	vmul.f32 v49, v48;
	v54 =	vunpack.i.l.bf16.f32 v45  }
0x80: {  	v55 =	vunpack.i.u.bf16.f32 v45;
	v23 =	vbroadcast v1, $0x9;
	v31 =	vbroadcast v1, $0xA  }
0x81: {  	v59 =	vunpack.i.u.bf16.f32 v50;
	v41 =	vbroadcast v1, $0xB;
	v45 =	vbroadcast v0, $0xC  }
0x82: {  	v49 =	vbroadcast v1, $0xC;
	v4 =	vmul.f32 v4, v58;
	v6 =	vadd.f32 $0.0e+00, v6  }
0x83: {  	v58 =	vbroadcast v1, $0x7;
	v2 =	vadd.f32 $0.0e+00, v2;
	v11 =	vunpack.i.l.bf16.f32 v57  }
0x84: {  	v19 =	vunpack.i.l.bf16.f32 v63;
	v3 =	vadd.f32 v3, v6;
	v6 =	vunpack.i.l.bf16.f32 v60  }
0x85: {  	v2 =	vadd.f32 v7, v2;
	v7 =	vunpack.i.l.bf16.f32 v15;
	v16 =	vmul.f32 v6, v14  }
0x86: {  	v60 =	vld [tilespmem:s4+$0xFFFFE110];
	v7 =	vmul.f32 v7, v22;
	v6 =	vunpack.i.l.bf16.f32 v42;
	v3 =	vadd.f32 v56, v3  }
0x87: {  	v2 =	vadd.f32 v5, v2;
	v5 =	vmul.f32 v13, v62;
	v51 =	vmul.f32 v6, v48  }
0x88: {  	v22 =	vld [tilespmem:s4+$0xFFFFE140];
	v56 =	vmul.f32 v54, v52;
	v13 =	vbroadcast v1, $0x8;
	v3 =	vadd.f32 v4, v3  }
0x89: {  	v2 =	vadd.f32 v61, v2;
	v4 =	vmul.f32 v12, v62;
	v61 =	vmul.f32 v59, v58  }
0x8a: {  	v62 =	vbroadcast v0, $0x8;
	v12 =	vunpack.i.u.bf16.f32 v57;
	v59 =	vbroadcast v1, $0xD  }
0x8b: {  	v14 =	vunpack.i.u.bf16.f32 v60;
	v3 =	vadd.f32 v4, v3;
	v4 =	vmul.f32 v20, v17  }
0x8c: {  	v15 =	vld [tilespmem:s4+$0xFFFFE130];
	v2 =	vadd.f32 v5, v2;
	v5 =	vmul.f32 v29, v26;
	v17 =	vbroadcast v0, $0x9  }
0x8d: {  	v20 =	vunpack.i.u.bf16.f32 v63;
	v29 =	vunpack.i.l.bf16.f32 v22;
	v3 =	vadd.f32 v16, v3  }
0x8e: {  	v63 =	vbroadcast v0, $0xE;
	v2 =	vadd.f32 v18, v2;
	v18 =	vmul.f32 v14, v13  }
0x8f: {  	v21 =	vmul.f32 v19, v17;
	v19 =	vbroadcast v0, $0xF;
	v3 =	vadd.f32 v8, v3  }
0x90: {  	v2 =	vadd.f32 v4, v2;
	v4 =	vmul.f32 v28, v26;
	v8 =	vunpack.i.l.bf16.f32 v24;
	v28 =	vld [tilespmem:s4+$0xFFFFE160]  }
0x91: {  	v24 =	vunpack.i.u.bf16.f32 v15;
	v33 =	vmul.f32 v8, v30;
	v8 =	vunpack.i.l.bf16.f32 v60  }
0x92: {  	v26 =	vmul.f32 v24, v23;
	v3 =	vadd.f32 v7, v3;
	v2 =	vadd.f32 v25, v2;
	v25 =	vld [tilespmem:s4+$0xFFFFE150]  }
0x93: {  	v30 =	vunpack.i.u.bf16.f32 v22;
	v7 =	vunpack.i.l.bf16.f32 v32;
	v16 =	vmul.f32 v8, v13  }
0x94: {  	v7 =	vmul.f32 v7, v40;
	v3 =	vadd.f32 v4, v3;
	v2 =	vadd.f32 v5, v2  }
0x95: {  	v40 =	vld [tilespmem:s4+$0xFFFFE180];
	v4 =	vmul.f32 v37, v34;
	v5 =	vmul.f32 v47, v44;
	v37 =	vunpack.i.l.bf16.f32 v28  }
0x96: {  	v24 =	vld [tilespmem:s4+$0x0];
	v3 =	vadd.f32 v33, v3;
	v2 =	vadd.f32 v35, v2;
	v35 =	vbroadcast v0, $0xB  }
0x97: {  	v33 =	vld [tilespmem:s4+$0xFFFFE170];
	v32 =	vunpack.i.u.bf16.f32 v25;
	v6 =	vunpack.i.l.bf16.f32 v25;
	v25 =	vbroadcast v1, $0xF  }
0x98: {  	v3 =	vadd.f32 v38, v3;
	v2 =	vadd.f32 v4, v2;
	v4 =	vmul.f32 v46, v44  }
0x99: {  	v34 =	vmul.f32 v6, v31;
	v36 =	vmul.f32 v32, v31;
	v38 =	vunpack.i.u.bf16.f32 v28  }
0x9a: {  	v39 =	vmul.f32 v37, v35;
	v46 =	vld [tilespmem:s4+$0xFFFFE1A0];
	v47 =	vunpack.i.l.bf16.f32 v40;
	v48 =	vunpack.i.u.bf16.f32 v40  }
0x9b: {  	v3 =	vadd.f32 v7, v3;
	v2 =	vadd.f32 v43, v2;
	v7 =	vunpack.i.l.bf16.f32 v50;
	v43 =	vld [tilespmem:s4+$0xFFFFE190]  }
0x9c: {  	v31 =	vunpack.i.l.bf16.f32 v24;
	v7 =	vmul.f32 v7, v58;
	v42 =	vunpack.i.u.bf16.f32 v33  }
0x9d: {  	v3 =	vadd.f32 v4, v3;
	v2 =	vadd.f32 v5, v2;
	v4 =	vmul.f32 v55, v52  }
0x9e: {  	v32 =	vunpack.i.u.bf16.f32 v24;
	v58 =	vld [tilespmem:s4+$0xFFFFE1C0];
	v5 =	vmul.f32 v12, v62;
	v44 =	vmul.f32 v42, v41  }
0x9f: {  	v12 =	vld [tilespmem:s4+$0xFFFFE1E0];
	v55 =	vunpack.i.l.bf16.f32 v46;
	v3 =	vadd.f32 v51, v3;
	v2 =	vadd.f32 v53, v2  }
0xa0: {  	v42 =	vld [tilespmem:s4+$0x40];
	v53 =	vbroadcast v0, $0xD;
	v50 =	vunpack.i.u.bf16.f32 v43;
	v8 =	vunpack.i.l.bf16.f32 v43  }
0xa1: {  	v3 =	vadd.f32 v56, v3;
	v2 =	vadd.f32 v4, v2;
	v4 =	vmul.f32 v11, v62  }
0xa2: {  	v51 =	vld [tilespmem:s4+$0xFFFFE1B0];
	v52 =	vmul.f32 v8, v49;
	v54 =	vmul.f32 v50, v49;
	v56 =	vunpack.i.u.bf16.f32 v46  }
0xa3: {  	v0 =	vld [tilespmem:s30+$0x0];
	v57 =	vmul.f32 v55, v53;
	v13 =	vunpack.i.l.bf16.f32 v58;
	v3 =	vadd.f32 v7, v3  }
0xa4: {  	v14 =	vunpack.i.u.bf16.f32 v58;
	v22 =	vunpack.i.u.bf16.f32 v12;
	v2 =	vadd.f32 v61, v2  }
0xa5: {  	v49 =	vunpack.i.l.bf16.f32 v42;
	v50 =	vunpack.i.u.bf16.f32 v42;
	v61 =	vld [tilespmem:s4+$0xFFFFE1D0];
	v3 =	vadd.f32 v4, v3  }
0xa6: {  	v7 =	vunpack.i.l.bf16.f32 v15;
	v15 =	vbroadcast v1, $0xE;
	v2 =	vadd.f32 v5, v2  }
0xa7: {  	v1 =	vld [tilespmem:s30+$0x100];
	v7 =	vmul.f32 v7, v23;
	v60 =	vunpack.i.u.bf16.f32 v51;
	v3 =	vadd.f32 v16, v3  }
0xa8: {  	v37 =	vbroadcast v0, $0x1;
	v4 =	vmul.f32 v20, v17;
	v2 =	vadd.f32 v18, v2  }
0xa9: {  	v55 =	vbroadcast v0, $0x3;
	v5 =	vmul.f32 v30, v27;
	v3 =	vadd.f32 v21, v3  }
0xaa: {  	v62 =	vmul.f32 v60, v59;
	v16 =	vunpack.i.u.bf16.f32 v61;
	v2 =	vadd.f32 v4, v2  }
0xab: {  	v6 =	vunpack.i.l.bf16.f32 v61;
	v4 =	vmul.f32 v29, v27;
	v3 =	vadd.f32 v7, v3  }
0xac: {  	v30 =	vld [tilespmem:s4+$0x20];
	v43 =	vbroadcast v1, $0x1;
	v61 =	vbroadcast v1, $0x3;
	v2 =	vadd.f32 v26, v2  }
0xad: {  	v60 =	vld [tilespmem:s4+$0x80];
	v18 =	vmul.f32 v6, v15;
	v20 =	vmul.f32 v16, v15;
	v3 =	vadd.f32 v4, v3  }
0xae: {  	v17 =	vld [tilespmem:s4+$0xFFFFE1F0];
	v21 =	vunpack.i.l.bf16.f32 v12;
	v29 =	vbroadcast v0, $0x0;
	v2 =	vadd.f32 v5, v2  }
0xaf: {  	v12 =	vbroadcast v0, $0x4;
	v16 =	vbroadcast v1, $0x4;
	v3 =	vadd.f32 v34, v3  }
0xb0: {  	v7 =	vunpack.i.l.bf16.f32 v33;
	v4 =	vmul.f32 v38, v35;
	v2 =	vadd.f32 v36, v2  }
0xb1: {  	v27 =	vld [tilespmem:s4+$0x10];
	v23 =	vmul.f32 v21, v19;
	v7 =	vmul.f32 v7, v41;
	v3 =	vadd.f32 v39, v3  }
0xb2: {  	v40 =	vunpack.i.u.bf16.f32 v30;
	v15 =	vunpack.i.u.bf16.f32 v60;
	v2 =	vadd.f32 v4, v2  }
0xb3: {  	v26 =	vunpack.i.u.bf16.f32 v17;
	v4 =	vmul.f32 v47, v45;
	v3 =	vadd.f32 v7, v3  }
0xb4: {  	v33 =	vbroadcast v1, $0x0;
	v5 =	vmul.f32 v48, v45;
	v2 =	vadd.f32 v44, v2  }
0xb5: {  	v28 =	vmul.f32 v26, v25;
	v26 =	vbroadcast v1, $0x5;
	v3 =	vadd.f32 v4, v3  }
0xb6: {  	v8 =	vunpack.i.l.bf16.f32 v27;
	v34 =	vunpack.i.u.bf16.f32 v27;
	v2 =	vadd.f32 v5, v2  }
0xb7: {  	v35 =	vld [tilespmem:s4+$0x30];
	v36 =	vmul.f32 v8, v33;
	v38 =	vmul.f32 v34, v33;
	v3 =	vadd.f32 v52, v3  }
0xb8: {  	v48 =	vld [tilespmem:s4+$0x60];
	v7 =	vunpack.i.l.bf16.f32 v51;
	v4 =	vmul.f32 v56, v53;
	v2 =	vadd.f32 v54, v2  }
0xb9: {  	v34 =	vbroadcast v1, $0x6;
	v7 =	vmul.f32 v7, v59;
	v3 =	vadd.f32 v57, v3  }
0xba: {  	v39 =	vunpack.i.l.bf16.f32 v30;
	v47 =	vbroadcast v0, $0x2;
	v2 =	vadd.f32 v4, v2  }
0xbb: {  	v30 =	vbroadcast v0, $0x6;
	v4 =	vmul.f32 v13, v63;
	v3 =	vadd.f32 v7, v3  }
0xbc: {  	v45 =	vld [tilespmem:s4+$0x50];
	v41 =	vmul.f32 v39, v37;
	v5 =	vmul.f32 v14, v63;
	v2 =	vadd.f32 v62, v2  }
0xbd: {  	v58 =	vunpack.i.u.bf16.f32 v48;
	v44 =	vunpack.i.u.bf16.f32 v35;
	v3 =	vadd.f32 v4, v3  }
0xbe: {  	v51 =	vbroadcast v1, $0x2;
	v46 =	vmul.f32 v44, v43;
	v2 =	vadd.f32 v5, v2  }
0xbf: {  	v44 =	vbroadcast v1, $0x7;
	v14 =	vunpack.i.l.bf16.f32 v60;
	v3 =	vadd.f32 v18, v3  }
0xc0: {  	v7 =	vunpack.i.l.bf16.f32 v17;
	v4 =	vmul.f32 v22, v19;
	v2 =	vadd.f32 v20, v2  }
0xc1: {  	v53 =	vld [tilespmem:s4+$0x70];
	v6 =	vunpack.i.l.bf16.f32 v45;
	v7 =	vmul.f32 v7, v25;
	v3 =	vadd.f32 v23, v3  }
0xc2: {  	v52 =	vunpack.i.u.bf16.f32 v45;
	v54 =	vmul.f32 v6, v51;
	v2 =	vadd.f32 v4, v2  }
0xc3: {  	v56 =	vmul.f32 v52, v51;
	v4 =	vmul.f32 v31, v29;
	v3 =	vadd.f32 v7, v3  }
0xc4: {  	v52 =	vbroadcast v1, $0x8;
	v63 =	vld [tilespmem:s4+$0x90];
	v5 =	vmul.f32 v32, v29;
	v2 =	vadd.f32 v28, v2  }
0xc5: {  	v57 =	vunpack.i.l.bf16.f32 v48;
	v13 =	vld [tilespmem:s4+$0xA0];
	v48 =	vbroadcast v0, $0x8;
	v3 =	vadd.f32 v4, v3  }
0xc6: {  	v59 =	vmul.f32 v57, v55;
	v62 =	vunpack.i.u.bf16.f32 v53;
	v2 =	vadd.f32 v5, v2  }
0xc7: {  	v11 =	vmul.f32 v62, v61;
	v62 =	vbroadcast v1, $0x9;
	v3 =	vadd.f32 v36, v3  }
0xc8: {  	v7 =	vunpack.i.l.bf16.f32 v35;
	v4 =	vmul.f32 v40, v37;
	v2 =	vadd.f32 v38, v2  }
0xc9: {  	v25 =	vld [tilespmem:s4+$0xC0];
	v17 =	vunpack.i.u.bf16.f32 v63;
	v7 =	vmul.f32 v7, v43;
	v3 =	vadd.f32 v41, v3  }
0xca: {  	v8 =	vunpack.i.l.bf16.f32 v63;
	v22 =	vunpack.i.l.bf16.f32 v13;
	v2 =	vadd.f32 v4, v2  }
0xcb: {  	v19 =	vmul.f32 v8, v16;
	v4 =	vmul.f32 v49, v47;
	v3 =	vadd.f32 v7, v3  }
0xcc: {  	v18 =	vld [tilespmem:s4+$0xB0];
	v20 =	vbroadcast v0, $0x5;
	v5 =	vmul.f32 v50, v47;
	v2 =	vadd.f32 v46, v2  }
0xcd: {  	v21 =	vmul.f32 v17, v16;
	v23 =	vunpack.i.u.bf16.f32 v13;
	v31 =	vld [tilespmem:s4+$0xE0];
	v3 =	vadd.f32 v4, v3  }
0xce: {  	v24 =	vmul.f32 v22, v20;
	v32 =	vunpack.i.l.bf16.f32 v25;
	v2 =	vadd.f32 v5, v2  }
0xcf: {  	v33 =	vunpack.i.u.bf16.f32 v25;
	v22 =	vbroadcast v0, $0xB;
	v28 =	vld [tilespmem:s4+$0xD0];
	v3 =	vadd.f32 v54, v3  }
0xd0: {  	v7 =	vunpack.i.l.bf16.f32 v53;
	v4 =	vmul.f32 v58, v55;
	v2 =	vadd.f32 v56, v2  }
0xd1: {  	v27 =	vunpack.i.u.bf16.f32 v18;
	v7 =	vmul.f32 v7, v61;
	v3 =	vadd.f32 v59, v3  }
0xd2: {  	v29 =	vmul.f32 v27, v26;
	v40 =	vunpack.i.l.bf16.f32 v31;
	v2 =	vadd.f32 v4, v2  }
0xd3: {  	v38 =	vbroadcast v0, $0x7;
	v4 =	vmul.f32 v14, v12;
	v3 =	vadd.f32 v7, v3  }
0xd4: {  	v43 =	vld [tilespmem:s4+$0x100];
	v35 =	vunpack.i.u.bf16.f32 v28;
	v5 =	vmul.f32 v15, v12;
	v2 =	vadd.f32 v11, v2  }
0xd5: {  	v27 =	vld [tilespmem:s4+$0x180];
	v6 =	vunpack.i.l.bf16.f32 v28;
	v28 =	vbroadcast v1, $0xB;
	v3 =	vadd.f32 v4, v3  }
0xd6: {  	v37 =	vmul.f32 v6, v34;
	v39 =	vmul.f32 v35, v34;
	v2 =	vadd.f32 v5, v2  }
0xd7: {  	v36 =	vld [tilespmem:s4+$0xF0];
	v41 =	vunpack.i.u.bf16.f32 v31;
	v42 =	vmul.f32 v40, v38;
	v3 =	vadd.f32 v19, v3  }
0xd8: {  	v49 =	vld [tilespmem:s4+$0x120];
	v7 =	vunpack.i.l.bf16.f32 v18;
	v4 =	vmul.f32 v23, v20;
	v2 =	vadd.f32 v21, v2  }
0xd9: {  	v50 =	vunpack.i.l.bf16.f32 v43;
	v46 =	vld [tilespmem:s4+$0x110];
	v7 =	vmul.f32 v7, v26;
	v3 =	vadd.f32 v24, v3  }
0xda: {  	v51 =	vunpack.i.u.bf16.f32 v43;
	v34 =	vunpack.i.l.bf16.f32 v27;
	v2 =	vadd.f32 v4, v2  }
0xdb: {  	v35 =	vunpack.i.u.bf16.f32 v27;
	v4 =	vmul.f32 v32, v30;
	v3 =	vadd.f32 v7, v3  }
0xdc: {  	v45 =	vunpack.i.u.bf16.f32 v36;
	v5 =	vmul.f32 v33, v30;
	v2 =	vadd.f32 v29, v2  }
0xdd: {  	v47 =	vmul.f32 v45, v44;
	v58 =	vunpack.i.l.bf16.f32 v49;
	v3 =	vadd.f32 v4, v3  }
0xde: {  	v56 =	vbroadcast v0, $0x9;
	v8 =	vunpack.i.l.bf16.f32 v46;
	v2 =	vadd.f32 v5, v2  }
0xdf: {  	v61 =	vld [tilespmem:s4+$0x140];
	v53 =	vunpack.i.u.bf16.f32 v46;
	v55 =	vmul.f32 v8, v52;
	v3 =	vadd.f32 v37, v3  }
0xe0: {  	v7 =	vunpack.i.l.bf16.f32 v36;
	v4 =	vmul.f32 v41, v38;
	v2 =	vadd.f32 v39, v2  }
0xe1: {  	v15 =	vld [tilespmem:s4+$0x160];
	v57 =	vmul.f32 v53, v52;
	v7 =	vmul.f32 v7, v44;
	v3 =	vadd.f32 v42, v3  }
0xe2: {  	v45 =	vld [tilespmem:s4+$0x1D0];
	v59 =	vunpack.i.u.bf16.f32 v49;
	v60 =	vmul.f32 v58, v56;
	v2 =	vadd.f32 v4, v2  }
0xe3: {  	v54 =	vld [tilespmem:s4+$0x130];
	v14 =	vbroadcast v0, $0xA;
	v4 =	vmul.f32 v50, v48;
	v3 =	vadd.f32 v7, v3  }
0xe4: {  	v16 =	vunpack.i.l.bf16.f32 v61;
	v5 =	vmul.f32 v51, v48;
	v2 =	vadd.f32 v47, v2  }
0xe5: {  	v12 =	vld [tilespmem:s4+$0x150];
	v17 =	vunpack.i.u.bf16.f32 v61;
	v49 =	vbroadcast v0, $0xE;
	v3 =	vadd.f32 v4, v3  }
0xe6: {  	v52 =	vbroadcast v1, $0xE;
	v25 =	vunpack.i.u.bf16.f32 v15;
	v2 =	vadd.f32 v5, v2  }
0xe7: {  	v58 =	vunpack.i.u.bf16.f32 v45;
	v18 =	vbroadcast v1, $0xA;
	v3 =	vadd.f32 v55, v3  }
0xe8: {  	v7 =	vunpack.i.l.bf16.f32 v54;
	v4 =	vmul.f32 v59, v56;
	v2 =	vadd.f32 v57, v2  }
0xe9: {  	v63 =	vunpack.i.u.bf16.f32 v54;
	v20 =	vld [tilespmem:s4+$0x170];
	v7 =	vmul.f32 v7, v62;
	v3 =	vadd.f32 v60, v3  }
0xea: {  	v13 =	vmul.f32 v63, v62;
	v33 =	vld [tilespmem:s4+$0x1A0];
	v6 =	vunpack.i.l.bf16.f32 v12;
	v2 =	vadd.f32 v4, v2  }
0xeb: {  	v19 =	vunpack.i.u.bf16.f32 v12;
	v4 =	vmul.f32 v16, v14;
	v3 =	vadd.f32 v7, v3  }
0xec: {  	v21 =	vmul.f32 v6, v18;
	v5 =	vmul.f32 v17, v14;
	v2 =	vadd.f32 v13, v2  }
0xed: {  	v23 =	vmul.f32 v19, v18;
	v24 =	vunpack.i.l.bf16.f32 v15;
	v3 =	vadd.f32 v4, v3  }
0xee: {  	v30 =	vld [tilespmem:s4+$0x190];
	v32 =	vbroadcast v0, $0xC;
	v26 =	vmul.f32 v24, v22;
	v2 =	vadd.f32 v5, v2  }
0xef: {  	v46 =	vunpack.i.u.bf16.f32 v33;
	v29 =	vunpack.i.u.bf16.f32 v20;
	v3 =	vadd.f32 v21, v3  }
0xf0: {  	v7 =	vunpack.i.l.bf16.f32 v20;
	v4 =	vmul.f32 v25, v22;
	v2 =	vadd.f32 v23, v2  }
0xf1: {  	v36 =	vbroadcast v1, $0xC;
	v7 =	vmul.f32 v7, v28;
	v3 =	vadd.f32 v26, v3  }
0xf2: {  	v31 =	vmul.f32 v29, v28;
	v44 =	vbroadcast v1, $0xD;
	v2 =	vadd.f32 v4, v2  }
0xf3: {  	v11 =	vunpack.i.u.bf16.f32 v30;
	v37 =	vld [tilespmem:s4+$0x1B0];
	v4 =	vmul.f32 v34, v32;
	v3 =	vadd.f32 v7, v3  }
0xf4: {  	v8 =	vunpack.i.l.bf16.f32 v30;
	v5 =	vmul.f32 v35, v32;
	v2 =	vadd.f32 v31, v2  }
0xf5: {  	v40 =	vld [tilespmem:s4+$0x1C0];
	v38 =	vmul.f32 v8, v36;
	v39 =	vbroadcast v0, $0xD;
	v3 =	vadd.f32 v4, v3  }
0xf6: {  	v41 =	vmul.f32 v11, v36;
	v42 =	vunpack.i.l.bf16.f32 v33;
	v2 =	vadd.f32 v5, v2  }
0xf7: {  	v1 =	vbroadcast v1, $0xF;
	v43 =	vmul.f32 v42, v39;
	v3 =	vadd.f32 v38, v3  }
0xf8: {  	v47 =	vunpack.i.l.bf16.f32 v37;
	v5 =	vmul.f32 v46, v39;
	v2 =	vadd.f32 v41, v2  }
0xf9: {  	v12 =	vld [tilespmem:s4+$0x1E0];
	v10 =	vunpack.i.u.bf16.f32 v37;
	v48 =	vmul.f32 v47, v44;
	v3 =	vadd.f32 v43, v3  }
0xfa: {  	v50 =	vunpack.i.l.bf16.f32 v40;
	v53 =	vmul.f32 v10, v44;
	v2 =	vadd.f32 v5, v2  }
0xfb: {  	v8 =	vunpack.i.u.bf16.f32 v40;
	v51 =	vmul.f32 v50, v49;
	v56 =	vld [tilespmem:s4+$0x1F0];
	v3 =	vadd.f32 v48, v3  }
0xfc: {  	v54 =	vunpack.i.l.bf16.f32 v45;
	v57 =	vmul.f32 v8, v49;
	v2 =	vadd.f32 v53, v2  }
0xfd: {  	v0 =	vbroadcast v0, $0xF;
	v55 =	vmul.f32 v54, v52;
	v3 =	vadd.f32 v51, v3  }
0xfe: {  	v59 =	vunpack.i.l.bf16.f32 v12;
	v4 =	vmul.f32 v58, v52;
	v2 =	vadd.f32 v57, v2  }
0xff: {  	v60 =	vunpack.i.u.bf16.f32 v12;
	v5 =	vmul.f32 v59, v0;
	v3 =	vadd.f32 v55, v3  }
0x100: {  	v61 =	vunpack.i.l.bf16.f32 v56;
	v0 =	vmul.f32 v60, v0;
	v2 =	vadd.f32 v4, v2  }
0x101: {  	p0 =	sne.s32 s25, $0xF;
	v62 =	vunpack.i.u.bf16.f32 v56;
	v4 =	vmul.f32 v61, v1;
	v3 =	vadd.f32 v5, v3  }
.Ltmp0:
0x102: {  	v1 =	vmul.f32 v62, v1;
	v0 =	vadd.f32 v0, v2;
	(pc) =	sbr.rel @p0 .LBB2_3-.Ltmp0, $4  }
0x103: {  	v63 =	vadd.f32 v4, v3  }
0x104: {  	v0 =	vadd.f32 v1, v0  }
0x105: {  	s25 =	sadd.s32 $0x1, s25;
	[tilespmem:s29+$0xFFFFFFF0] =	vst v63  }
0x106: {  	s30 =	sadd.s32 $0x10, s30;
	s4 =	sadd.s32 $0x200, s4;
	[tilespmem:s29+$0x0] =	vst v0;
	s29 =	sadd.s32 $0x20, s29  }
0x107: {  	s4 =	sshll.u32 s20, $0xA  }
0x108: {  	s4 =	sadd.s32 s18, s4  }
0x109: {  	s4 =	sshrl.u32 s4, $0x3  }
0x10a: {  	s4 =	sadd.s32 s10, s4  }
0x10b: {  	[hbm4b:s4+s3] =	stream.linear.scatter [tilespmem:s16], [sflag:$0x5], $0x200, $0x38;
	[tilespmem:$0x8E00] =	vst v63  }
0x10c: {  	_ =	swait.ge [sflag:s17], $0x200  }
0x10d: {  	p0 =	seq.s32 s20, $0x1C;
	[sflag:s17] =	ssyncset.done $0x0  }
0x10e: {  	s24 =	sadd.s32 @!p0 s24, s19;
	s4 =	simm.s32 @p0 $0x2;
	[sflag:s17] =	ssyncadd.s32 $0xFFFFFE00  }
0x10f: {  	s24 =	sshll.u32 @!p0 s24, $0x4;
	_ =	swait.ge @p0 [sflag:s4], $0x4000  }
0x110: {  	s24 =	sand.u32 @!p0 $0x1FFFFFC0, s24;
	[sflag:s4] =	ssyncset.done @p0 $0x0  }
0x111: {  	s25 =	simm.s32 @!p0 $0x0;
	[sflag:s4] =	ssyncadd.s32 @p0 $0xFFFFC000;
	s4 =	sadd.s32 @!p0 s2, s24  }
0x112: {  	[tilespmem:s25], [sflag:$0x3] =	stream.linear.gather @!p0 [hbm4b:s4+s25], $0x100, $0x38;
	[tilespmem:$0x8E00] =	vst v63  }
0x113: {  	s29 =	simm.s32 @!p0 $0x100;
	s4 =	sadd.s32 @!p0 s5, s24  }
0x114: {  	[tilespmem:s29], [sflag:$0x3] =	stream.linear.gather @!p0 [hbm4b:s4+s25], $0x100, $0x38;
	[tilespmem:$0x8E00] =	vst v63  }
0x115: {  	s30 =	simm.s32 @!p0 $0x8400;
	s4 =	sadd.s32 @!p0 s6, s24  }
0x116: {  	[tilespmem:s30], [sflag:$0x3] =	stream.linear.gather @!p0 [hbm4b:s4+s25], $0x100, $0x38;
	[tilespmem:$0x8E00] =	vst v63  }
0x117: {  	s4 =	sadd.s32 @!p0 s7, s24;
	s30 =	simm.s32 @!p0 $0x8500  }
0x118: {  	[tilespmem:s30], [sflag:$0x3] =	stream.linear.gather @!p0 [hbm4b:s4+s25], $0x100, $0x38;
	[tilespmem:$0x8E00] =	vst v63  }
0x119: {  	s4 =	sadd.s32 @!p0 s8, s24;
	s30 =	simm.s32 @!p0 $0x8600  }
0x11a: {  	[tilespmem:s30], [sflag:$0x3] =	stream.linear.gather @!p0 [hbm4b:s4+s25], $0x100, $0x38;
	[tilespmem:$0x8E00] =	vst v63  }
0x11b: {  	s4 =	sadd.s32 @!p0 s9, s24;
	s24 =	simm.s32 @!p0 $0x8700  }
0x11c: {  	[tilespmem:s24], [sflag:$0x3] =	stream.linear.gather @!p0 [hbm4b:s4+s25], $0x100, $0x38;
	[tilespmem:$0x8E00] =	vst v63  }
0x11d: {  	s4 =	simm.s32 @!p0 $0x2  }
0x11e: {  	_ =	swait.ge @!p0 [sflag:s4], $0x4000  }
0x11f: {  	[sflag:s4] =	ssyncset.done @!p0 $0x0  }
0x120: {  	[sflag:s4] =	ssyncadd.s32 @!p0 $0xFFFFC000;
	s4 =	simm.s32 @!p0 $0x3  }
0x121: {  	_ =	swait.ge @!p0 [sflag:s4], $0x100  }
0x122: {  	[sflag:s4] =	ssyncset.done @!p0 $0x0  }
0x123: {  	[sflag:s4] =	ssyncadd.s32 @!p0 $0xFFFFFF00  }
0x124: {  	_ =	swait.ge @!p0 [sflag:s4], $0x100  }
0x125: {  	[sflag:s4] =	ssyncset.done @!p0 $0x0  }
0x126: {  	[sflag:s4] =	ssyncadd.s32 @!p0 $0xFFFFFF00  }
0x127: {  	_ =	swait.ge @!p0 [sflag:s4], $0x100  }
0x128: {  	[sflag:s4] =	ssyncset.done @!p0 $0x0  }
0x129: {  	[sflag:s4] =	ssyncadd.s32 @!p0 $0xFFFFFF00  }
0x12a: {  	_ =	swait.ge @!p0 [sflag:s4], $0x100  }
0x12b: {  	[sflag:s4] =	ssyncset.done @!p0 $0x0  }
0x12c: {  	[sflag:s4] =	ssyncadd.s32 @!p0 $0xFFFFFF00  }
0x12d: {  	_ =	swait.ge @!p0 [sflag:s4], $0x100  }
0x12e: {  	[sflag:s4] =	ssyncset.done @!p0 $0x0  }
0x12f: {  	[sflag:s4] =	ssyncadd.s32 @!p0 $0xFFFFFF00  }
0x130: {  	_ =	swait.ge @!p0 [sflag:s4], $0x100  }
0x131: {  	[sflag:s4] =	ssyncset.done @!p0 $0x0  }
0x132: {  	s24 =	simm.s32 @!p0 $0x400;
	[sflag:s4] =	ssyncadd.s32 @!p0 $0xFFFFFF00;
	s4 =	simm.s32 @!p0 $0x80  }
0x133: {  	[tilespmem:s24], [sflag:$0x1] =	stream.indirect.gather @!p0 [hbm4b:s1+s4], $0x20, s25, s4, $0xb8;
	[tilespmem:$0x8E00] =	vst v63  }
0x134: {  	s24 =	simm.s32 @!p0 $0x1400  }
0x135: {  	[tilespmem:s24], [sflag:$0x1] =	stream.indirect.gather @!p0 [hbm4b:s1+s4], $0x20, s4, s4, $0xb8;
	[tilespmem:$0x8E00] =	vst v63  }
0x136: {  	s24 =	simm.s32 @!p0 $0x2400  }
0x137: {  	[tilespmem:s24], [sflag:$0x1] =	stream.indirect.gather @!p0 [hbm4b:s1+s4], $0x20, s29, s4, $0xb8;
	[tilespmem:$0x8E00] =	vst v63  }
0x138: {  	s25 =	simm.s32 @!p0 $0x3400;
	s24 =	simm.s32 @!p0 $0x180  }
0x139: {  	[tilespmem:s25], [sflag:$0x1] =	stream.indirect.gather @!p0 [hbm4b:s1+s4], $0x20, s24, s4, $0xb8;
	[tilespmem:$0x8E00] =	vst v63  }
0x13a: {  	s24 =	simm.s32 $0x0;
	s25 =	simm.s32 $0x8C10;
	s4 =	simm.s32 $0x8B00  }
.LBB2_5:
0x13b: {  	v0 =	vld [tilespmem:s4+$0xFFFFFD00]  }
0x13c: {  	v1 =	vld [tilespmem:s4+$0xFFFFFE00];
	_ =	sdelay $0x1  }
0x13d: {  	s29 =	sshra.s32 s24, $0x2  }
0x13e: {  	v2 =	vld [tilespmem:s29+$0x4400]  }
0x13f: {  	v3 =	vld [tilespmem:s29+$0x4410];
	v4 =	vbroadcast v0, $0x0  }
0x140: {  	v5 =	vld [tilespmem:s29+$0x4420];
	v7 =	vbroadcast v1, $0x0;
	v9 =	vbroadcast v0, $0x1  }
0x141: {  	v54 =	vld [tilespmem:s29+$0x4430];
	v58 =	vbroadcast v1, $0x1;
	v62 =	vbroadcast v0, $0x2  }
0x142: {  	v57 =	vld [tilespmem:s29+$0x4440];
	v14 =	vbroadcast v1, $0x2;
	v17 =	vbroadcast v0, $0x3  }
0x143: {  	v60 =	vld [tilespmem:s29+$0x4450];
	v22 =	vbroadcast v1, $0x3;
	v26 =	vbroadcast v0, $0x4  }
0x144: {  	v63 =	vld [tilespmem:s29+$0x4460];
	v30 =	vbroadcast v1, $0x4;
	v34 =	vbroadcast v0, $0x5  }
0x145: {  	v15 =	vld [tilespmem:s29+$0x4470];
	v40 =	vbroadcast v1, $0x5;
	v44 =	vbroadcast v0, $0x6  }
0x146: {  	v21 =	vld [tilespmem:s29+$0x4480];
	v48 =	vbroadcast v1, $0x6;
	v52 =	vbroadcast v0, $0x7  }
0x147: {  	v27 =	vld [tilespmem:s29+$0x44A0];
	v6 =	vunpack.i.l.bf16.f32 v2;
	v2 =	vunpack.i.u.bf16.f32 v2;
	v8 =	vunpack.i.u.bf16.f32 v3  }
0x148: {  	v24 =	vld [tilespmem:s29+$0x4490];
	v3 =	vunpack.i.l.bf16.f32 v3;
	v55 =	vunpack.i.l.bf16.f32 v5;
	v5 =	vunpack.i.u.bf16.f32 v5  }
0x149: {  	v32 =	vld [tilespmem:s29+$0x44B0];
	v59 =	vunpack.i.u.bf16.f32 v54;
	v12 =	vunpack.i.l.bf16.f32 v57;
	v13 =	vunpack.i.u.bf16.f32 v57  }
0x14a: {  	v39 =	vld [tilespmem:s29+$0x44C0];
	v10 =	vunpack.i.u.bf16.f32 v60;
	v19 =	vunpack.i.l.bf16.f32 v63;
	v20 =	vunpack.i.u.bf16.f32 v63  }
0x14b: {  	v23 =	vunpack.i.u.bf16.f32 v15;
	v28 =	vunpack.i.l.bf16.f32 v21;
	v29 =	vunpack.i.u.bf16.f32 v21  }
0x14c: {  	v42 =	vld [tilespmem:s29+$0x44D0];
	v36 =	vunpack.i.l.bf16.f32 v27;
	v37 =	vunpack.i.u.bf16.f32 v27;
	v27 =	vbroadcast v0, $0xA  }
0x14d: {  	v31 =	vunpack.i.u.bf16.f32 v24;
	v6 =	vmul.f32 v6, v4;
	v2 =	vmul.f32 v2, v4  }
0x14e: {  	v45 =	vld [tilespmem:s29+$0x44E0];
	v41 =	vunpack.i.u.bf16.f32 v32;
	v3 =	vmul.f32 v3, v7;
	v7 =	vmul.f32 v8, v7  }
0x14f: {  	v50 =	vld [tilespmem:s29+$0x44F0];
	v46 =	vunpack.i.l.bf16.f32 v39;
	v56 =	vmul.f32 v55, v9;
	v5 =	vmul.f32 v5, v9  }
0x150: {  	v47 =	vunpack.i.u.bf16.f32 v39;
	v61 =	vmul.f32 v59, v58;
	v18 =	vmul.f32 v10, v14  }
0x151: {  	v49 =	vunpack.i.u.bf16.f32 v42;
	v8 =	vmul.f32 v19, v17;
	v25 =	vmul.f32 v23, v22  }
0x152: {  	v4 =	vunpack.i.l.bf16.f32 v54;
	v35 =	vmul.f32 v31, v30;
	v38 =	vmul.f32 v36, v34  }
0x153: {  	v57 =	vld [tilespmem:s29+$0x4500];
	v43 =	vmul.f32 v41, v40;
	v53 =	vmul.f32 v49, v48;
	v54 =	vunpack.i.l.bf16.f32 v45  }
0x154: {  	v63 =	vld [tilespmem:s29+$0x4520];
	v55 =	vunpack.i.u.bf16.f32 v45;
	v59 =	vunpack.i.u.bf16.f32 v50;
	v23 =	vbroadcast v1, $0x9  }
0x155: {  	v31 =	vbroadcast v1, $0xA;
	v41 =	vbroadcast v1, $0xB;
	v6 =	vadd.f32 $0.0e+00, v6  }
0x156: {  	v45 =	vbroadcast v0, $0xC;
	v49 =	vbroadcast v1, $0xC;
	v2 =	vadd.f32 $0.0e+00, v2  }
0x157: {  	v4 =	vmul.f32 v4, v58;
	v58 =	vbroadcast v1, $0x7;
	v3 =	vadd.f32 v3, v6  }
0x158: {  	v2 =	vadd.f32 v7, v2;
	v6 =	vunpack.i.l.bf16.f32 v60;
	v7 =	vunpack.i.l.bf16.f32 v15  }
0x159: {  	v11 =	vunpack.i.l.bf16.f32 v57;
	v19 =	vunpack.i.l.bf16.f32 v63;
	v16 =	vmul.f32 v6, v14  }
0x15a: {  	v60 =	vld [tilespmem:s29+$0x4510];
	v7 =	vmul.f32 v7, v22;
	v6 =	vunpack.i.l.bf16.f32 v42;
	v3 =	vadd.f32 v56, v3  }
0x15b: {  	v2 =	vadd.f32 v5, v2;
	v5 =	vmul.f32 v13, v62;
	v51 =	vmul.f32 v6, v48  }
0x15c: {  	v22 =	vld [tilespmem:s29+$0x4540];
	v56 =	vmul.f32 v54, v52;
	v13 =	vbroadcast v1, $0x8;
	v3 =	vadd.f32 v4, v3  }
0x15d: {  	v2 =	vadd.f32 v61, v2;
	v4 =	vmul.f32 v12, v62;
	v61 =	vmul.f32 v59, v58  }
0x15e: {  	v62 =	vbroadcast v0, $0x8;
	v12 =	vunpack.i.u.bf16.f32 v57;
	v59 =	vbroadcast v1, $0xD  }
0x15f: {  	v14 =	vunpack.i.u.bf16.f32 v60;
	v3 =	vadd.f32 v4, v3;
	v4 =	vmul.f32 v20, v17  }
0x160: {  	v15 =	vld [tilespmem:s29+$0x4530];
	v2 =	vadd.f32 v5, v2;
	v5 =	vmul.f32 v29, v26;
	v17 =	vbroadcast v0, $0x9  }
0x161: {  	v20 =	vunpack.i.u.bf16.f32 v63;
	v29 =	vunpack.i.l.bf16.f32 v22;
	v3 =	vadd.f32 v16, v3  }
0x162: {  	v63 =	vbroadcast v0, $0xE;
	v2 =	vadd.f32 v18, v2;
	v18 =	vmul.f32 v14, v13  }
0x163: {  	v21 =	vmul.f32 v19, v17;
	v19 =	vbroadcast v0, $0xF;
	v3 =	vadd.f32 v8, v3  }
0x164: {  	v2 =	vadd.f32 v4, v2;
	v4 =	vmul.f32 v28, v26;
	v8 =	vunpack.i.l.bf16.f32 v24;
	v28 =	vld [tilespmem:s29+$0x4560]  }
0x165: {  	v24 =	vunpack.i.u.bf16.f32 v15;
	v33 =	vmul.f32 v8, v30;
	v8 =	vunpack.i.l.bf16.f32 v60  }
0x166: {  	v26 =	vmul.f32 v24, v23;
	v3 =	vadd.f32 v7, v3;
	v2 =	vadd.f32 v25, v2;
	v25 =	vld [tilespmem:s29+$0x4550]  }
0x167: {  	v30 =	vunpack.i.u.bf16.f32 v22;
	v7 =	vunpack.i.l.bf16.f32 v32;
	v16 =	vmul.f32 v8, v13  }
0x168: {  	v7 =	vmul.f32 v7, v40;
	v3 =	vadd.f32 v4, v3;
	v2 =	vadd.f32 v5, v2  }
0x169: {  	v40 =	vld [tilespmem:s29+$0x4580];
	v4 =	vmul.f32 v37, v34;
	v5 =	vmul.f32 v47, v44;
	v37 =	vunpack.i.l.bf16.f32 v28  }
0x16a: {  	v24 =	vld [tilespmem:s29+$0x6400];
	v3 =	vadd.f32 v33, v3;
	v2 =	vadd.f32 v35, v2;
	v35 =	vbroadcast v0, $0xB  }
0x16b: {  	v33 =	vld [tilespmem:s29+$0x4570];
	v32 =	vunpack.i.u.bf16.f32 v25;
	v6 =	vunpack.i.l.bf16.f32 v25;
	v25 =	vbroadcast v1, $0xF  }
0x16c: {  	v3 =	vadd.f32 v38, v3;
	v2 =	vadd.f32 v4, v2;
	v4 =	vmul.f32 v46, v44  }
0x16d: {  	v34 =	vmul.f32 v6, v31;
	v36 =	vmul.f32 v32, v31;
	v38 =	vunpack.i.u.bf16.f32 v28  }
0x16e: {  	v39 =	vmul.f32 v37, v35;
	v46 =	vld [tilespmem:s29+$0x45A0];
	v47 =	vunpack.i.l.bf16.f32 v40;
	v48 =	vunpack.i.u.bf16.f32 v40  }
0x16f: {  	v3 =	vadd.f32 v7, v3;
	v2 =	vadd.f32 v43, v2;
	v7 =	vunpack.i.l.bf16.f32 v50;
	v43 =	vld [tilespmem:s29+$0x4590]  }
0x170: {  	v31 =	vunpack.i.l.bf16.f32 v24;
	v7 =	vmul.f32 v7, v58;
	v42 =	vunpack.i.u.bf16.f32 v33  }
0x171: {  	v3 =	vadd.f32 v4, v3;
	v2 =	vadd.f32 v5, v2;
	v4 =	vmul.f32 v55, v52  }
0x172: {  	v32 =	vunpack.i.u.bf16.f32 v24;
	v58 =	vld [tilespmem:s29+$0x45C0];
	v5 =	vmul.f32 v12, v62;
	v44 =	vmul.f32 v42, v41  }
0x173: {  	v12 =	vld [tilespmem:s29+$0x45E0];
	v55 =	vunpack.i.l.bf16.f32 v46;
	v3 =	vadd.f32 v51, v3;
	v2 =	vadd.f32 v53, v2  }
0x174: {  	v42 =	vld [tilespmem:s29+$0x6440];
	v53 =	vbroadcast v0, $0xD;
	v50 =	vunpack.i.u.bf16.f32 v43;
	v8 =	vunpack.i.l.bf16.f32 v43  }
0x175: {  	v3 =	vadd.f32 v56, v3;
	v2 =	vadd.f32 v4, v2;
	v4 =	vmul.f32 v11, v62  }
0x176: {  	v51 =	vld [tilespmem:s29+$0x45B0];
	v52 =	vmul.f32 v8, v49;
	v54 =	vmul.f32 v50, v49;
	v56 =	vunpack.i.u.bf16.f32 v46  }
0x177: {  	v0 =	vld [tilespmem:s4+$0xFFFFFF00];
	v57 =	vmul.f32 v55, v53;
	v13 =	vunpack.i.l.bf16.f32 v58;
	v3 =	vadd.f32 v7, v3  }
0x178: {  	v14 =	vunpack.i.u.bf16.f32 v58;
	v22 =	vunpack.i.u.bf16.f32 v12;
	v2 =	vadd.f32 v61, v2  }
0x179: {  	v49 =	vunpack.i.l.bf16.f32 v42;
	v50 =	vunpack.i.u.bf16.f32 v42;
	v61 =	vld [tilespmem:s29+$0x45D0];
	v3 =	vadd.f32 v4, v3  }
0x17a: {  	v7 =	vunpack.i.l.bf16.f32 v15;
	v15 =	vbroadcast v1, $0xE;
	v2 =	vadd.f32 v5, v2  }
0x17b: {  	v1 =	vld [tilespmem:s4+$0x0];
	v7 =	vmul.f32 v7, v23;
	v60 =	vunpack.i.u.bf16.f32 v51;
	v3 =	vadd.f32 v16, v3  }
0x17c: {  	v37 =	vbroadcast v0, $0x1;
	v4 =	vmul.f32 v20, v17;
	v2 =	vadd.f32 v18, v2  }
0x17d: {  	v55 =	vbroadcast v0, $0x3;
	v5 =	vmul.f32 v30, v27;
	v3 =	vadd.f32 v21, v3  }
0x17e: {  	v62 =	vmul.f32 v60, v59;
	v16 =	vunpack.i.u.bf16.f32 v61;
	v2 =	vadd.f32 v4, v2  }
0x17f: {  	v6 =	vunpack.i.l.bf16.f32 v61;
	v4 =	vmul.f32 v29, v27;
	v3 =	vadd.f32 v7, v3  }
0x180: {  	v30 =	vld [tilespmem:s29+$0x6420];
	v43 =	vbroadcast v1, $0x1;
	v61 =	vbroadcast v1, $0x3;
	v2 =	vadd.f32 v26, v2  }
0x181: {  	v60 =	vld [tilespmem:s29+$0x6480];
	v18 =	vmul.f32 v6, v15;
	v20 =	vmul.f32 v16, v15;
	v3 =	vadd.f32 v4, v3  }
0x182: {  	v17 =	vld [tilespmem:s29+$0x45F0];
	v21 =	vunpack.i.l.bf16.f32 v12;
	v29 =	vbroadcast v0, $0x0;
	v2 =	vadd.f32 v5, v2  }
0x183: {  	v12 =	vbroadcast v0, $0x4;
	v16 =	vbroadcast v1, $0x4;
	v3 =	vadd.f32 v34, v3  }
0x184: {  	v7 =	vunpack.i.l.bf16.f32 v33;
	v4 =	vmul.f32 v38, v35;
	v2 =	vadd.f32 v36, v2  }
0x185: {  	v27 =	vld [tilespmem:s29+$0x6410];
	v23 =	vmul.f32 v21, v19;
	v7 =	vmul.f32 v7, v41;
	v3 =	vadd.f32 v39, v3  }
0x186: {  	v40 =	vunpack.i.u.bf16.f32 v30;
	v15 =	vunpack.i.u.bf16.f32 v60;
	v2 =	vadd.f32 v4, v2  }
0x187: {  	v26 =	vunpack.i.u.bf16.f32 v17;
	v4 =	vmul.f32 v47, v45;
	v3 =	vadd.f32 v7, v3  }
0x188: {  	v33 =	vbroadcast v1, $0x0;
	v5 =	vmul.f32 v48, v45;
	v2 =	vadd.f32 v44, v2  }
0x189: {  	v28 =	vmul.f32 v26, v25;
	v26 =	vbroadcast v1, $0x5;
	v3 =	vadd.f32 v4, v3  }
0x18a: {  	v8 =	vunpack.i.l.bf16.f32 v27;
	v34 =	vunpack.i.u.bf16.f32 v27;
	v2 =	vadd.f32 v5, v2  }
0x18b: {  	v35 =	vld [tilespmem:s29+$0x6430];
	v36 =	vmul.f32 v8, v33;
	v38 =	vmul.f32 v34, v33;
	v3 =	vadd.f32 v52, v3  }
0x18c: {  	v48 =	vld [tilespmem:s29+$0x6460];
	v7 =	vunpack.i.l.bf16.f32 v51;
	v4 =	vmul.f32 v56, v53;
	v2 =	vadd.f32 v54, v2  }
0x18d: {  	v34 =	vbroadcast v1, $0x6;
	v7 =	vmul.f32 v7, v59;
	v3 =	vadd.f32 v57, v3  }
0x18e: {  	v39 =	vunpack.i.l.bf16.f32 v30;
	v47 =	vbroadcast v0, $0x2;
	v2 =	vadd.f32 v4, v2  }
0x18f: {  	v30 =	vbroadcast v0, $0x6;
	v4 =	vmul.f32 v13, v63;
	v3 =	vadd.f32 v7, v3  }
0x190: {  	v45 =	vld [tilespmem:s29+$0x6450];
	v41 =	vmul.f32 v39, v37;
	v5 =	vmul.f32 v14, v63;
	v2 =	vadd.f32 v62, v2  }
0x191: {  	v58 =	vunpack.i.u.bf16.f32 v48;
	v44 =	vunpack.i.u.bf16.f32 v35;
	v3 =	vadd.f32 v4, v3  }
0x192: {  	v51 =	vbroadcast v1, $0x2;
	v46 =	vmul.f32 v44, v43;
	v2 =	vadd.f32 v5, v2  }
0x193: {  	v44 =	vbroadcast v1, $0x7;
	v14 =	vunpack.i.l.bf16.f32 v60;
	v3 =	vadd.f32 v18, v3  }
0x194: {  	v7 =	vunpack.i.l.bf16.f32 v17;
	v4 =	vmul.f32 v22, v19;
	v2 =	vadd.f32 v20, v2  }
0x195: {  	v53 =	vld [tilespmem:s29+$0x6470];
	v6 =	vunpack.i.l.bf16.f32 v45;
	v7 =	vmul.f32 v7, v25;
	v3 =	vadd.f32 v23, v3  }
0x196: {  	v52 =	vunpack.i.u.bf16.f32 v45;
	v54 =	vmul.f32 v6, v51;
	v2 =	vadd.f32 v4, v2  }
0x197: {  	v56 =	vmul.f32 v52, v51;
	v4 =	vmul.f32 v31, v29;
	v3 =	vadd.f32 v7, v3  }
0x198: {  	v52 =	vbroadcast v1, $0x8;
	v63 =	vld [tilespmem:s29+$0x6490];
	v5 =	vmul.f32 v32, v29;
	v2 =	vadd.f32 v28, v2  }
0x199: {  	v57 =	vunpack.i.l.bf16.f32 v48;
	v13 =	vld [tilespmem:s29+$0x64A0];
	v48 =	vbroadcast v0, $0x8;
	v3 =	vadd.f32 v4, v3  }
0x19a: {  	v59 =	vmul.f32 v57, v55;
	v62 =	vunpack.i.u.bf16.f32 v53;
	v2 =	vadd.f32 v5, v2  }
0x19b: {  	v11 =	vmul.f32 v62, v61;
	v62 =	vbroadcast v1, $0x9;
	v3 =	vadd.f32 v36, v3  }
0x19c: {  	v7 =	vunpack.i.l.bf16.f32 v35;
	v4 =	vmul.f32 v40, v37;
	v2 =	vadd.f32 v38, v2  }
0x19d: {  	v25 =	vld [tilespmem:s29+$0x64C0];
	v17 =	vunpack.i.u.bf16.f32 v63;
	v7 =	vmul.f32 v7, v43;
	v3 =	vadd.f32 v41, v3  }
0x19e: {  	v8 =	vunpack.i.l.bf16.f32 v63;
	v22 =	vunpack.i.l.bf16.f32 v13;
	v2 =	vadd.f32 v4, v2  }
0x19f: {  	v19 =	vmul.f32 v8, v16;
	v4 =	vmul.f32 v49, v47;
	v3 =	vadd.f32 v7, v3  }
0x1a0: {  	v18 =	vld [tilespmem:s29+$0x64B0];
	v20 =	vbroadcast v0, $0x5;
	v5 =	vmul.f32 v50, v47;
	v2 =	vadd.f32 v46, v2  }
0x1a1: {  	v21 =	vmul.f32 v17, v16;
	v23 =	vunpack.i.u.bf16.f32 v13;
	v31 =	vld [tilespmem:s29+$0x64E0];
	v3 =	vadd.f32 v4, v3  }
0x1a2: {  	v24 =	vmul.f32 v22, v20;
	v32 =	vunpack.i.l.bf16.f32 v25;
	v2 =	vadd.f32 v5, v2  }
0x1a3: {  	v33 =	vunpack.i.u.bf16.f32 v25;
	v22 =	vbroadcast v0, $0xB;
	v28 =	vld [tilespmem:s29+$0x64D0];
	v3 =	vadd.f32 v54, v3  }
0x1a4: {  	v7 =	vunpack.i.l.bf16.f32 v53;
	v4 =	vmul.f32 v58, v55;
	v2 =	vadd.f32 v56, v2  }
0x1a5: {  	v27 =	vunpack.i.u.bf16.f32 v18;
	v7 =	vmul.f32 v7, v61;
	v3 =	vadd.f32 v59, v3  }
0x1a6: {  	v29 =	vmul.f32 v27, v26;
	v40 =	vunpack.i.l.bf16.f32 v31;
	v2 =	vadd.f32 v4, v2  }
0x1a7: {  	v38 =	vbroadcast v0, $0x7;
	v4 =	vmul.f32 v14, v12;
	v3 =	vadd.f32 v7, v3  }
0x1a8: {  	v43 =	vld [tilespmem:s29+$0x6500];
	v35 =	vunpack.i.u.bf16.f32 v28;
	v5 =	vmul.f32 v15, v12;
	v2 =	vadd.f32 v11, v2  }
0x1a9: {  	v27 =	vld [tilespmem:s29+$0x6580];
	v6 =	vunpack.i.l.bf16.f32 v28;
	v28 =	vbroadcast v1, $0xB;
	v3 =	vadd.f32 v4, v3  }
0x1aa: {  	v37 =	vmul.f32 v6, v34;
	v39 =	vmul.f32 v35, v34;
	v2 =	vadd.f32 v5, v2  }
0x1ab: {  	v36 =	vld [tilespmem:s29+$0x64F0];
	v41 =	vunpack.i.u.bf16.f32 v31;
	v42 =	vmul.f32 v40, v38;
	v3 =	vadd.f32 v19, v3  }
0x1ac: {  	v49 =	vld [tilespmem:s29+$0x6520];
	v7 =	vunpack.i.l.bf16.f32 v18;
	v4 =	vmul.f32 v23, v20;
	v2 =	vadd.f32 v21, v2  }
0x1ad: {  	v50 =	vunpack.i.l.bf16.f32 v43;
	v46 =	vld [tilespmem:s29+$0x6510];
	v7 =	vmul.f32 v7, v26;
	v3 =	vadd.f32 v24, v3  }
0x1ae: {  	v51 =	vunpack.i.u.bf16.f32 v43;
	v34 =	vunpack.i.l.bf16.f32 v27;
	v2 =	vadd.f32 v4, v2  }
0x1af: {  	v35 =	vunpack.i.u.bf16.f32 v27;
	v4 =	vmul.f32 v32, v30;
	v3 =	vadd.f32 v7, v3  }
0x1b0: {  	v45 =	vunpack.i.u.bf16.f32 v36;
	v5 =	vmul.f32 v33, v30;
	v2 =	vadd.f32 v29, v2  }
0x1b1: {  	v47 =	vmul.f32 v45, v44;
	v58 =	vunpack.i.l.bf16.f32 v49;
	v3 =	vadd.f32 v4, v3  }
0x1b2: {  	v56 =	vbroadcast v0, $0x9;
	v8 =	vunpack.i.l.bf16.f32 v46;
	v2 =	vadd.f32 v5, v2  }
0x1b3: {  	v61 =	vld [tilespmem:s29+$0x6540];
	v53 =	vunpack.i.u.bf16.f32 v46;
	v55 =	vmul.f32 v8, v52;
	v3 =	vadd.f32 v37, v3  }
0x1b4: {  	v7 =	vunpack.i.l.bf16.f32 v36;
	v4 =	vmul.f32 v41, v38;
	v2 =	vadd.f32 v39, v2  }
0x1b5: {  	v15 =	vld [tilespmem:s29+$0x6560];
	v57 =	vmul.f32 v53, v52;
	v7 =	vmul.f32 v7, v44;
	v3 =	vadd.f32 v42, v3  }
0x1b6: {  	v45 =	vld [tilespmem:s29+$0x65D0];
	v59 =	vunpack.i.u.bf16.f32 v49;
	v60 =	vmul.f32 v58, v56;
	v2 =	vadd.f32 v4, v2  }
0x1b7: {  	v54 =	vld [tilespmem:s29+$0x6530];
	v14 =	vbroadcast v0, $0xA;
	v4 =	vmul.f32 v50, v48;
	v3 =	vadd.f32 v7, v3  }
0x1b8: {  	v16 =	vunpack.i.l.bf16.f32 v61;
	v5 =	vmul.f32 v51, v48;
	v2 =	vadd.f32 v47, v2  }
0x1b9: {  	v12 =	vld [tilespmem:s29+$0x6550];
	v17 =	vunpack.i.u.bf16.f32 v61;
	v49 =	vbroadcast v0, $0xE;
	v3 =	vadd.f32 v4, v3  }
0x1ba: {  	v52 =	vbroadcast v1, $0xE;
	v25 =	vunpack.i.u.bf16.f32 v15;
	v2 =	vadd.f32 v5, v2  }
0x1bb: {  	v58 =	vunpack.i.u.bf16.f32 v45;
	v18 =	vbroadcast v1, $0xA;
	v3 =	vadd.f32 v55, v3  }
0x1bc: {  	v7 =	vunpack.i.l.bf16.f32 v54;
	v4 =	vmul.f32 v59, v56;
	v2 =	vadd.f32 v57, v2  }
0x1bd: {  	v63 =	vunpack.i.u.bf16.f32 v54;
	v20 =	vld [tilespmem:s29+$0x6570];
	v7 =	vmul.f32 v7, v62;
	v3 =	vadd.f32 v60, v3  }
0x1be: {  	v13 =	vmul.f32 v63, v62;
	v33 =	vld [tilespmem:s29+$0x65A0];
	v6 =	vunpack.i.l.bf16.f32 v12;
	v2 =	vadd.f32 v4, v2  }
0x1bf: {  	v19 =	vunpack.i.u.bf16.f32 v12;
	v4 =	vmul.f32 v16, v14;
	v3 =	vadd.f32 v7, v3  }
0x1c0: {  	v21 =	vmul.f32 v6, v18;
	v5 =	vmul.f32 v17, v14;
	v2 =	vadd.f32 v13, v2  }
0x1c1: {  	v23 =	vmul.f32 v19, v18;
	v24 =	vunpack.i.l.bf16.f32 v15;
	v3 =	vadd.f32 v4, v3  }
0x1c2: {  	v30 =	vld [tilespmem:s29+$0x6590];
	v32 =	vbroadcast v0, $0xC;
	v26 =	vmul.f32 v24, v22;
	v2 =	vadd.f32 v5, v2  }
0x1c3: {  	v46 =	vunpack.i.u.bf16.f32 v33;
	v29 =	vunpack.i.u.bf16.f32 v20;
	v3 =	vadd.f32 v21, v3  }
0x1c4: {  	v7 =	vunpack.i.l.bf16.f32 v20;
	v4 =	vmul.f32 v25, v22;
	v2 =	vadd.f32 v23, v2  }
0x1c5: {  	v36 =	vbroadcast v1, $0xC;
	v7 =	vmul.f32 v7, v28;
	v3 =	vadd.f32 v26, v3  }
0x1c6: {  	v31 =	vmul.f32 v29, v28;
	v44 =	vbroadcast v1, $0xD;
	v2 =	vadd.f32 v4, v2  }
0x1c7: {  	v11 =	vunpack.i.u.bf16.f32 v30;
	v37 =	vld [tilespmem:s29+$0x65B0];
	v4 =	vmul.f32 v34, v32;
	v3 =	vadd.f32 v7, v3  }
0x1c8: {  	v8 =	vunpack.i.l.bf16.f32 v30;
	v5 =	vmul.f32 v35, v32;
	v2 =	vadd.f32 v31, v2  }
0x1c9: {  	v40 =	vld [tilespmem:s29+$0x65C0];
	v38 =	vmul.f32 v8, v36;
	v39 =	vbroadcast v0, $0xD;
	v3 =	vadd.f32 v4, v3  }
0x1ca: {  	v41 =	vmul.f32 v11, v36;
	v42 =	vunpack.i.l.bf16.f32 v33;
	v2 =	vadd.f32 v5, v2  }
0x1cb: {  	v1 =	vbroadcast v1, $0xF;
	v43 =	vmul.f32 v42, v39;
	v3 =	vadd.f32 v38, v3  }
0x1cc: {  	v47 =	vunpack.i.l.bf16.f32 v37;
	v5 =	vmul.f32 v46, v39;
	v2 =	vadd.f32 v41, v2  }
0x1cd: {  	v12 =	vld [tilespmem:s29+$0x65E0];
	v10 =	vunpack.i.u.bf16.f32 v37;
	v48 =	vmul.f32 v47, v44;
	v3 =	vadd.f32 v43, v3  }
0x1ce: {  	v50 =	vunpack.i.l.bf16.f32 v40;
	v53 =	vmul.f32 v10, v44;
	v2 =	vadd.f32 v5, v2  }
0x1cf: {  	v8 =	vunpack.i.u.bf16.f32 v40;
	v51 =	vmul.f32 v50, v49;
	v56 =	vld [tilespmem:s29+$0x65F0];
	v3 =	vadd.f32 v48, v3  }
0x1d0: {  	v54 =	vunpack.i.l.bf16.f32 v45;
	v57 =	vmul.f32 v8, v49;
	v2 =	vadd.f32 v53, v2  }
0x1d1: {  	v0 =	vbroadcast v0, $0xF;
	v55 =	vmul.f32 v54, v52;
	v3 =	vadd.f32 v51, v3  }
0x1d2: {  	v59 =	vunpack.i.l.bf16.f32 v12;
	v4 =	vmul.f32 v58, v52;
	v2 =	vadd.f32 v57, v2  }
0x1d3: {  	v60 =	vunpack.i.u.bf16.f32 v12;
	v5 =	vmul.f32 v59, v0;
	v3 =	vadd.f32 v55, v3  }
0x1d4: {  	v61 =	vunpack.i.l.bf16.f32 v56;
	v0 =	vmul.f32 v60, v0;
	v2 =	vadd.f32 v4, v2  }
0x1d5: {  	p0 =	sne.s32 s24, $0x7800;
	v62 =	vunpack.i.u.bf16.f32 v56;
	v4 =	vmul.f32 v61, v1;
	v3 =	vadd.f32 v5, v3  }
.Ltmp1:
0x1d6: {  	v1 =	vmul.f32 v62, v1;
	v0 =	vadd.f32 v0, v2;
	(pc) =	sbr.rel @p0 .LBB2_5-.Ltmp1, $4  }
0x1d7: {  	v63 =	vadd.f32 v4, v3  }
0x1d8: {  	v0 =	vadd.f32 v1, v0  }
0x1d9: {  	[tilespmem:s25+$0xFFFFFFF0] =	vst v63  }
0x1da: {  	s24 =	sadd.s32 $0x800, s24;
	s4 =	sadd.s32 $0x10, s4;
	[tilespmem:s25+$0x0] =	vst v0;
	s25 =	sadd.s32 $0x20, s25  }
0x1db: {  	s4 =	sshll.u32 s26, $0x5;
	s20 =	sadd.s32 $0x1, s20  }
0x1dc: {  	s4 =	sand.u32 $0x1FFFFFC0, s4;
	p0 =	sne.s32 s20, $0x1D  }
.Ltmp2:
0x1dd: {  	s4 =	sadd.s32 s10, s4;
	(pc) =	sbr.rel @p0 .LBB2_2-.Ltmp2, $4  }
0x1de: {  	[hbm4b:s4+s3] =	stream.linear.scatter [tilespmem:s16], [sflag:$0x5], $0x200, $0x38;
	[tilespmem:$0x8E00] =	vst v63  }
0x1df: {  	_ =	swait.ge [sflag:s17], $0x200  }
0x1e0: {  	[sflag:s17] =	ssyncset.done $0x0  }
0x1e1: {  	[sflag:s17] =	ssyncadd.s32 $0xFFFFFE00  }
0x1e2: {  	s20 =	rddreg [dreg:$0xa]  }
0x1e3: {  	s4 =	rddreg [dreg:$0x9];
	s20 =	sadd.s32 $0x1, s20  }
0x1e4: {  	p0 =	sne.s32 s20, s4  }
.Ltmp3:
0x1e5: {  	_ = 	snop;
	(pc) =	sbr.rel @p0 .LBB2_1-.Ltmp3, $1  }
0x1e6: {  	_ =	sdelay $0x3  }
0x1e7: {  	_ =	sfence.sel $0x180000  }
0x1e8: {  	[bflag:$0x0] =	sbarrier.arrive $0xFFFF  }
0x1e9: {  	_ =	strace $0x9000004A  }
0x1ea: {  	s0 =	stileid.u32;
	[bflag:$0x2] =	sbarrier.arrive $0xFFFF  }
0x1eb: {  	p0 =	sne.s32 s0, $0x0;
	s0 =	rddreg [dreg:$0x2]  }
0x1ec: {  	s0 =	sadd.s32 @!p0 $0x100000, s0  }
0x1ed: {  	[sflag:s0] =	ssyncadd.tile.s32 @!p0 $0x1;
	_ =	shalt  }
.Lfunc_end2:
_tile_overlayer_lowered:
.L_overlay_start_2:
0x1ee: {  	(tag) =	ssettag $0x2  }
0x1ef: {  	s0 =	rddreg [dreg:$0x0];
	s2 =	stileid.u32  }
0x1f0: {  	s1 =	rddreg [dreg:$0x1];
	p0 =	sne.s32 s2, $0x0  }
0x1f1: {  	s3 =	rddreg [dreg:$0x2];
	[bflag:$0x3] =	sbarrier.arrive $0xFFFF;
	s2 =	simm.s32 @!p0 $0x1C05  }
0x1f2: {  	[timem:s3], [sflag:s2] =	dma.local @!p0 [hbm:s0], s1  }
0x1f3: {  	s0 =	simm.s32 @!p0 $0x5  }
0x1f4: {  	_ =	swait.ge @!p0 [sflag:s0], s1  }
0x1f5: {  	s1 =	ssub.s32 @!p0 $0x0, s1;
	[sflag:s0] =	ssyncset.done @!p0 $0x0  }
0x1f6: {  	[sflag:s0] =	ssyncadd.s32 @!p0 s1  }
0x1f7: {  	[bflag:$0x3] =	sbarrier.arrive $0xFFFF  }
0x1f8: {  	_ =	shalt  }

// kernel: sparse-core-data-format-call.cloned.1.call-start
scs
called_computation_lowered:
.L_overlay_start_0:
0x0: {  	s1 =	sld [smem:$0x3FD9]  }
0x1: {  	s2 =	sld [smem:$0x3FFE];
	_ =	sdelay $0x1  }
0x2: {  	s3 =	srdreg.scid  }
0x3: {  	s0 =	sand.u32 $0x1, s3  }
0x4: {  	s17 =	sshll.u32 s0, $0xA;
	s1 =	sadd.s32 s2, s1  }
0x5: {  	s1 =	sadd.s32 s1, s17  }
0x6: {  	[smem:$0x3FBB] =	sst s1  }
0x7: {  	_ = 	snop  }
0x8: {  	(tm) =	ssettm $0x1  }
0x9: {  	s18 =	sld [smem:$0x3FFB];
	_ =	sdelay $0x3  }
0xa: {  	_ =	strace s18  }
0xb: {  	s1 =	sld [smem:$0x3FFC];
	_ =	sdelay $0x3  }
0xc: {  	_ =	strace s1  }
0xd: {  	s1 =	sld [smem:$0x3FFD];
	_ =	sdelay $0x3  }
0xe: {  	_ =	strace s1  }
0xf: {  	_ =	strace $0x8FFFFFFF  }
0x10: {  	s19 =	sld [smem:$0x3FDB];
	_ =	sdelay $0x1  }
0x11: {  	s20 =	simm.s32 $_scs_section_size  }
0x12: {  	s4 =	simm.s32 $_size__tile_overlayer_lowered;
	s5 =	simm.s32 $_tile_overlayer_lowered  }
0x13: {  	s23 =	simm.s32 $0x1BFF;
	s22 =	sshll.u32 s5, $0x1;
	s1 =	sadd.s32 s20, s19  }
0x14: {  	s6 =	simm.s32 $0x0;
	s21 =	sshll.u32 s4, $0x1;
	s4 =	sadd.s32 s22, s1  }
0x15: {  	[timem:s6], [sflag:s23] =	dma.local [hbm:s4], s21  }
0x16: {  	_ =	swait.ge [sflag:s23], s21  }
0x17: {  	s2 =	ssub.s32 $0x0, s21;
	[sflag:s23] =	ssyncset.done $0x0  }
0x18: {  	[sflag:s23] =	ssyncadd.s32 s2;
	_ =	sdelay $0x1  }
0x19: {  	s24 =	simm.s32 $0x1B8B  }
0x1a: {  	_ =	swait.ge [sflag:s24], $0x1  }
0x1b: {  	[sflag:s24] =	ssyncset.done $0x0  }
0x1c: {  	s26 =	simm.s32 $0x1B8E;
	s25 =	sld [smem:$0x3FFE];
	[sflag:s24] =	ssyncadd.s32 $0xFFFFFFFF  }
0x1d: {  	s27 =	simm.s32 $execute0_lowered;
	[smem:$0x3FD2] =	sst s26  }
0x1e: {  	s4 =	sshll.u32 s27, $0x1;
	_ =	strace $0x80000046;
	[dreg:$0x1] =	wrdreg $0xFFFFFFFF  }
0x1f: {  	s28 =	simm.s32 $_size_execute0_lowered;
	s1 =	sadd.s32 s1, s4;
	[dreg:$0x0] =	wrdreg $0x0  }
0x20: {  	s4 =	sshll.u32 s28, $0x1;
	[dreg:$0x2] =	wrdreg s1  }
0x21: {  	[dreg:$0x3] =	wrdreg s4  }
0x22: {  	[dreg:$0x4] =	wrdreg $0xC0  }
0x23: {  	_ =	task [dreg:s6], $0x5FFFF  }
0x24: {  	[dreg:$0x1] =	wrdreg $0xFFFFFFFF  }
0x25: {  	[dreg:$0x0] =	wrdreg $0x60  }
0x26: {  	[dreg:$0x2] =	wrdreg s25  }
0x27: {  	[dreg:$0x3] =	wrdreg $0x9  }
0x28: {  	_ =	task.clear_ibuf [dreg:s6], $0x4FFFF;
	_ =	strace $0x90000046  }
0x29: {  	s29 =	simm.s32 $0x9;
	_ =	strace $0x80000048  }
0x2a: {  	_ =	swait.ge [sflag:s29], $0x1  }
0x2b: {  	[sflag:s29] =	ssyncadd.s32 $0xFFFFFFFF  }
0x2c: {  	_ =	strace $0x90000048  }
0x2d: {  	_ =	sfence  }
0x2e: {  	s30 =	sld [smem:$0x0];
	_ =	sdelay $0x2  }
0x2f: {  	s31 =	sshll.u32 s3, $0xD;
	s3 =	sshrl.u32 s3, $0x2  }
0x30: {  	s2 =	sand.u32 $0x4000, s31;
	s1 =	sadd.s32 s3, s30  }
0x31: {  	s0 =	sor.u32 s2, s0;
	s1 =	sshll.u32 s1, $0x11  }
0x32: {  	s0 =	sor.u32 s1, s0  }
0x33: {  	s0 =	sadd.s32 $0x8F2B, s0  }
0x34: {  	[sflag:s0] =	ssyncadd.remote.s32 $0x1  }
0x35: {  	_ =	sfence.sel $0xFFFF  }
0x36: {  	[dreg:$0x0] =	wrdreg $0xFFFFFFFF;
	(pc) =	sbr.abs _section_cstart, $3  }
0x37: {  	[dreg:$0x1] =	wrdreg $0xFFFFFFFF  }
0x38: {  	_ =	task.clear_ibuf [dreg:s6], $0x2FFFF;
	_ =	strace $0x9FFFFFFF  }
0x39: {  	(tm) =	ssettm $0x7FFFFFFF  }
tec
execute0_lowered:
.L_overlay_start_1:
0x0: {  	(tag) =	ssettag $0x1  }
0x1: {  	s0 =	srdreg.scid  }
0x2: {  	s1 =	sshll.u32 s0, $0x4  }
0x3: {  	s0 =	stileid.u32;
	s1 =	sand.u32 $0x10, s1  }
0x4: {  	s2 =	rddreg [dreg:$0x0];
	s7 =	simm.s32 $0x1;
	s1 =	sor.u32 s0, s1  }
0x5: {  	s8 =	simm.s32 $0x2;
	s9 =	simm.s32 $0x0;
	s3 =	sshll.u32 s1, $0x4  }
0x6: {  	s12 =	simm.s32 $0x0;
	s11 =	simm.s32 $0x0;
	s6 =	ssub.s32 $0x5500, s3  }
.Ltmp0:
0x7: {  	s4 =	sadd.s32 $0x2A8000, s2;
	s5 =	sand.u32 $0x1F0, s6;
	(pc) =	sbr.rel .LBB1_1-.Ltmp0, $4  }
0x8: {  	s1 =	rddreg [dreg:$0x1];
	_ =	strace $0x80000047;
	p0 =	sne.s32 s5, $0x0  }
0x9: {  	s6 =	sshrl.u32 s6, $0x9;
	s5 =	simm.s32 $0x1;
	s7 =	simm.s32 @!p0 $0x0  }
0xa: {  	s10 =	smov.u32 s3;
	[sflag:s5] =	ssyncpa.u1 $0x0;
	s6 =	sadd.s32 s7, s6  }
0xb: {  	[sflag:s8] =	ssyncpa.u1 $0x0;
	s8 =	simm.s32 $0x0;
	s7 =	sadd.s32 $0x1, s6  }
.LBB1_7:
0xc: {  	s14 =	sadd.s32 $0x200, s10  }
0xd: {  	p1 =	sgt.s32 s14, $0x54FF  }
0xe: {  	s14 =	smov.u32 @p1 s3;
	p1 =	sne.s32 s11, s7  }
.Ltmp1:
0xf: {  	p0 =	slt.u32 s11, $0x2;
	(pc) =	sbr.rel @!p1 .LBB1_8-.Ltmp1, $4  }
0x10: {  	s13 =	simm.s32 @!p0 $0x2  }
0x11: {  	s15 =	sadd.s32 $0x1, s11;
	_ =	swait.ge @!p0 [sflag:s13], $0x4000  }
0x12: {  	s12 =	smov.u32 s10;
	s9 =	sadd.s32 $0x8000, s9;
	[sflag:s13] =	ssyncset.done @!p0 $0x0  }
0x13: {  	s11 =	smov.u32 s15;
	s10 =	smov.u32 s14;
	[sflag:s13] =	ssyncadd.s32 @!p0 $0xFFFFC000  }
.LBB1_1:
0x14: {  	p0 =	sge.u32 s11, s6  }
0x15: {  	s13 =	sxor.u32 @!p0 $0xFFFFFFFF, s11  }
0x16: {  	s31 =	sadd.s32 $0xFFFFFFFF, s11;
	s14 =	sshll.u32 @!p0 s10, $0x7;
	s13 =	sshll.u32 @!p0 s13, $0xE  }
0x17: {  	s15 =	simm.s32 @!p0 $0x0;
	s14 =	sadd.s32 @!p0 s4, s14;
	s13 =	sand.u32 @!p0 $0x4000, s13  }
0x18: {  	[tilespmem:s13], [sflag:$0x1] =	stream.linear.gather @!p0 [hbm4b:s14+s15], $0x4000, $0x38;
	[tilespmem:$0x10000] =	vst v63  }
0x19: {  	p0 =	sge.u32 s31, s6  }
.Ltmp2:
0x1a: {  	_ = 	snop;
	(pc) =	sbr.rel @p0 .LBB1_7-.Ltmp2, $1  }
0x1b: {  	_ =	sdelay $0x3  }
0x1c: {  	s13 =	sshrl.u32 s9, $0x1;
	_ =	swait.ge [sflag:s5], $0x4000  }
0x1d: {  	s15 =	sshll.u32 s11, $0xE;
	s16 =	simm.s32 $0x0;
	s14 =	sand.u32 $0x4000, s13  }
0x1e: {  	[sflag:s5] =	ssyncset.done $0x0;
	s15 =	sand.u32 $0x4000, s15;
	s13 =	sor.u32 $0x200, s14  }
0x1f: {  	s14 =	sor.u32 $0x8080, s14;
	[sflag:s5] =	ssyncadd.s32 $0xFFFFC000;
	s15 =	sor.u32 $0x8000, s15  }
.LBB1_3:
0x20: {  	v0 =	vld [tilespmem:s13+$0xFFFFFE70]  }
0x21: {  	v1 =	vld [tilespmem:s13+$0x70]  }
0x22: {  	v2 =	vld [tilespmem:s13+$0x0]  }
0x23: {  	v3 =	vld [tilespmem:s13+$0xFFFFFE10]  }
0x24: {  	v4 =	vld [tilespmem:s13+$0x10]  }
0x25: {  	v5 =	vld [tilespmem:s13+$0xFFFFFE20]  }
0x26: {  	v7 =	vld [tilespmem:s13+$0x20]  }
0x27: {  	v11 =	vld [tilespmem:s13+$0x30];
	v6 =	vunpack.i.l.s16.s32 v0;
	v8 =	vunpack.i.u.s16.s32 v0;
	v9 =	vunpack.i.u.s16.s32 v1  }
0x28: {  	v10 =	vunpack.i.l.s16.s32 v1;
	v0 =	vunpack.i.u.s16.s32 v2;
	v1 =	vunpack.i.l.s16.s32 v2;
	v2 =	vld [tilespmem:s13+$0xFFFFFE30]  }
0x29: {  	v8 =	vpack.i.b32.b16 v9, v8;
	v9 =	vunpack.i.u.s16.s32 v3;
	v3 =	vunpack.i.l.s16.s32 v3  }
0x2a: {  	v12 =	vld [tilespmem:s13+$0xFFFFFE40];
	v6 =	vpack.i.b32.b16 v10, v6;
	[tilespmem:s14+$0x70] =	vst v8;
	v8 =	vunpack.i.u.s16.s32 v4;
	v4 =	vunpack.i.l.s16.s32 v4  }
0x2b: {  	v13 =	vld [tilespmem:s13+$0x40];
	v10 =	vunpack.i.u.s16.s32 v5;
	v5 =	vunpack.i.l.s16.s32 v5;
	[tilespmem:s14+$0xFFFFFFF0] =	vst v6;
	v3 =	vpack.i.b32.b16 v4, v3  }
0x2c: {  	v6 =	vunpack.i.l.s16.s32 v7;
	v4 =	vld [tilespmem:s13+$0xFFFFFE50];
	[tilespmem:s14+$0xFFFFFF90] =	vst v3;
	v3 =	vpack.i.b32.b16 v8, v9;
	v8 =	vunpack.i.u.s16.s32 v7  }
0x2d: {  	v7 =	vunpack.i.l.s16.s32 v11;
	[tilespmem:s14+$0x10] =	vst v3;
	v3 =	vpack.i.b32.b16 v6, v5;
	v9 =	vunpack.i.u.s16.s32 v2;
	v6 =	vld [tilespmem:s13+$0x50]  }
0x2e: {  	v5 =	vunpack.i.l.s16.s32 v2;
	v2 =	vld [tilespmem:s13+$0xFFFFFE60];
	[tilespmem:s14+$0xFFFFFFA0] =	vst v3;
	v3 =	vpack.i.b32.b16 v8, v10;
	v10 =	vunpack.i.u.s16.s32 v11  }
0x2f: {  	s19 =	simm.s32 $0x0;
	v11 =	vpack.i.b32.b16 v7, v5;
	v7 =	vunpack.i.u.s16.s32 v12;
	v8 =	vunpack.i.l.s16.s32 v12;
	[tilespmem:s14+$0x20] =	vst v3;
	v3 =	vld [tilespmem:s13+$0x60]  }
0x30: {  	s20 =	sadd.s32 $0x80, s13;
	s18 =	smov.u32 s14;
	s17 =	smov.u32 s14;
	v5 =	vld [tilespmem:s13+$0xFFFFFE00];
	[tilespmem:s14+$0xFFFFFFB0] =	vst v11;
	v10 =	vpack.i.b32.b16 v10, v9;
	v9 =	vunpack.i.u.s16.s32 v13;
	v11 =	vunpack.i.l.s16.s32 v13  }
.LBB1_4:
0x31: {  	v12 =	vld [tilespmem:s20+$0xFFFFFE70];
	[tilespmem:s18+$0x30] =	vst v10;
	v8 =	vpack.i.b32.b16 v11, v8;
	v10 =	vunpack.i.u.s16.s32 v4;
	v4 =	vunpack.i.l.s16.s32 v4  }
0x32: {  	s19 =	sadd.s32 $0x2, s19;
	v7 =	vpack.i.b32.b16 v9, v7;
	v11 =	vld [tilespmem:s20+$0x70];
	[tilespmem:s18+$0xFFFFFFC0] =	vst v8;
	v8 =	vunpack.i.u.s16.s32 v6;
	v6 =	vunpack.i.l.s16.s32 v6  }
0x33: {  	p0 =	slt.u32 s19, $0x6;
	v9 =	vld [tilespmem:s20+$0x0];
	[tilespmem:s18+$0x40] =	vst v7;
	v4 =	vpack.i.b32.b16 v6, v4;
	v6 =	vunpack.i.u.s16.s32 v2;
	v2 =	vunpack.i.l.s16.s32 v2  }
0x34: {  	v7 =	vld [tilespmem:s20+$0xFFFFFE10];
	[tilespmem:s18+$0xFFFFFFD0] =	vst v4;
	v4 =	vpack.i.b32.b16 v8, v10;
	v8 =	vunpack.i.u.s16.s32 v3;
	v3 =	vunpack.i.l.s16.s32 v3  }
0x35: {  	v10 =	vld [tilespmem:s20+$0x10];
	v13 =	vunpack.i.u.s16.s32 v5;
	v5 =	vunpack.i.l.s16.s32 v5;
	[tilespmem:s18+$0x50] =	vst v4;
	v2 =	vpack.i.b32.b16 v3, v2  }
0x36: {  	v3 =	vld [tilespmem:s20+$0xFFFFFE20];
	v4 =	vunpack.i.l.s16.s32 v12;
	v1 =	vpack.i.b32.b16 v1, v5;
	v5 =	vpack.i.b32.b16 v0, v13;
	[tilespmem:s18+$0xFFFFFFE0] =	vst v2  }
0x37: {  	v12 =	vunpack.i.u.s16.s32 v12;
	v2 =	vld [tilespmem:s20+$0x20];
	v13 =	vunpack.i.u.s16.s32 v11;
	v11 =	vunpack.i.l.s16.s32 v11;
	[tilespmem:s18+$0xFFFFFF80] =	vst v1  }
0x38: {  	s18 =	sadd.s32 $0x100, s18;
	v0 =	vunpack.i.u.s16.s32 v9;
	v1 =	vunpack.i.l.s16.s32 v9;
	v9 =	vld [tilespmem:s20+$0xFFFFFE30];
	v12 =	vpack.i.b32.b16 v13, v12;
	[tilespmem:s17+$0x0] =	vst v5  }
0x39: {  	v6 =	vpack.i.b32.b16 v8, v6;
	v5 =	vunpack.i.u.s16.s32 v7;
	v7 =	vunpack.i.l.s16.s32 v7;
	v13 =	vld [tilespmem:s20+$0x30];
	[tilespmem:s18+$0x70] =	vst v12  }
0x3a: {  	v4 =	vpack.i.b32.b16 v11, v4;
	v8 =	vunpack.i.u.s16.s32 v10;
	v10 =	vunpack.i.l.s16.s32 v10;
	v12 =	vld [tilespmem:s20+$0xFFFFFE40];
	[tilespmem:s17+$0x60] =	vst v6;
	s17 =	smov.u32 s18  }
0x3b: {  	v6 =	vpack.i.b32.b16 v10, v7;
	v7 =	vunpack.i.u.s16.s32 v3;
	v3 =	vunpack.i.l.s16.s32 v3;
	v11 =	vld [tilespmem:s20+$0x40];
	[tilespmem:s18+$0xFFFFFFF0] =	vst v4  }
.Ltmp3:
0x3c: {  	v5 =	vpack.i.b32.b16 v8, v5;
	[tilespmem:s18+$0xFFFFFF90] =	vst v6;
	v8 =	vunpack.i.u.s16.s32 v2;
	v2 =	vunpack.i.l.s16.s32 v2;
	v4 =	vld [tilespmem:s20+$0xFFFFFE50];
	(pc) =	sbr.rel @p0 .LBB1_4-.Ltmp3, $4  }
0x3d: {  	[tilespmem:s18+$0x10] =	vst v5;
	v2 =	vpack.i.b32.b16 v2, v3;
	v10 =	vunpack.i.u.s16.s32 v9;
	v3 =	vunpack.i.l.s16.s32 v9;
	v6 =	vld [tilespmem:s20+$0x50]  }
0x3e: {  	v5 =	vpack.i.b32.b16 v8, v7;
	[tilespmem:s18+$0xFFFFFFA0] =	vst v2;
	v9 =	vunpack.i.u.s16.s32 v13;
	v7 =	vunpack.i.l.s16.s32 v13;
	v2 =	vld [tilespmem:s20+$0xFFFFFE60]  }
0x3f: {  	[tilespmem:s18+$0x20] =	vst v5;
	v13 =	vpack.i.b32.b16 v7, v3;
	v7 =	vunpack.i.u.s16.s32 v12;
	v8 =	vunpack.i.l.s16.s32 v12;
	v3 =	vld [tilespmem:s20+$0x60]  }
0x40: {  	v10 =	vpack.i.b32.b16 v9, v10;
	v5 =	vld [tilespmem:s20+$0xFFFFFE00];
	[tilespmem:s18+$0xFFFFFFB0] =	vst v13;
	v9 =	vunpack.i.u.s16.s32 v11;
	v11 =	vunpack.i.l.s16.s32 v11;
	s20 =	sadd.s32 $0x80, s20  }
0x41: {  	[tilespmem:s18+$0x30] =	vst v10;
	v8 =	vpack.i.b32.b16 v11, v8  }
0x42: {  	v51 =	vunpack.i.l.s16.s32 v4;
	v7 =	vpack.i.b32.b16 v9, v7;
	[tilespmem:s18+$0xFFFFFFC0] =	vst v8;
	v52 =	vunpack.i.l.s16.s32 v6  }
0x43: {  	v53 =	vunpack.i.u.s16.s32 v4;
	s16 =	sadd.s32 $0x1, s16;
	v54 =	vunpack.i.u.s16.s32 v6;
	[tilespmem:s18+$0x40] =	vst v7;
	v55 =	vpack.i.b32.b16 v52, v51  }
0x44: {  	p0 =	sne.s32 s16, $0x10;
	v56 =	vunpack.i.l.s16.s32 v2;
	v4 =	vpack.i.b32.b16 v54, v53;
	[tilespmem:s18+$0xFFFFFFD0] =	vst v55;
	v57 =	vunpack.i.l.s16.s32 v3  }
.Ltmp4:
0x45: {  	[tilespmem:s18+$0x50] =	vst v4;
	v58 =	vunpack.i.l.s16.s32 v5;
	v59 =	vpack.i.b32.b16 v57, v56;
	(pc) =	sbr.rel @p0 .LBB1_3-.Ltmp4, $4  }
0x46: {  	v61 =	vunpack.i.u.s16.s32 v2;
	v62 =	vunpack.i.u.s16.s32 v3;
	v1 =	vpack.i.b32.b16 v1, v58;
	[tilespmem:s18+$0xFFFFFFE0] =	vst v59  }
0x47: {  	v60 =	vunpack.i.u.s16.s32 v5;
	v63 =	vpack.i.b32.b16 v62, v61;
	[tilespmem:s18+$0xFFFFFF80] =	vst v1  }
0x48: {  	v0 =	vpack.i.b32.b16 v0, v60;
	[tilespmem:s17+$0x60] =	vst v63  }
0x49: {  	s13 =	sadd.s32 $0x400, s13;
	s14 =	sadd.s32 $0x400, s14;
	[tilespmem:s17+$0x0] =	vst v0  }
.Ltmp5:
0x4a: {  	(pc) =	sbr.rel .LBB1_7-.Ltmp5, $4  }
0x4b: {  	_ = 	snop  }
0x4c: {  	s12 =	sshll.u32 s12, $0x7  }
0x4d: {  	s12 =	sadd.s32 s2, s12  }
0x4e: {  	[hbm4b:s12+s8] =	stream.linear.scatter [tilespmem:s15], [sflag:$0x2], $0x4000, $0x38;
	[tilespmem:$0x10000] =	vst v63  }
.LBB1_8:
0x4f: {  	_ =	sfence.sel $0x180000  }
0x50: {  	s2 =	simm.s32 $0x1;
	[bflag:$0x0] =	sbarrier.arrive $0xFFFF  }
0x51: {  	s31 =	simm.s32 $0x2;
	[sflag:s2] =	ssyncpa.u1 $0x1  }
0x52: {  	[sflag:s31] =	ssyncpa.u1 $0x1  }
0x53: {  	p0 =	sne.s32 s0, $0x0;
	_ =	strace $0x90000047  }
0x54: {  	s0 =	sadd.s32 @!p0 $0x100000, s1;
	[bflag:$0x2] =	sbarrier.arrive $0xFFFF  }
0x55: {  	[sflag:s0] =	ssyncadd.tile.s32 @!p0 $0x1;
	_ =	shalt  }
.Lfunc_end1:
_tile_overlayer_lowered:
.L_overlay_start_2:
0x56: {  	(tag) =	ssettag $0x2  }
0x57: {  	s0 =	rddreg [dreg:$0x0];
	s2 =	stileid.u32  }
0x58: {  	s1 =	rddreg [dreg:$0x1];
	p0 =	sne.s32 s2, $0x0  }
0x59: {  	s3 =	rddreg [dreg:$0x2];
	[bflag:$0x3] =	sbarrier.arrive $0xFFFF;
	s2 =	simm.s32 @!p0 $0x1C01  }
0x5a: {  	[timem:s3], [sflag:s2] =	dma.local @!p0 [hbm:s0], s1  }
0x5b: {  	s0 =	simm.s32 @!p0 $0x1  }
0x5c: {  	_ =	swait.ge @!p0 [sflag:s0], s1  }
0x5d: {  	s1 =	ssub.s32 @!p0 $0x0, s1;
	[sflag:s0] =	ssyncset.done @!p0 $0x0  }
0x5e: {  	[sflag:s0] =	ssyncadd.s32 @!p0 s1  }
0x5f: {  	[bflag:$0x3] =	sbarrier.arrive $0xFFFF  }
0x60: {  	_ =	shalt  }

</sc_bundles>
